<compile_context>
chip_gen: v7x
topology: tpu7x:2x2x1
jax: 0.10.2.dev20260603
libtpu: 0.0.44.dev20260713+nightly
codegen_flags: <defaults>
</compile_context>

<pallas_src>
import functools

import jax
import jax.numpy as jnp
from jax import lax
from jax.experimental import pallas as pl
from jax.experimental.pallas import tpu as pltpu, tpu_sc as plsc

N_NODES = 10000
DEG_PAD = 10240
N_EDGES = 320000
D = 128
NC, NS = 2, 16
NW = NC * NS
E_PER_W = N_EDGES // NW

_mesh = plsc.VectorSubcoreMesh(
    core_axis_name="c", subcore_axis_name="s", num_cores=NC, num_subcores=NS)


DEG_ROWS_PER_TILE = DEG_PAD // NS


BLK = 40
NB = E_PER_W // BLK
NBUF = 5
WAVES = NB // NBUF
WPAIR = WAVES // 2
ROWS_PER_TILE = DEG_PAD // NS


@functools.partial(
    pl.kernel,
    out_type=jax.ShapeDtypeStruct((NC, DEG_PAD, D), jnp.float32),
    mesh=_mesh,
    scratch_types=[
        pltpu.VMEM((2, NBUF, BLK), jnp.int32),
        pltpu.VMEM((2, NBUF, BLK), jnp.int32),
        pltpu.VMEM((NBUF, BLK, D), jnp.float32),
        pltpu.VMEM_SHARED((DEG_PAD, D), jnp.float32),
        [pltpu.SemaphoreType.DMA] * NBUF,
        [pltpu.SemaphoreType.DMA] * NBUF,
        pltpu.SemaphoreType.DMA,
        pltpu.SemaphoreType.DMA,
    ],
)
def _sc_aggregate(idx_hbm, hs_hbm, out_hbm,
                  ixa_v, ixb_v, rows_v, agg_sh,
                  gsem, ssem, isema, isemb):
    c = lax.axis_index("c")
    s = lax.axis_index("s")
    wid = s * NC + c
    row0 = s * ROWS_PER_TILE

    for r in range(8):
        for l in range(D // 16):
            rows_v[0, r, pl.ds(l * 16, 16)] = jnp.zeros((16,), jnp.float32)

    def zero_body(t, _):
        pltpu.sync_copy(rows_v.at[0, pl.ds(0, 8)],
                        agg_sh.at[pl.ds(row0 + t * 8, 8)])
        return ()

    lax.fori_loop(0, ROWS_PER_TILE // 8, zero_body, (), unroll=False)
    plsc.subcore_barrier()

    def fetch_idx(v, ix_v, isem):
        pltpu.async_copy(idx_hbm.at[0, wid, v], ix_v.at[0], isem)
        pltpu.async_copy(idx_hbm.at[1, wid, v], ix_v.at[1], isem)

    def wait_idx(ix_v, isem):
        pltpu.make_async_copy(idx_hbm.at[0, wid, 0], ix_v.at[0], isem).wait()
        pltpu.make_async_copy(idx_hbm.at[1, wid, 0], ix_v.at[1], isem).wait()

    fetch_idx(0, ixa_v, isema)
    fetch_idx(1, ixb_v, isemb)
    wait_idx(ixa_v, isema)
    for j in range(NBUF):
        pltpu.async_copy(hs_hbm.at[ixa_v.at[0, j]], rows_v.at[j], gsem[j])

    def body(k, _):
        for j in range(NBUF):
            pltpu.make_async_copy(hs_hbm.at[ixa_v.at[0, j]], rows_v.at[j],
                                  gsem[j]).wait()
            pltpu.async_copy(rows_v.at[j], agg_sh.at[ixa_v.at[1, j]], ssem[j],
                             add=True)

        wait_idx(ixb_v, isemb)
        for j in range(NBUF):
            pltpu.make_async_copy(rows_v.at[j], agg_sh.at[ixa_v.at[1, j]],
                                  ssem[j]).wait()
            pltpu.async_copy(hs_hbm.at[ixb_v.at[0, j]], rows_v.at[j], gsem[j])

        @pl.when(k < WPAIR - 1)
        def _():
            fetch_idx(2 * k + 2, ixa_v, isema)

        for j in range(NBUF):
            pltpu.make_async_copy(hs_hbm.at[ixb_v.at[0, j]], rows_v.at[j],
                                  gsem[j]).wait()
            pltpu.async_copy(rows_v.at[j], agg_sh.at[ixb_v.at[1, j]], ssem[j],
                             add=True)

        @pl.when(k < WPAIR - 1)
        def _():
            wait_idx(ixa_v, isema)
        for j in range(NBUF):
            pltpu.make_async_copy(rows_v.at[j], agg_sh.at[ixb_v.at[1, j]],
                                  ssem[j]).wait()

            @pl.when(k < WPAIR - 1)
            def _():
                pltpu.async_copy(hs_hbm.at[ixa_v.at[0, j]], rows_v.at[j],
                                 gsem[j])

        @pl.when(k < WPAIR - 1)
        def _():
            fetch_idx(2 * k + 3, ixb_v, isemb)

        return ()

    lax.fori_loop(0, WPAIR, body, (), unroll=False)
    plsc.subcore_barrier()
    pltpu.sync_copy(agg_sh.at[pl.ds(row0, ROWS_PER_TILE)],
                    out_hbm.at[c, pl.ds(row0, ROWS_PER_TILE)])


@functools.partial(
    pl.kernel,
    out_type=jax.ShapeDtypeStruct((NC, DEG_PAD), jnp.float32),
    mesh=_mesh,
    scratch_types=[
        pltpu.VMEM((WAVES, NBUF, BLK), jnp.int32),
        pltpu.VMEM((48,), jnp.float32),
        pltpu.VMEM((DEG_ROWS_PER_TILE,), jnp.float32),
        pltpu.VMEM_SHARED((DEG_PAD,), jnp.float32),
        pltpu.SemaphoreType.DMA,
    ],
)
def _sc_degree(ei_hbm, deg_hbm, idx_v, ones_v, zero_v, deg_sh, dsem):
    c = lax.axis_index("c")
    s = lax.axis_index("s")
    wid = s * NC + c

    for j in range(48 // 16):
        ones_v[pl.ds(j * 16, 16)] = jnp.full((16,), 1.0, jnp.float32)
    for j in range(DEG_ROWS_PER_TILE // 16):
        zero_v[pl.ds(j * 16, 16)] = jnp.zeros((16,), jnp.float32)
    pltpu.sync_copy(zero_v,
                    deg_sh.at[pl.ds(s * DEG_ROWS_PER_TILE, DEG_ROWS_PER_TILE)])
    plsc.subcore_barrier()

    pltpu.sync_copy(ei_hbm.at[1, wid], idx_v)
    ones40 = ones_v.at[pl.ds(0, BLK)]

    def body(v, _):
        for j in range(NBUF):
            pltpu.async_copy(ones40, deg_sh.at[idx_v.at[v, j]], dsem,
                             add=True)
        for j in range(NBUF):
            pltpu.make_async_copy(ones40, deg_sh.at[idx_v.at[v, 0]],
                                  dsem).wait()
        return ()

    lax.fori_loop(0, WAVES, body, (), unroll=False)
    plsc.subcore_barrier()
    pltpu.sync_copy(deg_sh.at[pl.ds(s * DEG_ROWS_PER_TILE, DEG_ROWS_PER_TILE)],
                    deg_hbm.at[c, pl.ds(s * DEG_ROWS_PER_TILE,
                                        DEG_ROWS_PER_TILE)])


_TC_ROWS = 1000
_TC_GRID = N_NODES // _TC_ROWS

_row_spec = pl.BlockSpec((_TC_ROWS, D), lambda i: (i, 0))
_w_spec = pl.BlockSpec((D, D), lambda i: (0, 0))
_b_spec = pl.BlockSpec((1, D), lambda i: (0, 0))
_p0_spec = pl.BlockSpec((1, _TC_ROWS, D), lambda i: (0, i, 0))
_p1_spec = pl.BlockSpec((1, _TC_ROWS, D), lambda i: (1, i, 0))


def _tc1a_body(x_ref, w_ref, h_ref):
    h_ref[...] = jnp.dot(x_ref[...], w_ref[...],
                         preferred_element_type=jnp.float32)


def _tc1a(x, w1):
    return pl.pallas_call(
        _tc1a_body,
        grid=(_TC_GRID,),
        in_specs=[_row_spec, _w_spec],
        out_specs=_row_spec,
        out_shape=jax.ShapeDtypeStruct((N_NODES, D), jnp.float32),
    )(x, w1)


def _tc1b_body(h_ref, d0_ref, d1_ref, hs_ref, dinv_ref):
    deg = d0_ref[0] + d1_ref[0] + 1.0
    dinv = lax.rsqrt(deg)
    hs_ref[...] = h_ref[...] * dinv
    dinv_ref[...] = dinv


def _tc1b(h1, db):
    return pl.pallas_call(
        _tc1b_body,
        grid=(_TC_GRID,),
        in_specs=[_row_spec, _p0_spec, _p1_spec],
        out_specs=[_row_spec, _row_spec],
        out_shape=[jax.ShapeDtypeStruct((N_NODES, D), jnp.float32),
                   jax.ShapeDtypeStruct((N_NODES, D), jnp.float32)],
    )(h1, db, db)


def _tc2_body(p0_ref, p1_ref, hs1_ref, dinv_ref, b1_ref, w_ref, hs2_ref):
    dinv = dinv_ref[...]
    z = ((p0_ref[0] + p1_ref[0] + hs1_ref[...]) * dinv + b1_ref[...])
    z = jnp.maximum(z, 0.0)
    h2 = jnp.dot(z, w_ref[...], preferred_element_type=jnp.float32)
    hs2_ref[...] = h2 * dinv


def _tc2(p, hs1, dinvb, b1, w2):
    return pl.pallas_call(
        _tc2_body,
        grid=(_TC_GRID,),
        in_specs=[_p0_spec, _p1_spec, _row_spec, _row_spec, _b_spec, _w_spec],
        out_specs=_row_spec,
        out_shape=jax.ShapeDtypeStruct((N_NODES, D), jnp.float32),
    )(p, p, hs1, dinvb, b1, w2)


def _tc3_body(q0_ref, q1_ref, hs2_ref, dinv_ref, b2_ref, out_ref):
    out_ref[...] = ((q0_ref[0] + q1_ref[0] + hs2_ref[...]) * dinv_ref[...]
                    + b2_ref[...])


def _tc3(q, hs2, dinvb, b2):
    return pl.pallas_call(
        _tc3_body,
        grid=(_TC_GRID,),
        in_specs=[_p0_spec, _p1_spec, _row_spec, _row_spec, _b_spec],
        out_specs=_row_spec,
        out_shape=jax.ShapeDtypeStruct((N_NODES, D), jnp.float32),
    )(q, q, hs2, dinvb, b2)


def kernel(x, edge_index, W1, b1, W2, b2):
    e = edge_index.astype(jnp.int32)
    ei = e.reshape(2, NW, WAVES, NBUF, BLK)
    b1r = b1.reshape(1, D)
    b2r = b2.reshape(1, D)

    h1 = _tc1a(x, W1)
    degp = _sc_degree(ei)
    db = jnp.broadcast_to(degp[:, :N_NODES, None], (2, N_NODES, D))

    hs1, dinvb = _tc1b(h1, db)
    p = _sc_aggregate(ei, hs1)
    hs2 = _tc2(p, hs1, dinvb, b1r, W2)
    q = _sc_aggregate(ei, hs2)
    return _tc3(q, hs2, dinvb, b2r)

# --- scband reference (transcript-rebuilt; emitter-appended) ---
"""Pipeline reference for scband-simple-gcn-40484361732199 (READ-ONLY COPY).

The authoritative reference and input builder live on the scoring server;
editing this copy changes nothing except your own understanding.
"""

import jax, jax.numpy as jnp
import numpy as np

N_NODES = 10000
N_EDGES = 320000
D_IN = 128
D_HID = 128
D_OUT = 128


def setup_inputs(seed: int = 0) -> dict:
    key = jax.random.key(seed)
    k1, k2, k3, k4, k5, k6 = jax.random.split(key, 6)
    x = jax.random.normal(k1, (N_NODES, D_IN), dtype=jnp.float32)
    edge_index = jax.random.randint(k2, (2, N_EDGES), 0, N_NODES, dtype=jnp.int64)
    W1 = jax.random.normal(k3, (D_IN, D_HID), dtype=jnp.float32) * 0.05
    b1 = jnp.zeros((D_HID,), dtype=jnp.float32)
    W2 = jax.random.normal(k4, (D_HID, D_OUT), dtype=jnp.float32) * 0.05
    b2 = jnp.zeros((D_OUT,), dtype=jnp.float32)
    return {"x": x, "edge_index": edge_index, "W1": W1, "b1": b1, "W2": W2, "b2": b2}


def _gcn_conv(x, src, dst, W, b, n_nodes):
    # PyG GCNConv: x' = D^{-1/2} (A + I) D^{-1/2} (X W) + b, with self-loops added.
    h = x @ W
    deg = jnp.zeros((n_nodes,), dtype=h.dtype).at[dst].add(1.0)
    deg_inv_sqrt = jnp.where(deg > 0, jax.lax.rsqrt(jnp.maximum(deg, 1e-12)), 0.0)
    norm = deg_inv_sqrt[src] * deg_inv_sqrt[dst]
    msg = h[src] * norm[:, None]
    out = jnp.zeros((n_nodes, h.shape[1]), dtype=h.dtype).at[dst].add(msg)
    return out + b


def reference(x, edge_index, W1, b1, W2, b2):
    n = x.shape[0]
    loop = jnp.arange(n, dtype=edge_index.dtype)
    src = jnp.concatenate([edge_index[0], loop])
    dst = jnp.concatenate([edge_index[1], loop])
    h = _gcn_conv(x, src, dst, W1, b1, n)
    h = jax.nn.relu(h)
    out = _gcn_conv(h, src, dst, W2, b2, n)
    return out

if __name__ == "__main__":
    import jax
    _d = setup_inputs()
    print(jax.jit(kernel)(*tuple(_d.values())))

</pallas_src>

<mosaic_0001>
#map = affine_map<(d0, d1) -> (0, 0, 0, 0, 0)>
#map1 = affine_map<(d0, d1) -> (0, 0)>
#map2 = affine_map<(d0, d1) -> (0, 0, 0)>
module attributes {stable_mosaic.version = 14 : i64} {
  func.func @_sc_aggregate(%arg0: i32, %arg1: i32, %arg2: memref<2x32x50x5x40xi32, #tpu.memory_space<hbm>>, %arg3: memref<10000x128xf32, #tpu.memory_space<hbm>>, %arg4: memref<2x10240x128xf32, #tpu.memory_space<hbm>>, %arg5: memref<2x5x40xi32, #tpu.memory_space<vmem>>, %arg6: memref<2x5x40xi32, #tpu.memory_space<vmem>>, %arg7: memref<5x40x128xf32, #tpu.memory_space<vmem>>, %arg8: memref<10240x128xf32, #tpu.memory_space<vmem_shared>>, %arg9: memref<!tpu.dma_semaphore, #tpu.memory_space<semaphore_mem>>, %arg10: memref<!tpu.dma_semaphore, #tpu.memory_space<semaphore_mem>>, %arg11: memref<!tpu.dma_semaphore, #tpu.memory_space<semaphore_mem>>, %arg12: memref<!tpu.dma_semaphore, #tpu.memory_space<semaphore_mem>>, %arg13: memref<!tpu.dma_semaphore, #tpu.memory_space<semaphore_mem>>, %arg14: memref<!tpu.dma_semaphore, #tpu.memory_space<semaphore_mem>>, %arg15: memref<!tpu.dma_semaphore, #tpu.memory_space<semaphore_mem>>, %arg16: memref<!tpu.dma_semaphore, #tpu.memory_space<semaphore_mem>>, %arg17: memref<!tpu.dma_semaphore, #tpu.memory_space<semaphore_mem>>, %arg18: memref<!tpu.dma_semaphore, #tpu.memory_space<semaphore_mem>>, %arg19: memref<!tpu.dma_semaphore, #tpu.memory_space<semaphore_mem>>, %arg20: memref<!tpu.dma_semaphore, #tpu.memory_space<semaphore_mem>>) attributes {dimension_semantics = [#tpu.dimension_semantics<core_parallel>, #tpu.dimension_semantics<subcore_parallel>], iteration_bounds = array<i64: 2, 16>, scalar_prefetch = 0 : i64, scratch_operands = 16 : i64, tpu.core_type = #tpu.core_type<sc_vector_subcore>, window_params = [{transform_indices = #map}, {transform_indices = #map1}, {transform_indices = #map2}]} {
    %mul3A = arith.constant 2 : i32
    %mul3A_0 = arith.muli %arg1, %mul3A : i32
    %add3A = arith.addi %mul3A_0, %arg0 : i32
    %mul3A_1 = arith.constant 640 : i32
    %mul3A_2 = arith.muli %arg1, %mul3A_1 : i32
    %broadcast_in_dim3A = arith.constant 0.000000e+00 : f32
    %broadcast_in_dim3A_3 = vector.broadcast %broadcast_in_dim3A : f32 to vector<16xf32>
    %swap3A = arith.constant 0 : i32
    %swap3A_4 = arith.constant 0 : i32
    %swap3A_5 = arith.index_cast %swap3A : i32 to index
    %swap3A_6 = arith.index_cast %swap3A_4 : i32 to index
    %swap3A_7 = arith.constant 0 : index
    %swap3A_8 = tpu.vector_load %arg7[%swap3A_5, %swap3A_6, %swap3A_7] {strides = array<i32>} : memref<5x40x128xf32, #tpu.memory_space<vmem>>, vector<1x1x16xf32>,
    %swap3A_9 = vector.shape_cast %swap3A_8 : vector<1x1x16xf32> to vector<16xf32>
    %swap3A_10 = vector.shape_cast %broadcast_in_dim3A_3 : vector<16xf32> to vector<1x1x16xf32>
    tpu.vector_store %arg7[%swap3A_5, %swap3A_6, %swap3A_7], %swap3A_10 {strides = array<i32>} : memref<5x40x128xf32, #tpu.memory_space<vmem>>, vector<1x1x16xf32>,
    %broadcast_in_dim3A_11 = arith.constant 0.000000e+00 : f32
    %broadcast_in_dim3A_12 = vector.broadcast %broadcast_in_dim3A_11 : f32 to vector<16xf32>
    %swap3A_13 = arith.constant 0 : i32
    %swap3A_14 = arith.constant 0 : i32
    %swap3A_15 = arith.index_cast %swap3A_13 : i32 to index
    %swap3A_16 = arith.index_cast %swap3A_14 : i32 to index
    %swap3A_17 = arith.constant 16 : index
    %swap3A_18 = tpu.vector_load %arg7[%swap3A_15, %swap3A_16, %swap3A_17] {strides = array<i32>} : memref<5x40x128xf32, #tpu.memory_space<vmem>>, vector<1x1x16xf32>,
    %swap3A_19 = vector.shape_cast %swap3A_18 : vector<1x1x16xf32> to vector<16xf32>
    %swap3A_20 = vector.shape_cast %broadcast_in_dim3A_12 : vector<16xf32> to vector<1x1x16xf32>
    tpu.vector_store %arg7[%swap3A_15, %swap3A_16, %swap3A_17], %swap3A_20 {strides = array<i32>} : memref<5x40x128xf32, #tpu.memory_space<vmem>>, vector<1x1x16xf32>,
    %broadcast_in_dim3A_21 = arith.constant 0.000000e+00 : f32
    %broadcast_in_dim3A_22 = vector.broadcast %broadcast_in_dim3A_21 : f32 to vector<16xf32>
    %swap3A_23 = arith.constant 0 : i32
    %swap3A_24 = arith.constant 0 : i32
    %swap3A_25 = arith.index_cast %swap3A_23 : i32 to index
    %swap3A_26 = arith.index_cast %swap3A_24 : i32 to index
    %swap3A_27 = arith.constant 32 : index
    %swap3A_28 = tpu.vector_load %arg7[%swap3A_25, %swap3A_26, %swap3A_27] {strides = array<i32>} : memref<5x40x128xf32, #tpu.memory_space<vmem>>, vector<1x1x16xf32>,
    %swap3A_29 = vector.shape_cast %swap3A_28 : vector<1x1x16xf32> to vector<16xf32>
    %swap3A_30 = vector.shape_cast %broadcast_in_dim3A_22 : vector<16xf32> to vector<1x1x16xf32>
    tpu.vector_store %arg7[%swap3A_25, %swap3A_26, %swap3A_27], %swap3A_30 {strides = array<i32>} : memref<5x40x128xf32, #tpu.memory_space<vmem>>, vector<1x1x16xf32>,
    %broadcast_in_dim3A_31 = arith.constant 0.000000e+00 : f32
    %broadcast_in_dim3A_32 = vector.broadcast %broadcast_in_dim3A_31 : f32 to vector<16xf32>
    %swap3A_33 = arith.constant 0 : i32
    %swap3A_34 = arith.constant 0 : i32
    %swap3A_35 = arith.index_cast %swap3A_33 : i32 to index
    %swap3A_36 = arith.index_cast %swap3A_34 : i32 to index
    %swap3A_37 = arith.constant 48 : index
    %swap3A_38 = tpu.vector_load %arg7[%swap3A_35, %swap3A_36, %swap3A_37] {strides = array<i32>} : memref<5x40x128xf32, #tpu.memory_space<vmem>>, vector<1x1x16xf32>,
    %swap3A_39 = vector.shape_cast %swap3A_38 : vector<1x1x16xf32> to vector<16xf32>
    %swap3A_40 = vector.shape_cast %broadcast_in_dim3A_32 : vector<16xf32> to vector<1x1x16xf32>
    tpu.vector_store %arg7[%swap3A_35, %swap3A_36, %swap3A_37], %swap3A_40 {strides = array<i32>} : memref<5x40x128xf32, #tpu.memory_space<vmem>>, vector<1x1x16xf32>,
    %broadcast_in_dim3A_41 = arith.constant 0.000000e+00 : f32
    %broadcast_in_dim3A_42 = vector.broadcast %broadcast_in_dim3A_41 : f32 to vector<16xf32>
    %swap3A_43 = arith.constant 0 : i32
    %swap3A_44 = arith.constant 0 : i32
    %swap3A_45 = arith.index_cast %swap3A_43 : i32 to index
    %swap3A_46 = arith.index_cast %swap3A_44 : i32 to index
    %swap3A_47 = arith.constant 64 : index
    %swap3A_48 = tpu.vector_load %arg7[%swap3A_45, %swap3A_46, %swap3A_47] {strides = array<i32>} : memref<5x40x128xf32, #tpu.memory_space<vmem>>, vector<1x1x16xf32>,
    %swap3A_49 = vector.shape_cast %swap3A_48 : vector<1x1x16xf32> to vector<16xf32>
    %swap3A_50 = vector.shape_cast %broadcast_in_dim3A_42 : vector<16xf32> to vector<1x1x16xf32>
    tpu.vector_store %arg7[%swap3A_45, %swap3A_46, %swap3A_47], %swap3A_50 {strides = array<i32>} : memref<5x40x128xf32, #tpu.memory_space<vmem>>, vector<1x1x16xf32>,
    %broadcast_in_dim3A_51 = arith.constant 0.000000e+00 : f32
    %broadcast_in_dim3A_52 = vector.broadcast %broadcast_in_dim3A_51 : f32 to vector<16xf32>
    %swap3A_53 = arith.constant 0 : i32
    %swap3A_54 = arith.constant 0 : i32
    %swap3A_55 = arith.index_cast %swap3A_53 : i32 to index
    %swap3A_56 = arith.index_cast %swap3A_54 : i32 to index
    %swap3A_57 = arith.constant 80 : index
    %swap3A_58 = tpu.vector_load %arg7[%swap3A_55, %swap3A_56, %swap3A_57] {strides = array<i32>} : memref<5x40x128xf32, #tpu.memory_space<vmem>>, vector<1x1x16xf32>,
    %swap3A_59 = vector.shape_cast %swap3A_58 : vector<1x1x16xf32> to vector<16xf32>
    %swap3A_60 = vector.shape_cast %broadcast_in_dim3A_52 : vector<16xf32> to vector<1x1x16xf32>
    tpu.vector_store %arg7[%swap3A_55, %swap3A_56, %swap3A_57], %swap3A_60 {strides = array<i32>} : memref<5x40x128xf32, #tpu.memory_space<vmem>>, vector<1x1x16xf32>,
    %broadcast_in_dim3A_61 = arith.constant 0.000000e+00 : f32
    %broadcast_in_dim3A_62 = vector.broadcast %broadcast_in_dim3A_61 : f32 to vector<16xf32>
    %swap3A_63 = arith.constant 0 : i32
    %swap3A_64 = arith.constant 0 : i32
    %swap3A_65 = arith.index_cast %swap3A_63 : i32 to index
    %swap3A_66 = arith.index_cast %swap3A_64 : i32 to index
    %swap3A_67 = arith.constant 96 : index
    %swap3A_68 = tpu.vector_load %arg7[%swap3A_65, %swap3A_66, %swap3A_67] {strides = array<i32>} : memref<5x40x128xf32, #tpu.memory_space<vmem>>, vector<1x1x16xf32>,
    %swap3A_69 = vector.shape_cast %swap3A_68 : vector<1x1x16xf32> to vector<16xf32>
    %swap3A_70 = vector.shape_cast %broadcast_in_dim3A_62 : vector<16xf32> to vector<1x1x16xf32>
    tpu.vector_store %arg7[%swap3A_65, %swap3A_66, %swap3A_67], %swap3A_70 {strides = array<i32>} : memref<5x40x128xf32, #tpu.memory_space<vmem>>, vector<1x1x16xf32>,
    %broadcast_in_dim3A_71 = arith.constant 0.000000e+00 : f32
    %broadcast_in_dim3A_72 = vector.broadcast %broadcast_in_dim3A_71 : f32 to vector<16xf32>
    %swap3A_73 = arith.constant 0 : i32
    %swap3A_74 = arith.constant 0 : i32
    %swap3A_75 = arith.index_cast %swap3A_73 : i32 to index
    %swap3A_76 = arith.index_cast %swap3A_74 : i32 to index
    %swap3A_77 = arith.constant 112 : index
    %swap3A_78 = tpu.vector_load %arg7[%swap3A_75, %swap3A_76, %swap3A_77] {strides = array<i32>} : memref<5x40x128xf32, #tpu.memory_space<vmem>>, vector<1x1x16xf32>,
    %swap3A_79 = vector.shape_cast %swap3A_78 : vector<1x1x16xf32> to vector<16xf32>
    %swap3A_80 = vector.shape_cast %broadcast_in_dim3A_72 : vector<16xf32> to vector<1x1x16xf32>
    tpu.vector_store %arg7[%swap3A_75, %swap3A_76, %swap3A_77], %swap3A_80 {strides = array<i32>} : memref<5x40x128xf32, #tpu.memory_space<vmem>>, vector<1x1x16xf32>,
    %broadcast_in_dim3A_81 = arith.constant 0.000000e+00 : f32
    %broadcast_in_dim3A_82 = vector.broadcast %broadcast_in_dim3A_81 : f32 to vector<16xf32>
    %swap3A_83 = arith.constant 0 : i32
    %swap3A_84 = arith.constant 1 : i32
    %swap3A_85 = arith.index_cast %swap3A_83 : i32 to index
    %swap3A_86 = arith.index_cast %swap3A_84 : i32 to index
    %swap3A_87 = arith.constant 0 : index
    %swap3A_88 = tpu.vector_load %arg7[%swap3A_85, %swap3A_86, %swap3A_87] {strides = array<i32>} : memref<5x40x128xf32, #tpu.memory_space<vmem>>, vector<1x1x16xf32>,
    %swap3A_89 = vector.shape_cast %swap3A_88 : vector<1x1x16xf32> to vector<16xf32>
    %swap3A_90 = vector.shape_cast %broadcast_in_dim3A_82 : vector<16xf32> to vector<1x1x16xf32>
    tpu.vector_store %arg7[%swap3A_85, %swap3A_86, %swap3A_87], %swap3A_90 {strides = array<i32>} : memref<5x40x128xf32, #tpu.memory_space<vmem>>, vector<1x1x16xf32>,
    %broadcast_in_dim3A_91 = arith.constant 0.000000e+00 : f32
    %broadcast_in_dim3A_92 = vector.broadcast %broadcast_in_dim3A_91 : f32 to vector<16xf32>
    %swap3A_93 = arith.constant 0 : i32
    %swap3A_94 = arith.constant 1 : i32
    %swap3A_95 = arith.index_cast %swap3A_93 : i32 to index
    %swap3A_96 = arith.index_cast %swap3A_94 : i32 to index
    %swap3A_97 = arith.constant 16 : index
    %swap3A_98 = tpu.vector_load %arg7[%swap3A_95, %swap3A_96, %swap3A_97] {strides = array<i32>} : memref<5x40x128xf32, #tpu.memory_space<vmem>>, vector<1x1x16xf32>,
    %swap3A_99 = vector.shape_cast %swap3A_98 : vector<1x1x16xf32> to vector<16xf32>
    %swap3A_100 = vector.shape_cast %broadcast_in_dim3A_92 : vector<16xf32> to vector<1x1x16xf32>
    tpu.vector_store %arg7[%swap3A_95, %swap3A_96, %swap3A_97], %swap3A_100 {strides = array<i32>} : memref<5x40x128xf32, #tpu.memory_space<vmem>>, vector<1x1x16xf32>,
    %broadcast_in_dim3A_101 = arith.constant 0.000000e+00 : f32
    %broadcast_in_dim3A_102 = vector.broadcast %broadcast_in_dim3A_101 : f32 to vector<16xf32>
    %swap3A_103 = arith.constant 0 : i32
    %swap3A_104 = arith.constant 1 : i32
    %swap3A_105 = arith.index_cast %swap3A_103 : i32 to index
    %swap3A_106 = arith.index_cast %swap3A_104 : i32 to index
    %swap3A_107 = arith.constant 32 : index
    %swap3A_108 = tpu.vector_load %arg7[%swap3A_105, %swap3A_106, %swap3A_107] {strides = array<i32>} : memref<5x40x128xf32, #tpu.memory_space<vmem>>, vector<1x1x16xf32>,
    %swap3A_109 = vector.shape_cast %swap3A_108 : vector<1x1x16xf32> to vector<16xf32>
    %swap3A_110 = vector.shape_cast %broadcast_in_dim3A_102 : vector<16xf32> to vector<1x1x16xf32>
    tpu.vector_store %arg7[%swap3A_105, %swap3A_106, %swap3A_107], %swap3A_110 {strides = array<i32>} : memref<5x40x128xf32, #tpu.memory_space<vmem>>, vector<1x1x16xf32>,
    %broadcast_in_dim3A_111 = arith.constant 0.000000e+00 : f32
    %broadcast_in_dim3A_112 = vector.broadcast %broadcast_in_dim3A_111 : f32 to vector<16xf32>
    %swap3A_113 = arith.constant 0 : i32
    %swap3A_114 = arith.constant 1 : i32
    %swap3A_115 = arith.index_cast %swap3A_113 : i32 to index
    %swap3A_116 = arith.index_cast %swap3A_114 : i32 to index
    %swap3A_117 = arith.constant 48 : index
    %swap3A_118 = tpu.vector_load %arg7[%swap3A_115, %swap3A_116, %swap3A_117] {strides = array<i32>} : memref<5x40x128xf32, #tpu.memory_space<vmem>>, vector<1x1x16xf32>,
    %swap3A_119 = vector.shape_cast %swap3A_118 : vector<1x1x16xf32> to vector<16xf32>
    %swap3A_120 = vector.shape_cast %broadcast_in_dim3A_112 : vector<16xf32> to vector<1x1x16xf32>
    tpu.vector_store %arg7[%swap3A_115, %swap3A_116, %swap3A_117], %swap3A_120 {strides = array<i32>} : memref<5x40x128xf32, #tpu.memory_space<vmem>>, vector<1x1x16xf32>,
    %broadcast_in_dim3A_121 = arith.constant 0.000000e+00 : f32
    %broadcast_in_dim3A_122 = vector.broadcast %broadcast_in_dim3A_121 : f32 to vector<16xf32>
    %swap3A_123 = arith.constant 0 : i32
    %swap3A_124 = arith.constant 1 : i32
    %swap3A_125 = arith.index_cast %swap3A_123 : i32 to index
    %swap3A_126 = arith.index_cast %swap3A_124 : i32 to index
    %swap3A_127 = arith.constant 64 : index
    %swap3A_128 = tpu.vector_load %arg7[%swap3A_125, %swap3A_126, %swap3A_127] {strides = array<i32>} : memref<5x40x128xf32, #tpu.memory_space<vmem>>, vector<1x1x16xf32>,
    %swap3A_129 = vector.shape_cast %swap3A_128 : vector<1x1x16xf32> to vector<16xf32>
    %swap3A_130 = vector.shape_cast %broadcast_in_dim3A_122 : vector<16xf32> to vector<1x1x16xf32>
    tpu.vector_store %arg7[%swap3A_125, %swap3A_126, %swap3A_127], %swap3A_130 {strides = array<i32>} : memref<5x40x128xf32, #tpu.memory_space<vmem>>, vector<1x1x16xf32>,
    %broadcast_in_dim3A_131 = arith.constant 0.000000e+00 : f32
    %broadcast_in_dim3A_132 = vector.broadcast %broadcast_in_dim3A_131 : f32 to vector<16xf32>
    %swap3A_133 = arith.constant 0 : i32
    %swap3A_134 = arith.constant 1 : i32
    %swap3A_135 = arith.index_cast %swap3A_133 : i32 to index
    %swap3A_136 = arith.index_cast %swap3A_134 : i32 to index
    %swap3A_137 = arith.constant 80 : index
    %swap3A_138 = tpu.vector_load %arg7[%swap3A_135, %swap3A_136, %swap3A_137] {strides = array<i32>} : memref<5x40x128xf32, #tpu.memory_space<vmem>>, vector<1x1x16xf32>,
    %swap3A_139 = vector.shape_cast %swap3A_138 : vector<1x1x16xf32> to vector<16xf32>
    %swap3A_140 = vector.shape_cast %broadcast_in_dim3A_132 : vector<16xf32> to vector<1x1x16xf32>
    tpu.vector_store %arg7[%swap3A_135, %swap3A_136, %swap3A_137], %swap3A_140 {strides = array<i32>} : memref<5x40x128xf32, #tpu.memory_space<vmem>>, vector<1x1x16xf32>,
    %broadcast_in_dim3A_141 = arith.constant 0.000000e+00 : f32
    %broadcast_in_dim3A_142 = vector.broadcast %broadcast_in_dim3A_141 : f32 to vector<16xf32>
    %swap3A_143 = arith.constant 0 : i32
    %swap3A_144 = arith.constant 1 : i32
    %swap3A_145 = arith.index_cast %swap3A_143 : i32 to index
    %swap3A_146 = arith.index_cast %swap3A_144 : i32 to index
    %swap3A_147 = arith.constant 96 : index
    %swap3A_148 = tpu.vector_load %arg7[%swap3A_145, %swap3A_146, %swap3A_147] {strides = array<i32>} : memref<5x40x128xf32, #tpu.memory_space<vmem>>, vector<1x1x16xf32>,
    %swap3A_149 = vector.shape_cast %swap3A_148 : vector<1x1x16xf32> to vector<16xf32>
    %swap3A_150 = vector.shape_cast %broadcast_in_dim3A_142 : vector<16xf32> to vector<1x1x16xf32>
    tpu.vector_store %arg7[%swap3A_145, %swap3A_146, %swap3A_147], %swap3A_150 {strides = array<i32>} : memref<5x40x128xf32, #tpu.memory_space<vmem>>, vector<1x1x16xf32>,
    %broadcast_in_dim3A_151 = arith.constant 0.000000e+00 : f32
    %broadcast_in_dim3A_152 = vector.broadcast %broadcast_in_dim3A_151 : f32 to vector<16xf32>
    %swap3A_153 = arith.constant 0 : i32
    %swap3A_154 = arith.constant 1 : i32
    %swap3A_155 = arith.index_cast %swap3A_153 : i32 to index
    %swap3A_156 = arith.index_cast %swap3A_154 : i32 to index
    %swap3A_157 = arith.constant 112 : index
    %swap3A_158 = tpu.vector_load %arg7[%swap3A_155, %swap3A_156, %swap3A_157] {strides = array<i32>} : memref<5x40x128xf32, #tpu.memory_space<vmem>>, vector<1x1x16xf32>,
    %swap3A_159 = vector.shape_cast %swap3A_158 : vector<1x1x16xf32> to vector<16xf32>
    %swap3A_160 = vector.shape_cast %broadcast_in_dim3A_152 : vector<16xf32> to vector<1x1x16xf32>
    tpu.vector_store %arg7[%swap3A_155, %swap3A_156, %swap3A_157], %swap3A_160 {strides = array<i32>} : memref<5x40x128xf32, #tpu.memory_space<vmem>>, vector<1x1x16xf32>,
    %broadcast_in_dim3A_161 = arith.constant 0.000000e+00 : f32
    %broadcast_in_dim3A_162 = vector.broadcast %broadcast_in_dim3A_161 : f32 to vector<16xf32>
    %swap3A_163 = arith.constant 0 : i32
    %swap3A_164 = arith.constant 2 : i32
    %swap3A_165 = arith.index_cast %swap3A_163 : i32 to index
    %swap3A_166 = arith.index_cast %swap3A_164 : i32 to index
    %swap3A_167 = arith.constant 0 : index
    %swap3A_168 = tpu.vector_load %arg7[%swap3A_165, %swap3A_166, %swap3A_167] {strides = array<i32>} : memref<5x40x128xf32, #tpu.memory_space<vmem>>, vector<1x1x16xf32>,
    %swap3A_169 = vector.shape_cast %swap3A_168 : vector<1x1x16xf32> to vector<16xf32>
    %swap3A_170 = vector.shape_cast %broadcast_in_dim3A_162 : vector<16xf32> to vector<1x1x16xf32>
    tpu.vector_store %arg7[%swap3A_165, %swap3A_166, %swap3A_167], %swap3A_170 {strides = array<i32>} : memref<5x40x128xf32, #tpu.memory_space<vmem>>, vector<1x1x16xf32>,
    %broadcast_in_dim3A_171 = arith.constant 0.000000e+00 : f32
    %broadcast_in_dim3A_172 = vector.broadcast %broadcast_in_dim3A_171 : f32 to vector<16xf32>
    %swap3A_173 = arith.constant 0 : i32
    %swap3A_174 = arith.constant 2 : i32
    %swap3A_175 = arith.index_cast %swap3A_173 : i32 to index
    %swap3A_176 = arith.index_cast %swap3A_174 : i32 to index
    %swap3A_177 = arith.constant 16 : index
    %swap3A_178 = tpu.vector_load %arg7[%swap3A_175, %swap3A_176, %swap3A_177] {strides = array<i32>} : memref<5x40x128xf32, #tpu.memory_space<vmem>>, vector<1x1x16xf32>,
    %swap3A_179 = vector.shape_cast %swap3A_178 : vector<1x1x16xf32> to vector<16xf32>
    %swap3A_180 = vector.shape_cast %broadcast_in_dim3A_172 : vector<16xf32> to vector<1x1x16xf32>
    tpu.vector_store %arg7[%swap3A_175, %swap3A_176, %swap3A_177], %swap3A_180 {strides = array<i32>} : memref<5x40x128xf32, #tpu.memory_space<vmem>>, vector<1x1x16xf32>,
    %broadcast_in_dim3A_181 = arith.constant 0.000000e+00 : f32
    %broadcast_in_dim3A_182 = vector.broadcast %broadcast_in_dim3A_181 : f32 to vector<16xf32>
    %swap3A_183 = arith.constant 0 : i32
    %swap3A_184 = arith.constant 2 : i32
    %swap3A_185 = arith.index_cast %swap3A_183 : i32 to index
    %swap3A_186 = arith.index_cast %swap3A_184 : i32 to index
    %swap3A_187 = arith.constant 32 : index
    %swap3A_188 = tpu.vector_load %arg7[%swap3A_185, %swap3A_186, %swap3A_187] {strides = array<i32>} : memref<5x40x128xf32, #tpu.memory_space<vmem>>, vector<1x1x16xf32>,
    %swap3A_189 = vector.shape_cast %swap3A_188 : vector<1x1x16xf32> to vector<16xf32>
    %swap3A_190 = vector.shape_cast %broadcast_in_dim3A_182 : vector<16xf32> to vector<1x1x16xf32>
    tpu.vector_store %arg7[%swap3A_185, %swap3A_186, %swap3A_187], %swap3A_190 {strides = array<i32>} : memref<5x40x128xf32, #tpu.memory_space<vmem>>, vector<1x1x16xf32>,
    %broadcast_in_dim3A_191 = arith.constant 0.000000e+00 : f32
    %broadcast_in_dim3A_192 = vector.broadcast %broadcast_in_dim3A_191 : f32 to vector<16xf32>
    %swap3A_193 = arith.constant 0 : i32
    %swap3A_194 = arith.constant 2 : i32
    %swap3A_195 = arith.index_cast %swap3A_193 : i32 to index
    %swap3A_196 = arith.index_cast %swap3A_194 : i32 to index
    %swap3A_197 = arith.constant 48 : index
    %swap3A_198 = tpu.vector_load %arg7[%swap3A_195, %swap3A_196, %swap3A_197] {strides = array<i32>} : memref<5x40x128xf32, #tpu.memory_space<vmem>>, vector<1x1x16xf32>,
    %swap3A_199 = vector.shape_cast %swap3A_198 : vector<1x1x16xf32> to vector<16xf32>
    %swap3A_200 = vector.shape_cast %broadcast_in_dim3A_192 : vector<16xf32> to vector<1x1x16xf32>
    tpu.vector_store %arg7[%swap3A_195, %swap3A_196, %swap3A_197], %swap3A_200 {strides = array<i32>} : memref<5x40x128xf32, #tpu.memory_space<vmem>>, vector<1x1x16xf32>,
    %broadcast_in_dim3A_201 = arith.constant 0.000000e+00 : f32
    %broadcast_in_dim3A_202 = vector.broadcast %broadcast_in_dim3A_201 : f32 to vector<16xf32>
    %swap3A_203 = arith.constant 0 : i32
    %swap3A_204 = arith.constant 2 : i32
    %swap3A_205 = arith.index_cast %swap3A_203 : i32 to index
    %swap3A_206 = arith.index_cast %swap3A_204 : i32 to index
    %swap3A_207 = arith.constant 64 : index
    %swap3A_208 = tpu.vector_load %arg7[%swap3A_205, %swap3A_206, %swap3A_207] {strides = array<i32>} : memref<5x40x128xf32, #tpu.memory_space<vmem>>, vector<1x1x16xf32>,
    %swap3A_209 = vector.shape_cast %swap3A_208 : vector<1x1x16xf32> to vector<16xf32>
    %swap3A_210 = vector.shape_cast %broadcast_in_dim3A_202 : vector<16xf32> to vector<1x1x16xf32>
    tpu.vector_store %arg7[%swap3A_205, %swap3A_206, %swap3A_207], %swap3A_210 {strides = array<i32>} : memref<5x40x128xf32, #tpu.memory_space<vmem>>, vector<1x1x16xf32>,
    %broadcast_in_dim3A_211 = arith.constant 0.000000e+00 : f32
    %broadcast_in_dim3A_212 = vector.broadcast %broadcast_in_dim3A_211 : f32 to vector<16xf32>
    %swap3A_213 = arith.constant 0 : i32
    %swap3A_214 = arith.constant 2 : i32
    %swap3A_215 = arith.index_cast %swap3A_213 : i32 to index
    %swap3A_216 = arith.index_cast %swap3A_214 : i32 to index
    %swap3A_217 = arith.constant 80 : index
    %swap3A_218 = tpu.vector_load %arg7[%swap3A_215, %swap3A_216, %swap3A_217] {strides = array<i32>} : memref<5x40x128xf32, #tpu.memory_space<vmem>>, vector<1x1x16xf32>,
    %swap3A_219 = vector.shape_cast %swap3A_218 : vector<1x1x16xf32> to vector<16xf32>
    %swap3A_220 = vector.shape_cast %broadcast_in_dim3A_212 : vector<16xf32> to vector<1x1x16xf32>
    tpu.vector_store %arg7[%swap3A_215, %swap3A_216, %swap3A_217], %swap3A_220 {strides = array<i32>} : memref<5x40x128xf32, #tpu.memory_space<vmem>>, vector<1x1x16xf32>,
    %broadcast_in_dim3A_221 = arith.constant 0.000000e+00 : f32
    %broadcast_in_dim3A_222 = vector.broadcast %broadcast_in_dim3A_221 : f32 to vector<16xf32>
    %swap3A_223 = arith.constant 0 : i32
    %swap3A_224 = arith.constant 2 : i32
    %swap3A_225 = arith.index_cast %swap3A_223 : i32 to index
    %swap3A_226 = arith.index_cast %swap3A_224 : i32 to index
    %swap3A_227 = arith.constant 96 : index
    %swap3A_228 = tpu.vector_load %arg7[%swap3A_225, %swap3A_226, %swap3A_227] {strides = array<i32>} : memref<5x40x128xf32, #tpu.memory_space<vmem>>, vector<1x1x16xf32>,
    %swap3A_229 = vector.shape_cast %swap3A_228 : vector<1x1x16xf32> to vector<16xf32>
    %swap3A_230 = vector.shape_cast %broadcast_in_dim3A_222 : vector<16xf32> to vector<1x1x16xf32>
    tpu.vector_store %arg7[%swap3A_225, %swap3A_226, %swap3A_227], %swap3A_230 {strides = array<i32>} : memref<5x40x128xf32, #tpu.memory_space<vmem>>, vector<1x1x16xf32>,
    %broadcast_in_dim3A_231 = arith.constant 0.000000e+00 : f32
    %broadcast_in_dim3A_232 = vector.broadcast %broadcast_in_dim3A_231 : f32 to vector<16xf32>
    %swap3A_233 = arith.constant 0 : i32
    %swap3A_234 = arith.constant 2 : i32
    %swap3A_235 = arith.index_cast %swap3A_233 : i32 to index
    %swap3A_236 = arith.index_cast %swap3A_234 : i32 to index
    %swap3A_237 = arith.constant 112 : index
    %swap3A_238 = tpu.vector_load %arg7[%swap3A_235, %swap3A_236, %swap3A_237] {strides = array<i32>} : memref<5x40x128xf32, #tpu.memory_space<vmem>>, vector<1x1x16xf32>,
    %swap3A_239 = vector.shape_cast %swap3A_238 : vector<1x1x16xf32> to vector<16xf32>
    %swap3A_240 = vector.shape_cast %broadcast_in_dim3A_232 : vector<16xf32> to vector<1x1x16xf32>
    tpu.vector_store %arg7[%swap3A_235, %swap3A_236, %swap3A_237], %swap3A_240 {strides = array<i32>} : memref<5x40x128xf32, #tpu.memory_space<vmem>>, vector<1x1x16xf32>,
    %broadcast_in_dim3A_241 = arith.constant 0.000000e+00 : f32
    %broadcast_in_dim3A_242 = vector.broadcast %broadcast_in_dim3A_241 : f32 to vector<16xf32>
    %swap3A_243 = arith.constant 0 : i32
    %swap3A_244 = arith.constant 3 : i32
    %swap3A_245 = arith.index_cast %swap3A_243 : i32 to index
    %swap3A_246 = arith.index_cast %swap3A_244 : i32 to index
    %swap3A_247 = arith.constant 0 : index
    %swap3A_248 = tpu.vector_load %arg7[%swap3A_245, %swap3A_246, %swap3A_247] {strides = array<i32>} : memref<5x40x128xf32, #tpu.memory_space<vmem>>, vector<1x1x16xf32>,
    %swap3A_249 = vector.shape_cast %swap3A_248 : vector<1x1x16xf32> to vector<16xf32>
    %swap3A_250 = vector.shape_cast %broadcast_in_dim3A_242 : vector<16xf32> to vector<1x1x16xf32>
    tpu.vector_store %arg7[%swap3A_245, %swap3A_246, %swap3A_247], %swap3A_250 {strides = array<i32>} : memref<5x40x128xf32, #tpu.memory_space<vmem>>, vector<1x1x16xf32>,
    %broadcast_in_dim3A_251 = arith.constant 0.000000e+00 : f32
    %broadcast_in_dim3A_252 = vector.broadcast %broadcast_in_dim3A_251 : f32 to vector<16xf32>
    %swap3A_253 = arith.constant 0 : i32
    %swap3A_254 = arith.constant 3 : i32
    %swap3A_255 = arith.index_cast %swap3A_253 : i32 to index
    %swap3A_256 = arith.index_cast %swap3A_254 : i32 to index
    %swap3A_257 = arith.constant 16 : index
    %swap3A_258 = tpu.vector_load %arg7[%swap3A_255, %swap3A_256, %swap3A_257] {strides = array<i32>} : memref<5x40x128xf32, #tpu.memory_space<vmem>>, vector<1x1x16xf32>,
    %swap3A_259 = vector.shape_cast %swap3A_258 : vector<1x1x16xf32> to vector<16xf32>
    %swap3A_260 = vector.shape_cast %broadcast_in_dim3A_252 : vector<16xf32> to vector<1x1x16xf32>
    tpu.vector_store %arg7[%swap3A_255, %swap3A_256, %swap3A_257], %swap3A_260 {strides = array<i32>} : memref<5x40x128xf32, #tpu.memory_space<vmem>>, vector<1x1x16xf32>,
    %broadcast_in_dim3A_261 = arith.constant 0.000000e+00 : f32
    %broadcast_in_dim3A_262 = vector.broadcast %broadcast_in_dim3A_261 : f32 to vector<16xf32>
    %swap3A_263 = arith.constant 0 : i32
    %swap3A_264 = arith.constant 3 : i32
    %swap3A_265 = arith.index_cast %swap3A_263 : i32 to index
    %swap3A_266 = arith.index_cast %swap3A_264 : i32 to index
    %swap3A_267 = arith.constant 32 : index
    %swap3A_268 = tpu.vector_load %arg7[%swap3A_265, %swap3A_266, %swap3A_267] {strides = array<i32>} : memref<5x40x128xf32, #tpu.memory_space<vmem>>, vector<1x1x16xf32>,
    %swap3A_269 = vector.shape_cast %swap3A_268 : vector<1x1x16xf32> to vector<16xf32>
    %swap3A_270 = vector.shape_cast %broadcast_in_dim3A_262 : vector<16xf32> to vector<1x1x16xf32>
    tpu.vector_store %arg7[%swap3A_265, %swap3A_266, %swap3A_267], %swap3A_270 {strides = array<i32>} : memref<5x40x128xf32, #tpu.memory_space<vmem>>, vector<1x1x16xf32>,
    %broadcast_in_dim3A_271 = arith.constant 0.000000e+00 : f32
    %broadcast_in_dim3A_272 = vector.broadcast %broadcast_in_dim3A_271 : f32 to vector<16xf32>
    %swap3A_273 = arith.constant 0 : i32
    %swap3A_274 = arith.constant 3 : i32
    %swap3A_275 = arith.index_cast %swap3A_273 : i32 to index
    %swap3A_276 = arith.index_cast %swap3A_274 : i32 to index
    %swap3A_277 = arith.constant 48 : index
    %swap3A_278 = tpu.vector_load %arg7[%swap3A_275, %swap3A_276, %swap3A_277] {strides = array<i32>} : memref<5x40x128xf32, #tpu.memory_space<vmem>>, vector<1x1x16xf32>,
    %swap3A_279 = vector.shape_cast %swap3A_278 : vector<1x1x16xf32> to vector<16xf32>
    %swap3A_280 = vector.shape_cast %broadcast_in_dim3A_272 : vector<16xf32> to vector<1x1x16xf32>
    tpu.vector_store %arg7[%swap3A_275, %swap3A_276, %swap3A_277], %swap3A_280 {strides = array<i32>} : memref<5x40x128xf32, #tpu.memory_space<vmem>>, vector<1x1x16xf32>,
    %broadcast_in_dim3A_281 = arith.constant 0.000000e+00 : f32
    %broadcast_in_dim3A_282 = vector.broadcast %broadcast_in_dim3A_281 : f32 to vector<16xf32>
    %swap3A_283 = arith.constant 0 : i32
    %swap3A_284 = arith.constant 3 : i32
    %swap3A_285 = arith.index_cast %swap3A_283 : i32 to index
    %swap3A_286 = arith.index_cast %swap3A_284 : i32 to index
    %swap3A_287 = arith.constant 64 : index
    %swap3A_288 = tpu.vector_load %arg7[%swap3A_285, %swap3A_286, %swap3A_287] {strides = array<i32>} : memref<5x40x128xf32, #tpu.memory_space<vmem>>, vector<1x1x16xf32>,
    %swap3A_289 = vector.shape_cast %swap3A_288 : vector<1x1x16xf32> to vector<16xf32>
    %swap3A_290 = vector.shape_cast %broadcast_in_dim3A_282 : vector<16xf32> to vector<1x1x16xf32>
    tpu.vector_store %arg7[%swap3A_285, %swap3A_286, %swap3A_287], %swap3A_290 {strides = array<i32>} : memref<5x40x128xf32, #tpu.memory_space<vmem>>, vector<1x1x16xf32>,
    %broadcast_in_dim3A_291 = arith.constant 0.000000e+00 : f32
    %broadcast_in_dim3A_292 = vector.broadcast %broadcast_in_dim3A_291 : f32 to vector<16xf32>
    %swap3A_293 = arith.constant 0 : i32
    %swap3A_294 = arith.constant 3 : i32
    %swap3A_295 = arith.index_cast %swap3A_293 : i32 to index
    %swap3A_296 = arith.index_cast %swap3A_294 : i32 to index
    %swap3A_297 = arith.constant 80 : index
    %swap3A_298 = tpu.vector_load %arg7[%swap3A_295, %swap3A_296, %swap3A_297] {strides = array<i32>} : memref<5x40x128xf32, #tpu.memory_space<vmem>>, vector<1x1x16xf32>,
    %swap3A_299 = vector.shape_cast %swap3A_298 : vector<1x1x16xf32> to vector<16xf32>
    %swap3A_300 = vector.shape_cast %broadcast_in_dim3A_292 : vector<16xf32> to vector<1x1x16xf32>
    tpu.vector_store %arg7[%swap3A_295, %swap3A_296, %swap3A_297], %swap3A_300 {strides = array<i32>} : memref<5x40x128xf32, #tpu.memory_space<vmem>>, vector<1x1x16xf32>,
    %broadcast_in_dim3A_301 = arith.constant 0.000000e+00 : f32
    %broadcast_in_dim3A_302 = vector.broadcast %broadcast_in_dim3A_301 : f32 to vector<16xf32>
    %swap3A_303 = arith.constant 0 : i32
    %swap3A_304 = arith.constant 3 : i32
    %swap3A_305 = arith.index_cast %swap3A_303 : i32 to index
    %swap3A_306 = arith.index_cast %swap3A_304 : i32 to index
    %swap3A_307 = arith.constant 96 : index
    %swap3A_308 = tpu.vector_load %arg7[%swap3A_305, %swap3A_306, %swap3A_307] {strides = array<i32>} : memref<5x40x128xf32, #tpu.memory_space<vmem>>, vector<1x1x16xf32>,
    %swap3A_309 = vector.shape_cast %swap3A_308 : vector<1x1x16xf32> to vector<16xf32>
    %swap3A_310 = vector.shape_cast %broadcast_in_dim3A_302 : vector<16xf32> to vector<1x1x16xf32>
    tpu.vector_store %arg7[%swap3A_305, %swap3A_306, %swap3A_307], %swap3A_310 {strides = array<i32>} : memref<5x40x128xf32, #tpu.memory_space<vmem>>, vector<1x1x16xf32>,
    %broadcast_in_dim3A_311 = arith.constant 0.000000e+00 : f32
    %broadcast_in_dim3A_312 = vector.broadcast %broadcast_in_dim3A_311 : f32 to vector<16xf32>
    %swap3A_313 = arith.constant 0 : i32
    %swap3A_314 = arith.constant 3 : i32
    %swap3A_315 = arith.index_cast %swap3A_313 : i32 to index
    %swap3A_316 = arith.index_cast %swap3A_314 : i32 to index
    %swap3A_317 = arith.constant 112 : index
    %swap3A_318 = tpu.vector_load %arg7[%swap3A_315, %swap3A_316, %swap3A_317] {strides = array<i32>} : memref<5x40x128xf32, #tpu.memory_space<vmem>>, vector<1x1x16xf32>,
    %swap3A_319 = vector.shape_cast %swap3A_318 : vector<1x1x16xf32> to vector<16xf32>
    %swap3A_320 = vector.shape_cast %broadcast_in_dim3A_312 : vector<16xf32> to vector<1x1x16xf32>
    tpu.vector_store %arg7[%swap3A_315, %swap3A_316, %swap3A_317], %swap3A_320 {strides = array<i32>} : memref<5x40x128xf32, #tpu.memory_space<vmem>>, vector<1x1x16xf32>,
    %broadcast_in_dim3A_321 = arith.constant 0.000000e+00 : f32
    %broadcast_in_dim3A_322 = vector.broadcast %broadcast_in_dim3A_321 : f32 to vector<16xf32>
    %swap3A_323 = arith.constant 0 : i32
    %swap3A_324 = arith.constant 4 : i32
    %swap3A_325 = arith.index_cast %swap3A_323 : i32 to index
    %swap3A_326 = arith.index_cast %swap3A_324 : i32 to index
    %swap3A_327 = arith.constant 0 : index
    %swap3A_328 = tpu.vector_load %arg7[%swap3A_325, %swap3A_326, %swap3A_327] {strides = array<i32>} : memref<5x40x128xf32, #tpu.memory_space<vmem>>, vector<1x1x16xf32>,
    %swap3A_329 = vector.shape_cast %swap3A_328 : vector<1x1x16xf32> to vector<16xf32>
    %swap3A_330 = vector.shape_cast %broadcast_in_dim3A_322 : vector<16xf32> to vector<1x1x16xf32>
    tpu.vector_store %arg7[%swap3A_325, %swap3A_326, %swap3A_327], %swap3A_330 {strides = array<i32>} : memref<5x40x128xf32, #tpu.memory_space<vmem>>, vector<1x1x16xf32>,
    %broadcast_in_dim3A_331 = arith.constant 0.000000e+00 : f32
    %broadcast_in_dim3A_332 = vector.broadcast %broadcast_in_dim3A_331 : f32 to vector<16xf32>
    %swap3A_333 = arith.constant 0 : i32
    %swap3A_334 = arith.constant 4 : i32
    %swap3A_335 = arith.index_cast %swap3A_333 : i32 to index
    %swap3A_336 = arith.index_cast %swap3A_334 : i32 to index
    %swap3A_337 = arith.constant 16 : index
    %swap3A_338 = tpu.vector_load %arg7[%swap3A_335, %swap3A_336, %swap3A_337] {strides = array<i32>} : memref<5x40x128xf32, #tpu.memory_space<vmem>>, vector<1x1x16xf32>,
    %swap3A_339 = vector.shape_cast %swap3A_338 : vector<1x1x16xf32> to vector<16xf32>
    %swap3A_340 = vector.shape_cast %broadcast_in_dim3A_332 : vector<16xf32> to vector<1x1x16xf32>
    tpu.vector_store %arg7[%swap3A_335, %swap3A_336, %swap3A_337], %swap3A_340 {strides = array<i32>} : memref<5x40x128xf32, #tpu.memory_space<vmem>>, vector<1x1x16xf32>,
    %broadcast_in_dim3A_341 = arith.constant 0.000000e+00 : f32
    %broadcast_in_dim3A_342 = vector.broadcast %broadcast_in_dim3A_341 : f32 to vector<16xf32>
    %swap3A_343 = arith.constant 0 : i32
    %swap3A_344 = arith.constant 4 : i32
    %swap3A_345 = arith.index_cast %swap3A_343 : i32 to index
    %swap3A_346 = arith.index_cast %swap3A_344 : i32 to index
    %swap3A_347 = arith.constant 32 : index
    %swap3A_348 = tpu.vector_load %arg7[%swap3A_345, %swap3A_346, %swap3A_347] {strides = array<i32>} : memref<5x40x128xf32, #tpu.memory_space<vmem>>, vector<1x1x16xf32>,
    %swap3A_349 = vector.shape_cast %swap3A_348 : vector<1x1x16xf32> to vector<16xf32>
    %swap3A_350 = vector.shape_cast %broadcast_in_dim3A_342 : vector<16xf32> to vector<1x1x16xf32>
    tpu.vector_store %arg7[%swap3A_345, %swap3A_346, %swap3A_347], %swap3A_350 {strides = array<i32>} : memref<5x40x128xf32, #tpu.memory_space<vmem>>, vector<1x1x16xf32>,
    %broadcast_in_dim3A_351 = arith.constant 0.000000e+00 : f32
    %broadcast_in_dim3A_352 = vector.broadcast %broadcast_in_dim3A_351 : f32 to vector<16xf32>
    %swap3A_353 = arith.constant 0 : i32
    %swap3A_354 = arith.constant 4 : i32
    %swap3A_355 = arith.index_cast %swap3A_353 : i32 to index
    %swap3A_356 = arith.index_cast %swap3A_354 : i32 to index
    %swap3A_357 = arith.constant 48 : index
    %swap3A_358 = tpu.vector_load %arg7[%swap3A_355, %swap3A_356, %swap3A_357] {strides = array<i32>} : memref<5x40x128xf32, #tpu.memory_space<vmem>>, vector<1x1x16xf32>,
    %swap3A_359 = vector.shape_cast %swap3A_358 : vector<1x1x16xf32> to vector<16xf32>
    %swap3A_360 = vector.shape_cast %broadcast_in_dim3A_352 : vector<16xf32> to vector<1x1x16xf32>
    tpu.vector_store %arg7[%swap3A_355, %swap3A_356, %swap3A_357], %swap3A_360 {strides = array<i32>} : memref<5x40x128xf32, #tpu.memory_space<vmem>>, vector<1x1x16xf32>,
    %broadcast_in_dim3A_361 = arith.constant 0.000000e+00 : f32
    %broadcast_in_dim3A_362 = vector.broadcast %broadcast_in_dim3A_361 : f32 to vector<16xf32>
    %swap3A_363 = arith.constant 0 : i32
    %swap3A_364 = arith.constant 4 : i32
    %swap3A_365 = arith.index_cast %swap3A_363 : i32 to index
    %swap3A_366 = arith.index_cast %swap3A_364 : i32 to index
    %swap3A_367 = arith.constant 64 : index
    %swap3A_368 = tpu.vector_load %arg7[%swap3A_365, %swap3A_366, %swap3A_367] {strides = array<i32>} : memref<5x40x128xf32, #tpu.memory_space<vmem>>, vector<1x1x16xf32>,
    %swap3A_369 = vector.shape_cast %swap3A_368 : vector<1x1x16xf32> to vector<16xf32>
    %swap3A_370 = vector.shape_cast %broadcast_in_dim3A_362 : vector<16xf32> to vector<1x1x16xf32>
    tpu.vector_store %arg7[%swap3A_365, %swap3A_366, %swap3A_367], %swap3A_370 {strides = array<i32>} : memref<5x40x128xf32, #tpu.memory_space<vmem>>, vector<1x1x16xf32>,
    %broadcast_in_dim3A_371 = arith.constant 0.000000e+00 : f32
    %broadcast_in_dim3A_372 = vector.broadcast %broadcast_in_dim3A_371 : f32 to vector<16xf32>
    %swap3A_373 = arith.constant 0 : i32
    %swap3A_374 = arith.constant 4 : i32
    %swap3A_375 = arith.index_cast %swap3A_373 : i32 to index
    %swap3A_376 = arith.index_cast %swap3A_374 : i32 to index
    %swap3A_377 = arith.constant 80 : index
    %swap3A_378 = tpu.vector_load %arg7[%swap3A_375, %swap3A_376, %swap3A_377] {strides = array<i32>} : memref<5x40x128xf32, #tpu.memory_space<vmem>>, vector<1x1x16xf32>,
    %swap3A_379 = vector.shape_cast %swap3A_378 : vector<1x1x16xf32> to vector<16xf32>
    %swap3A_380 = vector.shape_cast %broadcast_in_dim3A_372 : vector<16xf32> to vector<1x1x16xf32>
    tpu.vector_store %arg7[%swap3A_375, %swap3A_376, %swap3A_377], %swap3A_380 {strides = array<i32>} : memref<5x40x128xf32, #tpu.memory_space<vmem>>, vector<1x1x16xf32>,
    %broadcast_in_dim3A_381 = arith.constant 0.000000e+00 : f32
    %broadcast_in_dim3A_382 = vector.broadcast %broadcast_in_dim3A_381 : f32 to vector<16xf32>
    %swap3A_383 = arith.constant 0 : i32
    %swap3A_384 = arith.constant 4 : i32
    %swap3A_385 = arith.index_cast %swap3A_383 : i32 to index
    %swap3A_386 = arith.index_cast %swap3A_384 : i32 to index
    %swap3A_387 = arith.constant 96 : index
    %swap3A_388 = tpu.vector_load %arg7[%swap3A_385, %swap3A_386, %swap3A_387] {strides = array<i32>} : memref<5x40x128xf32, #tpu.memory_space<vmem>>, vector<1x1x16xf32>,
    %swap3A_389 = vector.shape_cast %swap3A_388 : vector<1x1x16xf32> to vector<16xf32>
    %swap3A_390 = vector.shape_cast %broadcast_in_dim3A_382 : vector<16xf32> to vector<1x1x16xf32>
    tpu.vector_store %arg7[%swap3A_385, %swap3A_386, %swap3A_387], %swap3A_390 {strides = array<i32>} : memref<5x40x128xf32, #tpu.memory_space<vmem>>, vector<1x1x16xf32>,
    %broadcast_in_dim3A_391 = arith.constant 0.000000e+00 : f32
    %broadcast_in_dim3A_392 = vector.broadcast %broadcast_in_dim3A_391 : f32 to vector<16xf32>
    %swap3A_393 = arith.constant 0 : i32
    %swap3A_394 = arith.constant 4 : i32
    %swap3A_395 = arith.index_cast %swap3A_393 : i32 to index
    %swap3A_396 = arith.index_cast %swap3A_394 : i32 to index
    %swap3A_397 = arith.constant 112 : index
    %swap3A_398 = tpu.vector_load %arg7[%swap3A_395, %swap3A_396, %swap3A_397] {strides = array<i32>} : memref<5x40x128xf32, #tpu.memory_space<vmem>>, vector<1x1x16xf32>,
    %swap3A_399 = vector.shape_cast %swap3A_398 : vector<1x1x16xf32> to vector<16xf32>
    %swap3A_400 = vector.shape_cast %broadcast_in_dim3A_392 : vector<16xf32> to vector<1x1x16xf32>
    tpu.vector_store %arg7[%swap3A_395, %swap3A_396, %swap3A_397], %swap3A_400 {strides = array<i32>} : memref<5x40x128xf32, #tpu.memory_space<vmem>>, vector<1x1x16xf32>,
    %broadcast_in_dim3A_401 = arith.constant 0.000000e+00 : f32
    %broadcast_in_dim3A_402 = vector.broadcast %broadcast_in_dim3A_401 : f32 to vector<16xf32>
    %swap3A_403 = arith.constant 0 : i32
    %swap3A_404 = arith.constant 5 : i32
    %swap3A_405 = arith.index_cast %swap3A_403 : i32 to index
    %swap3A_406 = arith.index_cast %swap3A_404 : i32 to index
    %swap3A_407 = arith.constant 0 : index
    %swap3A_408 = tpu.vector_load %arg7[%swap3A_405, %swap3A_406, %swap3A_407] {strides = array<i32>} : memref<5x40x128xf32, #tpu.memory_space<vmem>>, vector<1x1x16xf32>,
    %swap3A_409 = vector.shape_cast %swap3A_408 : vector<1x1x16xf32> to vector<16xf32>
    %swap3A_410 = vector.shape_cast %broadcast_in_dim3A_402 : vector<16xf32> to vector<1x1x16xf32>
    tpu.vector_store %arg7[%swap3A_405, %swap3A_406, %swap3A_407], %swap3A_410 {strides = array<i32>} : memref<5x40x128xf32, #tpu.memory_space<vmem>>, vector<1x1x16xf32>,
    %broadcast_in_dim3A_411 = arith.constant 0.000000e+00 : f32
    %broadcast_in_dim3A_412 = vector.broadcast %broadcast_in_dim3A_411 : f32 to vector<16xf32>
    %swap3A_413 = arith.constant 0 : i32
    %swap3A_414 = arith.constant 5 : i32
    %swap3A_415 = arith.index_cast %swap3A_413 : i32 to index
    %swap3A_416 = arith.index_cast %swap3A_414 : i32 to index
    %swap3A_417 = arith.constant 16 : index
    %swap3A_418 = tpu.vector_load %arg7[%swap3A_415, %swap3A_416, %swap3A_417] {strides = array<i32>} : memref<5x40x128xf32, #tpu.memory_space<vmem>>, vector<1x1x16xf32>,
    %swap3A_419 = vector.shape_cast %swap3A_418 : vector<1x1x16xf32> to vector<16xf32>
    %swap3A_420 = vector.shape_cast %broadcast_in_dim3A_412 : vector<16xf32> to vector<1x1x16xf32>
    tpu.vector_store %arg7[%swap3A_415, %swap3A_416, %swap3A_417], %swap3A_420 {strides = array<i32>} : memref<5x40x128xf32, #tpu.memory_space<vmem>>, vector<1x1x16xf32>,
    %broadcast_in_dim3A_421 = arith.constant 0.000000e+00 : f32
    %broadcast_in_dim3A_422 = vector.broadcast %broadcast_in_dim3A_421 : f32 to vector<16xf32>
    %swap3A_423 = arith.constant 0 : i32
    %swap3A_424 = arith.constant 5 : i32
    %swap3A_425 = arith.index_cast %swap3A_423 : i32 to index
    %swap3A_426 = arith.index_cast %swap3A_424 : i32 to index
    %swap3A_427 = arith.constant 32 : index
    %swap3A_428 = tpu.vector_load %arg7[%swap3A_425, %swap3A_426, %swap3A_427] {strides = array<i32>} : memref<5x40x128xf32, #tpu.memory_space<vmem>>, vector<1x1x16xf32>,
    %swap3A_429 = vector.shape_cast %swap3A_428 : vector<1x1x16xf32> to vector<16xf32>
    %swap3A_430 = vector.shape_cast %broadcast_in_dim3A_422 : vector<16xf32> to vector<1x1x16xf32>
    tpu.vector_store %arg7[%swap3A_425, %swap3A_426, %swap3A_427], %swap3A_430 {strides = array<i32>} : memref<5x40x128xf32, #tpu.memory_space<vmem>>, vector<1x1x16xf32>,
    %broadcast_in_dim3A_431 = arith.constant 0.000000e+00 : f32
    %broadcast_in_dim3A_432 = vector.broadcast %broadcast_in_dim3A_431 : f32 to vector<16xf32>
    %swap3A_433 = arith.constant 0 : i32
    %swap3A_434 = arith.constant 5 : i32
    %swap3A_435 = arith.index_cast %swap3A_433 : i32 to index
    %swap3A_436 = arith.index_cast %swap3A_434 : i32 to index
    %swap3A_437 = arith.constant 48 : index
    %swap3A_438 = tpu.vector_load %arg7[%swap3A_435, %swap3A_436, %swap3A_437] {strides = array<i32>} : memref<5x40x128xf32, #tpu.memory_space<vmem>>, vector<1x1x16xf32>,
    %swap3A_439 = vector.shape_cast %swap3A_438 : vector<1x1x16xf32> to vector<16xf32>
    %swap3A_440 = vector.shape_cast %broadcast_in_dim3A_432 : vector<16xf32> to vector<1x1x16xf32>
    tpu.vector_store %arg7[%swap3A_435, %swap3A_436, %swap3A_437], %swap3A_440 {strides = array<i32>} : memref<5x40x128xf32, #tpu.memory_space<vmem>>, vector<1x1x16xf32>,
    %broadcast_in_dim3A_441 = arith.constant 0.000000e+00 : f32
    %broadcast_in_dim3A_442 = vector.broadcast %broadcast_in_dim3A_441 : f32 to vector<16xf32>
    %swap3A_443 = arith.constant 0 : i32
    %swap3A_444 = arith.constant 5 : i32
    %swap3A_445 = arith.index_cast %swap3A_443 : i32 to index
    %swap3A_446 = arith.index_cast %swap3A_444 : i32 to index
    %swap3A_447 = arith.constant 64 : index
    %swap3A_448 = tpu.vector_load %arg7[%swap3A_445, %swap3A_446, %swap3A_447] {strides = array<i32>} : memref<5x40x128xf32, #tpu.memory_space<vmem>>, vector<1x1x16xf32>,
    %swap3A_449 = vector.shape_cast %swap3A_448 : vector<1x1x16xf32> to vector<16xf32>
    %swap3A_450 = vector.shape_cast %broadcast_in_dim3A_442 : vector<16xf32> to vector<1x1x16xf32>
    tpu.vector_store %arg7[%swap3A_445, %swap3A_446, %swap3A_447], %swap3A_450 {strides = array<i32>} : memref<5x40x128xf32, #tpu.memory_space<vmem>>, vector<1x1x16xf32>,
    %broadcast_in_dim3A_451 = arith.constant 0.000000e+00 : f32
    %broadcast_in_dim3A_452 = vector.broadcast %broadcast_in_dim3A_451 : f32 to vector<16xf32>
    %swap3A_453 = arith.constant 0 : i32
    %swap3A_454 = arith.constant 5 : i32
    %swap3A_455 = arith.index_cast %swap3A_453 : i32 to index
    %swap3A_456 = arith.index_cast %swap3A_454 : i32 to index
    %swap3A_457 = arith.constant 80 : index
    %swap3A_458 = tpu.vector_load %arg7[%swap3A_455, %swap3A_456, %swap3A_457] {strides = array<i32>} : memref<5x40x128xf32, #tpu.memory_space<vmem>>, vector<1x1x16xf32>,
    %swap3A_459 = vector.shape_cast %swap3A_458 : vector<1x1x16xf32> to vector<16xf32>
    %swap3A_460 = vector.shape_cast %broadcast_in_dim3A_452 : vector<16xf32> to vector<1x1x16xf32>
    tpu.vector_store %arg7[%swap3A_455, %swap3A_456, %swap3A_457], %swap3A_460 {strides = array<i32>} : memref<5x40x128xf32, #tpu.memory_space<vmem>>, vector<1x1x16xf32>,
    %broadcast_in_dim3A_461 = arith.constant 0.000000e+00 : f32
    %broadcast_in_dim3A_462 = vector.broadcast %broadcast_in_dim3A_461 : f32 to vector<16xf32>
    %swap3A_463 = arith.constant 0 : i32
    %swap3A_464 = arith.constant 5 : i32
    %swap3A_465 = arith.index_cast %swap3A_463 : i32 to index
    %swap3A_466 = arith.index_cast %swap3A_464 : i32 to index
    %swap3A_467 = arith.constant 96 : index
    %swap3A_468 = tpu.vector_load %arg7[%swap3A_465, %swap3A_466, %swap3A_467] {strides = array<i32>} : memref<5x40x128xf32, #tpu.memory_space<vmem>>, vector<1x1x16xf32>,
    %swap3A_469 = vector.shape_cast %swap3A_468 : vector<1x1x16xf32> to vector<16xf32>
    %swap3A_470 = vector.shape_cast %broadcast_in_dim3A_462 : vector<16xf32> to vector<1x1x16xf32>
    tpu.vector_store %arg7[%swap3A_465, %swap3A_466, %swap3A_467], %swap3A_470 {strides = array<i32>} : memref<5x40x128xf32, #tpu.memory_space<vmem>>, vector<1x1x16xf32>,
    %broadcast_in_dim3A_471 = arith.constant 0.000000e+00 : f32
    %broadcast_in_dim3A_472 = vector.broadcast %broadcast_in_dim3A_471 : f32 to vector<16xf32>
    %swap3A_473 = arith.constant 0 : i32
    %swap3A_474 = arith.constant 5 : i32
    %swap3A_475 = arith.index_cast %swap3A_473 : i32 to index
    %swap3A_476 = arith.index_cast %swap3A_474 : i32 to index
    %swap3A_477 = arith.constant 112 : index
    %swap3A_478 = tpu.vector_load %arg7[%swap3A_475, %swap3A_476, %swap3A_477] {strides = array<i32>} : memref<5x40x128xf32, #tpu.memory_space<vmem>>, vector<1x1x16xf32>,
    %swap3A_479 = vector.shape_cast %swap3A_478 : vector<1x1x16xf32> to vector<16xf32>
    %swap3A_480 = vector.shape_cast %broadcast_in_dim3A_472 : vector<16xf32> to vector<1x1x16xf32>
    tpu.vector_store %arg7[%swap3A_475, %swap3A_476, %swap3A_477], %swap3A_480 {strides = array<i32>} : memref<5x40x128xf32, #tpu.memory_space<vmem>>, vector<1x1x16xf32>,
    %broadcast_in_dim3A_481 = arith.constant 0.000000e+00 : f32
    %broadcast_in_dim3A_482 = vector.broadcast %broadcast_in_dim3A_481 : f32 to vector<16xf32>
    %swap3A_483 = arith.constant 0 : i32
    %swap3A_484 = arith.constant 6 : i32
    %swap3A_485 = arith.index_cast %swap3A_483 : i32 to index
    %swap3A_486 = arith.index_cast %swap3A_484 : i32 to index
    %swap3A_487 = arith.constant 0 : index
    %swap3A_488 = tpu.vector_load %arg7[%swap3A_485, %swap3A_486, %swap3A_487] {strides = array<i32>} : memref<5x40x128xf32, #tpu.memory_space<vmem>>, vector<1x1x16xf32>,
    %swap3A_489 = vector.shape_cast %swap3A_488 : vector<1x1x16xf32> to vector<16xf32>
    %swap3A_490 = vector.shape_cast %broadcast_in_dim3A_482 : vector<16xf32> to vector<1x1x16xf32>
    tpu.vector_store %arg7[%swap3A_485, %swap3A_486, %swap3A_487], %swap3A_490 {strides = array<i32>} : memref<5x40x128xf32, #tpu.memory_space<vmem>>, vector<1x1x16xf32>,
    %broadcast_in_dim3A_491 = arith.constant 0.000000e+00 : f32
    %broadcast_in_dim3A_492 = vector.broadcast %broadcast_in_dim3A_491 : f32 to vector<16xf32>
    %swap3A_493 = arith.constant 0 : i32
    %swap3A_494 = arith.constant 6 : i32
    %swap3A_495 = arith.index_cast %swap3A_493 : i32 to index
    %swap3A_496 = arith.index_cast %swap3A_494 : i32 to index
    %swap3A_497 = arith.constant 16 : index
    %swap3A_498 = tpu.vector_load %arg7[%swap3A_495, %swap3A_496, %swap3A_497] {strides = array<i32>} : memref<5x40x128xf32, #tpu.memory_space<vmem>>, vector<1x1x16xf32>,
    %swap3A_499 = vector.shape_cast %swap3A_498 : vector<1x1x16xf32> to vector<16xf32>
    %swap3A_500 = vector.shape_cast %broadcast_in_dim3A_492 : vector<16xf32> to vector<1x1x16xf32>
    tpu.vector_store %arg7[%swap3A_495, %swap3A_496, %swap3A_497], %swap3A_500 {strides = array<i32>} : memref<5x40x128xf32, #tpu.memory_space<vmem>>, vector<1x1x16xf32>,
    %broadcast_in_dim3A_501 = arith.constant 0.000000e+00 : f32
    %broadcast_in_dim3A_502 = vector.broadcast %broadcast_in_dim3A_501 : f32 to vector<16xf32>
    %swap3A_503 = arith.constant 0 : i32
    %swap3A_504 = arith.constant 6 : i32
    %swap3A_505 = arith.index_cast %swap3A_503 : i32 to index
    %swap3A_506 = arith.index_cast %swap3A_504 : i32 to index
    %swap3A_507 = arith.constant 32 : index
    %swap3A_508 = tpu.vector_load %arg7[%swap3A_505, %swap3A_506, %swap3A_507] {strides = array<i32>} : memref<5x40x128xf32, #tpu.memory_space<vmem>>, vector<1x1x16xf32>,
    %swap3A_509 = vector.shape_cast %swap3A_508 : vector<1x1x16xf32> to vector<16xf32>
    %swap3A_510 = vector.shape_cast %broadcast_in_dim3A_502 : vector<16xf32> to vector<1x1x16xf32>
    tpu.vector_store %arg7[%swap3A_505, %swap3A_506, %swap3A_507], %swap3A_510 {strides = array<i32>} : memref<5x40x128xf32, #tpu.memory_space<vmem>>, vector<1x1x16xf32>,
    %broadcast_in_dim3A_511 = arith.constant 0.000000e+00 : f32
    %broadcast_in_dim3A_512 = vector.broadcast %broadcast_in_dim3A_511 : f32 to vector<16xf32>
    %swap3A_513 = arith.constant 0 : i32
    %swap3A_514 = arith.constant 6 : i32
    %swap3A_515 = arith.index_cast %swap3A_513 : i32 to index
    %swap3A_516 = arith.index_cast %swap3A_514 : i32 to index
    %swap3A_517 = arith.constant 48 : index
    %swap3A_518 = tpu.vector_load %arg7[%swap3A_515, %swap3A_516, %swap3A_517] {strides = array<i32>} : memref<5x40x128xf32, #tpu.memory_space<vmem>>, vector<1x1x16xf32>,
    %swap3A_519 = vector.shape_cast %swap3A_518 : vector<1x1x16xf32> to vector<16xf32>
    %swap3A_520 = vector.shape_cast %broadcast_in_dim3A_512 : vector<16xf32> to vector<1x1x16xf32>
    tpu.vector_store %arg7[%swap3A_515, %swap3A_516, %swap3A_517], %swap3A_520 {strides = array<i32>} : memref<5x40x128xf32, #tpu.memory_space<vmem>>, vector<1x1x16xf32>,
    %broadcast_in_dim3A_521 = arith.constant 0.000000e+00 : f32
    %broadcast_in_dim3A_522 = vector.broadcast %broadcast_in_dim3A_521 : f32 to vector<16xf32>
    %swap3A_523 = arith.constant 0 : i32
    %swap3A_524 = arith.constant 6 : i32
    %swap3A_525 = arith.index_cast %swap3A_523 : i32 to index
    %swap3A_526 = arith.index_cast %swap3A_524 : i32 to index
    %swap3A_527 = arith.constant 64 : index
    %swap3A_528 = tpu.vector_load %arg7[%swap3A_525, %swap3A_526, %swap3A_527] {strides = array<i32>} : memref<5x40x128xf32, #tpu.memory_space<vmem>>, vector<1x1x16xf32>,
    %swap3A_529 = vector.shape_cast %swap3A_528 : vector<1x1x16xf32> to vector<16xf32>
    %swap3A_530 = vector.shape_cast %broadcast_in_dim3A_522 : vector<16xf32> to vector<1x1x16xf32>
    tpu.vector_store %arg7[%swap3A_525, %swap3A_526, %swap3A_527], %swap3A_530 {strides = array<i32>} : memref<5x40x128xf32, #tpu.memory_space<vmem>>, vector<1x1x16xf32>,
    %broadcast_in_dim3A_531 = arith.constant 0.000000e+00 : f32
    %broadcast_in_dim3A_532 = vector.broadcast %broadcast_in_dim3A_531 : f32 to vector<16xf32>
    %swap3A_533 = arith.constant 0 : i32
    %swap3A_534 = arith.constant 6 : i32
    %swap3A_535 = arith.index_cast %swap3A_533 : i32 to index
    %swap3A_536 = arith.index_cast %swap3A_534 : i32 to index
    %swap3A_537 = arith.constant 80 : index
    %swap3A_538 = tpu.vector_load %arg7[%swap3A_535, %swap3A_536, %swap3A_537] {strides = array<i32>} : memref<5x40x128xf32, #tpu.memory_space<vmem>>, vector<1x1x16xf32>,
    %swap3A_539 = vector.shape_cast %swap3A_538 : vector<1x1x16xf32> to vector<16xf32>
    %swap3A_540 = vector.shape_cast %broadcast_in_dim3A_532 : vector<16xf32> to vector<1x1x16xf32>
    tpu.vector_store %arg7[%swap3A_535, %swap3A_536, %swap3A_537], %swap3A_540 {strides = array<i32>} : memref<5x40x128xf32, #tpu.memory_space<vmem>>, vector<1x1x16xf32>,
    %broadcast_in_dim3A_541 = arith.constant 0.000000e+00 : f32
    %broadcast_in_dim3A_542 = vector.broadcast %broadcast_in_dim3A_541 : f32 to vector<16xf32>
    %swap3A_543 = arith.constant 0 : i32
    %swap3A_544 = arith.constant 6 : i32
    %swap3A_545 = arith.index_cast %swap3A_543 : i32 to index
    %swap3A_546 = arith.index_cast %swap3A_544 : i32 to index
    %swap3A_547 = arith.constant 96 : index
    %swap3A_548 = tpu.vector_load %arg7[%swap3A_545, %swap3A_546, %swap3A_547] {strides = array<i32>} : memref<5x40x128xf32, #tpu.memory_space<vmem>>, vector<1x1x16xf32>,
    %swap3A_549 = vector.shape_cast %swap3A_548 : vector<1x1x16xf32> to vector<16xf32>
    %swap3A_550 = vector.shape_cast %broadcast_in_dim3A_542 : vector<16xf32> to vector<1x1x16xf32>
    tpu.vector_store %arg7[%swap3A_545, %swap3A_546, %swap3A_547], %swap3A_550 {strides = array<i32>} : memref<5x40x128xf32, #tpu.memory_space<vmem>>, vector<1x1x16xf32>,
    %broadcast_in_dim3A_551 = arith.constant 0.000000e+00 : f32
    %broadcast_in_dim3A_552 = vector.broadcast %broadcast_in_dim3A_551 : f32 to vector<16xf32>
    %swap3A_553 = arith.constant 0 : i32
    %swap3A_554 = arith.constant 6 : i32
    %swap3A_555 = arith.index_cast %swap3A_553 : i32 to index
    %swap3A_556 = arith.index_cast %swap3A_554 : i32 to index
    %swap3A_557 = arith.constant 112 : index
    %swap3A_558 = tpu.vector_load %arg7[%swap3A_555, %swap3A_556, %swap3A_557] {strides = array<i32>} : memref<5x40x128xf32, #tpu.memory_space<vmem>>, vector<1x1x16xf32>,
    %swap3A_559 = vector.shape_cast %swap3A_558 : vector<1x1x16xf32> to vector<16xf32>
    %swap3A_560 = vector.shape_cast %broadcast_in_dim3A_552 : vector<16xf32> to vector<1x1x16xf32>
    tpu.vector_store %arg7[%swap3A_555, %swap3A_556, %swap3A_557], %swap3A_560 {strides = array<i32>} : memref<5x40x128xf32, #tpu.memory_space<vmem>>, vector<1x1x16xf32>,
    %broadcast_in_dim3A_561 = arith.constant 0.000000e+00 : f32
    %broadcast_in_dim3A_562 = vector.broadcast %broadcast_in_dim3A_561 : f32 to vector<16xf32>
    %swap3A_563 = arith.constant 0 : i32
    %swap3A_564 = arith.constant 7 : i32
    %swap3A_565 = arith.index_cast %swap3A_563 : i32 to index
    %swap3A_566 = arith.index_cast %swap3A_564 : i32 to index
    %swap3A_567 = arith.constant 0 : index
    %swap3A_568 = tpu.vector_load %arg7[%swap3A_565, %swap3A_566, %swap3A_567] {strides = array<i32>} : memref<5x40x128xf32, #tpu.memory_space<vmem>>, vector<1x1x16xf32>,
    %swap3A_569 = vector.shape_cast %swap3A_568 : vector<1x1x16xf32> to vector<16xf32>
    %swap3A_570 = vector.shape_cast %broadcast_in_dim3A_562 : vector<16xf32> to vector<1x1x16xf32>
    tpu.vector_store %arg7[%swap3A_565, %swap3A_566, %swap3A_567], %swap3A_570 {strides = array<i32>} : memref<5x40x128xf32, #tpu.memory_space<vmem>>, vector<1x1x16xf32>,
    %broadcast_in_dim3A_571 = arith.constant 0.000000e+00 : f32
    %broadcast_in_dim3A_572 = vector.broadcast %broadcast_in_dim3A_571 : f32 to vector<16xf32>
    %swap3A_573 = arith.constant 0 : i32
    %swap3A_574 = arith.constant 7 : i32
    %swap3A_575 = arith.index_cast %swap3A_573 : i32 to index
    %swap3A_576 = arith.index_cast %swap3A_574 : i32 to index
    %swap3A_577 = arith.constant 16 : index
    %swap3A_578 = tpu.vector_load %arg7[%swap3A_575, %swap3A_576, %swap3A_577] {strides = array<i32>} : memref<5x40x128xf32, #tpu.memory_space<vmem>>, vector<1x1x16xf32>,
    %swap3A_579 = vector.shape_cast %swap3A_578 : vector<1x1x16xf32> to vector<16xf32>
    %swap3A_580 = vector.shape_cast %broadcast_in_dim3A_572 : vector<16xf32> to vector<1x1x16xf32>
    tpu.vector_store %arg7[%swap3A_575, %swap3A_576, %swap3A_577], %swap3A_580 {strides = array<i32>} : memref<5x40x128xf32, #tpu.memory_space<vmem>>, vector<1x1x16xf32>,
    %broadcast_in_dim3A_581 = arith.constant 0.000000e+00 : f32
    %broadcast_in_dim3A_582 = vector.broadcast %broadcast_in_dim3A_581 : f32 to vector<16xf32>
    %swap3A_583 = arith.constant 0 : i32
    %swap3A_584 = arith.constant 7 : i32
    %swap3A_585 = arith.index_cast %swap3A_583 : i32 to index
    %swap3A_586 = arith.index_cast %swap3A_584 : i32 to index
    %swap3A_587 = arith.constant 32 : index
    %swap3A_588 = tpu.vector_load %arg7[%swap3A_585, %swap3A_586, %swap3A_587] {strides = array<i32>} : memref<5x40x128xf32, #tpu.memory_space<vmem>>, vector<1x1x16xf32>,
    %swap3A_589 = vector.shape_cast %swap3A_588 : vector<1x1x16xf32> to vector<16xf32>
    %swap3A_590 = vector.shape_cast %broadcast_in_dim3A_582 : vector<16xf32> to vector<1x1x16xf32>
    tpu.vector_store %arg7[%swap3A_585, %swap3A_586, %swap3A_587], %swap3A_590 {strides = array<i32>} : memref<5x40x128xf32, #tpu.memory_space<vmem>>, vector<1x1x16xf32>,
    %broadcast_in_dim3A_591 = arith.constant 0.000000e+00 : f32
    %broadcast_in_dim3A_592 = vector.broadcast %broadcast_in_dim3A_591 : f32 to vector<16xf32>
    %swap3A_593 = arith.constant 0 : i32
    %swap3A_594 = arith.constant 7 : i32
    %swap3A_595 = arith.index_cast %swap3A_593 : i32 to index
    %swap3A_596 = arith.index_cast %swap3A_594 : i32 to index
    %swap3A_597 = arith.constant 48 : index
    %swap3A_598 = tpu.vector_load %arg7[%swap3A_595, %swap3A_596, %swap3A_597] {strides = array<i32>} : memref<5x40x128xf32, #tpu.memory_space<vmem>>, vector<1x1x16xf32>,
    %swap3A_599 = vector.shape_cast %swap3A_598 : vector<1x1x16xf32> to vector<16xf32>
    %swap3A_600 = vector.shape_cast %broadcast_in_dim3A_592 : vector<16xf32> to vector<1x1x16xf32>
    tpu.vector_store %arg7[%swap3A_595, %swap3A_596, %swap3A_597], %swap3A_600 {strides = array<i32>} : memref<5x40x128xf32, #tpu.memory_space<vmem>>, vector<1x1x16xf32>,
    %broadcast_in_dim3A_601 = arith.constant 0.000000e+00 : f32
    %broadcast_in_dim3A_602 = vector.broadcast %broadcast_in_dim3A_601 : f32 to vector<16xf32>
    %swap3A_603 = arith.constant 0 : i32
    %swap3A_604 = arith.constant 7 : i32
    %swap3A_605 = arith.index_cast %swap3A_603 : i32 to index
    %swap3A_606 = arith.index_cast %swap3A_604 : i32 to index
    %swap3A_607 = arith.constant 64 : index
    %swap3A_608 = tpu.vector_load %arg7[%swap3A_605, %swap3A_606, %swap3A_607] {strides = array<i32>} : memref<5x40x128xf32, #tpu.memory_space<vmem>>, vector<1x1x16xf32>,
    %swap3A_609 = vector.shape_cast %swap3A_608 : vector<1x1x16xf32> to vector<16xf32>
    %swap3A_610 = vector.shape_cast %broadcast_in_dim3A_602 : vector<16xf32> to vector<1x1x16xf32>
    tpu.vector_store %arg7[%swap3A_605, %swap3A_606, %swap3A_607], %swap3A_610 {strides = array<i32>} : memref<5x40x128xf32, #tpu.memory_space<vmem>>, vector<1x1x16xf32>,
    %broadcast_in_dim3A_611 = arith.constant 0.000000e+00 : f32
    %broadcast_in_dim3A_612 = vector.broadcast %broadcast_in_dim3A_611 : f32 to vector<16xf32>
    %swap3A_613 = arith.constant 0 : i32
    %swap3A_614 = arith.constant 7 : i32
    %swap3A_615 = arith.index_cast %swap3A_613 : i32 to index
    %swap3A_616 = arith.index_cast %swap3A_614 : i32 to index
    %swap3A_617 = arith.constant 80 : index
    %swap3A_618 = tpu.vector_load %arg7[%swap3A_615, %swap3A_616, %swap3A_617] {strides = array<i32>} : memref<5x40x128xf32, #tpu.memory_space<vmem>>, vector<1x1x16xf32>,
    %swap3A_619 = vector.shape_cast %swap3A_618 : vector<1x1x16xf32> to vector<16xf32>
    %swap3A_620 = vector.shape_cast %broadcast_in_dim3A_612 : vector<16xf32> to vector<1x1x16xf32>
    tpu.vector_store %arg7[%swap3A_615, %swap3A_616, %swap3A_617], %swap3A_620 {strides = array<i32>} : memref<5x40x128xf32, #tpu.memory_space<vmem>>, vector<1x1x16xf32>,
    %broadcast_in_dim3A_621 = arith.constant 0.000000e+00 : f32
    %broadcast_in_dim3A_622 = vector.broadcast %broadcast_in_dim3A_621 : f32 to vector<16xf32>
    %swap3A_623 = arith.constant 0 : i32
    %swap3A_624 = arith.constant 7 : i32
    %swap3A_625 = arith.index_cast %swap3A_623 : i32 to index
    %swap3A_626 = arith.index_cast %swap3A_624 : i32 to index
    %swap3A_627 = arith.constant 96 : index
    %swap3A_628 = tpu.vector_load %arg7[%swap3A_625, %swap3A_626, %swap3A_627] {strides = array<i32>} : memref<5x40x128xf32, #tpu.memory_space<vmem>>, vector<1x1x16xf32>,
    %swap3A_629 = vector.shape_cast %swap3A_628 : vector<1x1x16xf32> to vector<16xf32>
    %swap3A_630 = vector.shape_cast %broadcast_in_dim3A_622 : vector<16xf32> to vector<1x1x16xf32>
    tpu.vector_store %arg7[%swap3A_625, %swap3A_626, %swap3A_627], %swap3A_630 {strides = array<i32>} : memref<5x40x128xf32, #tpu.memory_space<vmem>>, vector<1x1x16xf32>,
    %broadcast_in_dim3A_631 = arith.constant 0.000000e+00 : f32
    %broadcast_in_dim3A_632 = vector.broadcast %broadcast_in_dim3A_631 : f32 to vector<16xf32>
    %swap3A_633 = arith.constant 0 : i32
    %swap3A_634 = arith.constant 7 : i32
    %swap3A_635 = arith.index_cast %swap3A_633 : i32 to index
    %swap3A_636 = arith.index_cast %swap3A_634 : i32 to index
    %swap3A_637 = arith.constant 112 : index
    %swap3A_638 = tpu.vector_load %arg7[%swap3A_635, %swap3A_636, %swap3A_637] {strides = array<i32>} : memref<5x40x128xf32, #tpu.memory_space<vmem>>, vector<1x1x16xf32>,
    %swap3A_639 = vector.shape_cast %swap3A_638 : vector<1x1x16xf32> to vector<16xf32>
    %swap3A_640 = vector.shape_cast %broadcast_in_dim3A_632 : vector<16xf32> to vector<1x1x16xf32>
    tpu.vector_store %arg7[%swap3A_635, %swap3A_636, %swap3A_637], %swap3A_640 {strides = array<i32>} : memref<5x40x128xf32, #tpu.memory_space<vmem>>, vector<1x1x16xf32>,
    %scan3A = arith.constant 0 : i32
    %scan3A_641 = arith.constant 80 : i32
    %scan3A_642 = arith.addi %scan3A, %scan3A_641 : i32
    %scan3A_643 = arith.constant 1 : i32
    scf.for %scan3A_828 = %scan3A to %scan3A_642 step %scan3A_643  : i32 {
      %mul3A_829 = arith.constant 8 : i32
      %mul3A_830 = arith.muli %scan3A_828, %mul3A_829 : i32
      %add3A_831 = arith.addi %mul3A_2, %mul3A_830 : i32
      %run_scoped3A = arith.constant 0 : i32
      "tpu.region"() ({
        %run_scoped3A_832 = tpu.sem_alloc : memref<!tpu.dma_semaphore, #tpu.memory_space<semaphore_mem>>
        %dma_start3A_833 = arith.constant 0 : i32
        %dma_start3A_834 = arith.constant 0 : i32
        %dma_start3A_835 = tpu.memref_slice %arg7[%run_scoped3A, %dma_start3A_833, %dma_start3A_834] : memref<5x40x128xf32, #tpu.memory_space<vmem>> -> memref<1x8x128xf32, #tpu.memory_space<vmem>>
        %dma_start3A_836 = tpu.memref_squeeze %dma_start3A_835 : memref<1x8x128xf32, #tpu.memory_space<vmem>> -> memref<8x128xf32, #tpu.memory_space<vmem>>
        %dma_start3A_837 = arith.constant 0 : i32
        %dma_start3A_838 = tpu.memref_slice %arg8[%add3A_831, %dma_start3A_837] : memref<10240x128xf32, #tpu.memory_space<vmem_shared>> -> memref<8x128xf32, #tpu.memory_space<vmem_shared>>
        %dma_start3A_839 = arith.constant 0 : i32
        %dma_start3A_840 = tpu.memref_slice %arg8[%add3A_831, %dma_start3A_839] : memref<10240x128xf32, #tpu.memory_space<vmem_shared>> -> memref<8x128xf32, #tpu.memory_space<vmem_shared>>
        %dma_start3A_841 = arith.constant 0 : i32
        %dma_start3A_842 = arith.constant 0 : i32
        %dma_start3A_843 = tpu.memref_slice %arg7[%run_scoped3A, %dma_start3A_841, %dma_start3A_842] : memref<5x40x128xf32, #tpu.memory_space<vmem>> -> memref<1x8x128xf32, #tpu.memory_space<vmem>>
        %dma_start3A_844 = tpu.memref_squeeze %dma_start3A_843 : memref<1x8x128xf32, #tpu.memory_space<vmem>> -> memref<8x128xf32, #tpu.memory_space<vmem>>
        tpu.enqueue_dma source(%dma_start3A_844 : memref<8x128xf32, #tpu.memory_space<vmem>>) target(%dma_start3A_840 : memref<8x128xf32, #tpu.memory_space<vmem_shared>>) target_semaphore(%run_scoped3A_832 : memref<!tpu.dma_semaphore, #tpu.memory_space<semaphore_mem>>)
        %dma_wait3A_845 = arith.constant 0 : i32
        %dma_wait3A_846 = arith.constant 0 : i32
        %dma_wait3A_847 = tpu.memref_slice %arg7[%run_scoped3A, %dma_wait3A_845, %dma_wait3A_846] : memref<5x40x128xf32, #tpu.memory_space<vmem>> -> memref<1x8x128xf32, #tpu.memory_space<vmem>>
        %dma_wait3A_848 = tpu.memref_squeeze %dma_wait3A_847 : memref<1x8x128xf32, #tpu.memory_space<vmem>> -> memref<8x128xf32, #tpu.memory_space<vmem>>
        %dma_wait3A_849 = arith.constant 0 : i32
        %dma_wait3A_850 = tpu.memref_slice %arg8[%add3A_831, %dma_wait3A_849] : memref<10240x128xf32, #tpu.memory_space<vmem_shared>> -> memref<8x128xf32, #tpu.memory_space<vmem_shared>>
        %dma_wait3A_851 = arith.constant 0 : i32
        %dma_wait3A_852 = tpu.memref_slice %arg8[%add3A_831, %dma_wait3A_851] : memref<10240x128xf32, #tpu.memory_space<vmem_shared>> -> memref<8x128xf32, #tpu.memory_space<vmem_shared>>
        %dma_wait3A_853 = arith.constant 0 : i32
        %dma_wait3A_854 = arith.constant 0 : i32
        %dma_wait3A_855 = tpu.memref_slice %arg7[%run_scoped3A, %dma_wait3A_853, %dma_wait3A_854] : memref<5x40x128xf32, #tpu.memory_space<vmem>> -> memref<1x8x128xf32, #tpu.memory_space<vmem>>
        %dma_wait3A_856 = tpu.memref_squeeze %dma_wait3A_855 : memref<1x8x128xf32, #tpu.memory_space<vmem>> -> memref<8x128xf32, #tpu.memory_space<vmem>>
        tpu.wait_dma2 semaphore(%run_scoped3A_832 : memref<!tpu.dma_semaphore, #tpu.memory_space<semaphore_mem>>) src(%dma_wait3A_856 : memref<8x128xf32, #tpu.memory_space<vmem>>) dst(%dma_wait3A_852 : memref<8x128xf32, #tpu.memory_space<vmem_shared>>)
        tpu.yield
      }) : () -> ()
    }
    %scan3A_644 = arith.constant 80 : i32
    %barrier3A = arith.constant 0 : index
    tpu.barrier barrier_id(%barrier3A)
    %dma_start3A = arith.constant 0 : i32
    %dma_start3A_645 = arith.constant 0 : i32
    %dma_start3A_646 = arith.constant 0 : i32
    %dma_start3A_647 = arith.constant 0 : i32
    %dma_start3A_648 = arith.constant 0 : i32
    %dma_start3A_649 = tpu.memref_slice %arg5[%dma_start3A_646, %dma_start3A_647, %dma_start3A_648] : memref<2x5x40xi32, #tpu.memory_space<vmem>> -> memref<1x5x40xi32, #tpu.memory_space<vmem>>
    %dma_start3A_650 = tpu.memref_squeeze %dma_start3A_649 : memref<1x5x40xi32, #tpu.memory_space<vmem>> -> memref<5x40xi32, #tpu.memory_space<vmem>>
    %dma_start3A_651 = arith.constant 0 : i32
    %dma_start3A_652 = arith.constant 0 : i32
    %dma_start3A_653 = tpu.memref_slice %arg2[%dma_start3A, %add3A, %dma_start3A_645, %dma_start3A_651, %dma_start3A_652] : memref<2x32x50x5x40xi32, #tpu.memory_space<hbm>> -> memref<1x1x1x5x40xi32, #tpu.memory_space<hbm>>
    %dma_start3A_654 = tpu.memref_squeeze %dma_start3A_653 : memref<1x1x1x5x40xi32, #tpu.memory_space<hbm>> -> memref<5x40xi32, #tpu.memory_space<hbm>>
    %dma_start3A_655 = arith.constant 0 : i32
    %dma_start3A_656 = arith.constant 0 : i32
    %dma_start3A_657 = tpu.memref_slice %arg5[%dma_start3A_646, %dma_start3A_655, %dma_start3A_656] : memref<2x5x40xi32, #tpu.memory_space<vmem>> -> memref<1x5x40xi32, #tpu.memory_space<vmem>>
    %dma_start3A_658 = tpu.memref_squeeze %dma_start3A_657 : memref<1x5x40xi32, #tpu.memory_space<vmem>> -> memref<5x40xi32, #tpu.memory_space<vmem>>
    %dma_start3A_659 = arith.constant 0 : i32
    %dma_start3A_660 = arith.constant 0 : i32
    %dma_start3A_661 = tpu.memref_slice %arg2[%dma_start3A, %add3A, %dma_start3A_645, %dma_start3A_659, %dma_start3A_660] : memref<2x32x50x5x40xi32, #tpu.memory_space<hbm>> -> memref<1x1x1x5x40xi32, #tpu.memory_space<hbm>>
    %dma_start3A_662 = tpu.memref_squeeze %dma_start3A_661 : memref<1x1x1x5x40xi32, #tpu.memory_space<hbm>> -> memref<5x40xi32, #tpu.memory_space<hbm>>
    tpu.enqueue_dma source(%dma_start3A_662 : memref<5x40xi32, #tpu.memory_space<hbm>>) target(%dma_start3A_658 : memref<5x40xi32, #tpu.memory_space<vmem>>) target_semaphore(%arg19 : memref<!tpu.dma_semaphore, #tpu.memory_space<semaphore_mem>>)
    %dma_start3A_663 = arith.constant 1 : i32
    %dma_start3A_664 = arith.constant 0 : i32
    %dma_start3A_665 = arith.constant 1 : i32
    %dma_start3A_666 = arith.constant 0 : i32
    %dma_start3A_667 = arith.constant 0 : i32
    %dma_start3A_668 = tpu.memref_slice %arg5[%dma_start3A_665, %dma_start3A_666, %dma_start3A_667] : memref<2x5x40xi32, #tpu.memory_space<vmem>> -> memref<1x5x40xi32, #tpu.memory_space<vmem>>
    %dma_start3A_669 = tpu.memref_squeeze %dma_start3A_668 : memref<1x5x40xi32, #tpu.memory_space<vmem>> -> memref<5x40xi32, #tpu.memory_space<vmem>>
    %dma_start3A_670 = arith.constant 0 : i32
    %dma_start3A_671 = arith.constant 0 : i32
    %dma_start3A_672 = tpu.memref_slice %arg2[%dma_start3A_663, %add3A, %dma_start3A_664, %dma_start3A_670, %dma_start3A_671] : memref<2x32x50x5x40xi32, #tpu.memory_space<hbm>> -> memref<1x1x1x5x40xi32, #tpu.memory_space<hbm>>
    %dma_start3A_673 = tpu.memref_squeeze %dma_start3A_672 : memref<1x1x1x5x40xi32, #tpu.memory_space<hbm>> -> memref<5x40xi32, #tpu.memory_space<hbm>>
    %dma_start3A_674 = arith.constant 0 : i32
    %dma_start3A_675 = arith.constant 0 : i32
    %dma_start3A_676 = tpu.memref_slice %arg5[%dma_start3A_665, %dma_start3A_674, %dma_start3A_675] : memref<2x5x40xi32, #tpu.memory_space<vmem>> -> memref<1x5x40xi32, #tpu.memory_space<vmem>>
    %dma_start3A_677 = tpu.memref_squeeze %dma_start3A_676 : memref<1x5x40xi32, #tpu.memory_space<vmem>> -> memref<5x40xi32, #tpu.memory_space<vmem>>
    %dma_start3A_678 = arith.constant 0 : i32
    %dma_start3A_679 = arith.constant 0 : i32
    %dma_start3A_680 = tpu.memref_slice %arg2[%dma_start3A_663, %add3A, %dma_start3A_664, %dma_start3A_678, %dma_start3A_679] : memref<2x32x50x5x40xi32, #tpu.memory_space<hbm>> -> memref<1x1x1x5x40xi32, #tpu.memory_space<hbm>>
    %dma_start3A_681 = tpu.memref_squeeze %dma_start3A_680 : memref<1x1x1x5x40xi32, #tpu.memory_space<hbm>> -> memref<5x40xi32, #tpu.memory_space<hbm>>
    tpu.enqueue_dma source(%dma_start3A_681 : memref<5x40xi32, #tpu.memory_space<hbm>>) target(%dma_start3A_677 : memref<5x40xi32, #tpu.memory_space<vmem>>) target_semaphore(%arg19 : memref<!tpu.dma_semaphore, #tpu.memory_space<semaphore_mem>>)
    %dma_start3A_682 = arith.constant 0 : i32
    %dma_start3A_683 = arith.constant 1 : i32
    %dma_start3A_684 = arith.constant 0 : i32
    %dma_start3A_685 = arith.constant 0 : i32
    %dma_start3A_686 = arith.constant 0 : i32
    %dma_start3A_687 = tpu.memref_slice %arg6[%dma_start3A_684, %dma_start3A_685, %dma_start3A_686] : memref<2x5x40xi32, #tpu.memory_space<vmem>> -> memref<1x5x40xi32, #tpu.memory_space<vmem>>
    %dma_start3A_688 = tpu.memref_squeeze %dma_start3A_687 : memref<1x5x40xi32, #tpu.memory_space<vmem>> -> memref<5x40xi32, #tpu.memory_space<vmem>>
    %dma_start3A_689 = arith.constant 0 : i32
    %dma_start3A_690 = arith.constant 0 : i32
    %dma_start3A_691 = tpu.memref_slice %arg2[%dma_start3A_682, %add3A, %dma_start3A_683, %dma_start3A_689, %dma_start3A_690] : memref<2x32x50x5x40xi32, #tpu.memory_space<hbm>> -> memref<1x1x1x5x40xi32, #tpu.memory_space<hbm>>
    %dma_start3A_692 = tpu.memref_squeeze %dma_start3A_691 : memref<1x1x1x5x40xi32, #tpu.memory_space<hbm>> -> memref<5x40xi32, #tpu.memory_space<hbm>>
    %dma_start3A_693 = arith.constant 0 : i32
    %dma_start3A_694 = arith.constant 0 : i32
    %dma_start3A_695 = tpu.memref_slice %arg6[%dma_start3A_684, %dma_start3A_693, %dma_start3A_694] : memref<2x5x40xi32, #tpu.memory_space<vmem>> -> memref<1x5x40xi32, #tpu.memory_space<vmem>>
    %dma_start3A_696 = tpu.memref_squeeze %dma_start3A_695 : memref<1x5x40xi32, #tpu.memory_space<vmem>> -> memref<5x40xi32, #tpu.memory_space<vmem>>
    %dma_start3A_697 = arith.constant 0 : i32
    %dma_start3A_698 = arith.constant 0 : i32
    %dma_start3A_699 = tpu.memref_slice %arg2[%dma_start3A_682, %add3A, %dma_start3A_683, %dma_start3A_697, %dma_start3A_698] : memref<2x32x50x5x40xi32, #tpu.memory_space<hbm>> -> memref<1x1x1x5x40xi32, #tpu.memory_space<hbm>>
    %dma_start3A_700 = tpu.memref_squeeze %dma_start3A_699 : memref<1x1x1x5x40xi32, #tpu.memory_space<hbm>> -> memref<5x40xi32, #tpu.memory_space<hbm>>
    tpu.enqueue_dma source(%dma_start3A_700 : memref<5x40xi32, #tpu.memory_space<hbm>>) target(%dma_start3A_696 : memref<5x40xi32, #tpu.memory_space<vmem>>) target_semaphore(%arg20 : memref<!tpu.dma_semaphore, #tpu.memory_space<semaphore_mem>>)
    %dma_start3A_701 = arith.constant 1 : i32
    %dma_start3A_702 = arith.constant 1 : i32
    %dma_start3A_703 = arith.constant 1 : i32
    %dma_start3A_704 = arith.constant 0 : i32
    %dma_start3A_705 = arith.constant 0 : i32
    %dma_start3A_706 = tpu.memref_slice %arg6[%dma_start3A_703, %dma_start3A_704, %dma_start3A_705] : memref<2x5x40xi32, #tpu.memory_space<vmem>> -> memref<1x5x40xi32, #tpu.memory_space<vmem>>
    %dma_start3A_707 = tpu.memref_squeeze %dma_start3A_706 : memref<1x5x40xi32, #tpu.memory_space<vmem>> -> memref<5x40xi32, #tpu.memory_space<vmem>>
    %dma_start3A_708 = arith.constant 0 : i32
    %dma_start3A_709 = arith.constant 0 : i32
    %dma_start3A_710 = tpu.memref_slice %arg2[%dma_start3A_701, %add3A, %dma_start3A_702, %dma_start3A_708, %dma_start3A_709] : memref<2x32x50x5x40xi32, #tpu.memory_space<hbm>> -> memref<1x1x1x5x40xi32, #tpu.memory_space<hbm>>
    %dma_start3A_711 = tpu.memref_squeeze %dma_start3A_710 : memref<1x1x1x5x40xi32, #tpu.memory_space<hbm>> -> memref<5x40xi32, #tpu.memory_space<hbm>>
    %dma_start3A_712 = arith.constant 0 : i32
    %dma_start3A_713 = arith.constant 0 : i32
    %dma_start3A_714 = tpu.memref_slice %arg6[%dma_start3A_703, %dma_start3A_712, %dma_start3A_713] : memref<2x5x40xi32, #tpu.memory_space<vmem>> -> memref<1x5x40xi32, #tpu.memory_space<vmem>>
    %dma_start3A_715 = tpu.memref_squeeze %dma_start3A_714 : memref<1x5x40xi32, #tpu.memory_space<vmem>> -> memref<5x40xi32, #tpu.memory_space<vmem>>
    %dma_start3A_716 = arith.constant 0 : i32
    %dma_start3A_717 = arith.constant 0 : i32
    %dma_start3A_718 = tpu.memref_slice %arg2[%dma_start3A_701, %add3A, %dma_start3A_702, %dma_start3A_716, %dma_start3A_717] : memref<2x32x50x5x40xi32, #tpu.memory_space<hbm>> -> memref<1x1x1x5x40xi32, #tpu.memory_space<hbm>>
    %dma_start3A_719 = tpu.memref_squeeze %dma_start3A_718 : memref<1x1x1x5x40xi32, #tpu.memory_space<hbm>> -> memref<5x40xi32, #tpu.memory_space<hbm>>
    tpu.enqueue_dma source(%dma_start3A_719 : memref<5x40xi32, #tpu.memory_space<hbm>>) target(%dma_start3A_715 : memref<5x40xi32, #tpu.memory_space<vmem>>) target_semaphore(%arg20 : memref<!tpu.dma_semaphore, #tpu.memory_space<semaphore_mem>>)
    %dma_wait3A = arith.constant 0 : i32
    %dma_wait3A_720 = arith.constant 0 : i32
    %dma_wait3A_721 = arith.constant 0 : i32
    %dma_wait3A_722 = arith.constant 0 : i32
    %dma_wait3A_723 = arith.constant 0 : i32
    %dma_wait3A_724 = tpu.memref_slice %arg5[%dma_wait3A_721, %dma_wait3A_722, %dma_wait3A_723] : memref<2x5x40xi32, #tpu.memory_space<vmem>> -> memref<1x5x40xi32, #tpu.memory_space<vmem>>
    %dma_wait3A_725 = tpu.memref_squeeze %dma_wait3A_724 : memref<1x5x40xi32, #tpu.memory_space<vmem>> -> memref<5x40xi32, #tpu.memory_space<vmem>>
    %dma_wait3A_726 = arith.constant 0 : i32
    %dma_wait3A_727 = arith.constant 0 : i32
    %dma_wait3A_728 = tpu.memref_slice %arg2[%dma_wait3A, %add3A, %dma_wait3A_720, %dma_wait3A_726, %dma_wait3A_727] : memref<2x32x50x5x40xi32, #tpu.memory_space<hbm>> -> memref<1x1x1x5x40xi32, #tpu.memory_space<hbm>>
    %dma_wait3A_729 = tpu.memref_squeeze %dma_wait3A_728 : memref<1x1x1x5x40xi32, #tpu.memory_space<hbm>> -> memref<5x40xi32, #tpu.memory_space<hbm>>
    %dma_wait3A_730 = arith.constant 0 : i32
    %dma_wait3A_731 = arith.constant 0 : i32
    %dma_wait3A_732 = tpu.memref_slice %arg5[%dma_wait3A_721, %dma_wait3A_730, %dma_wait3A_731] : memref<2x5x40xi32, #tpu.memory_space<vmem>> -> memref<1x5x40xi32, #tpu.memory_space<vmem>>
    %dma_wait3A_733 = tpu.memref_squeeze %dma_wait3A_732 : memref<1x5x40xi32, #tpu.memory_space<vmem>> -> memref<5x40xi32, #tpu.memory_space<vmem>>
    %dma_wait3A_734 = arith.constant 0 : i32
    %dma_wait3A_735 = arith.constant 0 : i32
    %dma_wait3A_736 = tpu.memref_slice %arg2[%dma_wait3A, %add3A, %dma_wait3A_720, %dma_wait3A_734, %dma_wait3A_735] : memref<2x32x50x5x40xi32, #tpu.memory_space<hbm>> -> memref<1x1x1x5x40xi32, #tpu.memory_space<hbm>>
    %dma_wait3A_737 = tpu.memref_squeeze %dma_wait3A_736 : memref<1x1x1x5x40xi32, #tpu.memory_space<hbm>> -> memref<5x40xi32, #tpu.memory_space<hbm>>
    tpu.wait_dma2 semaphore(%arg19 : memref<!tpu.dma_semaphore, #tpu.memory_space<semaphore_mem>>) src(%dma_wait3A_737 : memref<5x40xi32, #tpu.memory_space<hbm>>) dst(%dma_wait3A_733 : memref<5x40xi32, #tpu.memory_space<vmem>>)
    %dma_wait3A_738 = arith.constant 1 : i32
    %dma_wait3A_739 = arith.constant 0 : i32
    %dma_wait3A_740 = arith.constant 1 : i32
    %dma_wait3A_741 = arith.constant 0 : i32
    %dma_wait3A_742 = arith.constant 0 : i32
    %dma_wait3A_743 = tpu.memref_slice %arg5[%dma_wait3A_740, %dma_wait3A_741, %dma_wait3A_742] : memref<2x5x40xi32, #tpu.memory_space<vmem>> -> memref<1x5x40xi32, #tpu.memory_space<vmem>>
    %dma_wait3A_744 = tpu.memref_squeeze %dma_wait3A_743 : memref<1x5x40xi32, #tpu.memory_space<vmem>> -> memref<5x40xi32, #tpu.memory_space<vmem>>
    %dma_wait3A_745 = arith.constant 0 : i32
    %dma_wait3A_746 = arith.constant 0 : i32
    %dma_wait3A_747 = tpu.memref_slice %arg2[%dma_wait3A_738, %add3A, %dma_wait3A_739, %dma_wait3A_745, %dma_wait3A_746] : memref<2x32x50x5x40xi32, #tpu.memory_space<hbm>> -> memref<1x1x1x5x40xi32, #tpu.memory_space<hbm>>
    %dma_wait3A_748 = tpu.memref_squeeze %dma_wait3A_747 : memref<1x1x1x5x40xi32, #tpu.memory_space<hbm>> -> memref<5x40xi32, #tpu.memory_space<hbm>>
    %dma_wait3A_749 = arith.constant 0 : i32
    %dma_wait3A_750 = arith.constant 0 : i32
    %dma_wait3A_751 = tpu.memref_slice %arg5[%dma_wait3A_740, %dma_wait3A_749, %dma_wait3A_750] : memref<2x5x40xi32, #tpu.memory_space<vmem>> -> memref<1x5x40xi32, #tpu.memory_space<vmem>>
    %dma_wait3A_752 = tpu.memref_squeeze %dma_wait3A_751 : memref<1x5x40xi32, #tpu.memory_space<vmem>> -> memref<5x40xi32, #tpu.memory_space<vmem>>
    %dma_wait3A_753 = arith.constant 0 : i32
    %dma_wait3A_754 = arith.constant 0 : i32
    %dma_wait3A_755 = tpu.memref_slice %arg2[%dma_wait3A_738, %add3A, %dma_wait3A_739, %dma_wait3A_753, %dma_wait3A_754] : memref<2x32x50x5x40xi32, #tpu.memory_space<hbm>> -> memref<1x1x1x5x40xi32, #tpu.memory_space<hbm>>
    %dma_wait3A_756 = tpu.memref_squeeze %dma_wait3A_755 : memref<1x1x1x5x40xi32, #tpu.memory_space<hbm>> -> memref<5x40xi32, #tpu.memory_space<hbm>>
    tpu.wait_dma2 semaphore(%arg19 : memref<!tpu.dma_semaphore, #tpu.memory_space<semaphore_mem>>) src(%dma_wait3A_756 : memref<5x40xi32, #tpu.memory_space<hbm>>) dst(%dma_wait3A_752 : memref<5x40xi32, #tpu.memory_space<vmem>>)
    %dma_start3A_757 = arith.constant 0 : i32
    %dma_start3A_758 = arith.constant 0 : i32
    %dma_start3A_759 = arith.constant 0 : i32
    %dma_start3A_760 = arith.constant 0 : i32
    %dma_start3A_761 = arith.constant 0 : i32
    %dma_start3A_762 = tpu.memref_slice %arg7[%dma_start3A_759, %dma_start3A_760, %dma_start3A_761] : memref<5x40x128xf32, #tpu.memory_space<vmem>> -> memref<1x40x128xf32, #tpu.memory_space<vmem>>
    %dma_start3A_763 = tpu.memref_squeeze %dma_start3A_762 : memref<1x40x128xf32, #tpu.memory_space<vmem>> -> memref<40x128xf32, #tpu.memory_space<vmem>>
    %dma_start3A_764 = arith.constant 0 : i32
    %dma_start3A_765 = tpu.memref_slice %arg5[%dma_start3A_757, %dma_start3A_758, %dma_start3A_764] : memref<2x5x40xi32, #tpu.memory_space<vmem>> -> memref<1x1x40xi32, #tpu.memory_space<vmem>>
    %dma_start3A_766 = tpu.memref_squeeze %dma_start3A_765 : memref<1x1x40xi32, #tpu.memory_space<vmem>> -> memref<40xi32, #tpu.memory_space<vmem>>
    %dma_start3A_767 = arith.constant 0 : i32
    %dma_start3A_768 = arith.constant 0 : i32
    %dma_start3A_769 = tpu.memref_slice %arg3[%dma_start3A_767, %dma_start3A_768] : memref<10000x128xf32, #tpu.memory_space<hbm>> -> memref<10000x128xf32, #tpu.memory_space<hbm>>
    tpu.enqueue_indirect_dma source(%dma_start3A_769 : memref<10000x128xf32, #tpu.memory_space<hbm>>) target(%dma_start3A_763 : memref<40x128xf32, #tpu.memory_space<vmem>>) offsets(%dma_start3A_766 : memref<40xi32, #tpu.memory_space<vmem>>) semaphore(%arg9 : memref<!tpu.dma_semaphore, #tpu.memory_space<semaphore_mem>>)
    %dma_start3A_770 = arith.constant 0 : i32
    %dma_start3A_771 = arith.constant 1 : i32
    %dma_start3A_772 = arith.constant 1 : i32
    %dma_start3A_773 = arith.constant 0 : i32
    %dma_start3A_774 = arith.constant 0 : i32
    %dma_start3A_775 = tpu.memref_slice %arg7[%dma_start3A_772, %dma_start3A_773, %dma_start3A_774] : memref<5x40x128xf32, #tpu.memory_space<vmem>> -> memref<1x40x128xf32, #tpu.memory_space<vmem>>
    %dma_start3A_776 = tpu.memref_squeeze %dma_start3A_775 : memref<1x40x128xf32, #tpu.memory_space<vmem>> -> memref<40x128xf32, #tpu.memory_space<vmem>>
    %dma_start3A_777 = arith.constant 0 : i32
    %dma_start3A_778 = tpu.memref_slice %arg5[%dma_start3A_770, %dma_start3A_771, %dma_start3A_777] : memref<2x5x40xi32, #tpu.memory_space<vmem>> -> memref<1x1x40xi32, #tpu.memory_space<vmem>>
    %dma_start3A_779 = tpu.memref_squeeze %dma_start3A_778 : memref<1x1x40xi32, #tpu.memory_space<vmem>> -> memref<40xi32, #tpu.memory_space<vmem>>
    %dma_start3A_780 = arith.constant 0 : i32
    %dma_start3A_781 = arith.constant 0 : i32
    %dma_start3A_782 = tpu.memref_slice %arg3[%dma_start3A_780, %dma_start3A_781] : memref<10000x128xf32, #tpu.memory_space<hbm>> -> memref<10000x128xf32, #tpu.memory_space<hbm>>
    tpu.enqueue_indirect_dma source(%dma_start3A_782 : memref<10000x128xf32, #tpu.memory_space<hbm>>) target(%dma_start3A_776 : memref<40x128xf32, #tpu.memory_space<vmem>>) offsets(%dma_start3A_779 : memref<40xi32, #tpu.memory_space<vmem>>) semaphore(%arg10 : memref<!tpu.dma_semaphore, #tpu.memory_space<semaphore_mem>>)
    %dma_start3A_783 = arith.constant 0 : i32
    %dma_start3A_784 = arith.constant 2 : i32
    %dma_start3A_785 = arith.constant 2 : i32
    %dma_start3A_786 = arith.constant 0 : i32
    %dma_start3A_787 = arith.constant 0 : i32
    %dma_start3A_788 = tpu.memref_slice %arg7[%dma_start3A_785, %dma_start3A_786, %dma_start3A_787] : memref<5x40x128xf32, #tpu.memory_space<vmem>> -> memref<1x40x128xf32, #tpu.memory_space<vmem>>
    %dma_start3A_789 = tpu.memref_squeeze %dma_start3A_788 : memref<1x40x128xf32, #tpu.memory_space<vmem>> -> memref<40x128xf32, #tpu.memory_space<vmem>>
    %dma_start3A_790 = arith.constant 0 : i32
    %dma_start3A_791 = tpu.memref_slice %arg5[%dma_start3A_783, %dma_start3A_784, %dma_start3A_790] : memref<2x5x40xi32, #tpu.memory_space<vmem>> -> memref<1x1x40xi32, #tpu.memory_space<vmem>>
    %dma_start3A_792 = tpu.memref_squeeze %dma_start3A_791 : memref<1x1x40xi32, #tpu.memory_space<vmem>> -> memref<40xi32, #tpu.memory_space<vmem>>
    %dma_start3A_793 = arith.constant 0 : i32
    %dma_start3A_794 = arith.constant 0 : i32
    %dma_start3A_795 = tpu.memref_slice %arg3[%dma_start3A_793, %dma_start3A_794] : memref<10000x128xf32, #tpu.memory_space<hbm>> -> memref<10000x128xf32, #tpu.memory_space<hbm>>
    tpu.enqueue_indirect_dma source(%dma_start3A_795 : memref<10000x128xf32, #tpu.memory_space<hbm>>) target(%dma_start3A_789 : memref<40x128xf32, #tpu.memory_space<vmem>>) offsets(%dma_start3A_792 : memref<40xi32, #tpu.memory_space<vmem>>) semaphore(%arg11 : memref<!tpu.dma_semaphore, #tpu.memory_space<semaphore_mem>>)
    %dma_start3A_796 = arith.constant 0 : i32
    %dma_start3A_797 = arith.constant 3 : i32
    %dma_start3A_798 = arith.constant 3 : i32
    %dma_start3A_799 = arith.constant 0 : i32
    %dma_start3A_800 = arith.constant 0 : i32
    %dma_start3A_801 = tpu.memref_slice %arg7[%dma_start3A_798, %dma_start3A_799, %dma_start3A_800] : memref<5x40x128xf32, #tpu.memory_space<vmem>> -> memref<1x40x128xf32, #tpu.memory_space<vmem>>
    %dma_start3A_802 = tpu.memref_squeeze %dma_start3A_801 : memref<1x40x128xf32, #tpu.memory_space<vmem>> -> memref<40x128xf32, #tpu.memory_space<vmem>>
    %dma_start3A_803 = arith.constant 0 : i32
    %dma_start3A_804 = tpu.memref_slice %arg5[%dma_start3A_796, %dma_start3A_797, %dma_start3A_803] : memref<2x5x40xi32, #tpu.memory_space<vmem>> -> memref<1x1x40xi32, #tpu.memory_space<vmem>>
    %dma_start3A_805 = tpu.memref_squeeze %dma_start3A_804 : memref<1x1x40xi32, #tpu.memory_space<vmem>> -> memref<40xi32, #tpu.memory_space<vmem>>
    %dma_start3A_806 = arith.constant 0 : i32
    %dma_start3A_807 = arith.constant 0 : i32
    %dma_start3A_808 = tpu.memref_slice %arg3[%dma_start3A_806, %dma_start3A_807] : memref<10000x128xf32, #tpu.memory_space<hbm>> -> memref<10000x128xf32, #tpu.memory_space<hbm>>
    tpu.enqueue_indirect_dma source(%dma_start3A_808 : memref<10000x128xf32, #tpu.memory_space<hbm>>) target(%dma_start3A_802 : memref<40x128xf32, #tpu.memory_space<vmem>>) offsets(%dma_start3A_805 : memref<40xi32, #tpu.memory_space<vmem>>) semaphore(%arg12 : memref<!tpu.dma_semaphore, #tpu.memory_space<semaphore_mem>>)
    %dma_start3A_809 = arith.constant 0 : i32
    %dma_start3A_810 = arith.constant 4 : i32
    %dma_start3A_811 = arith.constant 4 : i32
    %dma_start3A_812 = arith.constant 0 : i32
    %dma_start3A_813 = arith.constant 0 : i32
    %dma_start3A_814 = tpu.memref_slice %arg7[%dma_start3A_811, %dma_start3A_812, %dma_start3A_813] : memref<5x40x128xf32, #tpu.memory_space<vmem>> -> memref<1x40x128xf32, #tpu.memory_space<vmem>>
    %dma_start3A_815 = tpu.memref_squeeze %dma_start3A_814 : memref<1x40x128xf32, #tpu.memory_space<vmem>> -> memref<40x128xf32, #tpu.memory_space<vmem>>
    %dma_start3A_816 = arith.constant 0 : i32
    %dma_start3A_817 = tpu.memref_slice %arg5[%dma_start3A_809, %dma_start3A_810, %dma_start3A_816] : memref<2x5x40xi32, #tpu.memory_space<vmem>> -> memref<1x1x40xi32, #tpu.memory_space<vmem>>
    %dma_start3A_818 = tpu.memref_squeeze %dma_start3A_817 : memref<1x1x40xi32, #tpu.memory_space<vmem>> -> memref<40xi32, #tpu.memory_space<vmem>>
    %dma_start3A_819 = arith.constant 0 : i32
    %dma_start3A_820 = arith.constant 0 : i32
    %dma_start3A_821 = tpu.memref_slice %arg3[%dma_start3A_819, %dma_start3A_820] : memref<10000x128xf32, #tpu.memory_space<hbm>> -> memref<10000x128xf32, #tpu.memory_space<hbm>>
    tpu.enqueue_indirect_dma source(%dma_start3A_821 : memref<10000x128xf32, #tpu.memory_space<hbm>>) target(%dma_start3A_815 : memref<40x128xf32, #tpu.memory_space<vmem>>) offsets(%dma_start3A_818 : memref<40xi32, #tpu.memory_space<vmem>>) semaphore(%arg13 : memref<!tpu.dma_semaphore, #tpu.memory_space<semaphore_mem>>)
    %scan3A_822 = arith.constant 0 : i32
    %scan3A_823 = arith.constant 25 : i32
    %scan3A_824 = arith.addi %scan3A_822, %scan3A_823 : i32
    %scan3A_825 = arith.constant 1 : i32
    scf.for %scan3A_828 = %scan3A_822 to %scan3A_824 step %scan3A_825  : i32 {
      %dma_wait3A_829 = arith.constant 0 : i32
      %dma_wait3A_830 = arith.constant 0 : i32
      %dma_wait3A_831 = arith.constant 0 : i32
      %dma_wait3A_832 = arith.constant 0 : i32
      %dma_wait3A_833 = arith.constant 0 : i32
      %dma_wait3A_834 = tpu.memref_slice %arg7[%dma_wait3A_831, %dma_wait3A_832, %dma_wait3A_833] : memref<5x40x128xf32, #tpu.memory_space<vmem>> -> memref<1x40x128xf32, #tpu.memory_space<vmem>>
      %dma_wait3A_835 = tpu.memref_squeeze %dma_wait3A_834 : memref<1x40x128xf32, #tpu.memory_space<vmem>> -> memref<40x128xf32, #tpu.memory_space<vmem>>
      %dma_wait3A_836 = arith.constant 0 : i32
      %dma_wait3A_837 = tpu.memref_slice %arg5[%dma_wait3A_829, %dma_wait3A_830, %dma_wait3A_836] : memref<2x5x40xi32, #tpu.memory_space<vmem>> -> memref<1x1x40xi32, #tpu.memory_space<vmem>>
      %dma_wait3A_838 = tpu.memref_squeeze %dma_wait3A_837 : memref<1x1x40xi32, #tpu.memory_space<vmem>> -> memref<40xi32, #tpu.memory_space<vmem>>
      %dma_wait3A_839 = arith.constant 0 : i32
      %dma_wait3A_840 = arith.constant 0 : i32
      %dma_wait3A_841 = tpu.memref_slice %arg3[%dma_wait3A_839, %dma_wait3A_840] : memref<10000x128xf32, #tpu.memory_space<hbm>> -> memref<10000x128xf32, #tpu.memory_space<hbm>>
      tpu.wait_indirect_dma semaphore(%arg9 : memref<!tpu.dma_semaphore, #tpu.memory_space<semaphore_mem>>) src(%dma_wait3A_841 : memref<10000x128xf32, #tpu.memory_space<hbm>>) dst(%dma_wait3A_835 : memref<40x128xf32, #tpu.memory_space<vmem>>)
      %dma_start3A_842 = arith.constant 0 : i32
      %dma_start3A_843 = arith.constant 1 : i32
      %dma_start3A_844 = arith.constant 0 : i32
      %dma_start3A_845 = arith.constant 0 : i32
      %dma_start3A_846 = arith.constant 0 : i32
      %dma_start3A_847 = tpu.memref_slice %arg7[%dma_start3A_842, %dma_start3A_845, %dma_start3A_846] : memref<5x40x128xf32, #tpu.memory_space<vmem>> -> memref<1x40x128xf32, #tpu.memory_space<vmem>>
      %dma_start3A_848 = tpu.memref_squeeze %dma_start3A_847 : memref<1x40x128xf32, #tpu.memory_space<vmem>> -> memref<40x128xf32, #tpu.memory_space<vmem>>
      %dma_start3A_849 = arith.constant 0 : i32
      %dma_start3A_850 = tpu.memref_slice %arg5[%dma_start3A_843, %dma_start3A_844, %dma_start3A_849] : memref<2x5x40xi32, #tpu.memory_space<vmem>> -> memref<1x1x40xi32, #tpu.memory_space<vmem>>
      %dma_start3A_851 = tpu.memref_squeeze %dma_start3A_850 : memref<1x1x40xi32, #tpu.memory_space<vmem>> -> memref<40xi32, #tpu.memory_space<vmem>>
      %dma_start3A_852 = arith.constant 0 : i32
      %dma_start3A_853 = arith.constant 0 : i32
      %dma_start3A_854 = tpu.memref_slice %arg8[%dma_start3A_852, %dma_start3A_853] : memref<10240x128xf32, #tpu.memory_space<vmem_shared>> -> memref<10240x128xf32, #tpu.memory_space<vmem_shared>>
      tpu.enqueue_indirect_dma source(%dma_start3A_848 : memref<40x128xf32, #tpu.memory_space<vmem>>) target(%dma_start3A_854 : memref<10240x128xf32, #tpu.memory_space<vmem_shared>>) offsets(%dma_start3A_851 : memref<40xi32, #tpu.memory_space<vmem>>) semaphore(%arg14 : memref<!tpu.dma_semaphore, #tpu.memory_space<semaphore_mem>>) {add = true}
      %dma_wait3A_855 = arith.constant 0 : i32
      %dma_wait3A_856 = arith.constant 1 : i32
      %dma_wait3A_857 = arith.constant 1 : i32
      %dma_wait3A_858 = arith.constant 0 : i32
      %dma_wait3A_859 = arith.constant 0 : i32
      %dma_wait3A_860 = tpu.memref_slice %arg7[%dma_wait3A_857, %dma_wait3A_858, %dma_wait3A_859] : memref<5x40x128xf32, #tpu.memory_space<vmem>> -> memref<1x40x128xf32, #tpu.memory_space<vmem>>
      %dma_wait3A_861 = tpu.memref_squeeze %dma_wait3A_860 : memref<1x40x128xf32, #tpu.memory_space<vmem>> -> memref<40x128xf32, #tpu.memory_space<vmem>>
      %dma_wait3A_862 = arith.constant 0 : i32
      %dma_wait3A_863 = tpu.memref_slice %arg5[%dma_wait3A_855, %dma_wait3A_856, %dma_wait3A_862] : memref<2x5x40xi32, #tpu.memory_space<vmem>> -> memref<1x1x40xi32, #tpu.memory_space<vmem>>
      %dma_wait3A_864 = tpu.memref_squeeze %dma_wait3A_863 : memref<1x1x40xi32, #tpu.memory_space<vmem>> -> memref<40xi32, #tpu.memory_space<vmem>>
      %dma_wait3A_865 = arith.constant 0 : i32
      %dma_wait3A_866 = arith.constant 0 : i32
      %dma_wait3A_867 = tpu.memref_slice %arg3[%dma_wait3A_865, %dma_wait3A_866] : memref<10000x128xf32, #tpu.memory_space<hbm>> -> memref<10000x128xf32, #tpu.memory_space<hbm>>
      tpu.wait_indirect_dma semaphore(%arg10 : memref<!tpu.dma_semaphore, #tpu.memory_space<semaphore_mem>>) src(%dma_wait3A_867 : memref<10000x128xf32, #tpu.memory_space<hbm>>) dst(%dma_wait3A_861 : memref<40x128xf32, #tpu.memory_space<vmem>>)
      %dma_start3A_868 = arith.constant 1 : i32
      %dma_start3A_869 = arith.constant 1 : i32
      %dma_start3A_870 = arith.constant 1 : i32
      %dma_start3A_871 = arith.constant 0 : i32
      %dma_start3A_872 = arith.constant 0 : i32
      %dma_start3A_873 = tpu.memref_slice %arg7[%dma_start3A_868, %dma_start3A_871, %dma_start3A_872] : memref<5x40x128xf32, #tpu.memory_space<vmem>> -> memref<1x40x128xf32, #tpu.memory_space<vmem>>
      %dma_start3A_874 = tpu.memref_squeeze %dma_start3A_873 : memref<1x40x128xf32, #tpu.memory_space<vmem>> -> memref<40x128xf32, #tpu.memory_space<vmem>>
      %dma_start3A_875 = arith.constant 0 : i32
      %dma_start3A_876 = tpu.memref_slice %arg5[%dma_start3A_869, %dma_start3A_870, %dma_start3A_875] : memref<2x5x40xi32, #tpu.memory_space<vmem>> -> memref<1x1x40xi32, #tpu.memory_space<vmem>>
      %dma_start3A_877 = tpu.memref_squeeze %dma_start3A_876 : memref<1x1x40xi32, #tpu.memory_space<vmem>> -> memref<40xi32, #tpu.memory_space<vmem>>
      %dma_start3A_878 = arith.constant 0 : i32
      %dma_start3A_879 = arith.constant 0 : i32
      %dma_start3A_880 = tpu.memref_slice %arg8[%dma_start3A_878, %dma_start3A_879] : memref<10240x128xf32, #tpu.memory_space<vmem_shared>> -> memref<10240x128xf32, #tpu.memory_space<vmem_shared>>
      tpu.enqueue_indirect_dma source(%dma_start3A_874 : memref<40x128xf32, #tpu.memory_space<vmem>>) target(%dma_start3A_880 : memref<10240x128xf32, #tpu.memory_space<vmem_shared>>) offsets(%dma_start3A_877 : memref<40xi32, #tpu.memory_space<vmem>>) semaphore(%arg15 : memref<!tpu.dma_semaphore, #tpu.memory_space<semaphore_mem>>) {add = true}
      %dma_wait3A_881 = arith.constant 0 : i32
      %dma_wait3A_882 = arith.constant 2 : i32
      %dma_wait3A_883 = arith.constant 2 : i32
      %dma_wait3A_884 = arith.constant 0 : i32
      %dma_wait3A_885 = arith.constant 0 : i32
      %dma_wait3A_886 = tpu.memref_slice %arg7[%dma_wait3A_883, %dma_wait3A_884, %dma_wait3A_885] : memref<5x40x128xf32, #tpu.memory_space<vmem>> -> memref<1x40x128xf32, #tpu.memory_space<vmem>>
      %dma_wait3A_887 = tpu.memref_squeeze %dma_wait3A_886 : memref<1x40x128xf32, #tpu.memory_space<vmem>> -> memref<40x128xf32, #tpu.memory_space<vmem>>
      %dma_wait3A_888 = arith.constant 0 : i32
      %dma_wait3A_889 = tpu.memref_slice %arg5[%dma_wait3A_881, %dma_wait3A_882, %dma_wait3A_888] : memref<2x5x40xi32, #tpu.memory_space<vmem>> -> memref<1x1x40xi32, #tpu.memory_space<vmem>>
      %dma_wait3A_890 = tpu.memref_squeeze %dma_wait3A_889 : memref<1x1x40xi32, #tpu.memory_space<vmem>> -> memref<40xi32, #tpu.memory_space<vmem>>
      %dma_wait3A_891 = arith.constant 0 : i32
      %dma_wait3A_892 = arith.constant 0 : i32
      %dma_wait3A_893 = tpu.memref_slice %arg3[%dma_wait3A_891, %dma_wait3A_892] : memref<10000x128xf32, #tpu.memory_space<hbm>> -> memref<10000x128xf32, #tpu.memory_space<hbm>>
      tpu.wait_indirect_dma semaphore(%arg11 : memref<!tpu.dma_semaphore, #tpu.memory_space<semaphore_mem>>) src(%dma_wait3A_893 : memref<10000x128xf32, #tpu.memory_space<hbm>>) dst(%dma_wait3A_887 : memref<40x128xf32, #tpu.memory_space<vmem>>)
      %dma_start3A_894 = arith.constant 2 : i32
      %dma_start3A_895 = arith.constant 1 : i32
      %dma_start3A_896 = arith.constant 2 : i32
      %dma_start3A_897 = arith.constant 0 : i32
      %dma_start3A_898 = arith.constant 0 : i32
      %dma_start3A_899 = tpu.memref_slice %arg7[%dma_start3A_894, %dma_start3A_897, %dma_start3A_898] : memref<5x40x128xf32, #tpu.memory_space<vmem>> -> memref<1x40x128xf32, #tpu.memory_space<vmem>>
      %dma_start3A_900 = tpu.memref_squeeze %dma_start3A_899 : memref<1x40x128xf32, #tpu.memory_space<vmem>> -> memref<40x128xf32, #tpu.memory_space<vmem>>
      %dma_start3A_901 = arith.constant 0 : i32
      %dma_start3A_902 = tpu.memref_slice %arg5[%dma_start3A_895, %dma_start3A_896, %dma_start3A_901] : memref<2x5x40xi32, #tpu.memory_space<vmem>> -> memref<1x1x40xi32, #tpu.memory_space<vmem>>
      %dma_start3A_903 = tpu.memref_squeeze %dma_start3A_902 : memref<1x1x40xi32, #tpu.memory_space<vmem>> -> memref<40xi32, #tpu.memory_space<vmem>>
      %dma_start3A_904 = arith.constant 0 : i32
      %dma_start3A_905 = arith.constant 0 : i32
      %dma_start3A_906 = tpu.memref_slice %arg8[%dma_start3A_904, %dma_start3A_905] : memref<10240x128xf32, #tpu.memory_space<vmem_shared>> -> memref<10240x128xf32, #tpu.memory_space<vmem_shared>>
      tpu.enqueue_indirect_dma source(%dma_start3A_900 : memref<40x128xf32, #tpu.memory_space<vmem>>) target(%dma_start3A_906 : memref<10240x128xf32, #tpu.memory_space<vmem_shared>>) offsets(%dma_start3A_903 : memref<40xi32, #tpu.memory_space<vmem>>) semaphore(%arg16 : memref<!tpu.dma_semaphore, #tpu.memory_space<semaphore_mem>>) {add = true}
      %dma_wait3A_907 = arith.constant 0 : i32
      %dma_wait3A_908 = arith.constant 3 : i32
      %dma_wait3A_909 = arith.constant 3 : i32
      %dma_wait3A_910 = arith.constant 0 : i32
      %dma_wait3A_911 = arith.constant 0 : i32
      %dma_wait3A_912 = tpu.memref_slice %arg7[%dma_wait3A_909, %dma_wait3A_910, %dma_wait3A_911] : memref<5x40x128xf32, #tpu.memory_space<vmem>> -> memref<1x40x128xf32, #tpu.memory_space<vmem>>
      %dma_wait3A_913 = tpu.memref_squeeze %dma_wait3A_912 : memref<1x40x128xf32, #tpu.memory_space<vmem>> -> memref<40x128xf32, #tpu.memory_space<vmem>>
      %dma_wait3A_914 = arith.constant 0 : i32
      %dma_wait3A_915 = tpu.memref_slice %arg5[%dma_wait3A_907, %dma_wait3A_908, %dma_wait3A_914] : memref<2x5x40xi32, #tpu.memory_space<vmem>> -> memref<1x1x40xi32, #tpu.memory_space<vmem>>
      %dma_wait3A_916 = tpu.memref_squeeze %dma_wait3A_915 : memref<1x1x40xi32, #tpu.memory_space<vmem>> -> memref<40xi32, #tpu.memory_space<vmem>>
      %dma_wait3A_917 = arith.constant 0 : i32
      %dma_wait3A_918 = arith.constant 0 : i32
      %dma_wait3A_919 = tpu.memref_slice %arg3[%dma_wait3A_917, %dma_wait3A_918] : memref<10000x128xf32, #tpu.memory_space<hbm>> -> memref<10000x128xf32, #tpu.memory_space<hbm>>
      tpu.wait_indirect_dma semaphore(%arg12 : memref<!tpu.dma_semaphore, #tpu.memory_space<semaphore_mem>>) src(%dma_wait3A_919 : memref<10000x128xf32, #tpu.memory_space<hbm>>) dst(%dma_wait3A_913 : memref<40x128xf32, #tpu.memory_space<vmem>>)
      %dma_start3A_920 = arith.constant 3 : i32
      %dma_start3A_921 = arith.constant 1 : i32
      %dma_start3A_922 = arith.constant 3 : i32
      %dma_start3A_923 = arith.constant 0 : i32
      %dma_start3A_924 = arith.constant 0 : i32
      %dma_start3A_925 = tpu.memref_slice %arg7[%dma_start3A_920, %dma_start3A_923, %dma_start3A_924] : memref<5x40x128xf32, #tpu.memory_space<vmem>> -> memref<1x40x128xf32, #tpu.memory_space<vmem>>
      %dma_start3A_926 = tpu.memref_squeeze %dma_start3A_925 : memref<1x40x128xf32, #tpu.memory_space<vmem>> -> memref<40x128xf32, #tpu.memory_space<vmem>>
      %dma_start3A_927 = arith.constant 0 : i32
      %dma_start3A_928 = tpu.memref_slice %arg5[%dma_start3A_921, %dma_start3A_922, %dma_start3A_927] : memref<2x5x40xi32, #tpu.memory_space<vmem>> -> memref<1x1x40xi32, #tpu.memory_space<vmem>>
      %dma_start3A_929 = tpu.memref_squeeze %dma_start3A_928 : memref<1x1x40xi32, #tpu.memory_space<vmem>> -> memref<40xi32, #tpu.memory_space<vmem>>
      %dma_start3A_930 = arith.constant 0 : i32
      %dma_start3A_931 = arith.constant 0 : i32
      %dma_start3A_932 = tpu.memref_slice %arg8[%dma_start3A_930, %dma_start3A_931] : memref<10240x128xf32, #tpu.memory_space<vmem_shared>> -> memref<10240x128xf32, #tpu.memory_space<vmem_shared>>
      tpu.enqueue_indirect_dma source(%dma_start3A_926 : memref<40x128xf32, #tpu.memory_space<vmem>>) target(%dma_start3A_932 : memref<10240x128xf32, #tpu.memory_space<vmem_shared>>) offsets(%dma_start3A_929 : memref<40xi32, #tpu.memory_space<vmem>>) semaphore(%arg17 : memref<!tpu.dma_semaphore, #tpu.memory_space<semaphore_mem>>) {add = true}
      %dma_wait3A_933 = arith.constant 0 : i32
      %dma_wait3A_934 = arith.constant 4 : i32
      %dma_wait3A_935 = arith.constant 4 : i32
      %dma_wait3A_936 = arith.constant 0 : i32
      %dma_wait3A_937 = arith.constant 0 : i32
      %dma_wait3A_938 = tpu.memref_slice %arg7[%dma_wait3A_935, %dma_wait3A_936, %dma_wait3A_937] : memref<5x40x128xf32, #tpu.memory_space<vmem>> -> memref<1x40x128xf32, #tpu.memory_space<vmem>>
      %dma_wait3A_939 = tpu.memref_squeeze %dma_wait3A_938 : memref<1x40x128xf32, #tpu.memory_space<vmem>> -> memref<40x128xf32, #tpu.memory_space<vmem>>
      %dma_wait3A_940 = arith.constant 0 : i32
      %dma_wait3A_941 = tpu.memref_slice %arg5[%dma_wait3A_933, %dma_wait3A_934, %dma_wait3A_940] : memref<2x5x40xi32, #tpu.memory_space<vmem>> -> memref<1x1x40xi32, #tpu.memory_space<vmem>>
      %dma_wait3A_942 = tpu.memref_squeeze %dma_wait3A_941 : memref<1x1x40xi32, #tpu.memory_space<vmem>> -> memref<40xi32, #tpu.memory_space<vmem>>
      %dma_wait3A_943 = arith.constant 0 : i32
      %dma_wait3A_944 = arith.constant 0 : i32
      %dma_wait3A_945 = tpu.memref_slice %arg3[%dma_wait3A_943, %dma_wait3A_944] : memref<10000x128xf32, #tpu.memory_space<hbm>> -> memref<10000x128xf32, #tpu.memory_space<hbm>>
      tpu.wait_indirect_dma semaphore(%arg13 : memref<!tpu.dma_semaphore, #tpu.memory_space<semaphore_mem>>) src(%dma_wait3A_945 : memref<10000x128xf32, #tpu.memory_space<hbm>>) dst(%dma_wait3A_939 : memref<40x128xf32, #tpu.memory_space<vmem>>)
      %dma_start3A_946 = arith.constant 4 : i32
      %dma_start3A_947 = arith.constant 1 : i32
      %dma_start3A_948 = arith.constant 4 : i32
      %dma_start3A_949 = arith.constant 0 : i32
      %dma_start3A_950 = arith.constant 0 : i32
      %dma_start3A_951 = tpu.memref_slice %arg7[%dma_start3A_946, %dma_start3A_949, %dma_start3A_950] : memref<5x40x128xf32, #tpu.memory_space<vmem>> -> memref<1x40x128xf32, #tpu.memory_space<vmem>>
      %dma_start3A_952 = tpu.memref_squeeze %dma_start3A_951 : memref<1x40x128xf32, #tpu.memory_space<vmem>> -> memref<40x128xf32, #tpu.memory_space<vmem>>
      %dma_start3A_953 = arith.constant 0 : i32
      %dma_start3A_954 = tpu.memref_slice %arg5[%dma_start3A_947, %dma_start3A_948, %dma_start3A_953] : memref<2x5x40xi32, #tpu.memory_space<vmem>> -> memref<1x1x40xi32, #tpu.memory_space<vmem>>
      %dma_start3A_955 = tpu.memref_squeeze %dma_start3A_954 : memref<1x1x40xi32, #tpu.memory_space<vmem>> -> memref<40xi32, #tpu.memory_space<vmem>>
      %dma_start3A_956 = arith.constant 0 : i32
      %dma_start3A_957 = arith.constant 0 : i32
      %dma_start3A_958 = tpu.memref_slice %arg8[%dma_start3A_956, %dma_start3A_957] : memref<10240x128xf32, #tpu.memory_space<vmem_shared>> -> memref<10240x128xf32, #tpu.memory_space<vmem_shared>>
      tpu.enqueue_indirect_dma source(%dma_start3A_952 : memref<40x128xf32, #tpu.memory_space<vmem>>) target(%dma_start3A_958 : memref<10240x128xf32, #tpu.memory_space<vmem_shared>>) offsets(%dma_start3A_955 : memref<40xi32, #tpu.memory_space<vmem>>) semaphore(%arg18 : memref<!tpu.dma_semaphore, #tpu.memory_space<semaphore_mem>>) {add = true}
      %dma_wait3A_959 = arith.constant 0 : i32
      %dma_wait3A_960 = arith.constant 0 : i32
      %dma_wait3A_961 = arith.constant 0 : i32
      %dma_wait3A_962 = arith.constant 0 : i32
      %dma_wait3A_963 = arith.constant 0 : i32
      %dma_wait3A_964 = tpu.memref_slice %arg6[%dma_wait3A_961, %dma_wait3A_962, %dma_wait3A_963] : memref<2x5x40xi32, #tpu.memory_space<vmem>> -> memref<1x5x40xi32, #tpu.memory_space<vmem>>
      %dma_wait3A_965 = tpu.memref_squeeze %dma_wait3A_964 : memref<1x5x40xi32, #tpu.memory_space<vmem>> -> memref<5x40xi32, #tpu.memory_space<vmem>>
      %dma_wait3A_966 = arith.constant 0 : i32
      %dma_wait3A_967 = arith.constant 0 : i32
      %dma_wait3A_968 = tpu.memref_slice %arg2[%dma_wait3A_959, %add3A, %dma_wait3A_960, %dma_wait3A_966, %dma_wait3A_967] : memref<2x32x50x5x40xi32, #tpu.memory_space<hbm>> -> memref<1x1x1x5x40xi32, #tpu.memory_space<hbm>>
      %dma_wait3A_969 = tpu.memref_squeeze %dma_wait3A_968 : memref<1x1x1x5x40xi32, #tpu.memory_space<hbm>> -> memref<5x40xi32, #tpu.memory_space<hbm>>
      %dma_wait3A_970 = arith.constant 0 : i32
      %dma_wait3A_971 = arith.constant 0 : i32
      %dma_wait3A_972 = tpu.memref_slice %arg6[%dma_wait3A_961, %dma_wait3A_970, %dma_wait3A_971] : memref<2x5x40xi32, #tpu.memory_space<vmem>> -> memref<1x5x40xi32, #tpu.memory_space<vmem>>
      %dma_wait3A_973 = tpu.memref_squeeze %dma_wait3A_972 : memref<1x5x40xi32, #tpu.memory_space<vmem>> -> memref<5x40xi32, #tpu.memory_space<vmem>>
      %dma_wait3A_974 = arith.constant 0 : i32
      %dma_wait3A_975 = arith.constant 0 : i32
      %dma_wait3A_976 = tpu.memref_slice %arg2[%dma_wait3A_959, %add3A, %dma_wait3A_960, %dma_wait3A_974, %dma_wait3A_975] : memref<2x32x50x5x40xi32, #tpu.memory_space<hbm>> -> memref<1x1x1x5x40xi32, #tpu.memory_space<hbm>>
      %dma_wait3A_977 = tpu.memref_squeeze %dma_wait3A_976 : memref<1x1x1x5x40xi32, #tpu.memory_space<hbm>> -> memref<5x40xi32, #tpu.memory_space<hbm>>
      tpu.wait_dma2 semaphore(%arg20 : memref<!tpu.dma_semaphore, #tpu.memory_space<semaphore_mem>>) src(%dma_wait3A_977 : memref<5x40xi32, #tpu.memory_space<hbm>>) dst(%dma_wait3A_973 : memref<5x40xi32, #tpu.memory_space<vmem>>)
      %dma_wait3A_978 = arith.constant 1 : i32
      %dma_wait3A_979 = arith.constant 0 : i32
      %dma_wait3A_980 = arith.constant 1 : i32
      %dma_wait3A_981 = arith.constant 0 : i32
      %dma_wait3A_982 = arith.constant 0 : i32
      %dma_wait3A_983 = tpu.memref_slice %arg6[%dma_wait3A_980, %dma_wait3A_981, %dma_wait3A_982] : memref<2x5x40xi32, #tpu.memory_space<vmem>> -> memref<1x5x40xi32, #tpu.memory_space<vmem>>
      %dma_wait3A_984 = tpu.memref_squeeze %dma_wait3A_983 : memref<1x5x40xi32, #tpu.memory_space<vmem>> -> memref<5x40xi32, #tpu.memory_space<vmem>>
      %dma_wait3A_985 = arith.constant 0 : i32
      %dma_wait3A_986 = arith.constant 0 : i32
      %dma_wait3A_987 = tpu.memref_slice %arg2[%dma_wait3A_978, %add3A, %dma_wait3A_979, %dma_wait3A_985, %dma_wait3A_986] : memref<2x32x50x5x40xi32, #tpu.memory_space<hbm>> -> memref<1x1x1x5x40xi32, #tpu.memory_space<hbm>>
      %dma_wait3A_988 = tpu.memref_squeeze %dma_wait3A_987 : memref<1x1x1x5x40xi32, #tpu.memory_space<hbm>> -> memref<5x40xi32, #tpu.memory_space<hbm>>
      %dma_wait3A_989 = arith.constant 0 : i32
      %dma_wait3A_990 = arith.constant 0 : i32
      %dma_wait3A_991 = tpu.memref_slice %arg6[%dma_wait3A_980, %dma_wait3A_989, %dma_wait3A_990] : memref<2x5x40xi32, #tpu.memory_space<vmem>> -> memref<1x5x40xi32, #tpu.memory_space<vmem>>
      %dma_wait3A_992 = tpu.memref_squeeze %dma_wait3A_991 : memref<1x5x40xi32, #tpu.memory_space<vmem>> -> memref<5x40xi32, #tpu.memory_space<vmem>>
      %dma_wait3A_993 = arith.constant 0 : i32
      %dma_wait3A_994 = arith.constant 0 : i32
      %dma_wait3A_995 = tpu.memref_slice %arg2[%dma_wait3A_978, %add3A, %dma_wait3A_979, %dma_wait3A_993, %dma_wait3A_994] : memref<2x32x50x5x40xi32, #tpu.memory_space<hbm>> -> memref<1x1x1x5x40xi32, #tpu.memory_space<hbm>>
      %dma_wait3A_996 = tpu.memref_squeeze %dma_wait3A_995 : memref<1x1x1x5x40xi32, #tpu.memory_space<hbm>> -> memref<5x40xi32, #tpu.memory_space<hbm>>
      tpu.wait_dma2 semaphore(%arg20 : memref<!tpu.dma_semaphore, #tpu.memory_space<semaphore_mem>>) src(%dma_wait3A_996 : memref<5x40xi32, #tpu.memory_space<hbm>>) dst(%dma_wait3A_992 : memref<5x40xi32, #tpu.memory_space<vmem>>)
      %dma_wait3A_997 = arith.constant 0 : i32
      %dma_wait3A_998 = arith.constant 1 : i32
      %dma_wait3A_999 = arith.constant 0 : i32
      %dma_wait3A_1000 = arith.constant 0 : i32
      %dma_wait3A_1001 = arith.constant 0 : i32
      %dma_wait3A_1002 = tpu.memref_slice %arg7[%dma_wait3A_997, %dma_wait3A_1000, %dma_wait3A_1001] : memref<5x40x128xf32, #tpu.memory_space<vmem>> -> memref<1x40x128xf32, #tpu.memory_space<vmem>>
      %dma_wait3A_1003 = tpu.memref_squeeze %dma_wait3A_1002 : memref<1x40x128xf32, #tpu.memory_space<vmem>> -> memref<40x128xf32, #tpu.memory_space<vmem>>
      %dma_wait3A_1004 = arith.constant 0 : i32
      %dma_wait3A_1005 = tpu.memref_slice %arg5[%dma_wait3A_998, %dma_wait3A_999, %dma_wait3A_1004] : memref<2x5x40xi32, #tpu.memory_space<vmem>> -> memref<1x1x40xi32, #tpu.memory_space<vmem>>
      %dma_wait3A_1006 = tpu.memref_squeeze %dma_wait3A_1005 : memref<1x1x40xi32, #tpu.memory_space<vmem>> -> memref<40xi32, #tpu.memory_space<vmem>>
      %dma_wait3A_1007 = arith.constant 0 : i32
      %dma_wait3A_1008 = arith.constant 0 : i32
      %dma_wait3A_1009 = tpu.memref_slice %arg8[%dma_wait3A_1007, %dma_wait3A_1008] : memref<10240x128xf32, #tpu.memory_space<vmem_shared>> -> memref<10240x128xf32, #tpu.memory_space<vmem_shared>>
      tpu.wait_indirect_dma semaphore(%arg14 : memref<!tpu.dma_semaphore, #tpu.memory_space<semaphore_mem>>) src(%dma_wait3A_1003 : memref<40x128xf32, #tpu.memory_space<vmem>>) dst(%dma_wait3A_1009 : memref<10240x128xf32, #tpu.memory_space<vmem_shared>>)
      %dma_start3A_1010 = arith.constant 0 : i32
      %dma_start3A_1011 = arith.constant 0 : i32
      %dma_start3A_1012 = arith.constant 0 : i32
      %dma_start3A_1013 = arith.constant 0 : i32
      %dma_start3A_1014 = arith.constant 0 : i32
      %dma_start3A_1015 = tpu.memref_slice %arg7[%dma_start3A_1012, %dma_start3A_1013, %dma_start3A_1014] : memref<5x40x128xf32, #tpu.memory_space<vmem>> -> memref<1x40x128xf32, #tpu.memory_space<vmem>>
      %dma_start3A_1016 = tpu.memref_squeeze %dma_start3A_1015 : memref<1x40x128xf32, #tpu.memory_space<vmem>> -> memref<40x128xf32, #tpu.memory_space<vmem>>
      %dma_start3A_1017 = arith.constant 0 : i32
      %dma_start3A_1018 = tpu.memref_slice %arg6[%dma_start3A_1010, %dma_start3A_1011, %dma_start3A_1017] : memref<2x5x40xi32, #tpu.memory_space<vmem>> -> memref<1x1x40xi32, #tpu.memory_space<vmem>>
      %dma_start3A_1019 = tpu.memref_squeeze %dma_start3A_1018 : memref<1x1x40xi32, #tpu.memory_space<vmem>> -> memref<40xi32, #tpu.memory_space<vmem>>
      %dma_start3A_1020 = arith.constant 0 : i32
      %dma_start3A_1021 = arith.constant 0 : i32
      %dma_start3A_1022 = tpu.memref_slice %arg3[%dma_start3A_1020, %dma_start3A_1021] : memref<10000x128xf32, #tpu.memory_space<hbm>> -> memref<10000x128xf32, #tpu.memory_space<hbm>>
      tpu.enqueue_indirect_dma source(%dma_start3A_1022 : memref<10000x128xf32, #tpu.memory_space<hbm>>) target(%dma_start3A_1016 : memref<40x128xf32, #tpu.memory_space<vmem>>) offsets(%dma_start3A_1019 : memref<40xi32, #tpu.memory_space<vmem>>) semaphore(%arg9 : memref<!tpu.dma_semaphore, #tpu.memory_space<semaphore_mem>>)
      %dma_wait3A_1023 = arith.constant 1 : i32
      %dma_wait3A_1024 = arith.constant 1 : i32
      %dma_wait3A_1025 = arith.constant 1 : i32
      %dma_wait3A_1026 = arith.constant 0 : i32
      %dma_wait3A_1027 = arith.constant 0 : i32
      %dma_wait3A_1028 = tpu.memref_slice %arg7[%dma_wait3A_1023, %dma_wait3A_1026, %dma_wait3A_1027] : memref<5x40x128xf32, #tpu.memory_space<vmem>> -> memref<1x40x128xf32, #tpu.memory_space<vmem>>
      %dma_wait3A_1029 = tpu.memref_squeeze %dma_wait3A_1028 : memref<1x40x128xf32, #tpu.memory_space<vmem>> -> memref<40x128xf32, #tpu.memory_space<vmem>>
      %dma_wait3A_1030 = arith.constant 0 : i32
      %dma_wait3A_1031 = tpu.memref_slice %arg5[%dma_wait3A_1024, %dma_wait3A_1025, %dma_wait3A_1030] : memref<2x5x40xi32, #tpu.memory_space<vmem>> -> memref<1x1x40xi32, #tpu.memory_space<vmem>>
      %dma_wait3A_1032 = tpu.memref_squeeze %dma_wait3A_1031 : memref<1x1x40xi32, #tpu.memory_space<vmem>> -> memref<40xi32, #tpu.memory_space<vmem>>
      %dma_wait3A_1033 = arith.constant 0 : i32
      %dma_wait3A_1034 = arith.constant 0 : i32
      %dma_wait3A_1035 = tpu.memref_slice %arg8[%dma_wait3A_1033, %dma_wait3A_1034] : memref<10240x128xf32, #tpu.memory_space<vmem_shared>> -> memref<10240x128xf32, #tpu.memory_space<vmem_shared>>
      tpu.wait_indirect_dma semaphore(%arg15 : memref<!tpu.dma_semaphore, #tpu.memory_space<semaphore_mem>>) src(%dma_wait3A_1029 : memref<40x128xf32, #tpu.memory_space<vmem>>) dst(%dma_wait3A_1035 : memref<10240x128xf32, #tpu.memory_space<vmem_shared>>)
      %dma_start3A_1036 = arith.constant 0 : i32
      %dma_start3A_1037 = arith.constant 1 : i32
      %dma_start3A_1038 = arith.constant 1 : i32
      %dma_start3A_1039 = arith.constant 0 : i32
      %dma_start3A_1040 = arith.constant 0 : i32
      %dma_start3A_1041 = tpu.memref_slice %arg7[%dma_start3A_1038, %dma_start3A_1039, %dma_start3A_1040] : memref<5x40x128xf32, #tpu.memory_space<vmem>> -> memref<1x40x128xf32, #tpu.memory_space<vmem>>
      %dma_start3A_1042 = tpu.memref_squeeze %dma_start3A_1041 : memref<1x40x128xf32, #tpu.memory_space<vmem>> -> memref<40x128xf32, #tpu.memory_space<vmem>>
      %dma_start3A_1043 = arith.constant 0 : i32
      %dma_start3A_1044 = tpu.memref_slice %arg6[%dma_start3A_1036, %dma_start3A_1037, %dma_start3A_1043] : memref<2x5x40xi32, #tpu.memory_space<vmem>> -> memref<1x1x40xi32, #tpu.memory_space<vmem>>
      %dma_start3A_1045 = tpu.memref_squeeze %dma_start3A_1044 : memref<1x1x40xi32, #tpu.memory_space<vmem>> -> memref<40xi32, #tpu.memory_space<vmem>>
      %dma_start3A_1046 = arith.constant 0 : i32
      %dma_start3A_1047 = arith.constant 0 : i32
      %dma_start3A_1048 = tpu.memref_slice %arg3[%dma_start3A_1046, %dma_start3A_1047] : memref<10000x128xf32, #tpu.memory_space<hbm>> -> memref<10000x128xf32, #tpu.memory_space<hbm>>
      tpu.enqueue_indirect_dma source(%dma_start3A_1048 : memref<10000x128xf32, #tpu.memory_space<hbm>>) target(%dma_start3A_1042 : memref<40x128xf32, #tpu.memory_space<vmem>>) offsets(%dma_start3A_1045 : memref<40xi32, #tpu.memory_space<vmem>>) semaphore(%arg10 : memref<!tpu.dma_semaphore, #tpu.memory_space<semaphore_mem>>)
      %dma_wait3A_1049 = arith.constant 2 : i32
      %dma_wait3A_1050 = arith.constant 1 : i32
      %dma_wait3A_1051 = arith.constant 2 : i32
      %dma_wait3A_1052 = arith.constant 0 : i32
      %dma_wait3A_1053 = arith.constant 0 : i32
      %dma_wait3A_1054 = tpu.memref_slice %arg7[%dma_wait3A_1049, %dma_wait3A_1052, %dma_wait3A_1053] : memref<5x40x128xf32, #tpu.memory_space<vmem>> -> memref<1x40x128xf32, #tpu.memory_space<vmem>>
      %dma_wait3A_1055 = tpu.memref_squeeze %dma_wait3A_1054 : memref<1x40x128xf32, #tpu.memory_space<vmem>> -> memref<40x128xf32, #tpu.memory_space<vmem>>
      %dma_wait3A_1056 = arith.constant 0 : i32
      %dma_wait3A_1057 = tpu.memref_slice %arg5[%dma_wait3A_1050, %dma_wait3A_1051, %dma_wait3A_1056] : memref<2x5x40xi32, #tpu.memory_space<vmem>> -> memref<1x1x40xi32, #tpu.memory_space<vmem>>
      %dma_wait3A_1058 = tpu.memref_squeeze %dma_wait3A_1057 : memref<1x1x40xi32, #tpu.memory_space<vmem>> -> memref<40xi32, #tpu.memory_space<vmem>>
      %dma_wait3A_1059 = arith.constant 0 : i32
      %dma_wait3A_1060 = arith.constant 0 : i32
      %dma_wait3A_1061 = tpu.memref_slice %arg8[%dma_wait3A_1059, %dma_wait3A_1060] : memref<10240x128xf32, #tpu.memory_space<vmem_shared>> -> memref<10240x128xf32, #tpu.memory_space<vmem_shared>>
      tpu.wait_indirect_dma semaphore(%arg16 : memref<!tpu.dma_semaphore, #tpu.memory_space<semaphore_mem>>) src(%dma_wait3A_1055 : memref<40x128xf32, #tpu.memory_space<vmem>>) dst(%dma_wait3A_1061 : memref<10240x128xf32, #tpu.memory_space<vmem_shared>>)
      %dma_start3A_1062 = arith.constant 0 : i32
      %dma_start3A_1063 = arith.constant 2 : i32
      %dma_start3A_1064 = arith.constant 2 : i32
      %dma_start3A_1065 = arith.constant 0 : i32
      %dma_start3A_1066 = arith.constant 0 : i32
      %dma_start3A_1067 = tpu.memref_slice %arg7[%dma_start3A_1064, %dma_start3A_1065, %dma_start3A_1066] : memref<5x40x128xf32, #tpu.memory_space<vmem>> -> memref<1x40x128xf32, #tpu.memory_space<vmem>>
      %dma_start3A_1068 = tpu.memref_squeeze %dma_start3A_1067 : memref<1x40x128xf32, #tpu.memory_space<vmem>> -> memref<40x128xf32, #tpu.memory_space<vmem>>
      %dma_start3A_1069 = arith.constant 0 : i32
      %dma_start3A_1070 = tpu.memref_slice %arg6[%dma_start3A_1062, %dma_start3A_1063, %dma_start3A_1069] : memref<2x5x40xi32, #tpu.memory_space<vmem>> -> memref<1x1x40xi32, #tpu.memory_space<vmem>>
      %dma_start3A_1071 = tpu.memref_squeeze %dma_start3A_1070 : memref<1x1x40xi32, #tpu.memory_space<vmem>> -> memref<40xi32, #tpu.memory_space<vmem>>
      %dma_start3A_1072 = arith.constant 0 : i32
      %dma_start3A_1073 = arith.constant 0 : i32
      %dma_start3A_1074 = tpu.memref_slice %arg3[%dma_start3A_1072, %dma_start3A_1073] : memref<10000x128xf32, #tpu.memory_space<hbm>> -> memref<10000x128xf32, #tpu.memory_space<hbm>>
      tpu.enqueue_indirect_dma source(%dma_start3A_1074 : memref<10000x128xf32, #tpu.memory_space<hbm>>) target(%dma_start3A_1068 : memref<40x128xf32, #tpu.memory_space<vmem>>) offsets(%dma_start3A_1071 : memref<40xi32, #tpu.memory_space<vmem>>) semaphore(%arg11 : memref<!tpu.dma_semaphore, #tpu.memory_space<semaphore_mem>>)
      %dma_wait3A_1075 = arith.constant 3 : i32
      %dma_wait3A_1076 = arith.constant 1 : i32
      %dma_wait3A_1077 = arith.constant 3 : i32
      %dma_wait3A_1078 = arith.constant 0 : i32
      %dma_wait3A_1079 = arith.constant 0 : i32
      %dma_wait3A_1080 = tpu.memref_slice %arg7[%dma_wait3A_1075, %dma_wait3A_1078, %dma_wait3A_1079] : memref<5x40x128xf32, #tpu.memory_space<vmem>> -> memref<1x40x128xf32, #tpu.memory_space<vmem>>
      %dma_wait3A_1081 = tpu.memref_squeeze %dma_wait3A_1080 : memref<1x40x128xf32, #tpu.memory_space<vmem>> -> memref<40x128xf32, #tpu.memory_space<vmem>>
      %dma_wait3A_1082 = arith.constant 0 : i32
      %dma_wait3A_1083 = tpu.memref_slice %arg5[%dma_wait3A_1076, %dma_wait3A_1077, %dma_wait3A_1082] : memref<2x5x40xi32, #tpu.memory_space<vmem>> -> memref<1x1x40xi32, #tpu.memory_space<vmem>>
      %dma_wait3A_1084 = tpu.memref_squeeze %dma_wait3A_1083 : memref<1x1x40xi32, #tpu.memory_space<vmem>> -> memref<40xi32, #tpu.memory_space<vmem>>
      %dma_wait3A_1085 = arith.constant 0 : i32
      %dma_wait3A_1086 = arith.constant 0 : i32
      %dma_wait3A_1087 = tpu.memref_slice %arg8[%dma_wait3A_1085, %dma_wait3A_1086] : memref<10240x128xf32, #tpu.memory_space<vmem_shared>> -> memref<10240x128xf32, #tpu.memory_space<vmem_shared>>
      tpu.wait_indirect_dma semaphore(%arg17 : memref<!tpu.dma_semaphore, #tpu.memory_space<semaphore_mem>>) src(%dma_wait3A_1081 : memref<40x128xf32, #tpu.memory_space<vmem>>) dst(%dma_wait3A_1087 : memref<10240x128xf32, #tpu.memory_space<vmem_shared>>)
      %dma_start3A_1088 = arith.constant 0 : i32
      %dma_start3A_1089 = arith.constant 3 : i32
      %dma_start3A_1090 = arith.constant 3 : i32
      %dma_start3A_1091 = arith.constant 0 : i32
      %dma_start3A_1092 = arith.constant 0 : i32
      %dma_start3A_1093 = tpu.memref_slice %arg7[%dma_start3A_1090, %dma_start3A_1091, %dma_start3A_1092] : memref<5x40x128xf32, #tpu.memory_space<vmem>> -> memref<1x40x128xf32, #tpu.memory_space<vmem>>
      %dma_start3A_1094 = tpu.memref_squeeze %dma_start3A_1093 : memref<1x40x128xf32, #tpu.memory_space<vmem>> -> memref<40x128xf32, #tpu.memory_space<vmem>>
      %dma_start3A_1095 = arith.constant 0 : i32
      %dma_start3A_1096 = tpu.memref_slice %arg6[%dma_start3A_1088, %dma_start3A_1089, %dma_start3A_1095] : memref<2x5x40xi32, #tpu.memory_space<vmem>> -> memref<1x1x40xi32, #tpu.memory_space<vmem>>
      %dma_start3A_1097 = tpu.memref_squeeze %dma_start3A_1096 : memref<1x1x40xi32, #tpu.memory_space<vmem>> -> memref<40xi32, #tpu.memory_space<vmem>>
      %dma_start3A_1098 = arith.constant 0 : i32
      %dma_start3A_1099 = arith.constant 0 : i32
      %dma_start3A_1100 = tpu.memref_slice %arg3[%dma_start3A_1098, %dma_start3A_1099] : memref<10000x128xf32, #tpu.memory_space<hbm>> -> memref<10000x128xf32, #tpu.memory_space<hbm>>
      tpu.enqueue_indirect_dma source(%dma_start3A_1100 : memref<10000x128xf32, #tpu.memory_space<hbm>>) target(%dma_start3A_1094 : memref<40x128xf32, #tpu.memory_space<vmem>>) offsets(%dma_start3A_1097 : memref<40xi32, #tpu.memory_space<vmem>>) semaphore(%arg12 : memref<!tpu.dma_semaphore, #tpu.memory_space<semaphore_mem>>)
      %dma_wait3A_1101 = arith.constant 4 : i32
      %dma_wait3A_1102 = arith.constant 1 : i32
      %dma_wait3A_1103 = arith.constant 4 : i32
      %dma_wait3A_1104 = arith.constant 0 : i32
      %dma_wait3A_1105 = arith.constant 0 : i32
      %dma_wait3A_1106 = tpu.memref_slice %arg7[%dma_wait3A_1101, %dma_wait3A_1104, %dma_wait3A_1105] : memref<5x40x128xf32, #tpu.memory_space<vmem>> -> memref<1x40x128xf32, #tpu.memory_space<vmem>>
      %dma_wait3A_1107 = tpu.memref_squeeze %dma_wait3A_1106 : memref<1x40x128xf32, #tpu.memory_space<vmem>> -> memref<40x128xf32, #tpu.memory_space<vmem>>
      %dma_wait3A_1108 = arith.constant 0 : i32
      %dma_wait3A_1109 = tpu.memref_slice %arg5[%dma_wait3A_1102, %dma_wait3A_1103, %dma_wait3A_1108] : memref<2x5x40xi32, #tpu.memory_space<vmem>> -> memref<1x1x40xi32, #tpu.memory_space<vmem>>
      %dma_wait3A_1110 = tpu.memref_squeeze %dma_wait3A_1109 : memref<1x1x40xi32, #tpu.memory_space<vmem>> -> memref<40xi32, #tpu.memory_space<vmem>>
      %dma_wait3A_1111 = arith.constant 0 : i32
      %dma_wait3A_1112 = arith.constant 0 : i32
      %dma_wait3A_1113 = tpu.memref_slice %arg8[%dma_wait3A_1111, %dma_wait3A_1112] : memref<10240x128xf32, #tpu.memory_space<vmem_shared>> -> memref<10240x128xf32, #tpu.memory_space<vmem_shared>>
      tpu.wait_indirect_dma semaphore(%arg18 : memref<!tpu.dma_semaphore, #tpu.memory_space<semaphore_mem>>) src(%dma_wait3A_1107 : memref<40x128xf32, #tpu.memory_space<vmem>>) dst(%dma_wait3A_1113 : memref<10240x128xf32, #tpu.memory_space<vmem_shared>>)
      %dma_start3A_1114 = arith.constant 0 : i32
      %dma_start3A_1115 = arith.constant 4 : i32
      %dma_start3A_1116 = arith.constant 4 : i32
      %dma_start3A_1117 = arith.constant 0 : i32
      %dma_start3A_1118 = arith.constant 0 : i32
      %dma_start3A_1119 = tpu.memref_slice %arg7[%dma_start3A_1116, %dma_start3A_1117, %dma_start3A_1118] : memref<5x40x128xf32, #tpu.memory_space<vmem>> -> memref<1x40x128xf32, #tpu.memory_space<vmem>>
      %dma_start3A_1120 = tpu.memref_squeeze %dma_start3A_1119 : memref<1x40x128xf32, #tpu.memory_space<vmem>> -> memref<40x128xf32, #tpu.memory_space<vmem>>
      %dma_start3A_1121 = arith.constant 0 : i32
      %dma_start3A_1122 = tpu.memref_slice %arg6[%dma_start3A_1114, %dma_start3A_1115, %dma_start3A_1121] : memref<2x5x40xi32, #tpu.memory_space<vmem>> -> memref<1x1x40xi32, #tpu.memory_space<vmem>>
      %dma_start3A_1123 = tpu.memref_squeeze %dma_start3A_1122 : memref<1x1x40xi32, #tpu.memory_space<vmem>> -> memref<40xi32, #tpu.memory_space<vmem>>
      %dma_start3A_1124 = arith.constant 0 : i32
      %dma_start3A_1125 = arith.constant 0 : i32
      %dma_start3A_1126 = tpu.memref_slice %arg3[%dma_start3A_1124, %dma_start3A_1125] : memref<10000x128xf32, #tpu.memory_space<hbm>> -> memref<10000x128xf32, #tpu.memory_space<hbm>>
      tpu.enqueue_indirect_dma source(%dma_start3A_1126 : memref<10000x128xf32, #tpu.memory_space<hbm>>) target(%dma_start3A_1120 : memref<40x128xf32, #tpu.memory_space<vmem>>) offsets(%dma_start3A_1123 : memref<40xi32, #tpu.memory_space<vmem>>) semaphore(%arg13 : memref<!tpu.dma_semaphore, #tpu.memory_space<semaphore_mem>>)
      %lt3A = arith.constant 24 : i32
      %lt3A_1127 = arith.cmpi slt, %scan3A_828, %lt3A : i32
      %convert_element_type3A = arith.extui %lt3A_1127 : i1 to i32
      %cond3A = arith.constant 0 : i32
      %cond3A_1128 = arith.cmpi ne, %convert_element_type3A, %cond3A : i32
      scf.if %cond3A_1128 {
        %mul3A_1359 = arith.constant 2 : i32
        %mul3A_1360 = arith.muli %mul3A_1359, %scan3A_828 : i32
        %add3A_1361 = arith.constant 2 : i32
        %add3A_1362 = arith.addi %mul3A_1360, %add3A_1361 : i32
        %dma_start3A_1363 = arith.constant 0 : i32
        %dma_start3A_1364 = arith.constant 0 : i32
        %dma_start3A_1365 = arith.constant 0 : i32
        %dma_start3A_1366 = arith.constant 0 : i32
        %dma_start3A_1367 = tpu.memref_slice %arg5[%dma_start3A_1364, %dma_start3A_1365, %dma_start3A_1366] : memref<2x5x40xi32, #tpu.memory_space<vmem>> -> memref<1x5x40xi32, #tpu.memory_space<vmem>>
        %dma_start3A_1368 = tpu.memref_squeeze %dma_start3A_1367 : memref<1x5x40xi32, #tpu.memory_space<vmem>> -> memref<5x40xi32, #tpu.memory_space<vmem>>
        %dma_start3A_1369 = arith.constant 0 : i32
        %dma_start3A_1370 = arith.constant 0 : i32
        %dma_start3A_1371 = tpu.memref_slice %arg2[%dma_start3A_1363, %add3A, %add3A_1362, %dma_start3A_1369, %dma_start3A_1370] : memref<2x32x50x5x40xi32, #tpu.memory_space<hbm>> -> memref<1x1x1x5x40xi32, #tpu.memory_space<hbm>>
        %dma_start3A_1372 = tpu.memref_squeeze %dma_start3A_1371 : memref<1x1x1x5x40xi32, #tpu.memory_space<hbm>> -> memref<5x40xi32, #tpu.memory_space<hbm>>
        %dma_start3A_1373 = arith.constant 0 : i32
        %dma_start3A_1374 = arith.constant 0 : i32
        %dma_start3A_1375 = tpu.memref_slice %arg5[%dma_start3A_1364, %dma_start3A_1373, %dma_start3A_1374] : memref<2x5x40xi32, #tpu.memory_space<vmem>> -> memref<1x5x40xi32, #tpu.memory_space<vmem>>
        %dma_start3A_1376 = tpu.memref_squeeze %dma_start3A_1375 : memref<1x5x40xi32, #tpu.memory_space<vmem>> -> memref<5x40xi32, #tpu.memory_space<vmem>>
        %dma_start3A_1377 = arith.constant 0 : i32
        %dma_start3A_1378 = arith.constant 0 : i32
        %dma_start3A_1379 = tpu.memref_slice %arg2[%dma_start3A_1363, %add3A, %add3A_1362, %dma_start3A_1377, %dma_start3A_1378] : memref<2x32x50x5x40xi32, #tpu.memory_space<hbm>> -> memref<1x1x1x5x40xi32, #tpu.memory_space<hbm>>
        %dma_start3A_1380 = tpu.memref_squeeze %dma_start3A_1379 : memref<1x1x1x5x40xi32, #tpu.memory_space<hbm>> -> memref<5x40xi32, #tpu.memory_space<hbm>>
        tpu.enqueue_dma source(%dma_start3A_1380 : memref<5x40xi32, #tpu.memory_space<hbm>>) target(%dma_start3A_1376 : memref<5x40xi32, #tpu.memory_space<vmem>>) target_semaphore(%arg19 : memref<!tpu.dma_semaphore, #tpu.memory_space<semaphore_mem>>)
        %dma_start3A_1381 = arith.constant 1 : i32
        %dma_start3A_1382 = arith.constant 1 : i32
        %dma_start3A_1383 = arith.constant 0 : i32
        %dma_start3A_1384 = arith.constant 0 : i32
        %dma_start3A_1385 = tpu.memref_slice %arg5[%dma_start3A_1382, %dma_start3A_1383, %dma_start3A_1384] : memref<2x5x40xi32, #tpu.memory_space<vmem>> -> memref<1x5x40xi32, #tpu.memory_space<vmem>>
        %dma_start3A_1386 = tpu.memref_squeeze %dma_start3A_1385 : memref<1x5x40xi32, #tpu.memory_space<vmem>> -> memref<5x40xi32, #tpu.memory_space<vmem>>
        %dma_start3A_1387 = arith.constant 0 : i32
        %dma_start3A_1388 = arith.constant 0 : i32
        %dma_start3A_1389 = tpu.memref_slice %arg2[%dma_start3A_1381, %add3A, %add3A_1362, %dma_start3A_1387, %dma_start3A_1388] : memref<2x32x50x5x40xi32, #tpu.memory_space<hbm>> -> memref<1x1x1x5x40xi32, #tpu.memory_space<hbm>>
        %dma_start3A_1390 = tpu.memref_squeeze %dma_start3A_1389 : memref<1x1x1x5x40xi32, #tpu.memory_space<hbm>> -> memref<5x40xi32, #tpu.memory_space<hbm>>
        %dma_start3A_1391 = arith.constant 0 : i32
        %dma_start3A_1392 = arith.constant 0 : i32
        %dma_start3A_1393 = tpu.memref_slice %arg5[%dma_start3A_1382, %dma_start3A_1391, %dma_start3A_1392] : memref<2x5x40xi32, #tpu.memory_space<vmem>> -> memref<1x5x40xi32, #tpu.memory_space<vmem>>
        %dma_start3A_1394 = tpu.memref_squeeze %dma_start3A_1393 : memref<1x5x40xi32, #tpu.memory_space<vmem>> -> memref<5x40xi32, #tpu.memory_space<vmem>>
        %dma_start3A_1395 = arith.constant 0 : i32
        %dma_start3A_1396 = arith.constant 0 : i32
        %dma_start3A_1397 = tpu.memref_slice %arg2[%dma_start3A_1381, %add3A, %add3A_1362, %dma_start3A_1395, %dma_start3A_1396] : memref<2x32x50x5x40xi32, #tpu.memory_space<hbm>> -> memref<1x1x1x5x40xi32, #tpu.memory_space<hbm>>
        %dma_start3A_1398 = tpu.memref_squeeze %dma_start3A_1397 : memref<1x1x1x5x40xi32, #tpu.memory_space<hbm>> -> memref<5x40xi32, #tpu.memory_space<hbm>>
        tpu.enqueue_dma source(%dma_start3A_1398 : memref<5x40xi32, #tpu.memory_space<hbm>>) target(%dma_start3A_1394 : memref<5x40xi32, #tpu.memory_space<vmem>>) target_semaphore(%arg19 : memref<!tpu.dma_semaphore, #tpu.memory_space<semaphore_mem>>)
      } else {
      }
      %dma_wait3A_1129 = arith.constant 0 : i32
      %dma_wait3A_1130 = arith.constant 0 : i32
      %dma_wait3A_1131 = arith.constant 0 : i32
      %dma_wait3A_1132 = arith.constant 0 : i32
      %dma_wait3A_1133 = arith.constant 0 : i32
      %dma_wait3A_1134 = tpu.memref_slice %arg7[%dma_wait3A_1131, %dma_wait3A_1132, %dma_wait3A_1133] : memref<5x40x128xf32, #tpu.memory_space<vmem>> -> memref<1x40x128xf32, #tpu.memory_space<vmem>>
      %dma_wait3A_1135 = tpu.memref_squeeze %dma_wait3A_1134 : memref<1x40x128xf32, #tpu.memory_space<vmem>> -> memref<40x128xf32, #tpu.memory_space<vmem>>
      %dma_wait3A_1136 = arith.constant 0 : i32
      %dma_wait3A_1137 = tpu.memref_slice %arg6[%dma_wait3A_1129, %dma_wait3A_1130, %dma_wait3A_1136] : memref<2x5x40xi32, #tpu.memory_space<vmem>> -> memref<1x1x40xi32, #tpu.memory_space<vmem>>
      %dma_wait3A_1138 = tpu.memref_squeeze %dma_wait3A_1137 : memref<1x1x40xi32, #tpu.memory_space<vmem>> -> memref<40xi32, #tpu.memory_space<vmem>>
      %dma_wait3A_1139 = arith.constant 0 : i32
      %dma_wait3A_1140 = arith.constant 0 : i32
      %dma_wait3A_1141 = tpu.memref_slice %arg3[%dma_wait3A_1139, %dma_wait3A_1140] : memref<10000x128xf32, #tpu.memory_space<hbm>> -> memref<10000x128xf32, #tpu.memory_space<hbm>>
      tpu.wait_indirect_dma semaphore(%arg9 : memref<!tpu.dma_semaphore, #tpu.memory_space<semaphore_mem>>) src(%dma_wait3A_1141 : memref<10000x128xf32, #tpu.memory_space<hbm>>) dst(%dma_wait3A_1135 : memref<40x128xf32, #tpu.memory_space<vmem>>)
      %dma_start3A_1142 = arith.constant 0 : i32
      %dma_start3A_1143 = arith.constant 1 : i32
      %dma_start3A_1144 = arith.constant 0 : i32
      %dma_start3A_1145 = arith.constant 0 : i32
      %dma_start3A_1146 = arith.constant 0 : i32
      %dma_start3A_1147 = tpu.memref_slice %arg7[%dma_start3A_1142, %dma_start3A_1145, %dma_start3A_1146] : memref<5x40x128xf32, #tpu.memory_space<vmem>> -> memref<1x40x128xf32, #tpu.memory_space<vmem>>
      %dma_start3A_1148 = tpu.memref_squeeze %dma_start3A_1147 : memref<1x40x128xf32, #tpu.memory_space<vmem>> -> memref<40x128xf32, #tpu.memory_space<vmem>>
      %dma_start3A_1149 = arith.constant 0 : i32
      %dma_start3A_1150 = tpu.memref_slice %arg6[%dma_start3A_1143, %dma_start3A_1144, %dma_start3A_1149] : memref<2x5x40xi32, #tpu.memory_space<vmem>> -> memref<1x1x40xi32, #tpu.memory_space<vmem>>
      %dma_start3A_1151 = tpu.memref_squeeze %dma_start3A_1150 : memref<1x1x40xi32, #tpu.memory_space<vmem>> -> memref<40xi32, #tpu.memory_space<vmem>>
      %dma_start3A_1152 = arith.constant 0 : i32
      %dma_start3A_1153 = arith.constant 0 : i32
      %dma_start3A_1154 = tpu.memref_slice %arg8[%dma_start3A_1152, %dma_start3A_1153] : memref<10240x128xf32, #tpu.memory_space<vmem_shared>> -> memref<10240x128xf32, #tpu.memory_space<vmem_shared>>
      tpu.enqueue_indirect_dma source(%dma_start3A_1148 : memref<40x128xf32, #tpu.memory_space<vmem>>) target(%dma_start3A_1154 : memref<10240x128xf32, #tpu.memory_space<vmem_shared>>) offsets(%dma_start3A_1151 : memref<40xi32, #tpu.memory_space<vmem>>) semaphore(%arg14 : memref<!tpu.dma_semaphore, #tpu.memory_space<semaphore_mem>>) {add = true}
      %dma_wait3A_1155 = arith.constant 0 : i32
      %dma_wait3A_1156 = arith.constant 1 : i32
      %dma_wait3A_1157 = arith.constant 1 : i32
      %dma_wait3A_1158 = arith.constant 0 : i32
      %dma_wait3A_1159 = arith.constant 0 : i32
      %dma_wait3A_1160 = tpu.memref_slice %arg7[%dma_wait3A_1157, %dma_wait3A_1158, %dma_wait3A_1159] : memref<5x40x128xf32, #tpu.memory_space<vmem>> -> memref<1x40x128xf32, #tpu.memory_space<vmem>>
      %dma_wait3A_1161 = tpu.memref_squeeze %dma_wait3A_1160 : memref<1x40x128xf32, #tpu.memory_space<vmem>> -> memref<40x128xf32, #tpu.memory_space<vmem>>
      %dma_wait3A_1162 = arith.constant 0 : i32
      %dma_wait3A_1163 = tpu.memref_slice %arg6[%dma_wait3A_1155, %dma_wait3A_1156, %dma_wait3A_1162] : memref<2x5x40xi32, #tpu.memory_space<vmem>> -> memref<1x1x40xi32, #tpu.memory_space<vmem>>
      %dma_wait3A_1164 = tpu.memref_squeeze %dma_wait3A_1163 : memref<1x1x40xi32, #tpu.memory_space<vmem>> -> memref<40xi32, #tpu.memory_space<vmem>>
      %dma_wait3A_1165 = arith.constant 0 : i32
      %dma_wait3A_1166 = arith.constant 0 : i32
      %dma_wait3A_1167 = tpu.memref_slice %arg3[%dma_wait3A_1165, %dma_wait3A_1166] : memref<10000x128xf32, #tpu.memory_space<hbm>> -> memref<10000x128xf32, #tpu.memory_space<hbm>>
      tpu.wait_indirect_dma semaphore(%arg10 : memref<!tpu.dma_semaphore, #tpu.memory_space<semaphore_mem>>) src(%dma_wait3A_1167 : memref<10000x128xf32, #tpu.memory_space<hbm>>) dst(%dma_wait3A_1161 : memref<40x128xf32, #tpu.memory_space<vmem>>)
      %dma_start3A_1168 = arith.constant 1 : i32
      %dma_start3A_1169 = arith.constant 1 : i32
      %dma_start3A_1170 = arith.constant 1 : i32
      %dma_start3A_1171 = arith.constant 0 : i32
      %dma_start3A_1172 = arith.constant 0 : i32
      %dma_start3A_1173 = tpu.memref_slice %arg7[%dma_start3A_1168, %dma_start3A_1171, %dma_start3A_1172] : memref<5x40x128xf32, #tpu.memory_space<vmem>> -> memref<1x40x128xf32, #tpu.memory_space<vmem>>
      %dma_start3A_1174 = tpu.memref_squeeze %dma_start3A_1173 : memref<1x40x128xf32, #tpu.memory_space<vmem>> -> memref<40x128xf32, #tpu.memory_space<vmem>>
      %dma_start3A_1175 = arith.constant 0 : i32
      %dma_start3A_1176 = tpu.memref_slice %arg6[%dma_start3A_1169, %dma_start3A_1170, %dma_start3A_1175] : memref<2x5x40xi32, #tpu.memory_space<vmem>> -> memref<1x1x40xi32, #tpu.memory_space<vmem>>
      %dma_start3A_1177 = tpu.memref_squeeze %dma_start3A_1176 : memref<1x1x40xi32, #tpu.memory_space<vmem>> -> memref<40xi32, #tpu.memory_space<vmem>>
      %dma_start3A_1178 = arith.constant 0 : i32
      %dma_start3A_1179 = arith.constant 0 : i32
      %dma_start3A_1180 = tpu.memref_slice %arg8[%dma_start3A_1178, %dma_start3A_1179] : memref<10240x128xf32, #tpu.memory_space<vmem_shared>> -> memref<10240x128xf32, #tpu.memory_space<vmem_shared>>
      tpu.enqueue_indirect_dma source(%dma_start3A_1174 : memref<40x128xf32, #tpu.memory_space<vmem>>) target(%dma_start3A_1180 : memref<10240x128xf32, #tpu.memory_space<vmem_shared>>) offsets(%dma_start3A_1177 : memref<40xi32, #tpu.memory_space<vmem>>) semaphore(%arg15 : memref<!tpu.dma_semaphore, #tpu.memory_space<semaphore_mem>>) {add = true}
      %dma_wait3A_1181 = arith.constant 0 : i32
      %dma_wait3A_1182 = arith.constant 2 : i32
      %dma_wait3A_1183 = arith.constant 2 : i32
      %dma_wait3A_1184 = arith.constant 0 : i32
      %dma_wait3A_1185 = arith.constant 0 : i32
      %dma_wait3A_1186 = tpu.memref_slice %arg7[%dma_wait3A_1183, %dma_wait3A_1184, %dma_wait3A_1185] : memref<5x40x128xf32, #tpu.memory_space<vmem>> -> memref<1x40x128xf32, #tpu.memory_space<vmem>>
      %dma_wait3A_1187 = tpu.memref_squeeze %dma_wait3A_1186 : memref<1x40x128xf32, #tpu.memory_space<vmem>> -> memref<40x128xf32, #tpu.memory_space<vmem>>
      %dma_wait3A_1188 = arith.constant 0 : i32
      %dma_wait3A_1189 = tpu.memref_slice %arg6[%dma_wait3A_1181, %dma_wait3A_1182, %dma_wait3A_1188] : memref<2x5x40xi32, #tpu.memory_space<vmem>> -> memref<1x1x40xi32, #tpu.memory_space<vmem>>
      %dma_wait3A_1190 = tpu.memref_squeeze %dma_wait3A_1189 : memref<1x1x40xi32, #tpu.memory_space<vmem>> -> memref<40xi32, #tpu.memory_space<vmem>>
      %dma_wait3A_1191 = arith.constant 0 : i32
      %dma_wait3A_1192 = arith.constant 0 : i32
      %dma_wait3A_1193 = tpu.memref_slice %arg3[%dma_wait3A_1191, %dma_wait3A_1192] : memref<10000x128xf32, #tpu.memory_space<hbm>> -> memref<10000x128xf32, #tpu.memory_space<hbm>>
      tpu.wait_indirect_dma semaphore(%arg11 : memref<!tpu.dma_semaphore, #tpu.memory_space<semaphore_mem>>) src(%dma_wait3A_1193 : memref<10000x128xf32, #tpu.memory_space<hbm>>) dst(%dma_wait3A_1187 : memref<40x128xf32, #tpu.memory_space<vmem>>)
      %dma_start3A_1194 = arith.constant 2 : i32
      %dma_start3A_1195 = arith.constant 1 : i32
      %dma_start3A_1196 = arith.constant 2 : i32
      %dma_start3A_1197 = arith.constant 0 : i32
      %dma_start3A_1198 = arith.constant 0 : i32
      %dma_start3A_1199 = tpu.memref_slice %arg7[%dma_start3A_1194, %dma_start3A_1197, %dma_start3A_1198] : memref<5x40x128xf32, #tpu.memory_space<vmem>> -> memref<1x40x128xf32, #tpu.memory_space<vmem>>
      %dma_start3A_1200 = tpu.memref_squeeze %dma_start3A_1199 : memref<1x40x128xf32, #tpu.memory_space<vmem>> -> memref<40x128xf32, #tpu.memory_space<vmem>>
      %dma_start3A_1201 = arith.constant 0 : i32
      %dma_start3A_1202 = tpu.memref_slice %arg6[%dma_start3A_1195, %dma_start3A_1196, %dma_start3A_1201] : memref<2x5x40xi32, #tpu.memory_space<vmem>> -> memref<1x1x40xi32, #tpu.memory_space<vmem>>
      %dma_start3A_1203 = tpu.memref_squeeze %dma_start3A_1202 : memref<1x1x40xi32, #tpu.memory_space<vmem>> -> memref<40xi32, #tpu.memory_space<vmem>>
      %dma_start3A_1204 = arith.constant 0 : i32
      %dma_start3A_1205 = arith.constant 0 : i32
      %dma_start3A_1206 = tpu.memref_slice %arg8[%dma_start3A_1204, %dma_start3A_1205] : memref<10240x128xf32, #tpu.memory_space<vmem_shared>> -> memref<10240x128xf32, #tpu.memory_space<vmem_shared>>
      tpu.enqueue_indirect_dma source(%dma_start3A_1200 : memref<40x128xf32, #tpu.memory_space<vmem>>) target(%dma_start3A_1206 : memref<10240x128xf32, #tpu.memory_space<vmem_shared>>) offsets(%dma_start3A_1203 : memref<40xi32, #tpu.memory_space<vmem>>) semaphore(%arg16 : memref<!tpu.dma_semaphore, #tpu.memory_space<semaphore_mem>>) {add = true}
      %dma_wait3A_1207 = arith.constant 0 : i32
      %dma_wait3A_1208 = arith.constant 3 : i32
      %dma_wait3A_1209 = arith.constant 3 : i32
      %dma_wait3A_1210 = arith.constant 0 : i32
      %dma_wait3A_1211 = arith.constant 0 : i32
      %dma_wait3A_1212 = tpu.memref_slice %arg7[%dma_wait3A_1209, %dma_wait3A_1210, %dma_wait3A_1211] : memref<5x40x128xf32, #tpu.memory_space<vmem>> -> memref<1x40x128xf32, #tpu.memory_space<vmem>>
      %dma_wait3A_1213 = tpu.memref_squeeze %dma_wait3A_1212 : memref<1x40x128xf32, #tpu.memory_space<vmem>> -> memref<40x128xf32, #tpu.memory_space<vmem>>
      %dma_wait3A_1214 = arith.constant 0 : i32
      %dma_wait3A_1215 = tpu.memref_slice %arg6[%dma_wait3A_1207, %dma_wait3A_1208, %dma_wait3A_1214] : memref<2x5x40xi32, #tpu.memory_space<vmem>> -> memref<1x1x40xi32, #tpu.memory_space<vmem>>
      %dma_wait3A_1216 = tpu.memref_squeeze %dma_wait3A_1215 : memref<1x1x40xi32, #tpu.memory_space<vmem>> -> memref<40xi32, #tpu.memory_space<vmem>>
      %dma_wait3A_1217 = arith.constant 0 : i32
      %dma_wait3A_1218 = arith.constant 0 : i32
      %dma_wait3A_1219 = tpu.memref_slice %arg3[%dma_wait3A_1217, %dma_wait3A_1218] : memref<10000x128xf32, #tpu.memory_space<hbm>> -> memref<10000x128xf32, #tpu.memory_space<hbm>>
      tpu.wait_indirect_dma semaphore(%arg12 : memref<!tpu.dma_semaphore, #tpu.memory_space<semaphore_mem>>) src(%dma_wait3A_1219 : memref<10000x128xf32, #tpu.memory_space<hbm>>) dst(%dma_wait3A_1213 : memref<40x128xf32, #tpu.memory_space<vmem>>)
      %dma_start3A_1220 = arith.constant 3 : i32
      %dma_start3A_1221 = arith.constant 1 : i32
      %dma_start3A_1222 = arith.constant 3 : i32
      %dma_start3A_1223 = arith.constant 0 : i32
      %dma_start3A_1224 = arith.constant 0 : i32
      %dma_start3A_1225 = tpu.memref_slice %arg7[%dma_start3A_1220, %dma_start3A_1223, %dma_start3A_1224] : memref<5x40x128xf32, #tpu.memory_space<vmem>> -> memref<1x40x128xf32, #tpu.memory_space<vmem>>
      %dma_start3A_1226 = tpu.memref_squeeze %dma_start3A_1225 : memref<1x40x128xf32, #tpu.memory_space<vmem>> -> memref<40x128xf32, #tpu.memory_space<vmem>>
      %dma_start3A_1227 = arith.constant 0 : i32
      %dma_start3A_1228 = tpu.memref_slice %arg6[%dma_start3A_1221, %dma_start3A_1222, %dma_start3A_1227] : memref<2x5x40xi32, #tpu.memory_space<vmem>> -> memref<1x1x40xi32, #tpu.memory_space<vmem>>
      %dma_start3A_1229 = tpu.memref_squeeze %dma_start3A_1228 : memref<1x1x40xi32, #tpu.memory_space<vmem>> -> memref<40xi32, #tpu.memory_space<vmem>>
      %dma_start3A_1230 = arith.constant 0 : i32
      %dma_start3A_1231 = arith.constant 0 : i32
      %dma_start3A_1232 = tpu.memref_slice %arg8[%dma_start3A_1230, %dma_start3A_1231] : memref<10240x128xf32, #tpu.memory_space<vmem_shared>> -> memref<10240x128xf32, #tpu.memory_space<vmem_shared>>
      tpu.enqueue_indirect_dma source(%dma_start3A_1226 : memref<40x128xf32, #tpu.memory_space<vmem>>) target(%dma_start3A_1232 : memref<10240x128xf32, #tpu.memory_space<vmem_shared>>) offsets(%dma_start3A_1229 : memref<40xi32, #tpu.memory_space<vmem>>) semaphore(%arg17 : memref<!tpu.dma_semaphore, #tpu.memory_space<semaphore_mem>>) {add = true}
      %dma_wait3A_1233 = arith.constant 0 : i32
      %dma_wait3A_1234 = arith.constant 4 : i32
      %dma_wait3A_1235 = arith.constant 4 : i32
      %dma_wait3A_1236 = arith.constant 0 : i32
      %dma_wait3A_1237 = arith.constant 0 : i32
      %dma_wait3A_1238 = tpu.memref_slice %arg7[%dma_wait3A_1235, %dma_wait3A_1236, %dma_wait3A_1237] : memref<5x40x128xf32, #tpu.memory_space<vmem>> -> memref<1x40x128xf32, #tpu.memory_space<vmem>>
      %dma_wait3A_1239 = tpu.memref_squeeze %dma_wait3A_1238 : memref<1x40x128xf32, #tpu.memory_space<vmem>> -> memref<40x128xf32, #tpu.memory_space<vmem>>
      %dma_wait3A_1240 = arith.constant 0 : i32
      %dma_wait3A_1241 = tpu.memref_slice %arg6[%dma_wait3A_1233, %dma_wait3A_1234, %dma_wait3A_1240] : memref<2x5x40xi32, #tpu.memory_space<vmem>> -> memref<1x1x40xi32, #tpu.memory_space<vmem>>
      %dma_wait3A_1242 = tpu.memref_squeeze %dma_wait3A_1241 : memref<1x1x40xi32, #tpu.memory_space<vmem>> -> memref<40xi32, #tpu.memory_space<vmem>>
      %dma_wait3A_1243 = arith.constant 0 : i32
      %dma_wait3A_1244 = arith.constant 0 : i32
      %dma_wait3A_1245 = tpu.memref_slice %arg3[%dma_wait3A_1243, %dma_wait3A_1244] : memref<10000x128xf32, #tpu.memory_space<hbm>> -> memref<10000x128xf32, #tpu.memory_space<hbm>>
      tpu.wait_indirect_dma semaphore(%arg13 : memref<!tpu.dma_semaphore, #tpu.memory_space<semaphore_mem>>) src(%dma_wait3A_1245 : memref<10000x128xf32, #tpu.memory_space<hbm>>) dst(%dma_wait3A_1239 : memref<40x128xf32, #tpu.memory_space<vmem>>)
      %dma_start3A_1246 = arith.constant 4 : i32
      %dma_start3A_1247 = arith.constant 1 : i32
      %dma_start3A_1248 = arith.constant 4 : i32
      %dma_start3A_1249 = arith.constant 0 : i32
      %dma_start3A_1250 = arith.constant 0 : i32
      %dma_start3A_1251 = tpu.memref_slice %arg7[%dma_start3A_1246, %dma_start3A_1249, %dma_start3A_1250] : memref<5x40x128xf32, #tpu.memory_space<vmem>> -> memref<1x40x128xf32, #tpu.memory_space<vmem>>
      %dma_start3A_1252 = tpu.memref_squeeze %dma_start3A_1251 : memref<1x40x128xf32, #tpu.memory_space<vmem>> -> memref<40x128xf32, #tpu.memory_space<vmem>>
      %dma_start3A_1253 = arith.constant 0 : i32
      %dma_start3A_1254 = tpu.memref_slice %arg6[%dma_start3A_1247, %dma_start3A_1248, %dma_start3A_1253] : memref<2x5x40xi32, #tpu.memory_space<vmem>> -> memref<1x1x40xi32, #tpu.memory_space<vmem>>
      %dma_start3A_1255 = tpu.memref_squeeze %dma_start3A_1254 : memref<1x1x40xi32, #tpu.memory_space<vmem>> -> memref<40xi32, #tpu.memory_space<vmem>>
      %dma_start3A_1256 = arith.constant 0 : i32
      %dma_start3A_1257 = arith.constant 0 : i32
      %dma_start3A_1258 = tpu.memref_slice %arg8[%dma_start3A_1256, %dma_start3A_1257] : memref<10240x128xf32, #tpu.memory_space<vmem_shared>> -> memref<10240x128xf32, #tpu.memory_space<vmem_shared>>
      tpu.enqueue_indirect_dma source(%dma_start3A_1252 : memref<40x128xf32, #tpu.memory_space<vmem>>) target(%dma_start3A_1258 : memref<10240x128xf32, #tpu.memory_space<vmem_shared>>) offsets(%dma_start3A_1255 : memref<40xi32, #tpu.memory_space<vmem>>) semaphore(%arg18 : memref<!tpu.dma_semaphore, #tpu.memory_space<semaphore_mem>>) {add = true}
      %lt3A_1259 = arith.constant 24 : i32
      %lt3A_1260 = arith.cmpi slt, %scan3A_828, %lt3A_1259 : i32
      %convert_element_type3A_1261 = arith.extui %lt3A_1260 : i1 to i32
      %cond3A_1262 = arith.constant 0 : i32
      %cond3A_1263 = arith.cmpi ne, %convert_element_type3A_1261, %cond3A_1262 : i32
      scf.if %cond3A_1263 {
        %dma_wait3A_1359 = arith.constant 0 : i32
        %dma_wait3A_1360 = arith.constant 0 : i32
        %dma_wait3A_1361 = arith.constant 0 : i32
        %dma_wait3A_1362 = arith.constant 0 : i32
        %dma_wait3A_1363 = arith.constant 0 : i32
        %dma_wait3A_1364 = tpu.memref_slice %arg5[%dma_wait3A_1361, %dma_wait3A_1362, %dma_wait3A_1363] : memref<2x5x40xi32, #tpu.memory_space<vmem>> -> memref<1x5x40xi32, #tpu.memory_space<vmem>>
        %dma_wait3A_1365 = tpu.memref_squeeze %dma_wait3A_1364 : memref<1x5x40xi32, #tpu.memory_space<vmem>> -> memref<5x40xi32, #tpu.memory_space<vmem>>
        %dma_wait3A_1366 = arith.constant 0 : i32
        %dma_wait3A_1367 = arith.constant 0 : i32
        %dma_wait3A_1368 = tpu.memref_slice %arg2[%dma_wait3A_1359, %add3A, %dma_wait3A_1360, %dma_wait3A_1366, %dma_wait3A_1367] : memref<2x32x50x5x40xi32, #tpu.memory_space<hbm>> -> memref<1x1x1x5x40xi32, #tpu.memory_space<hbm>>
        %dma_wait3A_1369 = tpu.memref_squeeze %dma_wait3A_1368 : memref<1x1x1x5x40xi32, #tpu.memory_space<hbm>> -> memref<5x40xi32, #tpu.memory_space<hbm>>
        %dma_wait3A_1370 = arith.constant 0 : i32
        %dma_wait3A_1371 = arith.constant 0 : i32
        %dma_wait3A_1372 = tpu.memref_slice %arg5[%dma_wait3A_1361, %dma_wait3A_1370, %dma_wait3A_1371] : memref<2x5x40xi32, #tpu.memory_space<vmem>> -> memref<1x5x40xi32, #tpu.memory_space<vmem>>
        %dma_wait3A_1373 = tpu.memref_squeeze %dma_wait3A_1372 : memref<1x5x40xi32, #tpu.memory_space<vmem>> -> memref<5x40xi32, #tpu.memory_space<vmem>>
        %dma_wait3A_1374 = arith.constant 0 : i32
        %dma_wait3A_1375 = arith.constant 0 : i32
        %dma_wait3A_1376 = tpu.memref_slice %arg2[%dma_wait3A_1359, %add3A, %dma_wait3A_1360, %dma_wait3A_1374, %dma_wait3A_1375] : memref<2x32x50x5x40xi32, #tpu.memory_space<hbm>> -> memref<1x1x1x5x40xi32, #tpu.memory_space<hbm>>
        %dma_wait3A_1377 = tpu.memref_squeeze %dma_wait3A_1376 : memref<1x1x1x5x40xi32, #tpu.memory_space<hbm>> -> memref<5x40xi32, #tpu.memory_space<hbm>>
        tpu.wait_dma2 semaphore(%arg19 : memref<!tpu.dma_semaphore, #tpu.memory_space<semaphore_mem>>) src(%dma_wait3A_1377 : memref<5x40xi32, #tpu.memory_space<hbm>>) dst(%dma_wait3A_1373 : memref<5x40xi32, #tpu.memory_space<vmem>>)
        %dma_wait3A_1378 = arith.constant 1 : i32
        %dma_wait3A_1379 = arith.constant 0 : i32
        %dma_wait3A_1380 = arith.constant 1 : i32
        %dma_wait3A_1381 = arith.constant 0 : i32
        %dma_wait3A_1382 = arith.constant 0 : i32
        %dma_wait3A_1383 = tpu.memref_slice %arg5[%dma_wait3A_1380, %dma_wait3A_1381, %dma_wait3A_1382] : memref<2x5x40xi32, #tpu.memory_space<vmem>> -> memref<1x5x40xi32, #tpu.memory_space<vmem>>
        %dma_wait3A_1384 = tpu.memref_squeeze %dma_wait3A_1383 : memref<1x5x40xi32, #tpu.memory_space<vmem>> -> memref<5x40xi32, #tpu.memory_space<vmem>>
        %dma_wait3A_1385 = arith.constant 0 : i32
        %dma_wait3A_1386 = arith.constant 0 : i32
        %dma_wait3A_1387 = tpu.memref_slice %arg2[%dma_wait3A_1378, %add3A, %dma_wait3A_1379, %dma_wait3A_1385, %dma_wait3A_1386] : memref<2x32x50x5x40xi32, #tpu.memory_space<hbm>> -> memref<1x1x1x5x40xi32, #tpu.memory_space<hbm>>
        %dma_wait3A_1388 = tpu.memref_squeeze %dma_wait3A_1387 : memref<1x1x1x5x40xi32, #tpu.memory_space<hbm>> -> memref<5x40xi32, #tpu.memory_space<hbm>>
        %dma_wait3A_1389 = arith.constant 0 : i32
        %dma_wait3A_1390 = arith.constant 0 : i32
        %dma_wait3A_1391 = tpu.memref_slice %arg5[%dma_wait3A_1380, %dma_wait3A_1389, %dma_wait3A_1390] : memref<2x5x40xi32, #tpu.memory_space<vmem>> -> memref<1x5x40xi32, #tpu.memory_space<vmem>>
        %dma_wait3A_1392 = tpu.memref_squeeze %dma_wait3A_1391 : memref<1x5x40xi32, #tpu.memory_space<vmem>> -> memref<5x40xi32, #tpu.memory_space<vmem>>
        %dma_wait3A_1393 = arith.constant 0 : i32
        %dma_wait3A_1394 = arith.constant 0 : i32
        %dma_wait3A_1395 = tpu.memref_slice %arg2[%dma_wait3A_1378, %add3A, %dma_wait3A_1379, %dma_wait3A_1393, %dma_wait3A_1394] : memref<2x32x50x5x40xi32, #tpu.memory_space<hbm>> -> memref<1x1x1x5x40xi32, #tpu.memory_space<hbm>>
        %dma_wait3A_1396 = tpu.memref_squeeze %dma_wait3A_1395 : memref<1x1x1x5x40xi32, #tpu.memory_space<hbm>> -> memref<5x40xi32, #tpu.memory_space<hbm>>
        tpu.wait_dma2 semaphore(%arg19 : memref<!tpu.dma_semaphore, #tpu.memory_space<semaphore_mem>>) src(%dma_wait3A_1396 : memref<5x40xi32, #tpu.memory_space<hbm>>) dst(%dma_wait3A_1392 : memref<5x40xi32, #tpu.memory_space<vmem>>)
      } else {
      }
      %dma_wait3A_1264 = arith.constant 0 : i32
      %dma_wait3A_1265 = arith.constant 1 : i32
      %dma_wait3A_1266 = arith.constant 0 : i32
      %dma_wait3A_1267 = arith.constant 0 : i32
      %dma_wait3A_1268 = arith.constant 0 : i32
      %dma_wait3A_1269 = tpu.memref_slice %arg7[%dma_wait3A_1264, %dma_wait3A_1267, %dma_wait3A_1268] : memref<5x40x128xf32, #tpu.memory_space<vmem>> -> memref<1x40x128xf32, #tpu.memory_space<vmem>>
      %dma_wait3A_1270 = tpu.memref_squeeze %dma_wait3A_1269 : memref<1x40x128xf32, #tpu.memory_space<vmem>> -> memref<40x128xf32, #tpu.memory_space<vmem>>
      %dma_wait3A_1271 = arith.constant 0 : i32
      %dma_wait3A_1272 = tpu.memref_slice %arg6[%dma_wait3A_1265, %dma_wait3A_1266, %dma_wait3A_1271] : memref<2x5x40xi32, #tpu.memory_space<vmem>> -> memref<1x1x40xi32, #tpu.memory_space<vmem>>
      %dma_wait3A_1273 = tpu.memref_squeeze %dma_wait3A_1272 : memref<1x1x40xi32, #tpu.memory_space<vmem>> -> memref<40xi32, #tpu.memory_space<vmem>>
      %dma_wait3A_1274 = arith.constant 0 : i32
      %dma_wait3A_1275 = arith.constant 0 : i32
      %dma_wait3A_1276 = tpu.memref_slice %arg8[%dma_wait3A_1274, %dma_wait3A_1275] : memref<10240x128xf32, #tpu.memory_space<vmem_shared>> -> memref<10240x128xf32, #tpu.memory_space<vmem_shared>>
      tpu.wait_indirect_dma semaphore(%arg14 : memref<!tpu.dma_semaphore, #tpu.memory_space<semaphore_mem>>) src(%dma_wait3A_1270 : memref<40x128xf32, #tpu.memory_space<vmem>>) dst(%dma_wait3A_1276 : memref<10240x128xf32, #tpu.memory_space<vmem_shared>>)
      %lt3A_1277 = arith.constant 24 : i32
      %lt3A_1278 = arith.cmpi slt, %scan3A_828, %lt3A_1277 : i32
      %convert_element_type3A_1279 = arith.extui %lt3A_1278 : i1 to i32
      %cond3A_1280 = arith.constant 0 : i32
      %cond3A_1281 = arith.cmpi ne, %convert_element_type3A_1279, %cond3A_1280 : i32
      scf.if %cond3A_1281 {
        %dma_start3A_1359 = arith.constant 0 : i32
        %dma_start3A_1360 = arith.constant 0 : i32
        %dma_start3A_1361 = arith.constant 0 : i32
        %dma_start3A_1362 = arith.constant 0 : i32
        %dma_start3A_1363 = arith.constant 0 : i32
        %dma_start3A_1364 = tpu.memref_slice %arg7[%dma_start3A_1361, %dma_start3A_1362, %dma_start3A_1363] : memref<5x40x128xf32, #tpu.memory_space<vmem>> -> memref<1x40x128xf32, #tpu.memory_space<vmem>>
        %dma_start3A_1365 = tpu.memref_squeeze %dma_start3A_1364 : memref<1x40x128xf32, #tpu.memory_space<vmem>> -> memref<40x128xf32, #tpu.memory_space<vmem>>
        %dma_start3A_1366 = arith.constant 0 : i32
        %dma_start3A_1367 = tpu.memref_slice %arg5[%dma_start3A_1359, %dma_start3A_1360, %dma_start3A_1366] : memref<2x5x40xi32, #tpu.memory_space<vmem>> -> memref<1x1x40xi32, #tpu.memory_space<vmem>>
        %dma_start3A_1368 = tpu.memref_squeeze %dma_start3A_1367 : memref<1x1x40xi32, #tpu.memory_space<vmem>> -> memref<40xi32, #tpu.memory_space<vmem>>
        %dma_start3A_1369 = arith.constant 0 : i32
        %dma_start3A_1370 = arith.constant 0 : i32
        %dma_start3A_1371 = tpu.memref_slice %arg3[%dma_start3A_1369, %dma_start3A_1370] : memref<10000x128xf32, #tpu.memory_space<hbm>> -> memref<10000x128xf32, #tpu.memory_space<hbm>>
        tpu.enqueue_indirect_dma source(%dma_start3A_1371 : memref<10000x128xf32, #tpu.memory_space<hbm>>) target(%dma_start3A_1365 : memref<40x128xf32, #tpu.memory_space<vmem>>) offsets(%dma_start3A_1368 : memref<40xi32, #tpu.memory_space<vmem>>) semaphore(%arg9 : memref<!tpu.dma_semaphore, #tpu.memory_space<semaphore_mem>>)
      } else {
      }
      %dma_wait3A_1282 = arith.constant 1 : i32
      %dma_wait3A_1283 = arith.constant 1 : i32
      %dma_wait3A_1284 = arith.constant 1 : i32
      %dma_wait3A_1285 = arith.constant 0 : i32
      %dma_wait3A_1286 = arith.constant 0 : i32
      %dma_wait3A_1287 = tpu.memref_slice %arg7[%dma_wait3A_1282, %dma_wait3A_1285, %dma_wait3A_1286] : memref<5x40x128xf32, #tpu.memory_space<vmem>> -> memref<1x40x128xf32, #tpu.memory_space<vmem>>
      %dma_wait3A_1288 = tpu.memref_squeeze %dma_wait3A_1287 : memref<1x40x128xf32, #tpu.memory_space<vmem>> -> memref<40x128xf32, #tpu.memory_space<vmem>>
      %dma_wait3A_1289 = arith.constant 0 : i32
      %dma_wait3A_1290 = tpu.memref_slice %arg6[%dma_wait3A_1283, %dma_wait3A_1284, %dma_wait3A_1289] : memref<2x5x40xi32, #tpu.memory_space<vmem>> -> memref<1x1x40xi32, #tpu.memory_space<vmem>>
      %dma_wait3A_1291 = tpu.memref_squeeze %dma_wait3A_1290 : memref<1x1x40xi32, #tpu.memory_space<vmem>> -> memref<40xi32, #tpu.memory_space<vmem>>
      %dma_wait3A_1292 = arith.constant 0 : i32
      %dma_wait3A_1293 = arith.constant 0 : i32
      %dma_wait3A_1294 = tpu.memref_slice %arg8[%dma_wait3A_1292, %dma_wait3A_1293] : memref<10240x128xf32, #tpu.memory_space<vmem_shared>> -> memref<10240x128xf32, #tpu.memory_space<vmem_shared>>
      tpu.wait_indirect_dma semaphore(%arg15 : memref<!tpu.dma_semaphore, #tpu.memory_space<semaphore_mem>>) src(%dma_wait3A_1288 : memref<40x128xf32, #tpu.memory_space<vmem>>) dst(%dma_wait3A_1294 : memref<10240x128xf32, #tpu.memory_space<vmem_shared>>)
      %lt3A_1295 = arith.constant 24 : i32
      %lt3A_1296 = arith.cmpi slt, %scan3A_828, %lt3A_1295 : i32
      %convert_element_type3A_1297 = arith.extui %lt3A_1296 : i1 to i32
      %cond3A_1298 = arith.constant 0 : i32
      %cond3A_1299 = arith.cmpi ne, %convert_element_type3A_1297, %cond3A_1298 : i32
      scf.if %cond3A_1299 {
        %dma_start3A_1359 = arith.constant 0 : i32
        %dma_start3A_1360 = arith.constant 1 : i32
        %dma_start3A_1361 = arith.constant 1 : i32
        %dma_start3A_1362 = arith.constant 0 : i32
        %dma_start3A_1363 = arith.constant 0 : i32
        %dma_start3A_1364 = tpu.memref_slice %arg7[%dma_start3A_1361, %dma_start3A_1362, %dma_start3A_1363] : memref<5x40x128xf32, #tpu.memory_space<vmem>> -> memref<1x40x128xf32, #tpu.memory_space<vmem>>
        %dma_start3A_1365 = tpu.memref_squeeze %dma_start3A_1364 : memref<1x40x128xf32, #tpu.memory_space<vmem>> -> memref<40x128xf32, #tpu.memory_space<vmem>>
        %dma_start3A_1366 = arith.constant 0 : i32
        %dma_start3A_1367 = tpu.memref_slice %arg5[%dma_start3A_1359, %dma_start3A_1360, %dma_start3A_1366] : memref<2x5x40xi32, #tpu.memory_space<vmem>> -> memref<1x1x40xi32, #tpu.memory_space<vmem>>
        %dma_start3A_1368 = tpu.memref_squeeze %dma_start3A_1367 : memref<1x1x40xi32, #tpu.memory_space<vmem>> -> memref<40xi32, #tpu.memory_space<vmem>>
        %dma_start3A_1369 = arith.constant 0 : i32
        %dma_start3A_1370 = arith.constant 0 : i32
        %dma_start3A_1371 = tpu.memref_slice %arg3[%dma_start3A_1369, %dma_start3A_1370] : memref<10000x128xf32, #tpu.memory_space<hbm>> -> memref<10000x128xf32, #tpu.memory_space<hbm>>
        tpu.enqueue_indirect_dma source(%dma_start3A_1371 : memref<10000x128xf32, #tpu.memory_space<hbm>>) target(%dma_start3A_1365 : memref<40x128xf32, #tpu.memory_space<vmem>>) offsets(%dma_start3A_1368 : memref<40xi32, #tpu.memory_space<vmem>>) semaphore(%arg10 : memref<!tpu.dma_semaphore, #tpu.memory_space<semaphore_mem>>)
      } else {
      }
      %dma_wait3A_1300 = arith.constant 2 : i32
      %dma_wait3A_1301 = arith.constant 1 : i32
      %dma_wait3A_1302 = arith.constant 2 : i32
      %dma_wait3A_1303 = arith.constant 0 : i32
      %dma_wait3A_1304 = arith.constant 0 : i32
      %dma_wait3A_1305 = tpu.memref_slice %arg7[%dma_wait3A_1300, %dma_wait3A_1303, %dma_wait3A_1304] : memref<5x40x128xf32, #tpu.memory_space<vmem>> -> memref<1x40x128xf32, #tpu.memory_space<vmem>>
      %dma_wait3A_1306 = tpu.memref_squeeze %dma_wait3A_1305 : memref<1x40x128xf32, #tpu.memory_space<vmem>> -> memref<40x128xf32, #tpu.memory_space<vmem>>
      %dma_wait3A_1307 = arith.constant 0 : i32
      %dma_wait3A_1308 = tpu.memref_slice %arg6[%dma_wait3A_1301, %dma_wait3A_1302, %dma_wait3A_1307] : memref<2x5x40xi32, #tpu.memory_space<vmem>> -> memref<1x1x40xi32, #tpu.memory_space<vmem>>
      %dma_wait3A_1309 = tpu.memref_squeeze %dma_wait3A_1308 : memref<1x1x40xi32, #tpu.memory_space<vmem>> -> memref<40xi32, #tpu.memory_space<vmem>>
      %dma_wait3A_1310 = arith.constant 0 : i32
      %dma_wait3A_1311 = arith.constant 0 : i32
      %dma_wait3A_1312 = tpu.memref_slice %arg8[%dma_wait3A_1310, %dma_wait3A_1311] : memref<10240x128xf32, #tpu.memory_space<vmem_shared>> -> memref<10240x128xf32, #tpu.memory_space<vmem_shared>>
      tpu.wait_indirect_dma semaphore(%arg16 : memref<!tpu.dma_semaphore, #tpu.memory_space<semaphore_mem>>) src(%dma_wait3A_1306 : memref<40x128xf32, #tpu.memory_space<vmem>>) dst(%dma_wait3A_1312 : memref<10240x128xf32, #tpu.memory_space<vmem_shared>>)
      %lt3A_1313 = arith.constant 24 : i32
      %lt3A_1314 = arith.cmpi slt, %scan3A_828, %lt3A_1313 : i32
      %convert_element_type3A_1315 = arith.extui %lt3A_1314 : i1 to i32
      %cond3A_1316 = arith.constant 0 : i32
      %cond3A_1317 = arith.cmpi ne, %convert_element_type3A_1315, %cond3A_1316 : i32
      scf.if %cond3A_1317 {
        %dma_start3A_1359 = arith.constant 0 : i32
        %dma_start3A_1360 = arith.constant 2 : i32
        %dma_start3A_1361 = arith.constant 2 : i32
        %dma_start3A_1362 = arith.constant 0 : i32
        %dma_start3A_1363 = arith.constant 0 : i32
        %dma_start3A_1364 = tpu.memref_slice %arg7[%dma_start3A_1361, %dma_start3A_1362, %dma_start3A_1363] : memref<5x40x128xf32, #tpu.memory_space<vmem>> -> memref<1x40x128xf32, #tpu.memory_space<vmem>>
        %dma_start3A_1365 = tpu.memref_squeeze %dma_start3A_1364 : memref<1x40x128xf32, #tpu.memory_space<vmem>> -> memref<40x128xf32, #tpu.memory_space<vmem>>
        %dma_start3A_1366 = arith.constant 0 : i32
        %dma_start3A_1367 = tpu.memref_slice %arg5[%dma_start3A_1359, %dma_start3A_1360, %dma_start3A_1366] : memref<2x5x40xi32, #tpu.memory_space<vmem>> -> memref<1x1x40xi32, #tpu.memory_space<vmem>>
        %dma_start3A_1368 = tpu.memref_squeeze %dma_start3A_1367 : memref<1x1x40xi32, #tpu.memory_space<vmem>> -> memref<40xi32, #tpu.memory_space<vmem>>
        %dma_start3A_1369 = arith.constant 0 : i32
        %dma_start3A_1370 = arith.constant 0 : i32
        %dma_start3A_1371 = tpu.memref_slice %arg3[%dma_start3A_1369, %dma_start3A_1370] : memref<10000x128xf32, #tpu.memory_space<hbm>> -> memref<10000x128xf32, #tpu.memory_space<hbm>>
        tpu.enqueue_indirect_dma source(%dma_start3A_1371 : memref<10000x128xf32, #tpu.memory_space<hbm>>) target(%dma_start3A_1365 : memref<40x128xf32, #tpu.memory_space<vmem>>) offsets(%dma_start3A_1368 : memref<40xi32, #tpu.memory_space<vmem>>) semaphore(%arg11 : memref<!tpu.dma_semaphore, #tpu.memory_space<semaphore_mem>>)
      } else {
      }
      %dma_wait3A_1318 = arith.constant 3 : i32
      %dma_wait3A_1319 = arith.constant 1 : i32
      %dma_wait3A_1320 = arith.constant 3 : i32
      %dma_wait3A_1321 = arith.constant 0 : i32
      %dma_wait3A_1322 = arith.constant 0 : i32
      %dma_wait3A_1323 = tpu.memref_slice %arg7[%dma_wait3A_1318, %dma_wait3A_1321, %dma_wait3A_1322] : memref<5x40x128xf32, #tpu.memory_space<vmem>> -> memref<1x40x128xf32, #tpu.memory_space<vmem>>
      %dma_wait3A_1324 = tpu.memref_squeeze %dma_wait3A_1323 : memref<1x40x128xf32, #tpu.memory_space<vmem>> -> memref<40x128xf32, #tpu.memory_space<vmem>>
      %dma_wait3A_1325 = arith.constant 0 : i32
      %dma_wait3A_1326 = tpu.memref_slice %arg6[%dma_wait3A_1319, %dma_wait3A_1320, %dma_wait3A_1325] : memref<2x5x40xi32, #tpu.memory_space<vmem>> -> memref<1x1x40xi32, #tpu.memory_space<vmem>>
      %dma_wait3A_1327 = tpu.memref_squeeze %dma_wait3A_1326 : memref<1x1x40xi32, #tpu.memory_space<vmem>> -> memref<40xi32, #tpu.memory_space<vmem>>
      %dma_wait3A_1328 = arith.constant 0 : i32
      %dma_wait3A_1329 = arith.constant 0 : i32
      %dma_wait3A_1330 = tpu.memref_slice %arg8[%dma_wait3A_1328, %dma_wait3A_1329] : memref<10240x128xf32, #tpu.memory_space<vmem_shared>> -> memref<10240x128xf32, #tpu.memory_space<vmem_shared>>
      tpu.wait_indirect_dma semaphore(%arg17 : memref<!tpu.dma_semaphore, #tpu.memory_space<semaphore_mem>>) src(%dma_wait3A_1324 : memref<40x128xf32, #tpu.memory_space<vmem>>) dst(%dma_wait3A_1330 : memref<10240x128xf32, #tpu.memory_space<vmem_shared>>)
      %lt3A_1331 = arith.constant 24 : i32
      %lt3A_1332 = arith.cmpi slt, %scan3A_828, %lt3A_1331 : i32
      %convert_element_type3A_1333 = arith.extui %lt3A_1332 : i1 to i32
      %cond3A_1334 = arith.constant 0 : i32
      %cond3A_1335 = arith.cmpi ne, %convert_element_type3A_1333, %cond3A_1334 : i32
      scf.if %cond3A_1335 {
        %dma_start3A_1359 = arith.constant 0 : i32
        %dma_start3A_1360 = arith.constant 3 : i32
        %dma_start3A_1361 = arith.constant 3 : i32
        %dma_start3A_1362 = arith.constant 0 : i32
        %dma_start3A_1363 = arith.constant 0 : i32
        %dma_start3A_1364 = tpu.memref_slice %arg7[%dma_start3A_1361, %dma_start3A_1362, %dma_start3A_1363] : memref<5x40x128xf32, #tpu.memory_space<vmem>> -> memref<1x40x128xf32, #tpu.memory_space<vmem>>
        %dma_start3A_1365 = tpu.memref_squeeze %dma_start3A_1364 : memref<1x40x128xf32, #tpu.memory_space<vmem>> -> memref<40x128xf32, #tpu.memory_space<vmem>>
        %dma_start3A_1366 = arith.constant 0 : i32
        %dma_start3A_1367 = tpu.memref_slice %arg5[%dma_start3A_1359, %dma_start3A_1360, %dma_start3A_1366] : memref<2x5x40xi32, #tpu.memory_space<vmem>> -> memref<1x1x40xi32, #tpu.memory_space<vmem>>
        %dma_start3A_1368 = tpu.memref_squeeze %dma_start3A_1367 : memref<1x1x40xi32, #tpu.memory_space<vmem>> -> memref<40xi32, #tpu.memory_space<vmem>>
        %dma_start3A_1369 = arith.constant 0 : i32
        %dma_start3A_1370 = arith.constant 0 : i32
        %dma_start3A_1371 = tpu.memref_slice %arg3[%dma_start3A_1369, %dma_start3A_1370] : memref<10000x128xf32, #tpu.memory_space<hbm>> -> memref<10000x128xf32, #tpu.memory_space<hbm>>
        tpu.enqueue_indirect_dma source(%dma_start3A_1371 : memref<10000x128xf32, #tpu.memory_space<hbm>>) target(%dma_start3A_1365 : memref<40x128xf32, #tpu.memory_space<vmem>>) offsets(%dma_start3A_1368 : memref<40xi32, #tpu.memory_space<vmem>>) semaphore(%arg12 : memref<!tpu.dma_semaphore, #tpu.memory_space<semaphore_mem>>)
      } else {
      }
      %dma_wait3A_1336 = arith.constant 4 : i32
      %dma_wait3A_1337 = arith.constant 1 : i32
      %dma_wait3A_1338 = arith.constant 4 : i32
      %dma_wait3A_1339 = arith.constant 0 : i32
      %dma_wait3A_1340 = arith.constant 0 : i32
      %dma_wait3A_1341 = tpu.memref_slice %arg7[%dma_wait3A_1336, %dma_wait3A_1339, %dma_wait3A_1340] : memref<5x40x128xf32, #tpu.memory_space<vmem>> -> memref<1x40x128xf32, #tpu.memory_space<vmem>>
      %dma_wait3A_1342 = tpu.memref_squeeze %dma_wait3A_1341 : memref<1x40x128xf32, #tpu.memory_space<vmem>> -> memref<40x128xf32, #tpu.memory_space<vmem>>
      %dma_wait3A_1343 = arith.constant 0 : i32
      %dma_wait3A_1344 = tpu.memref_slice %arg6[%dma_wait3A_1337, %dma_wait3A_1338, %dma_wait3A_1343] : memref<2x5x40xi32, #tpu.memory_space<vmem>> -> memref<1x1x40xi32, #tpu.memory_space<vmem>>
      %dma_wait3A_1345 = tpu.memref_squeeze %dma_wait3A_1344 : memref<1x1x40xi32, #tpu.memory_space<vmem>> -> memref<40xi32, #tpu.memory_space<vmem>>
      %dma_wait3A_1346 = arith.constant 0 : i32
      %dma_wait3A_1347 = arith.constant 0 : i32
      %dma_wait3A_1348 = tpu.memref_slice %arg8[%dma_wait3A_1346, %dma_wait3A_1347] : memref<10240x128xf32, #tpu.memory_space<vmem_shared>> -> memref<10240x128xf32, #tpu.memory_space<vmem_shared>>
      tpu.wait_indirect_dma semaphore(%arg18 : memref<!tpu.dma_semaphore, #tpu.memory_space<semaphore_mem>>) src(%dma_wait3A_1342 : memref<40x128xf32, #tpu.memory_space<vmem>>) dst(%dma_wait3A_1348 : memref<10240x128xf32, #tpu.memory_space<vmem_shared>>)
      %lt3A_1349 = arith.constant 24 : i32
      %lt3A_1350 = arith.cmpi slt, %scan3A_828, %lt3A_1349 : i32
      %convert_element_type3A_1351 = arith.extui %lt3A_1350 : i1 to i32
      %cond3A_1352 = arith.constant 0 : i32
      %cond3A_1353 = arith.cmpi ne, %convert_element_type3A_1351, %cond3A_1352 : i32
      scf.if %cond3A_1353 {
        %dma_start3A_1359 = arith.constant 0 : i32
        %dma_start3A_1360 = arith.constant 4 : i32
        %dma_start3A_1361 = arith.constant 4 : i32
        %dma_start3A_1362 = arith.constant 0 : i32
        %dma_start3A_1363 = arith.constant 0 : i32
        %dma_start3A_1364 = tpu.memref_slice %arg7[%dma_start3A_1361, %dma_start3A_1362, %dma_start3A_1363] : memref<5x40x128xf32, #tpu.memory_space<vmem>> -> memref<1x40x128xf32, #tpu.memory_space<vmem>>
        %dma_start3A_1365 = tpu.memref_squeeze %dma_start3A_1364 : memref<1x40x128xf32, #tpu.memory_space<vmem>> -> memref<40x128xf32, #tpu.memory_space<vmem>>
        %dma_start3A_1366 = arith.constant 0 : i32
        %dma_start3A_1367 = tpu.memref_slice %arg5[%dma_start3A_1359, %dma_start3A_1360, %dma_start3A_1366] : memref<2x5x40xi32, #tpu.memory_space<vmem>> -> memref<1x1x40xi32, #tpu.memory_space<vmem>>
        %dma_start3A_1368 = tpu.memref_squeeze %dma_start3A_1367 : memref<1x1x40xi32, #tpu.memory_space<vmem>> -> memref<40xi32, #tpu.memory_space<vmem>>
        %dma_start3A_1369 = arith.constant 0 : i32
        %dma_start3A_1370 = arith.constant 0 : i32
        %dma_start3A_1371 = tpu.memref_slice %arg3[%dma_start3A_1369, %dma_start3A_1370] : memref<10000x128xf32, #tpu.memory_space<hbm>> -> memref<10000x128xf32, #tpu.memory_space<hbm>>
        tpu.enqueue_indirect_dma source(%dma_start3A_1371 : memref<10000x128xf32, #tpu.memory_space<hbm>>) target(%dma_start3A_1365 : memref<40x128xf32, #tpu.memory_space<vmem>>) offsets(%dma_start3A_1368 : memref<40xi32, #tpu.memory_space<vmem>>) semaphore(%arg13 : memref<!tpu.dma_semaphore, #tpu.memory_space<semaphore_mem>>)
      } else {
      }
      %lt3A_1354 = arith.constant 24 : i32
      %lt3A_1355 = arith.cmpi slt, %scan3A_828, %lt3A_1354 : i32
      %convert_element_type3A_1356 = arith.extui %lt3A_1355 : i1 to i32
      %cond3A_1357 = arith.constant 0 : i32
      %cond3A_1358 = arith.cmpi ne, %convert_element_type3A_1356, %cond3A_1357 : i32
      scf.if %cond3A_1358 {
        %mul3A_1359 = arith.constant 2 : i32
        %mul3A_1360 = arith.muli %mul3A_1359, %scan3A_828 : i32
        %add3A_1361 = arith.constant 3 : i32
        %add3A_1362 = arith.addi %mul3A_1360, %add3A_1361 : i32
        %dma_start3A_1363 = arith.constant 0 : i32
        %dma_start3A_1364 = arith.constant 0 : i32
        %dma_start3A_1365 = arith.constant 0 : i32
        %dma_start3A_1366 = arith.constant 0 : i32
        %dma_start3A_1367 = tpu.memref_slice %arg6[%dma_start3A_1364, %dma_start3A_1365, %dma_start3A_1366] : memref<2x5x40xi32, #tpu.memory_space<vmem>> -> memref<1x5x40xi32, #tpu.memory_space<vmem>>
        %dma_start3A_1368 = tpu.memref_squeeze %dma_start3A_1367 : memref<1x5x40xi32, #tpu.memory_space<vmem>> -> memref<5x40xi32, #tpu.memory_space<vmem>>
        %dma_start3A_1369 = arith.constant 0 : i32
        %dma_start3A_1370 = arith.constant 0 : i32
        %dma_start3A_1371 = tpu.memref_slice %arg2[%dma_start3A_1363, %add3A, %add3A_1362, %dma_start3A_1369, %dma_start3A_1370] : memref<2x32x50x5x40xi32, #tpu.memory_space<hbm>> -> memref<1x1x1x5x40xi32, #tpu.memory_space<hbm>>
        %dma_start3A_1372 = tpu.memref_squeeze %dma_start3A_1371 : memref<1x1x1x5x40xi32, #tpu.memory_space<hbm>> -> memref<5x40xi32, #tpu.memory_space<hbm>>
        %dma_start3A_1373 = arith.constant 0 : i32
        %dma_start3A_1374 = arith.constant 0 : i32
        %dma_start3A_1375 = tpu.memref_slice %arg6[%dma_start3A_1364, %dma_start3A_1373, %dma_start3A_1374] : memref<2x5x40xi32, #tpu.memory_space<vmem>> -> memref<1x5x40xi32, #tpu.memory_space<vmem>>
        %dma_start3A_1376 = tpu.memref_squeeze %dma_start3A_1375 : memref<1x5x40xi32, #tpu.memory_space<vmem>> -> memref<5x40xi32, #tpu.memory_space<vmem>>
        %dma_start3A_1377 = arith.constant 0 : i32
        %dma_start3A_1378 = arith.constant 0 : i32
        %dma_start3A_1379 = tpu.memref_slice %arg2[%dma_start3A_1363, %add3A, %add3A_1362, %dma_start3A_1377, %dma_start3A_1378] : memref<2x32x50x5x40xi32, #tpu.memory_space<hbm>> -> memref<1x1x1x5x40xi32, #tpu.memory_space<hbm>>
        %dma_start3A_1380 = tpu.memref_squeeze %dma_start3A_1379 : memref<1x1x1x5x40xi32, #tpu.memory_space<hbm>> -> memref<5x40xi32, #tpu.memory_space<hbm>>
        tpu.enqueue_dma source(%dma_start3A_1380 : memref<5x40xi32, #tpu.memory_space<hbm>>) target(%dma_start3A_1376 : memref<5x40xi32, #tpu.memory_space<vmem>>) target_semaphore(%arg20 : memref<!tpu.dma_semaphore, #tpu.memory_space<semaphore_mem>>)
        %dma_start3A_1381 = arith.constant 1 : i32
        %dma_start3A_1382 = arith.constant 1 : i32
        %dma_start3A_1383 = arith.constant 0 : i32
        %dma_start3A_1384 = arith.constant 0 : i32
        %dma_start3A_1385 = tpu.memref_slice %arg6[%dma_start3A_1382, %dma_start3A_1383, %dma_start3A_1384] : memref<2x5x40xi32, #tpu.memory_space<vmem>> -> memref<1x5x40xi32, #tpu.memory_space<vmem>>
        %dma_start3A_1386 = tpu.memref_squeeze %dma_start3A_1385 : memref<1x5x40xi32, #tpu.memory_space<vmem>> -> memref<5x40xi32, #tpu.memory_space<vmem>>
        %dma_start3A_1387 = arith.constant 0 : i32
        %dma_start3A_1388 = arith.constant 0 : i32
        %dma_start3A_1389 = tpu.memref_slice %arg2[%dma_start3A_1381, %add3A, %add3A_1362, %dma_start3A_1387, %dma_start3A_1388] : memref<2x32x50x5x40xi32, #tpu.memory_space<hbm>> -> memref<1x1x1x5x40xi32, #tpu.memory_space<hbm>>
        %dma_start3A_1390 = tpu.memref_squeeze %dma_start3A_1389 : memref<1x1x1x5x40xi32, #tpu.memory_space<hbm>> -> memref<5x40xi32, #tpu.memory_space<hbm>>
        %dma_start3A_1391 = arith.constant 0 : i32
        %dma_start3A_1392 = arith.constant 0 : i32
        %dma_start3A_1393 = tpu.memref_slice %arg6[%dma_start3A_1382, %dma_start3A_1391, %dma_start3A_1392] : memref<2x5x40xi32, #tpu.memory_space<vmem>> -> memref<1x5x40xi32, #tpu.memory_space<vmem>>
        %dma_start3A_1394 = tpu.memref_squeeze %dma_start3A_1393 : memref<1x5x40xi32, #tpu.memory_space<vmem>> -> memref<5x40xi32, #tpu.memory_space<vmem>>
        %dma_start3A_1395 = arith.constant 0 : i32
        %dma_start3A_1396 = arith.constant 0 : i32
        %dma_start3A_1397 = tpu.memref_slice %arg2[%dma_start3A_1381, %add3A, %add3A_1362, %dma_start3A_1395, %dma_start3A_1396] : memref<2x32x50x5x40xi32, #tpu.memory_space<hbm>> -> memref<1x1x1x5x40xi32, #tpu.memory_space<hbm>>
        %dma_start3A_1398 = tpu.memref_squeeze %dma_start3A_1397 : memref<1x1x1x5x40xi32, #tpu.memory_space<hbm>> -> memref<5x40xi32, #tpu.memory_space<hbm>>
        tpu.enqueue_dma source(%dma_start3A_1398 : memref<5x40xi32, #tpu.memory_space<hbm>>) target(%dma_start3A_1394 : memref<5x40xi32, #tpu.memory_space<vmem>>) target_semaphore(%arg20 : memref<!tpu.dma_semaphore, #tpu.memory_space<semaphore_mem>>)
      } else {
      }
    }
    %scan3A_826 = arith.constant 25 : i32
    %barrier3A_827 = arith.constant 0 : index
    tpu.barrier barrier_id(%barrier3A_827)
    "tpu.region"() ({
      %run_scoped3A = tpu.sem_alloc : memref<!tpu.dma_semaphore, #tpu.memory_space<semaphore_mem>>
      %dma_start3A_828 = arith.constant 0 : i32
      %dma_start3A_829 = tpu.memref_slice %arg4[%arg0, %mul3A_2, %dma_start3A_828] : memref<2x10240x128xf32, #tpu.memory_space<hbm>> -> memref<1x640x128xf32, #tpu.memory_space<hbm>>
      %dma_start3A_830 = tpu.memref_squeeze %dma_start3A_829 : memref<1x640x128xf32, #tpu.memory_space<hbm>> -> memref<640x128xf32, #tpu.memory_space<hbm>>
      %dma_start3A_831 = arith.constant 0 : i32
      %dma_start3A_832 = tpu.memref_slice %arg8[%mul3A_2, %dma_start3A_831] : memref<10240x128xf32, #tpu.memory_space<vmem_shared>> -> memref<640x128xf32, #tpu.memory_space<vmem_shared>>
      tpu.enqueue_dma source(%dma_start3A_832 : memref<640x128xf32, #tpu.memory_space<vmem_shared>>) target(%dma_start3A_830 : memref<640x128xf32, #tpu.memory_space<hbm>>) target_semaphore(%run_scoped3A : memref<!tpu.dma_semaphore, #tpu.memory_space<semaphore_mem>>)
      %dma_wait3A_833 = arith.constant 0 : i32
      %dma_wait3A_834 = tpu.memref_slice %arg4[%arg0, %mul3A_2, %dma_wait3A_833] : memref<2x10240x128xf32, #tpu.memory_space<hbm>> -> memref<1x640x128xf32, #tpu.memory_space<hbm>>
      %dma_wait3A_835 = tpu.memref_squeeze %dma_wait3A_834 : memref<1x640x128xf32, #tpu.memory_space<hbm>> -> memref<640x128xf32, #tpu.memory_space<hbm>>
      %dma_wait3A_836 = arith.constant 0 : i32
      %dma_wait3A_837 = tpu.memref_slice %arg8[%mul3A_2, %dma_wait3A_836] : memref<10240x128xf32, #tpu.memory_space<vmem_shared>> -> memref<640x128xf32, #tpu.memory_space<vmem_shared>>
      tpu.wait_dma2 semaphore(%run_scoped3A : memref<!tpu.dma_semaphore, #tpu.memory_space<semaphore_mem>>) src(%dma_wait3A_837 : memref<640x128xf32, #tpu.memory_space<vmem_shared>>) dst(%dma_wait3A_835 : memref<640x128xf32, #tpu.memory_space<hbm>>)
      tpu.yield
    }) : () -> ()
    return
  }
}

#map = affine_map<(d0, d1) -> (0, 0, 0, 0, 0)>
#map1 = affine_map<(d0, d1) -> (0, 0)>
module attributes {stable_mosaic.version = 14 : i64} {
  func.func @_sc_degree(%arg0: i32, %arg1: i32, %arg2: memref<2x32x50x5x40xi32, #tpu.memory_space<hbm>>, %arg3: memref<2x10240xf32, #tpu.memory_space<hbm>>, %arg4: memref<50x5x40xi32, #tpu.memory_space<vmem>>, %arg5: memref<48xf32, #tpu.memory_space<vmem>>, %arg6: memref<640xf32, #tpu.memory_space<vmem>>, %arg7: memref<10240xf32, #tpu.memory_space<vmem_shared>>, %arg8: memref<!tpu.dma_semaphore, #tpu.memory_space<semaphore_mem>>) attributes {dimension_semantics = [#tpu.dimension_semantics<core_parallel>, #tpu.dimension_semantics<subcore_parallel>], iteration_bounds = array<i64: 2, 16>, scalar_prefetch = 0 : i64, scratch_operands = 5 : i64, tpu.core_type = #tpu.core_type<sc_vector_subcore>, window_params = [{transform_indices = #map}, {transform_indices = #map1}]} {
    %mul3A = arith.constant 2 : i32
    %mul3A_0 = arith.muli %arg1, %mul3A : i32
    %add3A = arith.addi %mul3A_0, %arg0 : i32
    %broadcast_in_dim3A = arith.constant 1.000000e+00 : f32
    %broadcast_in_dim3A_1 = vector.broadcast %broadcast_in_dim3A : f32 to vector<16xf32>
    %swap3A = arith.constant 0 : index
    %swap3A_2 = tpu.vector_load %arg5[%swap3A] {strides = array<i32>} : memref<48xf32, #tpu.memory_space<vmem>>, vector<16xf32>,
    %swap3A_3 = vector.shape_cast %swap3A_2 : vector<16xf32> to vector<16xf32>
    %swap3A_4 = vector.shape_cast %broadcast_in_dim3A_1 : vector<16xf32> to vector<16xf32>
    tpu.vector_store %arg5[%swap3A], %swap3A_4 {strides = array<i32>} : memref<48xf32, #tpu.memory_space<vmem>>, vector<16xf32>,
    %broadcast_in_dim3A_5 = arith.constant 1.000000e+00 : f32
    %broadcast_in_dim3A_6 = vector.broadcast %broadcast_in_dim3A_5 : f32 to vector<16xf32>
    %swap3A_7 = arith.constant 16 : index
    %swap3A_8 = tpu.vector_load %arg5[%swap3A_7] {strides = array<i32>} : memref<48xf32, #tpu.memory_space<vmem>>, vector<16xf32>,
    %swap3A_9 = vector.shape_cast %swap3A_8 : vector<16xf32> to vector<16xf32>
    %swap3A_10 = vector.shape_cast %broadcast_in_dim3A_6 : vector<16xf32> to vector<16xf32>
    tpu.vector_store %arg5[%swap3A_7], %swap3A_10 {strides = array<i32>} : memref<48xf32, #tpu.memory_space<vmem>>, vector<16xf32>,
    %broadcast_in_dim3A_11 = arith.constant 1.000000e+00 : f32
    %broadcast_in_dim3A_12 = vector.broadcast %broadcast_in_dim3A_11 : f32 to vector<16xf32>
    %swap3A_13 = arith.constant 32 : index
    %swap3A_14 = tpu.vector_load %arg5[%swap3A_13] {strides = array<i32>} : memref<48xf32, #tpu.memory_space<vmem>>, vector<16xf32>,
    %swap3A_15 = vector.shape_cast %swap3A_14 : vector<16xf32> to vector<16xf32>
    %swap3A_16 = vector.shape_cast %broadcast_in_dim3A_12 : vector<16xf32> to vector<16xf32>
    tpu.vector_store %arg5[%swap3A_13], %swap3A_16 {strides = array<i32>} : memref<48xf32, #tpu.memory_space<vmem>>, vector<16xf32>,
    %broadcast_in_dim3A_17 = arith.constant 0.000000e+00 : f32
    %broadcast_in_dim3A_18 = vector.broadcast %broadcast_in_dim3A_17 : f32 to vector<16xf32>
    %swap3A_19 = arith.constant 0 : index
    %swap3A_20 = tpu.vector_load %arg6[%swap3A_19] {strides = array<i32>} : memref<640xf32, #tpu.memory_space<vmem>>, vector<16xf32>,
    %swap3A_21 = vector.shape_cast %swap3A_20 : vector<16xf32> to vector<16xf32>
    %swap3A_22 = vector.shape_cast %broadcast_in_dim3A_18 : vector<16xf32> to vector<16xf32>
    tpu.vector_store %arg6[%swap3A_19], %swap3A_22 {strides = array<i32>} : memref<640xf32, #tpu.memory_space<vmem>>, vector<16xf32>,
    %broadcast_in_dim3A_23 = arith.constant 0.000000e+00 : f32
    %broadcast_in_dim3A_24 = vector.broadcast %broadcast_in_dim3A_23 : f32 to vector<16xf32>
    %swap3A_25 = arith.constant 16 : index
    %swap3A_26 = tpu.vector_load %arg6[%swap3A_25] {strides = array<i32>} : memref<640xf32, #tpu.memory_space<vmem>>, vector<16xf32>,
    %swap3A_27 = vector.shape_cast %swap3A_26 : vector<16xf32> to vector<16xf32>
    %swap3A_28 = vector.shape_cast %broadcast_in_dim3A_24 : vector<16xf32> to vector<16xf32>
    tpu.vector_store %arg6[%swap3A_25], %swap3A_28 {strides = array<i32>} : memref<640xf32, #tpu.memory_space<vmem>>, vector<16xf32>,
    %broadcast_in_dim3A_29 = arith.constant 0.000000e+00 : f32
    %broadcast_in_dim3A_30 = vector.broadcast %broadcast_in_dim3A_29 : f32 to vector<16xf32>
    %swap3A_31 = arith.constant 32 : index
    %swap3A_32 = tpu.vector_load %arg6[%swap3A_31] {strides = array<i32>} : memref<640xf32, #tpu.memory_space<vmem>>, vector<16xf32>,
    %swap3A_33 = vector.shape_cast %swap3A_32 : vector<16xf32> to vector<16xf32>
    %swap3A_34 = vector.shape_cast %broadcast_in_dim3A_30 : vector<16xf32> to vector<16xf32>
    tpu.vector_store %arg6[%swap3A_31], %swap3A_34 {strides = array<i32>} : memref<640xf32, #tpu.memory_space<vmem>>, vector<16xf32>,
    %broadcast_in_dim3A_35 = arith.constant 0.000000e+00 : f32
    %broadcast_in_dim3A_36 = vector.broadcast %broadcast_in_dim3A_35 : f32 to vector<16xf32>
    %swap3A_37 = arith.constant 48 : index
    %swap3A_38 = tpu.vector_load %arg6[%swap3A_37] {strides = array<i32>} : memref<640xf32, #tpu.memory_space<vmem>>, vector<16xf32>,
    %swap3A_39 = vector.shape_cast %swap3A_38 : vector<16xf32> to vector<16xf32>
    %swap3A_40 = vector.shape_cast %broadcast_in_dim3A_36 : vector<16xf32> to vector<16xf32>
    tpu.vector_store %arg6[%swap3A_37], %swap3A_40 {strides = array<i32>} : memref<640xf32, #tpu.memory_space<vmem>>, vector<16xf32>,
    %broadcast_in_dim3A_41 = arith.constant 0.000000e+00 : f32
    %broadcast_in_dim3A_42 = vector.broadcast %broadcast_in_dim3A_41 : f32 to vector<16xf32>
    %swap3A_43 = arith.constant 64 : index
    %swap3A_44 = tpu.vector_load %arg6[%swap3A_43] {strides = array<i32>} : memref<640xf32, #tpu.memory_space<vmem>>, vector<16xf32>,
    %swap3A_45 = vector.shape_cast %swap3A_44 : vector<16xf32> to vector<16xf32>
    %swap3A_46 = vector.shape_cast %broadcast_in_dim3A_42 : vector<16xf32> to vector<16xf32>
    tpu.vector_store %arg6[%swap3A_43], %swap3A_46 {strides = array<i32>} : memref<640xf32, #tpu.memory_space<vmem>>, vector<16xf32>,
    %broadcast_in_dim3A_47 = arith.constant 0.000000e+00 : f32
    %broadcast_in_dim3A_48 = vector.broadcast %broadcast_in_dim3A_47 : f32 to vector<16xf32>
    %swap3A_49 = arith.constant 80 : index
    %swap3A_50 = tpu.vector_load %arg6[%swap3A_49] {strides = array<i32>} : memref<640xf32, #tpu.memory_space<vmem>>, vector<16xf32>,
    %swap3A_51 = vector.shape_cast %swap3A_50 : vector<16xf32> to vector<16xf32>
    %swap3A_52 = vector.shape_cast %broadcast_in_dim3A_48 : vector<16xf32> to vector<16xf32>
    tpu.vector_store %arg6[%swap3A_49], %swap3A_52 {strides = array<i32>} : memref<640xf32, #tpu.memory_space<vmem>>, vector<16xf32>,
    %broadcast_in_dim3A_53 = arith.constant 0.000000e+00 : f32
    %broadcast_in_dim3A_54 = vector.broadcast %broadcast_in_dim3A_53 : f32 to vector<16xf32>
    %swap3A_55 = arith.constant 96 : index
    %swap3A_56 = tpu.vector_load %arg6[%swap3A_55] {strides = array<i32>} : memref<640xf32, #tpu.memory_space<vmem>>, vector<16xf32>,
    %swap3A_57 = vector.shape_cast %swap3A_56 : vector<16xf32> to vector<16xf32>
    %swap3A_58 = vector.shape_cast %broadcast_in_dim3A_54 : vector<16xf32> to vector<16xf32>
    tpu.vector_store %arg6[%swap3A_55], %swap3A_58 {strides = array<i32>} : memref<640xf32, #tpu.memory_space<vmem>>, vector<16xf32>,
    %broadcast_in_dim3A_59 = arith.constant 0.000000e+00 : f32
    %broadcast_in_dim3A_60 = vector.broadcast %broadcast_in_dim3A_59 : f32 to vector<16xf32>
    %swap3A_61 = arith.constant 112 : index
    %swap3A_62 = tpu.vector_load %arg6[%swap3A_61] {strides = array<i32>} : memref<640xf32, #tpu.memory_space<vmem>>, vector<16xf32>,
    %swap3A_63 = vector.shape_cast %swap3A_62 : vector<16xf32> to vector<16xf32>
    %swap3A_64 = vector.shape_cast %broadcast_in_dim3A_60 : vector<16xf32> to vector<16xf32>
    tpu.vector_store %arg6[%swap3A_61], %swap3A_64 {strides = array<i32>} : memref<640xf32, #tpu.memory_space<vmem>>, vector<16xf32>,
    %broadcast_in_dim3A_65 = arith.constant 0.000000e+00 : f32
    %broadcast_in_dim3A_66 = vector.broadcast %broadcast_in_dim3A_65 : f32 to vector<16xf32>
    %swap3A_67 = arith.constant 128 : index
    %swap3A_68 = tpu.vector_load %arg6[%swap3A_67] {strides = array<i32>} : memref<640xf32, #tpu.memory_space<vmem>>, vector<16xf32>,
    %swap3A_69 = vector.shape_cast %swap3A_68 : vector<16xf32> to vector<16xf32>
    %swap3A_70 = vector.shape_cast %broadcast_in_dim3A_66 : vector<16xf32> to vector<16xf32>
    tpu.vector_store %arg6[%swap3A_67], %swap3A_70 {strides = array<i32>} : memref<640xf32, #tpu.memory_space<vmem>>, vector<16xf32>,
    %broadcast_in_dim3A_71 = arith.constant 0.000000e+00 : f32
    %broadcast_in_dim3A_72 = vector.broadcast %broadcast_in_dim3A_71 : f32 to vector<16xf32>
    %swap3A_73 = arith.constant 144 : index
    %swap3A_74 = tpu.vector_load %arg6[%swap3A_73] {strides = array<i32>} : memref<640xf32, #tpu.memory_space<vmem>>, vector<16xf32>,
    %swap3A_75 = vector.shape_cast %swap3A_74 : vector<16xf32> to vector<16xf32>
    %swap3A_76 = vector.shape_cast %broadcast_in_dim3A_72 : vector<16xf32> to vector<16xf32>
    tpu.vector_store %arg6[%swap3A_73], %swap3A_76 {strides = array<i32>} : memref<640xf32, #tpu.memory_space<vmem>>, vector<16xf32>,
    %broadcast_in_dim3A_77 = arith.constant 0.000000e+00 : f32
    %broadcast_in_dim3A_78 = vector.broadcast %broadcast_in_dim3A_77 : f32 to vector<16xf32>
    %swap3A_79 = arith.constant 160 : index
    %swap3A_80 = tpu.vector_load %arg6[%swap3A_79] {strides = array<i32>} : memref<640xf32, #tpu.memory_space<vmem>>, vector<16xf32>,
    %swap3A_81 = vector.shape_cast %swap3A_80 : vector<16xf32> to vector<16xf32>
    %swap3A_82 = vector.shape_cast %broadcast_in_dim3A_78 : vector<16xf32> to vector<16xf32>
    tpu.vector_store %arg6[%swap3A_79], %swap3A_82 {strides = array<i32>} : memref<640xf32, #tpu.memory_space<vmem>>, vector<16xf32>,
    %broadcast_in_dim3A_83 = arith.constant 0.000000e+00 : f32
    %broadcast_in_dim3A_84 = vector.broadcast %broadcast_in_dim3A_83 : f32 to vector<16xf32>
    %swap3A_85 = arith.constant 176 : index
    %swap3A_86 = tpu.vector_load %arg6[%swap3A_85] {strides = array<i32>} : memref<640xf32, #tpu.memory_space<vmem>>, vector<16xf32>,
    %swap3A_87 = vector.shape_cast %swap3A_86 : vector<16xf32> to vector<16xf32>
    %swap3A_88 = vector.shape_cast %broadcast_in_dim3A_84 : vector<16xf32> to vector<16xf32>
    tpu.vector_store %arg6[%swap3A_85], %swap3A_88 {strides = array<i32>} : memref<640xf32, #tpu.memory_space<vmem>>, vector<16xf32>,
    %broadcast_in_dim3A_89 = arith.constant 0.000000e+00 : f32
    %broadcast_in_dim3A_90 = vector.broadcast %broadcast_in_dim3A_89 : f32 to vector<16xf32>
    %swap3A_91 = arith.constant 192 : index
    %swap3A_92 = tpu.vector_load %arg6[%swap3A_91] {strides = array<i32>} : memref<640xf32, #tpu.memory_space<vmem>>, vector<16xf32>,
    %swap3A_93 = vector.shape_cast %swap3A_92 : vector<16xf32> to vector<16xf32>
    %swap3A_94 = vector.shape_cast %broadcast_in_dim3A_90 : vector<16xf32> to vector<16xf32>
    tpu.vector_store %arg6[%swap3A_91], %swap3A_94 {strides = array<i32>} : memref<640xf32, #tpu.memory_space<vmem>>, vector<16xf32>,
    %broadcast_in_dim3A_95 = arith.constant 0.000000e+00 : f32
    %broadcast_in_dim3A_96 = vector.broadcast %broadcast_in_dim3A_95 : f32 to vector<16xf32>
    %swap3A_97 = arith.constant 208 : index
    %swap3A_98 = tpu.vector_load %arg6[%swap3A_97] {strides = array<i32>} : memref<640xf32, #tpu.memory_space<vmem>>, vector<16xf32>,
    %swap3A_99 = vector.shape_cast %swap3A_98 : vector<16xf32> to vector<16xf32>
    %swap3A_100 = vector.shape_cast %broadcast_in_dim3A_96 : vector<16xf32> to vector<16xf32>
    tpu.vector_store %arg6[%swap3A_97], %swap3A_100 {strides = array<i32>} : memref<640xf32, #tpu.memory_space<vmem>>, vector<16xf32>,
    %broadcast_in_dim3A_101 = arith.constant 0.000000e+00 : f32
    %broadcast_in_dim3A_102 = vector.broadcast %broadcast_in_dim3A_101 : f32 to vector<16xf32>
    %swap3A_103 = arith.constant 224 : index
    %swap3A_104 = tpu.vector_load %arg6[%swap3A_103] {strides = array<i32>} : memref<640xf32, #tpu.memory_space<vmem>>, vector<16xf32>,
    %swap3A_105 = vector.shape_cast %swap3A_104 : vector<16xf32> to vector<16xf32>
    %swap3A_106 = vector.shape_cast %broadcast_in_dim3A_102 : vector<16xf32> to vector<16xf32>
    tpu.vector_store %arg6[%swap3A_103], %swap3A_106 {strides = array<i32>} : memref<640xf32, #tpu.memory_space<vmem>>, vector<16xf32>,
    %broadcast_in_dim3A_107 = arith.constant 0.000000e+00 : f32
    %broadcast_in_dim3A_108 = vector.broadcast %broadcast_in_dim3A_107 : f32 to vector<16xf32>
    %swap3A_109 = arith.constant 240 : index
    %swap3A_110 = tpu.vector_load %arg6[%swap3A_109] {strides = array<i32>} : memref<640xf32, #tpu.memory_space<vmem>>, vector<16xf32>,
    %swap3A_111 = vector.shape_cast %swap3A_110 : vector<16xf32> to vector<16xf32>
    %swap3A_112 = vector.shape_cast %broadcast_in_dim3A_108 : vector<16xf32> to vector<16xf32>
    tpu.vector_store %arg6[%swap3A_109], %swap3A_112 {strides = array<i32>} : memref<640xf32, #tpu.memory_space<vmem>>, vector<16xf32>,
    %broadcast_in_dim3A_113 = arith.constant 0.000000e+00 : f32
    %broadcast_in_dim3A_114 = vector.broadcast %broadcast_in_dim3A_113 : f32 to vector<16xf32>
    %swap3A_115 = arith.constant 256 : index
    %swap3A_116 = tpu.vector_load %arg6[%swap3A_115] {strides = array<i32>} : memref<640xf32, #tpu.memory_space<vmem>>, vector<16xf32>,
    %swap3A_117 = vector.shape_cast %swap3A_116 : vector<16xf32> to vector<16xf32>
    %swap3A_118 = vector.shape_cast %broadcast_in_dim3A_114 : vector<16xf32> to vector<16xf32>
    tpu.vector_store %arg6[%swap3A_115], %swap3A_118 {strides = array<i32>} : memref<640xf32, #tpu.memory_space<vmem>>, vector<16xf32>,
    %broadcast_in_dim3A_119 = arith.constant 0.000000e+00 : f32
    %broadcast_in_dim3A_120 = vector.broadcast %broadcast_in_dim3A_119 : f32 to vector<16xf32>
    %swap3A_121 = arith.constant 272 : index
    %swap3A_122 = tpu.vector_load %arg6[%swap3A_121] {strides = array<i32>} : memref<640xf32, #tpu.memory_space<vmem>>, vector<16xf32>,
    %swap3A_123 = vector.shape_cast %swap3A_122 : vector<16xf32> to vector<16xf32>
    %swap3A_124 = vector.shape_cast %broadcast_in_dim3A_120 : vector<16xf32> to vector<16xf32>
    tpu.vector_store %arg6[%swap3A_121], %swap3A_124 {strides = array<i32>} : memref<640xf32, #tpu.memory_space<vmem>>, vector<16xf32>,
    %broadcast_in_dim3A_125 = arith.constant 0.000000e+00 : f32
    %broadcast_in_dim3A_126 = vector.broadcast %broadcast_in_dim3A_125 : f32 to vector<16xf32>
    %swap3A_127 = arith.constant 288 : index
    %swap3A_128 = tpu.vector_load %arg6[%swap3A_127] {strides = array<i32>} : memref<640xf32, #tpu.memory_space<vmem>>, vector<16xf32>,
    %swap3A_129 = vector.shape_cast %swap3A_128 : vector<16xf32> to vector<16xf32>
    %swap3A_130 = vector.shape_cast %broadcast_in_dim3A_126 : vector<16xf32> to vector<16xf32>
    tpu.vector_store %arg6[%swap3A_127], %swap3A_130 {strides = array<i32>} : memref<640xf32, #tpu.memory_space<vmem>>, vector<16xf32>,
    %broadcast_in_dim3A_131 = arith.constant 0.000000e+00 : f32
    %broadcast_in_dim3A_132 = vector.broadcast %broadcast_in_dim3A_131 : f32 to vector<16xf32>
    %swap3A_133 = arith.constant 304 : index
    %swap3A_134 = tpu.vector_load %arg6[%swap3A_133] {strides = array<i32>} : memref<640xf32, #tpu.memory_space<vmem>>, vector<16xf32>,
    %swap3A_135 = vector.shape_cast %swap3A_134 : vector<16xf32> to vector<16xf32>
    %swap3A_136 = vector.shape_cast %broadcast_in_dim3A_132 : vector<16xf32> to vector<16xf32>
    tpu.vector_store %arg6[%swap3A_133], %swap3A_136 {strides = array<i32>} : memref<640xf32, #tpu.memory_space<vmem>>, vector<16xf32>,
    %broadcast_in_dim3A_137 = arith.constant 0.000000e+00 : f32
    %broadcast_in_dim3A_138 = vector.broadcast %broadcast_in_dim3A_137 : f32 to vector<16xf32>
    %swap3A_139 = arith.constant 320 : index
    %swap3A_140 = tpu.vector_load %arg6[%swap3A_139] {strides = array<i32>} : memref<640xf32, #tpu.memory_space<vmem>>, vector<16xf32>,
    %swap3A_141 = vector.shape_cast %swap3A_140 : vector<16xf32> to vector<16xf32>
    %swap3A_142 = vector.shape_cast %broadcast_in_dim3A_138 : vector<16xf32> to vector<16xf32>
    tpu.vector_store %arg6[%swap3A_139], %swap3A_142 {strides = array<i32>} : memref<640xf32, #tpu.memory_space<vmem>>, vector<16xf32>,
    %broadcast_in_dim3A_143 = arith.constant 0.000000e+00 : f32
    %broadcast_in_dim3A_144 = vector.broadcast %broadcast_in_dim3A_143 : f32 to vector<16xf32>
    %swap3A_145 = arith.constant 336 : index
    %swap3A_146 = tpu.vector_load %arg6[%swap3A_145] {strides = array<i32>} : memref<640xf32, #tpu.memory_space<vmem>>, vector<16xf32>,
    %swap3A_147 = vector.shape_cast %swap3A_146 : vector<16xf32> to vector<16xf32>
    %swap3A_148 = vector.shape_cast %broadcast_in_dim3A_144 : vector<16xf32> to vector<16xf32>
    tpu.vector_store %arg6[%swap3A_145], %swap3A_148 {strides = array<i32>} : memref<640xf32, #tpu.memory_space<vmem>>, vector<16xf32>,
    %broadcast_in_dim3A_149 = arith.constant 0.000000e+00 : f32
    %broadcast_in_dim3A_150 = vector.broadcast %broadcast_in_dim3A_149 : f32 to vector<16xf32>
    %swap3A_151 = arith.constant 352 : index
    %swap3A_152 = tpu.vector_load %arg6[%swap3A_151] {strides = array<i32>} : memref<640xf32, #tpu.memory_space<vmem>>, vector<16xf32>,
    %swap3A_153 = vector.shape_cast %swap3A_152 : vector<16xf32> to vector<16xf32>
    %swap3A_154 = vector.shape_cast %broadcast_in_dim3A_150 : vector<16xf32> to vector<16xf32>
    tpu.vector_store %arg6[%swap3A_151], %swap3A_154 {strides = array<i32>} : memref<640xf32, #tpu.memory_space<vmem>>, vector<16xf32>,
    %broadcast_in_dim3A_155 = arith.constant 0.000000e+00 : f32
    %broadcast_in_dim3A_156 = vector.broadcast %broadcast_in_dim3A_155 : f32 to vector<16xf32>
    %swap3A_157 = arith.constant 368 : index
    %swap3A_158 = tpu.vector_load %arg6[%swap3A_157] {strides = array<i32>} : memref<640xf32, #tpu.memory_space<vmem>>, vector<16xf32>,
    %swap3A_159 = vector.shape_cast %swap3A_158 : vector<16xf32> to vector<16xf32>
    %swap3A_160 = vector.shape_cast %broadcast_in_dim3A_156 : vector<16xf32> to vector<16xf32>
    tpu.vector_store %arg6[%swap3A_157], %swap3A_160 {strides = array<i32>} : memref<640xf32, #tpu.memory_space<vmem>>, vector<16xf32>,
    %broadcast_in_dim3A_161 = arith.constant 0.000000e+00 : f32
    %broadcast_in_dim3A_162 = vector.broadcast %broadcast_in_dim3A_161 : f32 to vector<16xf32>
    %swap3A_163 = arith.constant 384 : index
    %swap3A_164 = tpu.vector_load %arg6[%swap3A_163] {strides = array<i32>} : memref<640xf32, #tpu.memory_space<vmem>>, vector<16xf32>,
    %swap3A_165 = vector.shape_cast %swap3A_164 : vector<16xf32> to vector<16xf32>
    %swap3A_166 = vector.shape_cast %broadcast_in_dim3A_162 : vector<16xf32> to vector<16xf32>
    tpu.vector_store %arg6[%swap3A_163], %swap3A_166 {strides = array<i32>} : memref<640xf32, #tpu.memory_space<vmem>>, vector<16xf32>,
    %broadcast_in_dim3A_167 = arith.constant 0.000000e+00 : f32
    %broadcast_in_dim3A_168 = vector.broadcast %broadcast_in_dim3A_167 : f32 to vector<16xf32>
    %swap3A_169 = arith.constant 400 : index
    %swap3A_170 = tpu.vector_load %arg6[%swap3A_169] {strides = array<i32>} : memref<640xf32, #tpu.memory_space<vmem>>, vector<16xf32>,
    %swap3A_171 = vector.shape_cast %swap3A_170 : vector<16xf32> to vector<16xf32>
    %swap3A_172 = vector.shape_cast %broadcast_in_dim3A_168 : vector<16xf32> to vector<16xf32>
    tpu.vector_store %arg6[%swap3A_169], %swap3A_172 {strides = array<i32>} : memref<640xf32, #tpu.memory_space<vmem>>, vector<16xf32>,
    %broadcast_in_dim3A_173 = arith.constant 0.000000e+00 : f32
    %broadcast_in_dim3A_174 = vector.broadcast %broadcast_in_dim3A_173 : f32 to vector<16xf32>
    %swap3A_175 = arith.constant 416 : index
    %swap3A_176 = tpu.vector_load %arg6[%swap3A_175] {strides = array<i32>} : memref<640xf32, #tpu.memory_space<vmem>>, vector<16xf32>,
    %swap3A_177 = vector.shape_cast %swap3A_176 : vector<16xf32> to vector<16xf32>
    %swap3A_178 = vector.shape_cast %broadcast_in_dim3A_174 : vector<16xf32> to vector<16xf32>
    tpu.vector_store %arg6[%swap3A_175], %swap3A_178 {strides = array<i32>} : memref<640xf32, #tpu.memory_space<vmem>>, vector<16xf32>,
    %broadcast_in_dim3A_179 = arith.constant 0.000000e+00 : f32
    %broadcast_in_dim3A_180 = vector.broadcast %broadcast_in_dim3A_179 : f32 to vector<16xf32>
    %swap3A_181 = arith.constant 432 : index
    %swap3A_182 = tpu.vector_load %arg6[%swap3A_181] {strides = array<i32>} : memref<640xf32, #tpu.memory_space<vmem>>, vector<16xf32>,
    %swap3A_183 = vector.shape_cast %swap3A_182 : vector<16xf32> to vector<16xf32>
    %swap3A_184 = vector.shape_cast %broadcast_in_dim3A_180 : vector<16xf32> to vector<16xf32>
    tpu.vector_store %arg6[%swap3A_181], %swap3A_184 {strides = array<i32>} : memref<640xf32, #tpu.memory_space<vmem>>, vector<16xf32>,
    %broadcast_in_dim3A_185 = arith.constant 0.000000e+00 : f32
    %broadcast_in_dim3A_186 = vector.broadcast %broadcast_in_dim3A_185 : f32 to vector<16xf32>
    %swap3A_187 = arith.constant 448 : index
    %swap3A_188 = tpu.vector_load %arg6[%swap3A_187] {strides = array<i32>} : memref<640xf32, #tpu.memory_space<vmem>>, vector<16xf32>,
    %swap3A_189 = vector.shape_cast %swap3A_188 : vector<16xf32> to vector<16xf32>
    %swap3A_190 = vector.shape_cast %broadcast_in_dim3A_186 : vector<16xf32> to vector<16xf32>
    tpu.vector_store %arg6[%swap3A_187], %swap3A_190 {strides = array<i32>} : memref<640xf32, #tpu.memory_space<vmem>>, vector<16xf32>,
    %broadcast_in_dim3A_191 = arith.constant 0.000000e+00 : f32
    %broadcast_in_dim3A_192 = vector.broadcast %broadcast_in_dim3A_191 : f32 to vector<16xf32>
    %swap3A_193 = arith.constant 464 : index
    %swap3A_194 = tpu.vector_load %arg6[%swap3A_193] {strides = array<i32>} : memref<640xf32, #tpu.memory_space<vmem>>, vector<16xf32>,
    %swap3A_195 = vector.shape_cast %swap3A_194 : vector<16xf32> to vector<16xf32>
    %swap3A_196 = vector.shape_cast %broadcast_in_dim3A_192 : vector<16xf32> to vector<16xf32>
    tpu.vector_store %arg6[%swap3A_193], %swap3A_196 {strides = array<i32>} : memref<640xf32, #tpu.memory_space<vmem>>, vector<16xf32>,
    %broadcast_in_dim3A_197 = arith.constant 0.000000e+00 : f32
    %broadcast_in_dim3A_198 = vector.broadcast %broadcast_in_dim3A_197 : f32 to vector<16xf32>
    %swap3A_199 = arith.constant 480 : index
    %swap3A_200 = tpu.vector_load %arg6[%swap3A_199] {strides = array<i32>} : memref<640xf32, #tpu.memory_space<vmem>>, vector<16xf32>,
    %swap3A_201 = vector.shape_cast %swap3A_200 : vector<16xf32> to vector<16xf32>
    %swap3A_202 = vector.shape_cast %broadcast_in_dim3A_198 : vector<16xf32> to vector<16xf32>
    tpu.vector_store %arg6[%swap3A_199], %swap3A_202 {strides = array<i32>} : memref<640xf32, #tpu.memory_space<vmem>>, vector<16xf32>,
    %broadcast_in_dim3A_203 = arith.constant 0.000000e+00 : f32
    %broadcast_in_dim3A_204 = vector.broadcast %broadcast_in_dim3A_203 : f32 to vector<16xf32>
    %swap3A_205 = arith.constant 496 : index
    %swap3A_206 = tpu.vector_load %arg6[%swap3A_205] {strides = array<i32>} : memref<640xf32, #tpu.memory_space<vmem>>, vector<16xf32>,
    %swap3A_207 = vector.shape_cast %swap3A_206 : vector<16xf32> to vector<16xf32>
    %swap3A_208 = vector.shape_cast %broadcast_in_dim3A_204 : vector<16xf32> to vector<16xf32>
    tpu.vector_store %arg6[%swap3A_205], %swap3A_208 {strides = array<i32>} : memref<640xf32, #tpu.memory_space<vmem>>, vector<16xf32>,
    %broadcast_in_dim3A_209 = arith.constant 0.000000e+00 : f32
    %broadcast_in_dim3A_210 = vector.broadcast %broadcast_in_dim3A_209 : f32 to vector<16xf32>
    %swap3A_211 = arith.constant 512 : index
    %swap3A_212 = tpu.vector_load %arg6[%swap3A_211] {strides = array<i32>} : memref<640xf32, #tpu.memory_space<vmem>>, vector<16xf32>,
    %swap3A_213 = vector.shape_cast %swap3A_212 : vector<16xf32> to vector<16xf32>
    %swap3A_214 = vector.shape_cast %broadcast_in_dim3A_210 : vector<16xf32> to vector<16xf32>
    tpu.vector_store %arg6[%swap3A_211], %swap3A_214 {strides = array<i32>} : memref<640xf32, #tpu.memory_space<vmem>>, vector<16xf32>,
    %broadcast_in_dim3A_215 = arith.constant 0.000000e+00 : f32
    %broadcast_in_dim3A_216 = vector.broadcast %broadcast_in_dim3A_215 : f32 to vector<16xf32>
    %swap3A_217 = arith.constant 528 : index
    %swap3A_218 = tpu.vector_load %arg6[%swap3A_217] {strides = array<i32>} : memref<640xf32, #tpu.memory_space<vmem>>, vector<16xf32>,
    %swap3A_219 = vector.shape_cast %swap3A_218 : vector<16xf32> to vector<16xf32>
    %swap3A_220 = vector.shape_cast %broadcast_in_dim3A_216 : vector<16xf32> to vector<16xf32>
    tpu.vector_store %arg6[%swap3A_217], %swap3A_220 {strides = array<i32>} : memref<640xf32, #tpu.memory_space<vmem>>, vector<16xf32>,
    %broadcast_in_dim3A_221 = arith.constant 0.000000e+00 : f32
    %broadcast_in_dim3A_222 = vector.broadcast %broadcast_in_dim3A_221 : f32 to vector<16xf32>
    %swap3A_223 = arith.constant 544 : index
    %swap3A_224 = tpu.vector_load %arg6[%swap3A_223] {strides = array<i32>} : memref<640xf32, #tpu.memory_space<vmem>>, vector<16xf32>,
    %swap3A_225 = vector.shape_cast %swap3A_224 : vector<16xf32> to vector<16xf32>
    %swap3A_226 = vector.shape_cast %broadcast_in_dim3A_222 : vector<16xf32> to vector<16xf32>
    tpu.vector_store %arg6[%swap3A_223], %swap3A_226 {strides = array<i32>} : memref<640xf32, #tpu.memory_space<vmem>>, vector<16xf32>,
    %broadcast_in_dim3A_227 = arith.constant 0.000000e+00 : f32
    %broadcast_in_dim3A_228 = vector.broadcast %broadcast_in_dim3A_227 : f32 to vector<16xf32>
    %swap3A_229 = arith.constant 560 : index
    %swap3A_230 = tpu.vector_load %arg6[%swap3A_229] {strides = array<i32>} : memref<640xf32, #tpu.memory_space<vmem>>, vector<16xf32>,
    %swap3A_231 = vector.shape_cast %swap3A_230 : vector<16xf32> to vector<16xf32>
    %swap3A_232 = vector.shape_cast %broadcast_in_dim3A_228 : vector<16xf32> to vector<16xf32>
    tpu.vector_store %arg6[%swap3A_229], %swap3A_232 {strides = array<i32>} : memref<640xf32, #tpu.memory_space<vmem>>, vector<16xf32>,
    %broadcast_in_dim3A_233 = arith.constant 0.000000e+00 : f32
    %broadcast_in_dim3A_234 = vector.broadcast %broadcast_in_dim3A_233 : f32 to vector<16xf32>
    %swap3A_235 = arith.constant 576 : index
    %swap3A_236 = tpu.vector_load %arg6[%swap3A_235] {strides = array<i32>} : memref<640xf32, #tpu.memory_space<vmem>>, vector<16xf32>,
    %swap3A_237 = vector.shape_cast %swap3A_236 : vector<16xf32> to vector<16xf32>
    %swap3A_238 = vector.shape_cast %broadcast_in_dim3A_234 : vector<16xf32> to vector<16xf32>
    tpu.vector_store %arg6[%swap3A_235], %swap3A_238 {strides = array<i32>} : memref<640xf32, #tpu.memory_space<vmem>>, vector<16xf32>,
    %broadcast_in_dim3A_239 = arith.constant 0.000000e+00 : f32
    %broadcast_in_dim3A_240 = vector.broadcast %broadcast_in_dim3A_239 : f32 to vector<16xf32>
    %swap3A_241 = arith.constant 592 : index
    %swap3A_242 = tpu.vector_load %arg6[%swap3A_241] {strides = array<i32>} : memref<640xf32, #tpu.memory_space<vmem>>, vector<16xf32>,
    %swap3A_243 = vector.shape_cast %swap3A_242 : vector<16xf32> to vector<16xf32>
    %swap3A_244 = vector.shape_cast %broadcast_in_dim3A_240 : vector<16xf32> to vector<16xf32>
    tpu.vector_store %arg6[%swap3A_241], %swap3A_244 {strides = array<i32>} : memref<640xf32, #tpu.memory_space<vmem>>, vector<16xf32>,
    %broadcast_in_dim3A_245 = arith.constant 0.000000e+00 : f32
    %broadcast_in_dim3A_246 = vector.broadcast %broadcast_in_dim3A_245 : f32 to vector<16xf32>
    %swap3A_247 = arith.constant 608 : index
    %swap3A_248 = tpu.vector_load %arg6[%swap3A_247] {strides = array<i32>} : memref<640xf32, #tpu.memory_space<vmem>>, vector<16xf32>,
    %swap3A_249 = vector.shape_cast %swap3A_248 : vector<16xf32> to vector<16xf32>
    %swap3A_250 = vector.shape_cast %broadcast_in_dim3A_246 : vector<16xf32> to vector<16xf32>
    tpu.vector_store %arg6[%swap3A_247], %swap3A_250 {strides = array<i32>} : memref<640xf32, #tpu.memory_space<vmem>>, vector<16xf32>,
    %broadcast_in_dim3A_251 = arith.constant 0.000000e+00 : f32
    %broadcast_in_dim3A_252 = vector.broadcast %broadcast_in_dim3A_251 : f32 to vector<16xf32>
    %swap3A_253 = arith.constant 624 : index
    %swap3A_254 = tpu.vector_load %arg6[%swap3A_253] {strides = array<i32>} : memref<640xf32, #tpu.memory_space<vmem>>, vector<16xf32>,
    %swap3A_255 = vector.shape_cast %swap3A_254 : vector<16xf32> to vector<16xf32>
    %swap3A_256 = vector.shape_cast %broadcast_in_dim3A_252 : vector<16xf32> to vector<16xf32>
    tpu.vector_store %arg6[%swap3A_253], %swap3A_256 {strides = array<i32>} : memref<640xf32, #tpu.memory_space<vmem>>, vector<16xf32>,
    %mul3A_257 = arith.constant 640 : i32
    %mul3A_258 = arith.muli %arg1, %mul3A_257 : i32
    "tpu.region"() ({
      %run_scoped3A_268 = tpu.sem_alloc : memref<!tpu.dma_semaphore, #tpu.memory_space<semaphore_mem>>
      %dma_start3A = tpu.memref_slice %arg7[%mul3A_258] : memref<10240xf32, #tpu.memory_space<vmem_shared>> -> memref<640xf32, #tpu.memory_space<vmem_shared>>
      %dma_start3A_269 = tpu.memref_slice %arg7[%mul3A_258] : memref<10240xf32, #tpu.memory_space<vmem_shared>> -> memref<640xf32, #tpu.memory_space<vmem_shared>>
      tpu.enqueue_dma source(%arg6 : memref<640xf32, #tpu.memory_space<vmem>>) target(%dma_start3A_269 : memref<640xf32, #tpu.memory_space<vmem_shared>>) target_semaphore(%run_scoped3A_268 : memref<!tpu.dma_semaphore, #tpu.memory_space<semaphore_mem>>)
      %dma_wait3A = tpu.memref_slice %arg7[%mul3A_258] : memref<10240xf32, #tpu.memory_space<vmem_shared>> -> memref<640xf32, #tpu.memory_space<vmem_shared>>
      %dma_wait3A_270 = tpu.memref_slice %arg7[%mul3A_258] : memref<10240xf32, #tpu.memory_space<vmem_shared>> -> memref<640xf32, #tpu.memory_space<vmem_shared>>
      tpu.wait_dma2 semaphore(%run_scoped3A_268 : memref<!tpu.dma_semaphore, #tpu.memory_space<semaphore_mem>>) src(%arg6 : memref<640xf32, #tpu.memory_space<vmem>>) dst(%dma_wait3A_270 : memref<640xf32, #tpu.memory_space<vmem_shared>>)
      tpu.yield
    }) : () -> ()
    %barrier3A = arith.constant 0 : index
    tpu.barrier barrier_id(%barrier3A)
    %run_scoped3A = arith.constant 1 : i32
    "tpu.region"() ({
      %run_scoped3A_268 = tpu.sem_alloc : memref<!tpu.dma_semaphore, #tpu.memory_space<semaphore_mem>>
      %dma_start3A = arith.constant 0 : i32
      %dma_start3A_269 = arith.constant 0 : i32
      %dma_start3A_270 = arith.constant 0 : i32
      %dma_start3A_271 = tpu.memref_slice %arg2[%run_scoped3A, %add3A, %dma_start3A, %dma_start3A_269, %dma_start3A_270] : memref<2x32x50x5x40xi32, #tpu.memory_space<hbm>> -> memref<1x1x50x5x40xi32, #tpu.memory_space<hbm>>
      %dma_start3A_272 = tpu.memref_squeeze %dma_start3A_271 : memref<1x1x50x5x40xi32, #tpu.memory_space<hbm>> -> memref<50x5x40xi32, #tpu.memory_space<hbm>>
      %dma_start3A_273 = arith.constant 0 : i32
      %dma_start3A_274 = arith.constant 0 : i32
      %dma_start3A_275 = arith.constant 0 : i32
      %dma_start3A_276 = tpu.memref_slice %arg2[%run_scoped3A, %add3A, %dma_start3A_273, %dma_start3A_274, %dma_start3A_275] : memref<2x32x50x5x40xi32, #tpu.memory_space<hbm>> -> memref<1x1x50x5x40xi32, #tpu.memory_space<hbm>>
      %dma_start3A_277 = tpu.memref_squeeze %dma_start3A_276 : memref<1x1x50x5x40xi32, #tpu.memory_space<hbm>> -> memref<50x5x40xi32, #tpu.memory_space<hbm>>
      tpu.enqueue_dma source(%dma_start3A_277 : memref<50x5x40xi32, #tpu.memory_space<hbm>>) target(%arg4 : memref<50x5x40xi32, #tpu.memory_space<vmem>>) target_semaphore(%run_scoped3A_268 : memref<!tpu.dma_semaphore, #tpu.memory_space<semaphore_mem>>)
      %dma_wait3A = arith.constant 0 : i32
      %dma_wait3A_278 = arith.constant 0 : i32
      %dma_wait3A_279 = arith.constant 0 : i32
      %dma_wait3A_280 = tpu.memref_slice %arg2[%run_scoped3A, %add3A, %dma_wait3A, %dma_wait3A_278, %dma_wait3A_279] : memref<2x32x50x5x40xi32, #tpu.memory_space<hbm>> -> memref<1x1x50x5x40xi32, #tpu.memory_space<hbm>>
      %dma_wait3A_281 = tpu.memref_squeeze %dma_wait3A_280 : memref<1x1x50x5x40xi32, #tpu.memory_space<hbm>> -> memref<50x5x40xi32, #tpu.memory_space<hbm>>
      %dma_wait3A_282 = arith.constant 0 : i32
      %dma_wait3A_283 = arith.constant 0 : i32
      %dma_wait3A_284 = arith.constant 0 : i32
      %dma_wait3A_285 = tpu.memref_slice %arg2[%run_scoped3A, %add3A, %dma_wait3A_282, %dma_wait3A_283, %dma_wait3A_284] : memref<2x32x50x5x40xi32, #tpu.memory_space<hbm>> -> memref<1x1x50x5x40xi32, #tpu.memory_space<hbm>>
      %dma_wait3A_286 = tpu.memref_squeeze %dma_wait3A_285 : memref<1x1x50x5x40xi32, #tpu.memory_space<hbm>> -> memref<50x5x40xi32, #tpu.memory_space<hbm>>
      tpu.wait_dma2 semaphore(%run_scoped3A_268 : memref<!tpu.dma_semaphore, #tpu.memory_space<semaphore_mem>>) src(%dma_wait3A_286 : memref<50x5x40xi32, #tpu.memory_space<hbm>>) dst(%arg4 : memref<50x5x40xi32, #tpu.memory_space<vmem>>)
      tpu.yield
    }) : () -> ()
    %scan3A = arith.constant 0 : i32
    %scan3A_259 = arith.constant 50 : i32
    %scan3A_260 = arith.addi %scan3A, %scan3A_259 : i32
    %scan3A_261 = arith.constant 1 : i32
    scf.for %scan3A_268 = %scan3A to %scan3A_260 step %scan3A_261  : i32 {
      %dma_start3A = arith.constant 0 : i32
      %dma_start3A_269 = arith.constant 0 : i32
      %dma_start3A_270 = tpu.memref_slice %arg5[%dma_start3A_269] : memref<48xf32, #tpu.memory_space<vmem>> -> memref<40xf32, #tpu.memory_space<vmem>>
      %dma_start3A_271 = arith.constant 0 : i32
      %dma_start3A_272 = tpu.memref_slice %arg4[%scan3A_268, %dma_start3A, %dma_start3A_271] : memref<50x5x40xi32, #tpu.memory_space<vmem>> -> memref<1x1x40xi32, #tpu.memory_space<vmem>>
      %dma_start3A_273 = tpu.memref_squeeze %dma_start3A_272 : memref<1x1x40xi32, #tpu.memory_space<vmem>> -> memref<40xi32, #tpu.memory_space<vmem>>
      %dma_start3A_274 = arith.constant 0 : i32
      %dma_start3A_275 = tpu.memref_slice %arg7[%dma_start3A_274] : memref<10240xf32, #tpu.memory_space<vmem_shared>> -> memref<10240xf32, #tpu.memory_space<vmem_shared>>
      tpu.enqueue_indirect_dma source(%dma_start3A_270 : memref<40xf32, #tpu.memory_space<vmem>>) target(%dma_start3A_275 : memref<10240xf32, #tpu.memory_space<vmem_shared>>) offsets(%dma_start3A_273 : memref<40xi32, #tpu.memory_space<vmem>>) semaphore(%arg8 : memref<!tpu.dma_semaphore, #tpu.memory_space<semaphore_mem>>) {add = true}
      %dma_start3A_276 = arith.constant 1 : i32
      %dma_start3A_277 = arith.constant 0 : i32
      %dma_start3A_278 = tpu.memref_slice %arg5[%dma_start3A_277] : memref<48xf32, #tpu.memory_space<vmem>> -> memref<40xf32, #tpu.memory_space<vmem>>
      %dma_start3A_279 = arith.constant 0 : i32
      %dma_start3A_280 = tpu.memref_slice %arg4[%scan3A_268, %dma_start3A_276, %dma_start3A_279] : memref<50x5x40xi32, #tpu.memory_space<vmem>> -> memref<1x1x40xi32, #tpu.memory_space<vmem>>
      %dma_start3A_281 = tpu.memref_squeeze %dma_start3A_280 : memref<1x1x40xi32, #tpu.memory_space<vmem>> -> memref<40xi32, #tpu.memory_space<vmem>>
      %dma_start3A_282 = arith.constant 0 : i32
      %dma_start3A_283 = tpu.memref_slice %arg7[%dma_start3A_282] : memref<10240xf32, #tpu.memory_space<vmem_shared>> -> memref<10240xf32, #tpu.memory_space<vmem_shared>>
      tpu.enqueue_indirect_dma source(%dma_start3A_278 : memref<40xf32, #tpu.memory_space<vmem>>) target(%dma_start3A_283 : memref<10240xf32, #tpu.memory_space<vmem_shared>>) offsets(%dma_start3A_281 : memref<40xi32, #tpu.memory_space<vmem>>) semaphore(%arg8 : memref<!tpu.dma_semaphore, #tpu.memory_space<semaphore_mem>>) {add = true}
      %dma_start3A_284 = arith.constant 2 : i32
      %dma_start3A_285 = arith.constant 0 : i32
      %dma_start3A_286 = tpu.memref_slice %arg5[%dma_start3A_285] : memref<48xf32, #tpu.memory_space<vmem>> -> memref<40xf32, #tpu.memory_space<vmem>>
      %dma_start3A_287 = arith.constant 0 : i32
      %dma_start3A_288 = tpu.memref_slice %arg4[%scan3A_268, %dma_start3A_284, %dma_start3A_287] : memref<50x5x40xi32, #tpu.memory_space<vmem>> -> memref<1x1x40xi32, #tpu.memory_space<vmem>>
      %dma_start3A_289 = tpu.memref_squeeze %dma_start3A_288 : memref<1x1x40xi32, #tpu.memory_space<vmem>> -> memref<40xi32, #tpu.memory_space<vmem>>
      %dma_start3A_290 = arith.constant 0 : i32
      %dma_start3A_291 = tpu.memref_slice %arg7[%dma_start3A_290] : memref<10240xf32, #tpu.memory_space<vmem_shared>> -> memref<10240xf32, #tpu.memory_space<vmem_shared>>
      tpu.enqueue_indirect_dma source(%dma_start3A_286 : memref<40xf32, #tpu.memory_space<vmem>>) target(%dma_start3A_291 : memref<10240xf32, #tpu.memory_space<vmem_shared>>) offsets(%dma_start3A_289 : memref<40xi32, #tpu.memory_space<vmem>>) semaphore(%arg8 : memref<!tpu.dma_semaphore, #tpu.memory_space<semaphore_mem>>) {add = true}
      %dma_start3A_292 = arith.constant 3 : i32
      %dma_start3A_293 = arith.constant 0 : i32
      %dma_start3A_294 = tpu.memref_slice %arg5[%dma_start3A_293] : memref<48xf32, #tpu.memory_space<vmem>> -> memref<40xf32, #tpu.memory_space<vmem>>
      %dma_start3A_295 = arith.constant 0 : i32
      %dma_start3A_296 = tpu.memref_slice %arg4[%scan3A_268, %dma_start3A_292, %dma_start3A_295] : memref<50x5x40xi32, #tpu.memory_space<vmem>> -> memref<1x1x40xi32, #tpu.memory_space<vmem>>
      %dma_start3A_297 = tpu.memref_squeeze %dma_start3A_296 : memref<1x1x40xi32, #tpu.memory_space<vmem>> -> memref<40xi32, #tpu.memory_space<vmem>>
      %dma_start3A_298 = arith.constant 0 : i32
      %dma_start3A_299 = tpu.memref_slice %arg7[%dma_start3A_298] : memref<10240xf32, #tpu.memory_space<vmem_shared>> -> memref<10240xf32, #tpu.memory_space<vmem_shared>>
      tpu.enqueue_indirect_dma source(%dma_start3A_294 : memref<40xf32, #tpu.memory_space<vmem>>) target(%dma_start3A_299 : memref<10240xf32, #tpu.memory_space<vmem_shared>>) offsets(%dma_start3A_297 : memref<40xi32, #tpu.memory_space<vmem>>) semaphore(%arg8 : memref<!tpu.dma_semaphore, #tpu.memory_space<semaphore_mem>>) {add = true}
      %dma_start3A_300 = arith.constant 4 : i32
      %dma_start3A_301 = arith.constant 0 : i32
      %dma_start3A_302 = tpu.memref_slice %arg5[%dma_start3A_301] : memref<48xf32, #tpu.memory_space<vmem>> -> memref<40xf32, #tpu.memory_space<vmem>>
      %dma_start3A_303 = arith.constant 0 : i32
      %dma_start3A_304 = tpu.memref_slice %arg4[%scan3A_268, %dma_start3A_300, %dma_start3A_303] : memref<50x5x40xi32, #tpu.memory_space<vmem>> -> memref<1x1x40xi32, #tpu.memory_space<vmem>>
      %dma_start3A_305 = tpu.memref_squeeze %dma_start3A_304 : memref<1x1x40xi32, #tpu.memory_space<vmem>> -> memref<40xi32, #tpu.memory_space<vmem>>
      %dma_start3A_306 = arith.constant 0 : i32
      %dma_start3A_307 = tpu.memref_slice %arg7[%dma_start3A_306] : memref<10240xf32, #tpu.memory_space<vmem_shared>> -> memref<10240xf32, #tpu.memory_space<vmem_shared>>
      tpu.enqueue_indirect_dma source(%dma_start3A_302 : memref<40xf32, #tpu.memory_space<vmem>>) target(%dma_start3A_307 : memref<10240xf32, #tpu.memory_space<vmem_shared>>) offsets(%dma_start3A_305 : memref<40xi32, #tpu.memory_space<vmem>>) semaphore(%arg8 : memref<!tpu.dma_semaphore, #tpu.memory_space<semaphore_mem>>) {add = true}
      %dma_wait3A = arith.constant 0 : i32
      %dma_wait3A_308 = arith.constant 0 : i32
      %dma_wait3A_309 = tpu.memref_slice %arg5[%dma_wait3A_308] : memref<48xf32, #tpu.memory_space<vmem>> -> memref<40xf32, #tpu.memory_space<vmem>>
      %dma_wait3A_310 = arith.constant 0 : i32
      %dma_wait3A_311 = tpu.memref_slice %arg4[%scan3A_268, %dma_wait3A, %dma_wait3A_310] : memref<50x5x40xi32, #tpu.memory_space<vmem>> -> memref<1x1x40xi32, #tpu.memory_space<vmem>>
      %dma_wait3A_312 = tpu.memref_squeeze %dma_wait3A_311 : memref<1x1x40xi32, #tpu.memory_space<vmem>> -> memref<40xi32, #tpu.memory_space<vmem>>
      %dma_wait3A_313 = arith.constant 0 : i32
      %dma_wait3A_314 = tpu.memref_slice %arg7[%dma_wait3A_313] : memref<10240xf32, #tpu.memory_space<vmem_shared>> -> memref<10240xf32, #tpu.memory_space<vmem_shared>>
      tpu.wait_indirect_dma semaphore(%arg8 : memref<!tpu.dma_semaphore, #tpu.memory_space<semaphore_mem>>) src(%dma_wait3A_309 : memref<40xf32, #tpu.memory_space<vmem>>) dst(%dma_wait3A_314 : memref<10240xf32, #tpu.memory_space<vmem_shared>>)
      %dma_wait3A_315 = arith.constant 0 : i32
      %dma_wait3A_316 = arith.constant 0 : i32
      %dma_wait3A_317 = tpu.memref_slice %arg5[%dma_wait3A_316] : memref<48xf32, #tpu.memory_space<vmem>> -> memref<40xf32, #tpu.memory_space<vmem>>
      %dma_wait3A_318 = arith.constant 0 : i32
      %dma_wait3A_319 = tpu.memref_slice %arg4[%scan3A_268, %dma_wait3A_315, %dma_wait3A_318] : memref<50x5x40xi32, #tpu.memory_space<vmem>> -> memref<1x1x40xi32, #tpu.memory_space<vmem>>
      %dma_wait3A_320 = tpu.memref_squeeze %dma_wait3A_319 : memref<1x1x40xi32, #tpu.memory_space<vmem>> -> memref<40xi32, #tpu.memory_space<vmem>>
      %dma_wait3A_321 = arith.constant 0 : i32
      %dma_wait3A_322 = tpu.memref_slice %arg7[%dma_wait3A_321] : memref<10240xf32, #tpu.memory_space<vmem_shared>> -> memref<10240xf32, #tpu.memory_space<vmem_shared>>
      tpu.wait_indirect_dma semaphore(%arg8 : memref<!tpu.dma_semaphore, #tpu.memory_space<semaphore_mem>>) src(%dma_wait3A_317 : memref<40xf32, #tpu.memory_space<vmem>>) dst(%dma_wait3A_322 : memref<10240xf32, #tpu.memory_space<vmem_shared>>)
      %dma_wait3A_323 = arith.constant 0 : i32
      %dma_wait3A_324 = arith.constant 0 : i32
      %dma_wait3A_325 = tpu.memref_slice %arg5[%dma_wait3A_324] : memref<48xf32, #tpu.memory_space<vmem>> -> memref<40xf32, #tpu.memory_space<vmem>>
      %dma_wait3A_326 = arith.constant 0 : i32
      %dma_wait3A_327 = tpu.memref_slice %arg4[%scan3A_268, %dma_wait3A_323, %dma_wait3A_326] : memref<50x5x40xi32, #tpu.memory_space<vmem>> -> memref<1x1x40xi32, #tpu.memory_space<vmem>>
      %dma_wait3A_328 = tpu.memref_squeeze %dma_wait3A_327 : memref<1x1x40xi32, #tpu.memory_space<vmem>> -> memref<40xi32, #tpu.memory_space<vmem>>
      %dma_wait3A_329 = arith.constant 0 : i32
      %dma_wait3A_330 = tpu.memref_slice %arg7[%dma_wait3A_329] : memref<10240xf32, #tpu.memory_space<vmem_shared>> -> memref<10240xf32, #tpu.memory_space<vmem_shared>>
      tpu.wait_indirect_dma semaphore(%arg8 : memref<!tpu.dma_semaphore, #tpu.memory_space<semaphore_mem>>) src(%dma_wait3A_325 : memref<40xf32, #tpu.memory_space<vmem>>) dst(%dma_wait3A_330 : memref<10240xf32, #tpu.memory_space<vmem_shared>>)
      %dma_wait3A_331 = arith.constant 0 : i32
      %dma_wait3A_332 = arith.constant 0 : i32
      %dma_wait3A_333 = tpu.memref_slice %arg5[%dma_wait3A_332] : memref<48xf32, #tpu.memory_space<vmem>> -> memref<40xf32, #tpu.memory_space<vmem>>
      %dma_wait3A_334 = arith.constant 0 : i32
      %dma_wait3A_335 = tpu.memref_slice %arg4[%scan3A_268, %dma_wait3A_331, %dma_wait3A_334] : memref<50x5x40xi32, #tpu.memory_space<vmem>> -> memref<1x1x40xi32, #tpu.memory_space<vmem>>
      %dma_wait3A_336 = tpu.memref_squeeze %dma_wait3A_335 : memref<1x1x40xi32, #tpu.memory_space<vmem>> -> memref<40xi32, #tpu.memory_space<vmem>>
      %dma_wait3A_337 = arith.constant 0 : i32
      %dma_wait3A_338 = tpu.memref_slice %arg7[%dma_wait3A_337] : memref<10240xf32, #tpu.memory_space<vmem_shared>> -> memref<10240xf32, #tpu.memory_space<vmem_shared>>
      tpu.wait_indirect_dma semaphore(%arg8 : memref<!tpu.dma_semaphore, #tpu.memory_space<semaphore_mem>>) src(%dma_wait3A_333 : memref<40xf32, #tpu.memory_space<vmem>>) dst(%dma_wait3A_338 : memref<10240xf32, #tpu.memory_space<vmem_shared>>)
      %dma_wait3A_339 = arith.constant 0 : i32
      %dma_wait3A_340 = arith.constant 0 : i32
      %dma_wait3A_341 = tpu.memref_slice %arg5[%dma_wait3A_340] : memref<48xf32, #tpu.memory_space<vmem>> -> memref<40xf32, #tpu.memory_space<vmem>>
      %dma_wait3A_342 = arith.constant 0 : i32
      %dma_wait3A_343 = tpu.memref_slice %arg4[%scan3A_268, %dma_wait3A_339, %dma_wait3A_342] : memref<50x5x40xi32, #tpu.memory_space<vmem>> -> memref<1x1x40xi32, #tpu.memory_space<vmem>>
      %dma_wait3A_344 = tpu.memref_squeeze %dma_wait3A_343 : memref<1x1x40xi32, #tpu.memory_space<vmem>> -> memref<40xi32, #tpu.memory_space<vmem>>
      %dma_wait3A_345 = arith.constant 0 : i32
      %dma_wait3A_346 = tpu.memref_slice %arg7[%dma_wait3A_345] : memref<10240xf32, #tpu.memory_space<vmem_shared>> -> memref<10240xf32, #tpu.memory_space<vmem_shared>>
      tpu.wait_indirect_dma semaphore(%arg8 : memref<!tpu.dma_semaphore, #tpu.memory_space<semaphore_mem>>) src(%dma_wait3A_341 : memref<40xf32, #tpu.memory_space<vmem>>) dst(%dma_wait3A_346 : memref<10240xf32, #tpu.memory_space<vmem_shared>>)
    }
    %scan3A_262 = arith.constant 50 : i32
    %barrier3A_263 = arith.constant 0 : index
    tpu.barrier barrier_id(%barrier3A_263)
    %mul3A_264 = arith.constant 640 : i32
    %mul3A_265 = arith.muli %arg1, %mul3A_264 : i32
    %mul3A_266 = arith.constant 640 : i32
    %mul3A_267 = arith.muli %arg1, %mul3A_266 : i32
    "tpu.region"() ({
      %run_scoped3A_268 = tpu.sem_alloc : memref<!tpu.dma_semaphore, #tpu.memory_space<semaphore_mem>>
      %dma_start3A = tpu.memref_slice %arg3[%arg0, %mul3A_267] : memref<2x10240xf32, #tpu.memory_space<hbm>> -> memref<1x640xf32, #tpu.memory_space<hbm>>
      %dma_start3A_269 = tpu.memref_squeeze %dma_start3A : memref<1x640xf32, #tpu.memory_space<hbm>> -> memref<640xf32, #tpu.memory_space<hbm>>
      %dma_start3A_270 = tpu.memref_slice %arg7[%mul3A_265] : memref<10240xf32, #tpu.memory_space<vmem_shared>> -> memref<640xf32, #tpu.memory_space<vmem_shared>>
      tpu.enqueue_dma source(%dma_start3A_270 : memref<640xf32, #tpu.memory_space<vmem_shared>>) target(%dma_start3A_269 : memref<640xf32, #tpu.memory_space<hbm>>) target_semaphore(%run_scoped3A_268 : memref<!tpu.dma_semaphore, #tpu.memory_space<semaphore_mem>>)
      %dma_wait3A = tpu.memref_slice %arg3[%arg0, %mul3A_267] : memref<2x10240xf32, #tpu.memory_space<hbm>> -> memref<1x640xf32, #tpu.memory_space<hbm>>
      %dma_wait3A_271 = tpu.memref_squeeze %dma_wait3A : memref<1x640xf32, #tpu.memory_space<hbm>> -> memref<640xf32, #tpu.memory_space<hbm>>
      %dma_wait3A_272 = tpu.memref_slice %arg7[%mul3A_265] : memref<10240xf32, #tpu.memory_space<vmem_shared>> -> memref<640xf32, #tpu.memory_space<vmem_shared>>
      tpu.wait_dma2 semaphore(%run_scoped3A_268 : memref<!tpu.dma_semaphore, #tpu.memory_space<semaphore_mem>>) src(%dma_wait3A_272 : memref<640xf32, #tpu.memory_space<vmem_shared>>) dst(%dma_wait3A_271 : memref<640xf32, #tpu.memory_space<hbm>>)
      tpu.yield
    }) : () -> ()
    return
  }
}

#map = affine_map<(d0, d1) -> (0, 0, 0, 0, 0)>
#map1 = affine_map<(d0, d1) -> (0, 0)>
#map2 = affine_map<(d0, d1) -> (0, 0, 0)>
module attributes {stable_mosaic.version = 14 : i64} {
  func.func @_sc_aggregate(%arg0: i32, %arg1: i32, %arg2: memref<2x32x50x5x40xi32, #tpu.memory_space<hbm>>, %arg3: memref<10000x128xf32, #tpu.memory_space<hbm>>, %arg4: memref<2x10240x128xf32, #tpu.memory_space<hbm>>, %arg5: memref<2x5x40xi32, #tpu.memory_space<vmem>>, %arg6: memref<2x5x40xi32, #tpu.memory_space<vmem>>, %arg7: memref<5x40x128xf32, #tpu.memory_space<vmem>>, %arg8: memref<10240x128xf32, #tpu.memory_space<vmem_shared>>, %arg9: memref<!tpu.dma_semaphore, #tpu.memory_space<semaphore_mem>>, %arg10: memref<!tpu.dma_semaphore, #tpu.memory_space<semaphore_mem>>, %arg11: memref<!tpu.dma_semaphore, #tpu.memory_space<semaphore_mem>>, %arg12: memref<!tpu.dma_semaphore, #tpu.memory_space<semaphore_mem>>, %arg13: memref<!tpu.dma_semaphore, #tpu.memory_space<semaphore_mem>>, %arg14: memref<!tpu.dma_semaphore, #tpu.memory_space<semaphore_mem>>, %arg15: memref<!tpu.dma_semaphore, #tpu.memory_space<semaphore_mem>>, %arg16: memref<!tpu.dma_semaphore, #tpu.memory_space<semaphore_mem>>, %arg17: memref<!tpu.dma_semaphore, #tpu.memory_space<semaphore_mem>>, %arg18: memref<!tpu.dma_semaphore, #tpu.memory_space<semaphore_mem>>, %arg19: memref<!tpu.dma_semaphore, #tpu.memory_space<semaphore_mem>>, %arg20: memref<!tpu.dma_semaphore, #tpu.memory_space<semaphore_mem>>) attributes {dimension_semantics = [#tpu.dimension_semantics<core_parallel>, #tpu.dimension_semantics<subcore_parallel>], iteration_bounds = array<i64: 2, 16>, scalar_prefetch = 0 : i64, scratch_operands = 16 : i64, tpu.core_type = #tpu.core_type<sc_vector_subcore>, window_params = [{transform_indices = #map}, {transform_indices = #map1}, {transform_indices = #map2}]} {
    %mul3A = arith.constant 2 : i32
    %mul3A_0 = arith.muli %arg1, %mul3A : i32
    %add3A = arith.addi %mul3A_0, %arg0 : i32
    %mul3A_1 = arith.constant 640 : i32
    %mul3A_2 = arith.muli %arg1, %mul3A_1 : i32
    %broadcast_in_dim3A = arith.constant 0.000000e+00 : f32
    %broadcast_in_dim3A_3 = vector.broadcast %broadcast_in_dim3A : f32 to vector<16xf32>
    %swap3A = arith.constant 0 : i32
    %swap3A_4 = arith.constant 0 : i32
    %swap3A_5 = arith.index_cast %swap3A : i32 to index
    %swap3A_6 = arith.index_cast %swap3A_4 : i32 to index
    %swap3A_7 = arith.constant 0 : index
    %swap3A_8 = tpu.vector_load %arg7[%swap3A_5, %swap3A_6, %swap3A_7] {strides = array<i32>} : memref<5x40x128xf32, #tpu.memory_space<vmem>>, vector<1x1x16xf32>,
    %swap3A_9 = vector.shape_cast %swap3A_8 : vector<1x1x16xf32> to vector<16xf32>
    %swap3A_10 = vector.shape_cast %broadcast_in_dim3A_3 : vector<16xf32> to vector<1x1x16xf32>
    tpu.vector_store %arg7[%swap3A_5, %swap3A_6, %swap3A_7], %swap3A_10 {strides = array<i32>} : memref<5x40x128xf32, #tpu.memory_space<vmem>>, vector<1x1x16xf32>,
    %broadcast_in_dim3A_11 = arith.constant 0.000000e+00 : f32
    %broadcast_in_dim3A_12 = vector.broadcast %broadcast_in_dim3A_11 : f32 to vector<16xf32>
    %swap3A_13 = arith.constant 0 : i32
    %swap3A_14 = arith.constant 0 : i32
    %swap3A_15 = arith.index_cast %swap3A_13 : i32 to index
    %swap3A_16 = arith.index_cast %swap3A_14 : i32 to index
    %swap3A_17 = arith.constant 16 : index
    %swap3A_18 = tpu.vector_load %arg7[%swap3A_15, %swap3A_16, %swap3A_17] {strides = array<i32>} : memref<5x40x128xf32, #tpu.memory_space<vmem>>, vector<1x1x16xf32>,
    %swap3A_19 = vector.shape_cast %swap3A_18 : vector<1x1x16xf32> to vector<16xf32>
    %swap3A_20 = vector.shape_cast %broadcast_in_dim3A_12 : vector<16xf32> to vector<1x1x16xf32>
    tpu.vector_store %arg7[%swap3A_15, %swap3A_16, %swap3A_17], %swap3A_20 {strides = array<i32>} : memref<5x40x128xf32, #tpu.memory_space<vmem>>, vector<1x1x16xf32>,
    %broadcast_in_dim3A_21 = arith.constant 0.000000e+00 : f32
    %broadcast_in_dim3A_22 = vector.broadcast %broadcast_in_dim3A_21 : f32 to vector<16xf32>
    %swap3A_23 = arith.constant 0 : i32
    %swap3A_24 = arith.constant 0 : i32
    %swap3A_25 = arith.index_cast %swap3A_23 : i32 to index
    %swap3A_26 = arith.index_cast %swap3A_24 : i32 to index
    %swap3A_27 = arith.constant 32 : index
    %swap3A_28 = tpu.vector_load %arg7[%swap3A_25, %swap3A_26, %swap3A_27] {strides = array<i32>} : memref<5x40x128xf32, #tpu.memory_space<vmem>>, vector<1x1x16xf32>,
    %swap3A_29 = vector.shape_cast %swap3A_28 : vector<1x1x16xf32> to vector<16xf32>
    %swap3A_30 = vector.shape_cast %broadcast_in_dim3A_22 : vector<16xf32> to vector<1x1x16xf32>
    tpu.vector_store %arg7[%swap3A_25, %swap3A_26, %swap3A_27], %swap3A_30 {strides = array<i32>} : memref<5x40x128xf32, #tpu.memory_space<vmem>>, vector<1x1x16xf32>,
    %broadcast_in_dim3A_31 = arith.constant 0.000000e+00 : f32
    %broadcast_in_dim3A_32 = vector.broadcast %broadcast_in_dim3A_31 : f32 to vector<16xf32>
    %swap3A_33 = arith.constant 0 : i32
    %swap3A_34 = arith.constant 0 : i32
    %swap3A_35 = arith.index_cast %swap3A_33 : i32 to index
    %swap3A_36 = arith.index_cast %swap3A_34 : i32 to index
    %swap3A_37 = arith.constant 48 : index
    %swap3A_38 = tpu.vector_load %arg7[%swap3A_35, %swap3A_36, %swap3A_37] {strides = array<i32>} : memref<5x40x128xf32, #tpu.memory_space<vmem>>, vector<1x1x16xf32>,
    %swap3A_39 = vector.shape_cast %swap3A_38 : vector<1x1x16xf32> to vector<16xf32>
    %swap3A_40 = vector.shape_cast %broadcast_in_dim3A_32 : vector<16xf32> to vector<1x1x16xf32>
    tpu.vector_store %arg7[%swap3A_35, %swap3A_36, %swap3A_37], %swap3A_40 {strides = array<i32>} : memref<5x40x128xf32, #tpu.memory_space<vmem>>, vector<1x1x16xf32>,
    %broadcast_in_dim3A_41 = arith.constant 0.000000e+00 : f32
    %broadcast_in_dim3A_42 = vector.broadcast %broadcast_in_dim3A_41 : f32 to vector<16xf32>
    %swap3A_43 = arith.constant 0 : i32
    %swap3A_44 = arith.constant 0 : i32
    %swap3A_45 = arith.index_cast %swap3A_43 : i32 to index
    %swap3A_46 = arith.index_cast %swap3A_44 : i32 to index
    %swap3A_47 = arith.constant 64 : index
    %swap3A_48 = tpu.vector_load %arg7[%swap3A_45, %swap3A_46, %swap3A_47] {strides = array<i32>} : memref<5x40x128xf32, #tpu.memory_space<vmem>>, vector<1x1x16xf32>,
    %swap3A_49 = vector.shape_cast %swap3A_48 : vector<1x1x16xf32> to vector<16xf32>
    %swap3A_50 = vector.shape_cast %broadcast_in_dim3A_42 : vector<16xf32> to vector<1x1x16xf32>
    tpu.vector_store %arg7[%swap3A_45, %swap3A_46, %swap3A_47], %swap3A_50 {strides = array<i32>} : memref<5x40x128xf32, #tpu.memory_space<vmem>>, vector<1x1x16xf32>,
    %broadcast_in_dim3A_51 = arith.constant 0.000000e+00 : f32
    %broadcast_in_dim3A_52 = vector.broadcast %broadcast_in_dim3A_51 : f32 to vector<16xf32>
    %swap3A_53 = arith.constant 0 : i32
    %swap3A_54 = arith.constant 0 : i32
    %swap3A_55 = arith.index_cast %swap3A_53 : i32 to index
    %swap3A_56 = arith.index_cast %swap3A_54 : i32 to index
    %swap3A_57 = arith.constant 80 : index
    %swap3A_58 = tpu.vector_load %arg7[%swap3A_55, %swap3A_56, %swap3A_57] {strides = array<i32>} : memref<5x40x128xf32, #tpu.memory_space<vmem>>, vector<1x1x16xf32>,
    %swap3A_59 = vector.shape_cast %swap3A_58 : vector<1x1x16xf32> to vector<16xf32>
    %swap3A_60 = vector.shape_cast %broadcast_in_dim3A_52 : vector<16xf32> to vector<1x1x16xf32>
    tpu.vector_store %arg7[%swap3A_55, %swap3A_56, %swap3A_57], %swap3A_60 {strides = array<i32>} : memref<5x40x128xf32, #tpu.memory_space<vmem>>, vector<1x1x16xf32>,
    %broadcast_in_dim3A_61 = arith.constant 0.000000e+00 : f32
    %broadcast_in_dim3A_62 = vector.broadcast %broadcast_in_dim3A_61 : f32 to vector<16xf32>
    %swap3A_63 = arith.constant 0 : i32
    %swap3A_64 = arith.constant 0 : i32
    %swap3A_65 = arith.index_cast %swap3A_63 : i32 to index
    %swap3A_66 = arith.index_cast %swap3A_64 : i32 to index
    %swap3A_67 = arith.constant 96 : index
    %swap3A_68 = tpu.vector_load %arg7[%swap3A_65, %swap3A_66, %swap3A_67] {strides = array<i32>} : memref<5x40x128xf32, #tpu.memory_space<vmem>>, vector<1x1x16xf32>,
    %swap3A_69 = vector.shape_cast %swap3A_68 : vector<1x1x16xf32> to vector<16xf32>
    %swap3A_70 = vector.shape_cast %broadcast_in_dim3A_62 : vector<16xf32> to vector<1x1x16xf32>
    tpu.vector_store %arg7[%swap3A_65, %swap3A_66, %swap3A_67], %swap3A_70 {strides = array<i32>} : memref<5x40x128xf32, #tpu.memory_space<vmem>>, vector<1x1x16xf32>,
    %broadcast_in_dim3A_71 = arith.constant 0.000000e+00 : f32
    %broadcast_in_dim3A_72 = vector.broadcast %broadcast_in_dim3A_71 : f32 to vector<16xf32>
    %swap3A_73 = arith.constant 0 : i32
    %swap3A_74 = arith.constant 0 : i32
    %swap3A_75 = arith.index_cast %swap3A_73 : i32 to index
    %swap3A_76 = arith.index_cast %swap3A_74 : i32 to index
    %swap3A_77 = arith.constant 112 : index
    %swap3A_78 = tpu.vector_load %arg7[%swap3A_75, %swap3A_76, %swap3A_77] {strides = array<i32>} : memref<5x40x128xf32, #tpu.memory_space<vmem>>, vector<1x1x16xf32>,
    %swap3A_79 = vector.shape_cast %swap3A_78 : vector<1x1x16xf32> to vector<16xf32>
    %swap3A_80 = vector.shape_cast %broadcast_in_dim3A_72 : vector<16xf32> to vector<1x1x16xf32>
    tpu.vector_store %arg7[%swap3A_75, %swap3A_76, %swap3A_77], %swap3A_80 {strides = array<i32>} : memref<5x40x128xf32, #tpu.memory_space<vmem>>, vector<1x1x16xf32>,
    %broadcast_in_dim3A_81 = arith.constant 0.000000e+00 : f32
    %broadcast_in_dim3A_82 = vector.broadcast %broadcast_in_dim3A_81 : f32 to vector<16xf32>
    %swap3A_83 = arith.constant 0 : i32
    %swap3A_84 = arith.constant 1 : i32
    %swap3A_85 = arith.index_cast %swap3A_83 : i32 to index
    %swap3A_86 = arith.index_cast %swap3A_84 : i32 to index
    %swap3A_87 = arith.constant 0 : index
    %swap3A_88 = tpu.vector_load %arg7[%swap3A_85, %swap3A_86, %swap3A_87] {strides = array<i32>} : memref<5x40x128xf32, #tpu.memory_space<vmem>>, vector<1x1x16xf32>,
    %swap3A_89 = vector.shape_cast %swap3A_88 : vector<1x1x16xf32> to vector<16xf32>
    %swap3A_90 = vector.shape_cast %broadcast_in_dim3A_82 : vector<16xf32> to vector<1x1x16xf32>
    tpu.vector_store %arg7[%swap3A_85, %swap3A_86, %swap3A_87], %swap3A_90 {strides = array<i32>} : memref<5x40x128xf32, #tpu.memory_space<vmem>>, vector<1x1x16xf32>,
    %broadcast_in_dim3A_91 = arith.constant 0.000000e+00 : f32
    %broadcast_in_dim3A_92 = vector.broadcast %broadcast_in_dim3A_91 : f32 to vector<16xf32>
    %swap3A_93 = arith.constant 0 : i32
    %swap3A_94 = arith.constant 1 : i32
    %swap3A_95 = arith.index_cast %swap3A_93 : i32 to index
    %swap3A_96 = arith.index_cast %swap3A_94 : i32 to index
    %swap3A_97 = arith.constant 16 : index
    %swap3A_98 = tpu.vector_load %arg7[%swap3A_95, %swap3A_96, %swap3A_97] {strides = array<i32>} : memref<5x40x128xf32, #tpu.memory_space<vmem>>, vector<1x1x16xf32>,
    %swap3A_99 = vector.shape_cast %swap3A_98 : vector<1x1x16xf32> to vector<16xf32>
    %swap3A_100 = vector.shape_cast %broadcast_in_dim3A_92 : vector<16xf32> to vector<1x1x16xf32>
    tpu.vector_store %arg7[%swap3A_95, %swap3A_96, %swap3A_97], %swap3A_100 {strides = array<i32>} : memref<5x40x128xf32, #tpu.memory_space<vmem>>, vector<1x1x16xf32>,
    %broadcast_in_dim3A_101 = arith.constant 0.000000e+00 : f32
    %broadcast_in_dim3A_102 = vector.broadcast %broadcast_in_dim3A_101 : f32 to vector<16xf32>
    %swap3A_103 = arith.constant 0 : i32
    %swap3A_104 = arith.constant 1 : i32
    %swap3A_105 = arith.index_cast %swap3A_103 : i32 to index
    %swap3A_106 = arith.index_cast %swap3A_104 : i32 to index
    %swap3A_107 = arith.constant 32 : index
    %swap3A_108 = tpu.vector_load %arg7[%swap3A_105, %swap3A_106, %swap3A_107] {strides = array<i32>} : memref<5x40x128xf32, #tpu.memory_space<vmem>>, vector<1x1x16xf32>,
    %swap3A_109 = vector.shape_cast %swap3A_108 : vector<1x1x16xf32> to vector<16xf32>
    %swap3A_110 = vector.shape_cast %broadcast_in_dim3A_102 : vector<16xf32> to vector<1x1x16xf32>
    tpu.vector_store %arg7[%swap3A_105, %swap3A_106, %swap3A_107], %swap3A_110 {strides = array<i32>} : memref<5x40x128xf32, #tpu.memory_space<vmem>>, vector<1x1x16xf32>,
    %broadcast_in_dim3A_111 = arith.constant 0.000000e+00 : f32
    %broadcast_in_dim3A_112 = vector.broadcast %broadcast_in_dim3A_111 : f32 to vector<16xf32>
    %swap3A_113 = arith.constant 0 : i32
    %swap3A_114 = arith.constant 1 : i32
    %swap3A_115 = arith.index_cast %swap3A_113 : i32 to index
    %swap3A_116 = arith.index_cast %swap3A_114 : i32 to index
    %swap3A_117 = arith.constant 48 : index
    %swap3A_118 = tpu.vector_load %arg7[%swap3A_115, %swap3A_116, %swap3A_117] {strides = array<i32>} : memref<5x40x128xf32, #tpu.memory_space<vmem>>, vector<1x1x16xf32>,
    %swap3A_119 = vector.shape_cast %swap3A_118 : vector<1x1x16xf32> to vector<16xf32>
    %swap3A_120 = vector.shape_cast %broadcast_in_dim3A_112 : vector<16xf32> to vector<1x1x16xf32>
    tpu.vector_store %arg7[%swap3A_115, %swap3A_116, %swap3A_117], %swap3A_120 {strides = array<i32>} : memref<5x40x128xf32, #tpu.memory_space<vmem>>, vector<1x1x16xf32>,
    %broadcast_in_dim3A_121 = arith.constant 0.000000e+00 : f32
    %broadcast_in_dim3A_122 = vector.broadcast %broadcast_in_dim3A_121 : f32 to vector<16xf32>
    %swap3A_123 = arith.constant 0 : i32
    %swap3A_124 = arith.constant 1 : i32
    %swap3A_125 = arith.index_cast %swap3A_123 : i32 to index
    %swap3A_126 = arith.index_cast %swap3A_124 : i32 to index
    %swap3A_127 = arith.constant 64 : index
    %swap3A_128 = tpu.vector_load %arg7[%swap3A_125, %swap3A_126, %swap3A_127] {strides = array<i32>} : memref<5x40x128xf32, #tpu.memory_space<vmem>>, vector<1x1x16xf32>,
    %swap3A_129 = vector.shape_cast %swap3A_128 : vector<1x1x16xf32> to vector<16xf32>
    %swap3A_130 = vector.shape_cast %broadcast_in_dim3A_122 : vector<16xf32> to vector<1x1x16xf32>
    tpu.vector_store %arg7[%swap3A_125, %swap3A_126, %swap3A_127], %swap3A_130 {strides = array<i32>} : memref<5x40x128xf32, #tpu.memory_space<vmem>>, vector<1x1x16xf32>,
    %broadcast_in_dim3A_131 = arith.constant 0.000000e+00 : f32
    %broadcast_in_dim3A_132 = vector.broadcast %broadcast_in_dim3A_131 : f32 to vector<16xf32>
    %swap3A_133 = arith.constant 0 : i32
    %swap3A_134 = arith.constant 1 : i32
    %swap3A_135 = arith.index_cast %swap3A_133 : i32 to index
    %swap3A_136 = arith.index_cast %swap3A_134 : i32 to index
    %swap3A_137 = arith.constant 80 : index
    %swap3A_138 = tpu.vector_load %arg7[%swap3A_135, %swap3A_136, %swap3A_137] {strides = array<i32>} : memref<5x40x128xf32, #tpu.memory_space<vmem>>, vector<1x1x16xf32>,
    %swap3A_139 = vector.shape_cast %swap3A_138 : vector<1x1x16xf32> to vector<16xf32>
    %swap3A_140 = vector.shape_cast %broadcast_in_dim3A_132 : vector<16xf32> to vector<1x1x16xf32>
    tpu.vector_store %arg7[%swap3A_135, %swap3A_136, %swap3A_137], %swap3A_140 {strides = array<i32>} : memref<5x40x128xf32, #tpu.memory_space<vmem>>, vector<1x1x16xf32>,
    %broadcast_in_dim3A_141 = arith.constant 0.000000e+00 : f32
    %broadcast_in_dim3A_142 = vector.broadcast %broadcast_in_dim3A_141 : f32 to vector<16xf32>
    %swap3A_143 = arith.constant 0 : i32
    %swap3A_144 = arith.constant 1 : i32
    %swap3A_145 = arith.index_cast %swap3A_143 : i32 to index
    %swap3A_146 = arith.index_cast %swap3A_144 : i32 to index
    %swap3A_147 = arith.constant 96 : index
    %swap3A_148 = tpu.vector_load %arg7[%swap3A_145, %swap3A_146, %swap3A_147] {strides = array<i32>} : memref<5x40x128xf32, #tpu.memory_space<vmem>>, vector<1x1x16xf32>,
    %swap3A_149 = vector.shape_cast %swap3A_148 : vector<1x1x16xf32> to vector<16xf32>
    %swap3A_150 = vector.shape_cast %broadcast_in_dim3A_142 : vector<16xf32> to vector<1x1x16xf32>
    tpu.vector_store %arg7[%swap3A_145, %swap3A_146, %swap3A_147], %swap3A_150 {strides = array<i32>} : memref<5x40x128xf32, #tpu.memory_space<vmem>>, vector<1x1x16xf32>,
    %broadcast_in_dim3A_151 = arith.constant 0.000000e+00 : f32
    %broadcast_in_dim3A_152 = vector.broadcast %broadcast_in_dim3A_151 : f32 to vector<16xf32>
    %swap3A_153 = arith.constant 0 : i32
    %swap3A_154 = arith.constant 1 : i32
    %swap3A_155 = arith.index_cast %swap3A_153 : i32 to index
    %swap3A_156 = arith.index_cast %swap3A_154 : i32 to index
    %swap3A_157 = arith.constant 112 : index
    %swap3A_158 = tpu.vector_load %arg7[%swap3A_155, %swap3A_156, %swap3A_157] {strides = array<i32>} : memref<5x40x128xf32, #tpu.memory_space<vmem>>, vector<1x1x16xf32>,
    %swap3A_159 = vector.shape_cast %swap3A_158 : vector<1x1x16xf32> to vector<16xf32>
    %swap3A_160 = vector.shape_cast %broadcast_in_dim3A_152 : vector<16xf32> to vector<1x1x16xf32>
    tpu.vector_store %arg7[%swap3A_155, %swap3A_156, %swap3A_157], %swap3A_160 {strides = array<i32>} : memref<5x40x128xf32, #tpu.memory_space<vmem>>, vector<1x1x16xf32>,
    %broadcast_in_dim3A_161 = arith.constant 0.000000e+00 : f32
    %broadcast_in_dim3A_162 = vector.broadcast %broadcast_in_dim3A_161 : f32 to vector<16xf32>
    %swap3A_163 = arith.constant 0 : i32
    %swap3A_164 = arith.constant 2 : i32
    %swap3A_165 = arith.index_cast %swap3A_163 : i32 to index
    %swap3A_166 = arith.index_cast %swap3A_164 : i32 to index
    %swap3A_167 = arith.constant 0 : index
    %swap3A_168 = tpu.vector_load %arg7[%swap3A_165, %swap3A_166, %swap3A_167] {strides = array<i32>} : memref<5x40x128xf32, #tpu.memory_space<vmem>>, vector<1x1x16xf32>,
    %swap3A_169 = vector.shape_cast %swap3A_168 : vector<1x1x16xf32> to vector<16xf32>
    %swap3A_170 = vector.shape_cast %broadcast_in_dim3A_162 : vector<16xf32> to vector<1x1x16xf32>
    tpu.vector_store %arg7[%swap3A_165, %swap3A_166, %swap3A_167], %swap3A_170 {strides = array<i32>} : memref<5x40x128xf32, #tpu.memory_space<vmem>>, vector<1x1x16xf32>,
    %broadcast_in_dim3A_171 = arith.constant 0.000000e+00 : f32
    %broadcast_in_dim3A_172 = vector.broadcast %broadcast_in_dim3A_171 : f32 to vector<16xf32>
    %swap3A_173 = arith.constant 0 : i32
    %swap3A_174 = arith.constant 2 : i32
    %swap3A_175 = arith.index_cast %swap3A_173 : i32 to index
    %swap3A_176 = arith.index_cast %swap3A_174 : i32 to index
    %swap3A_177 = arith.constant 16 : index
    %swap3A_178 = tpu.vector_load %arg7[%swap3A_175, %swap3A_176, %swap3A_177] {strides = array<i32>} : memref<5x40x128xf32, #tpu.memory_space<vmem>>, vector<1x1x16xf32>,
    %swap3A_179 = vector.shape_cast %swap3A_178 : vector<1x1x16xf32> to vector<16xf32>
    %swap3A_180 = vector.shape_cast %broadcast_in_dim3A_172 : vector<16xf32> to vector<1x1x16xf32>
    tpu.vector_store %arg7[%swap3A_175, %swap3A_176, %swap3A_177], %swap3A_180 {strides = array<i32>} : memref<5x40x128xf32, #tpu.memory_space<vmem>>, vector<1x1x16xf32>,
    %broadcast_in_dim3A_181 = arith.constant 0.000000e+00 : f32
    %broadcast_in_dim3A_182 = vector.broadcast %broadcast_in_dim3A_181 : f32 to vector<16xf32>
    %swap3A_183 = arith.constant 0 : i32
    %swap3A_184 = arith.constant 2 : i32
    %swap3A_185 = arith.index_cast %swap3A_183 : i32 to index
    %swap3A_186 = arith.index_cast %swap3A_184 : i32 to index
    %swap3A_187 = arith.constant 32 : index
    %swap3A_188 = tpu.vector_load %arg7[%swap3A_185, %swap3A_186, %swap3A_187] {strides = array<i32>} : memref<5x40x128xf32, #tpu.memory_space<vmem>>, vector<1x1x16xf32>,
    %swap3A_189 = vector.shape_cast %swap3A_188 : vector<1x1x16xf32> to vector<16xf32>
    %swap3A_190 = vector.shape_cast %broadcast_in_dim3A_182 : vector<16xf32> to vector<1x1x16xf32>
    tpu.vector_store %arg7[%swap3A_185, %swap3A_186, %swap3A_187], %swap3A_190 {strides = array<i32>} : memref<5x40x128xf32, #tpu.memory_space<vmem>>, vector<1x1x16xf32>,
    %broadcast_in_dim3A_191 = arith.constant 0.000000e+00 : f32
    %broadcast_in_dim3A_192 = vector.broadcast %broadcast_in_dim3A_191 : f32 to vector<16xf32>
    %swap3A_193 = arith.constant 0 : i32
    %swap3A_194 = arith.constant 2 : i32
    %swap3A_195 = arith.index_cast %swap3A_193 : i32 to index
    %swap3A_196 = arith.index_cast %swap3A_194 : i32 to index
    %swap3A_197 = arith.constant 48 : index
    %swap3A_198 = tpu.vector_load %arg7[%swap3A_195, %swap3A_196, %swap3A_197] {strides = array<i32>} : memref<5x40x128xf32, #tpu.memory_space<vmem>>, vector<1x1x16xf32>,
    %swap3A_199 = vector.shape_cast %swap3A_198 : vector<1x1x16xf32> to vector<16xf32>
    %swap3A_200 = vector.shape_cast %broadcast_in_dim3A_192 : vector<16xf32> to vector<1x1x16xf32>
    tpu.vector_store %arg7[%swap3A_195, %swap3A_196, %swap3A_197], %swap3A_200 {strides = array<i32>} : memref<5x40x128xf32, #tpu.memory_space<vmem>>, vector<1x1x16xf32>,
    %broadcast_in_dim3A_201 = arith.constant 0.000000e+00 : f32
    %broadcast_in_dim3A_202 = vector.broadcast %broadcast_in_dim3A_201 : f32 to vector<16xf32>
    %swap3A_203 = arith.constant 0 : i32
    %swap3A_204 = arith.constant 2 : i32
    %swap3A_205 = arith.index_cast %swap3A_203 : i32 to index
    %swap3A_206 = arith.index_cast %swap3A_204 : i32 to index
    %swap3A_207 = arith.constant 64 : index
    %swap3A_208 = tpu.vector_load %arg7[%swap3A_205, %swap3A_206, %swap3A_207] {strides = array<i32>} : memref<5x40x128xf32, #tpu.memory_space<vmem>>, vector<1x1x16xf32>,
    %swap3A_209 = vector.shape_cast %swap3A_208 : vector<1x1x16xf32> to vector<16xf32>
    %swap3A_210 = vector.shape_cast %broadcast_in_dim3A_202 : vector<16xf32> to vector<1x1x16xf32>
    tpu.vector_store %arg7[%swap3A_205, %swap3A_206, %swap3A_207], %swap3A_210 {strides = array<i32>} : memref<5x40x128xf32, #tpu.memory_space<vmem>>, vector<1x1x16xf32>,
    %broadcast_in_dim3A_211 = arith.constant 0.000000e+00 : f32
    %broadcast_in_dim3A_212 = vector.broadcast %broadcast_in_dim3A_211 : f32 to vector<16xf32>
    %swap3A_213 = arith.constant 0 : i32
    %swap3A_214 = arith.constant 2 : i32
    %swap3A_215 = arith.index_cast %swap3A_213 : i32 to index
    %swap3A_216 = arith.index_cast %swap3A_214 : i32 to index
    %swap3A_217 = arith.constant 80 : index
    %swap3A_218 = tpu.vector_load %arg7[%swap3A_215, %swap3A_216, %swap3A_217] {strides = array<i32>} : memref<5x40x128xf32, #tpu.memory_space<vmem>>, vector<1x1x16xf32>,
    %swap3A_219 = vector.shape_cast %swap3A_218 : vector<1x1x16xf32> to vector<16xf32>
    %swap3A_220 = vector.shape_cast %broadcast_in_dim3A_212 : vector<16xf32> to vector<1x1x16xf32>
    tpu.vector_store %arg7[%swap3A_215, %swap3A_216, %swap3A_217], %swap3A_220 {strides = array<i32>} : memref<5x40x128xf32, #tpu.memory_space<vmem>>, vector<1x1x16xf32>,
    %broadcast_in_dim3A_221 = arith.constant 0.000000e+00 : f32
    %broadcast_in_dim3A_222 = vector.broadcast %broadcast_in_dim3A_221 : f32 to vector<16xf32>
    %swap3A_223 = arith.constant 0 : i32
    %swap3A_224 = arith.constant 2 : i32
    %swap3A_225 = arith.index_cast %swap3A_223 : i32 to index
    %swap3A_226 = arith.index_cast %swap3A_224 : i32 to index
    %swap3A_227 = arith.constant 96 : index
    %swap3A_228 = tpu.vector_load %arg7[%swap3A_225, %swap3A_226, %swap3A_227] {strides = array<i32>} : memref<5x40x128xf32, #tpu.memory_space<vmem>>, vector<1x1x16xf32>,
    %swap3A_229 = vector.shape_cast %swap3A_228 : vector<1x1x16xf32> to vector<16xf32>
    %swap3A_230 = vector.shape_cast %broadcast_in_dim3A_222 : vector<16xf32> to vector<1x1x16xf32>
    tpu.vector_store %arg7[%swap3A_225, %swap3A_226, %swap3A_227], %swap3A_230 {strides = array<i32>} : memref<5x40x128xf32, #tpu.memory_space<vmem>>, vector<1x1x16xf32>,
    %broadcast_in_dim3A_231 = arith.constant 0.000000e+00 : f32
    %broadcast_in_dim3A_232 = vector.broadcast %broadcast_in_dim3A_231 : f32 to vector<16xf32>
    %swap3A_233 = arith.constant 0 : i32
    %swap3A_234 = arith.constant 2 : i32
    %swap3A_235 = arith.index_cast %swap3A_233 : i32 to index
    %swap3A_236 = arith.index_cast %swap3A_234 : i32 to index
    %swap3A_237 = arith.constant 112 : index
    %swap3A_238 = tpu.vector_load %arg7[%swap3A_235, %swap3A_236, %swap3A_237] {strides = array<i32>} : memref<5x40x128xf32, #tpu.memory_space<vmem>>, vector<1x1x16xf32>,
    %swap3A_239 = vector.shape_cast %swap3A_238 : vector<1x1x16xf32> to vector<16xf32>
    %swap3A_240 = vector.shape_cast %broadcast_in_dim3A_232 : vector<16xf32> to vector<1x1x16xf32>
    tpu.vector_store %arg7[%swap3A_235, %swap3A_236, %swap3A_237], %swap3A_240 {strides = array<i32>} : memref<5x40x128xf32, #tpu.memory_space<vmem>>, vector<1x1x16xf32>,
    %broadcast_in_dim3A_241 = arith.constant 0.000000e+00 : f32
    %broadcast_in_dim3A_242 = vector.broadcast %broadcast_in_dim3A_241 : f32 to vector<16xf32>
    %swap3A_243 = arith.constant 0 : i32
    %swap3A_244 = arith.constant 3 : i32
    %swap3A_245 = arith.index_cast %swap3A_243 : i32 to index
    %swap3A_246 = arith.index_cast %swap3A_244 : i32 to index
    %swap3A_247 = arith.constant 0 : index
    %swap3A_248 = tpu.vector_load %arg7[%swap3A_245, %swap3A_246, %swap3A_247] {strides = array<i32>} : memref<5x40x128xf32, #tpu.memory_space<vmem>>, vector<1x1x16xf32>,
    %swap3A_249 = vector.shape_cast %swap3A_248 : vector<1x1x16xf32> to vector<16xf32>
    %swap3A_250 = vector.shape_cast %broadcast_in_dim3A_242 : vector<16xf32> to vector<1x1x16xf32>
    tpu.vector_store %arg7[%swap3A_245, %swap3A_246, %swap3A_247], %swap3A_250 {strides = array<i32>} : memref<5x40x128xf32, #tpu.memory_space<vmem>>, vector<1x1x16xf32>,
    %broadcast_in_dim3A_251 = arith.constant 0.000000e+00 : f32
    %broadcast_in_dim3A_252 = vector.broadcast %broadcast_in_dim3A_251 : f32 to vector<16xf32>
    %swap3A_253 = arith.constant 0 : i32
    %swap3A_254 = arith.constant 3 : i32
    %swap3A_255 = arith.index_cast %swap3A_253 : i32 to index
    %swap3A_256 = arith.index_cast %swap3A_254 : i32 to index
    %swap3A_257 = arith.constant 16 : index
    %swap3A_258 = tpu.vector_load %arg7[%swap3A_255, %swap3A_256, %swap3A_257] {strides = array<i32>} : memref<5x40x128xf32, #tpu.memory_space<vmem>>, vector<1x1x16xf32>,
    %swap3A_259 = vector.shape_cast %swap3A_258 : vector<1x1x16xf32> to vector<16xf32>
    %swap3A_260 = vector.shape_cast %broadcast_in_dim3A_252 : vector<16xf32> to vector<1x1x16xf32>
    tpu.vector_store %arg7[%swap3A_255, %swap3A_256, %swap3A_257], %swap3A_260 {strides = array<i32>} : memref<5x40x128xf32, #tpu.memory_space<vmem>>, vector<1x1x16xf32>,
    %broadcast_in_dim3A_261 = arith.constant 0.000000e+00 : f32
    %broadcast_in_dim3A_262 = vector.broadcast %broadcast_in_dim3A_261 : f32 to vector<16xf32>
    %swap3A_263 = arith.constant 0 : i32
    %swap3A_264 = arith.constant 3 : i32
    %swap3A_265 = arith.index_cast %swap3A_263 : i32 to index
    %swap3A_266 = arith.index_cast %swap3A_264 : i32 to index
    %swap3A_267 = arith.constant 32 : index
    %swap3A_268 = tpu.vector_load %arg7[%swap3A_265, %swap3A_266, %swap3A_267] {strides = array<i32>} : memref<5x40x128xf32, #tpu.memory_space<vmem>>, vector<1x1x16xf32>,
    %swap3A_269 = vector.shape_cast %swap3A_268 : vector<1x1x16xf32> to vector<16xf32>
    %swap3A_270 = vector.shape_cast %broadcast_in_dim3A_262 : vector<16xf32> to vector<1x1x16xf32>
    tpu.vector_store %arg7[%swap3A_265, %swap3A_266, %swap3A_267], %swap3A_270 {strides = array<i32>} : memref<5x40x128xf32, #tpu.memory_space<vmem>>, vector<1x1x16xf32>,
    %broadcast_in_dim3A_271 = arith.constant 0.000000e+00 : f32
    %broadcast_in_dim3A_272 = vector.broadcast %broadcast_in_dim3A_271 : f32 to vector<16xf32>
    %swap3A_273 = arith.constant 0 : i32
    %swap3A_274 = arith.constant 3 : i32
    %swap3A_275 = arith.index_cast %swap3A_273 : i32 to index
    %swap3A_276 = arith.index_cast %swap3A_274 : i32 to index
    %swap3A_277 = arith.constant 48 : index
    %swap3A_278 = tpu.vector_load %arg7[%swap3A_275, %swap3A_276, %swap3A_277] {strides = array<i32>} : memref<5x40x128xf32, #tpu.memory_space<vmem>>, vector<1x1x16xf32>,
    %swap3A_279 = vector.shape_cast %swap3A_278 : vector<1x1x16xf32> to vector<16xf32>
    %swap3A_280 = vector.shape_cast %broadcast_in_dim3A_272 : vector<16xf32> to vector<1x1x16xf32>
    tpu.vector_store %arg7[%swap3A_275, %swap3A_276, %swap3A_277], %swap3A_280 {strides = array<i32>} : memref<5x40x128xf32, #tpu.memory_space<vmem>>, vector<1x1x16xf32>,
    %broadcast_in_dim3A_281 = arith.constant 0.000000e+00 : f32
    %broadcast_in_dim3A_282 = vector.broadcast %broadcast_in_dim3A_281 : f32 to vector<16xf32>
    %swap3A_283 = arith.constant 0 : i32
    %swap3A_284 = arith.constant 3 : i32
    %swap3A_285 = arith.index_cast %swap3A_283 : i32 to index
    %swap3A_286 = arith.index_cast %swap3A_284 : i32 to index
    %swap3A_287 = arith.constant 64 : index
    %swap3A_288 = tpu.vector_load %arg7[%swap3A_285, %swap3A_286, %swap3A_287] {strides = array<i32>} : memref<5x40x128xf32, #tpu.memory_space<vmem>>, vector<1x1x16xf32>,
    %swap3A_289 = vector.shape_cast %swap3A_288 : vector<1x1x16xf32> to vector<16xf32>
    %swap3A_290 = vector.shape_cast %broadcast_in_dim3A_282 : vector<16xf32> to vector<1x1x16xf32>
    tpu.vector_store %arg7[%swap3A_285, %swap3A_286, %swap3A_287], %swap3A_290 {strides = array<i32>} : memref<5x40x128xf32, #tpu.memory_space<vmem>>, vector<1x1x16xf32>,
    %broadcast_in_dim3A_291 = arith.constant 0.000000e+00 : f32
    %broadcast_in_dim3A_292 = vector.broadcast %broadcast_in_dim3A_291 : f32 to vector<16xf32>
    %swap3A_293 = arith.constant 0 : i32
    %swap3A_294 = arith.constant 3 : i32
    %swap3A_295 = arith.index_cast %swap3A_293 : i32 to index
    %swap3A_296 = arith.index_cast %swap3A_294 : i32 to index
    %swap3A_297 = arith.constant 80 : index
    %swap3A_298 = tpu.vector_load %arg7[%swap3A_295, %swap3A_296, %swap3A_297] {strides = array<i32>} : memref<5x40x128xf32, #tpu.memory_space<vmem>>, vector<1x1x16xf32>,
    %swap3A_299 = vector.shape_cast %swap3A_298 : vector<1x1x16xf32> to vector<16xf32>
    %swap3A_300 = vector.shape_cast %broadcast_in_dim3A_292 : vector<16xf32> to vector<1x1x16xf32>
    tpu.vector_store %arg7[%swap3A_295, %swap3A_296, %swap3A_297], %swap3A_300 {strides = array<i32>} : memref<5x40x128xf32, #tpu.memory_space<vmem>>, vector<1x1x16xf32>,
    %broadcast_in_dim3A_301 = arith.constant 0.000000e+00 : f32
    %broadcast_in_dim3A_302 = vector.broadcast %broadcast_in_dim3A_301 : f32 to vector<16xf32>
    %swap3A_303 = arith.constant 0 : i32
    %swap3A_304 = arith.constant 3 : i32
    %swap3A_305 = arith.index_cast %swap3A_303 : i32 to index
    %swap3A_306 = arith.index_cast %swap3A_304 : i32 to index
    %swap3A_307 = arith.constant 96 : index
    %swap3A_308 = tpu.vector_load %arg7[%swap3A_305, %swap3A_306, %swap3A_307] {strides = array<i32>} : memref<5x40x128xf32, #tpu.memory_space<vmem>>, vector<1x1x16xf32>,
    %swap3A_309 = vector.shape_cast %swap3A_308 : vector<1x1x16xf32> to vector<16xf32>
    %swap3A_310 = vector.shape_cast %broadcast_in_dim3A_302 : vector<16xf32> to vector<1x1x16xf32>
    tpu.vector_store %arg7[%swap3A_305, %swap3A_306, %swap3A_307], %swap3A_310 {strides = array<i32>} : memref<5x40x128xf32, #tpu.memory_space<vmem>>, vector<1x1x16xf32>,
    %broadcast_in_dim3A_311 = arith.constant 0.000000e+00 : f32
    %broadcast_in_dim3A_312 = vector.broadcast %broadcast_in_dim3A_311 : f32 to vector<16xf32>
    %swap3A_313 = arith.constant 0 : i32
    %swap3A_314 = arith.constant 3 : i32
    %swap3A_315 = arith.index_cast %swap3A_313 : i32 to index
    %swap3A_316 = arith.index_cast %swap3A_314 : i32 to index
    %swap3A_317 = arith.constant 112 : index
    %swap3A_318 = tpu.vector_load %arg7[%swap3A_315, %swap3A_316, %swap3A_317] {strides = array<i32>} : memref<5x40x128xf32, #tpu.memory_space<vmem>>, vector<1x1x16xf32>,
    %swap3A_319 = vector.shape_cast %swap3A_318 : vector<1x1x16xf32> to vector<16xf32>
    %swap3A_320 = vector.shape_cast %broadcast_in_dim3A_312 : vector<16xf32> to vector<1x1x16xf32>
    tpu.vector_store %arg7[%swap3A_315, %swap3A_316, %swap3A_317], %swap3A_320 {strides = array<i32>} : memref<5x40x128xf32, #tpu.memory_space<vmem>>, vector<1x1x16xf32>,
    %broadcast_in_dim3A_321 = arith.constant 0.000000e+00 : f32
    %broadcast_in_dim3A_322 = vector.broadcast %broadcast_in_dim3A_321 : f32 to vector<16xf32>
    %swap3A_323 = arith.constant 0 : i32
    %swap3A_324 = arith.constant 4 : i32
    %swap3A_325 = arith.index_cast %swap3A_323 : i32 to index
    %swap3A_326 = arith.index_cast %swap3A_324 : i32 to index
    %swap3A_327 = arith.constant 0 : index
    %swap3A_328 = tpu.vector_load %arg7[%swap3A_325, %swap3A_326, %swap3A_327] {strides = array<i32>} : memref<5x40x128xf32, #tpu.memory_space<vmem>>, vector<1x1x16xf32>,
    %swap3A_329 = vector.shape_cast %swap3A_328 : vector<1x1x16xf32> to vector<16xf32>
    %swap3A_330 = vector.shape_cast %broadcast_in_dim3A_322 : vector<16xf32> to vector<1x1x16xf32>
    tpu.vector_store %arg7[%swap3A_325, %swap3A_326, %swap3A_327], %swap3A_330 {strides = array<i32>} : memref<5x40x128xf32, #tpu.memory_space<vmem>>, vector<1x1x16xf32>,
    %broadcast_in_dim3A_331 = arith.constant 0.000000e+00 : f32
    %broadcast_in_dim3A_332 = vector.broadcast %broadcast_in_dim3A_331 : f32 to vector<16xf32>
    %swap3A_333 = arith.constant 0 : i32
    %swap3A_334 = arith.constant 4 : i32
    %swap3A_335 = arith.index_cast %swap3A_333 : i32 to index
    %swap3A_336 = arith.index_cast %swap3A_334 : i32 to index
    %swap3A_337 = arith.constant 16 : index
    %swap3A_338 = tpu.vector_load %arg7[%swap3A_335, %swap3A_336, %swap3A_337] {strides = array<i32>} : memref<5x40x128xf32, #tpu.memory_space<vmem>>, vector<1x1x16xf32>,
    %swap3A_339 = vector.shape_cast %swap3A_338 : vector<1x1x16xf32> to vector<16xf32>
    %swap3A_340 = vector.shape_cast %broadcast_in_dim3A_332 : vector<16xf32> to vector<1x1x16xf32>
    tpu.vector_store %arg7[%swap3A_335, %swap3A_336, %swap3A_337], %swap3A_340 {strides = array<i32>} : memref<5x40x128xf32, #tpu.memory_space<vmem>>, vector<1x1x16xf32>,
    %broadcast_in_dim3A_341 = arith.constant 0.000000e+00 : f32
    %broadcast_in_dim3A_342 = vector.broadcast %broadcast_in_dim3A_341 : f32 to vector<16xf32>
    %swap3A_343 = arith.constant 0 : i32
    %swap3A_344 = arith.constant 4 : i32
    %swap3A_345 = arith.index_cast %swap3A_343 : i32 to index
    %swap3A_346 = arith.index_cast %swap3A_344 : i32 to index
    %swap3A_347 = arith.constant 32 : index
    %swap3A_348 = tpu.vector_load %arg7[%swap3A_345, %swap3A_346, %swap3A_347] {strides = array<i32>} : memref<5x40x128xf32, #tpu.memory_space<vmem>>, vector<1x1x16xf32>,
    %swap3A_349 = vector.shape_cast %swap3A_348 : vector<1x1x16xf32> to vector<16xf32>
    %swap3A_350 = vector.shape_cast %broadcast_in_dim3A_342 : vector<16xf32> to vector<1x1x16xf32>
    tpu.vector_store %arg7[%swap3A_345, %swap3A_346, %swap3A_347], %swap3A_350 {strides = array<i32>} : memref<5x40x128xf32, #tpu.memory_space<vmem>>, vector<1x1x16xf32>,
    %broadcast_in_dim3A_351 = arith.constant 0.000000e+00 : f32
    %broadcast_in_dim3A_352 = vector.broadcast %broadcast_in_dim3A_351 : f32 to vector<16xf32>
    %swap3A_353 = arith.constant 0 : i32
    %swap3A_354 = arith.constant 4 : i32
    %swap3A_355 = arith.index_cast %swap3A_353 : i32 to index
    %swap3A_356 = arith.index_cast %swap3A_354 : i32 to index
    %swap3A_357 = arith.constant 48 : index
    %swap3A_358 = tpu.vector_load %arg7[%swap3A_355, %swap3A_356, %swap3A_357] {strides = array<i32>} : memref<5x40x128xf32, #tpu.memory_space<vmem>>, vector<1x1x16xf32>,
    %swap3A_359 = vector.shape_cast %swap3A_358 : vector<1x1x16xf32> to vector<16xf32>
    %swap3A_360 = vector.shape_cast %broadcast_in_dim3A_352 : vector<16xf32> to vector<1x1x16xf32>
    tpu.vector_store %arg7[%swap3A_355, %swap3A_356, %swap3A_357], %swap3A_360 {strides = array<i32>} : memref<5x40x128xf32, #tpu.memory_space<vmem>>, vector<1x1x16xf32>,
    %broadcast_in_dim3A_361 = arith.constant 0.000000e+00 : f32
    %broadcast_in_dim3A_362 = vector.broadcast %broadcast_in_dim3A_361 : f32 to vector<16xf32>
    %swap3A_363 = arith.constant 0 : i32
    %swap3A_364 = arith.constant 4 : i32
    %swap3A_365 = arith.index_cast %swap3A_363 : i32 to index
    %swap3A_366 = arith.index_cast %swap3A_364 : i32 to index
    %swap3A_367 = arith.constant 64 : index
    %swap3A_368 = tpu.vector_load %arg7[%swap3A_365, %swap3A_366, %swap3A_367] {strides = array<i32>} : memref<5x40x128xf32, #tpu.memory_space<vmem>>, vector<1x1x16xf32>,
    %swap3A_369 = vector.shape_cast %swap3A_368 : vector<1x1x16xf32> to vector<16xf32>
    %swap3A_370 = vector.shape_cast %broadcast_in_dim3A_362 : vector<16xf32> to vector<1x1x16xf32>
    tpu.vector_store %arg7[%swap3A_365, %swap3A_366, %swap3A_367], %swap3A_370 {strides = array<i32>} : memref<5x40x128xf32, #tpu.memory_space<vmem>>, vector<1x1x16xf32>,
    %broadcast_in_dim3A_371 = arith.constant 0.000000e+00 : f32
    %broadcast_in_dim3A_372 = vector.broadcast %broadcast_in_dim3A_371 : f32 to vector<16xf32>
    %swap3A_373 = arith.constant 0 : i32
    %swap3A_374 = arith.constant 4 : i32
    %swap3A_375 = arith.index_cast %swap3A_373 : i32 to index
    %swap3A_376 = arith.index_cast %swap3A_374 : i32 to index
    %swap3A_377 = arith.constant 80 : index
    %swap3A_378 = tpu.vector_load %arg7[%swap3A_375, %swap3A_376, %swap3A_377] {strides = array<i32>} : memref<5x40x128xf32, #tpu.memory_space<vmem>>, vector<1x1x16xf32>,
    %swap3A_379 = vector.shape_cast %swap3A_378 : vector<1x1x16xf32> to vector<16xf32>
    %swap3A_380 = vector.shape_cast %broadcast_in_dim3A_372 : vector<16xf32> to vector<1x1x16xf32>
    tpu.vector_store %arg7[%swap3A_375, %swap3A_376, %swap3A_377], %swap3A_380 {strides = array<i32>} : memref<5x40x128xf32, #tpu.memory_space<vmem>>, vector<1x1x16xf32>,
    %broadcast_in_dim3A_381 = arith.constant 0.000000e+00 : f32
    %broadcast_in_dim3A_382 = vector.broadcast %broadcast_in_dim3A_381 : f32 to vector<16xf32>
    %swap3A_383 = arith.constant 0 : i32
    %swap3A_384 = arith.constant 4 : i32
    %swap3A_385 = arith.index_cast %swap3A_383 : i32 to index
    %swap3A_386 = arith.index_cast %swap3A_384 : i32 to index
    %swap3A_387 = arith.constant 96 : index
    %swap3A_388 = tpu.vector_load %arg7[%swap3A_385, %swap3A_386, %swap3A_387] {strides = array<i32>} : memref<5x40x128xf32, #tpu.memory_space<vmem>>, vector<1x1x16xf32>,
    %swap3A_389 = vector.shape_cast %swap3A_388 : vector<1x1x16xf32> to vector<16xf32>
    %swap3A_390 = vector.shape_cast %broadcast_in_dim3A_382 : vector<16xf32> to vector<1x1x16xf32>
    tpu.vector_store %arg7[%swap3A_385, %swap3A_386, %swap3A_387], %swap3A_390 {strides = array<i32>} : memref<5x40x128xf32, #tpu.memory_space<vmem>>, vector<1x1x16xf32>,
    %broadcast_in_dim3A_391 = arith.constant 0.000000e+00 : f32
    %broadcast_in_dim3A_392 = vector.broadcast %broadcast_in_dim3A_391 : f32 to vector<16xf32>
    %swap3A_393 = arith.constant 0 : i32
    %swap3A_394 = arith.constant 4 : i32
    %swap3A_395 = arith.index_cast %swap3A_393 : i32 to index
    %swap3A_396 = arith.index_cast %swap3A_394 : i32 to index
    %swap3A_397 = arith.constant 112 : index
    %swap3A_398 = tpu.vector_load %arg7[%swap3A_395, %swap3A_396, %swap3A_397] {strides = array<i32>} : memref<5x40x128xf32, #tpu.memory_space<vmem>>, vector<1x1x16xf32>,
    %swap3A_399 = vector.shape_cast %swap3A_398 : vector<1x1x16xf32> to vector<16xf32>
    %swap3A_400 = vector.shape_cast %broadcast_in_dim3A_392 : vector<16xf32> to vector<1x1x16xf32>
    tpu.vector_store %arg7[%swap3A_395, %swap3A_396, %swap3A_397], %swap3A_400 {strides = array<i32>} : memref<5x40x128xf32, #tpu.memory_space<vmem>>, vector<1x1x16xf32>,
    %broadcast_in_dim3A_401 = arith.constant 0.000000e+00 : f32
    %broadcast_in_dim3A_402 = vector.broadcast %broadcast_in_dim3A_401 : f32 to vector<16xf32>
    %swap3A_403 = arith.constant 0 : i32
    %swap3A_404 = arith.constant 5 : i32
    %swap3A_405 = arith.index_cast %swap3A_403 : i32 to index
    %swap3A_406 = arith.index_cast %swap3A_404 : i32 to index
    %swap3A_407 = arith.constant 0 : index
    %swap3A_408 = tpu.vector_load %arg7[%swap3A_405, %swap3A_406, %swap3A_407] {strides = array<i32>} : memref<5x40x128xf32, #tpu.memory_space<vmem>>, vector<1x1x16xf32>,
    %swap3A_409 = vector.shape_cast %swap3A_408 : vector<1x1x16xf32> to vector<16xf32>
    %swap3A_410 = vector.shape_cast %broadcast_in_dim3A_402 : vector<16xf32> to vector<1x1x16xf32>
    tpu.vector_store %arg7[%swap3A_405, %swap3A_406, %swap3A_407], %swap3A_410 {strides = array<i32>} : memref<5x40x128xf32, #tpu.memory_space<vmem>>, vector<1x1x16xf32>,
    %broadcast_in_dim3A_411 = arith.constant 0.000000e+00 : f32
    %broadcast_in_dim3A_412 = vector.broadcast %broadcast_in_dim3A_411 : f32 to vector<16xf32>
    %swap3A_413 = arith.constant 0 : i32
    %swap3A_414 = arith.constant 5 : i32
    %swap3A_415 = arith.index_cast %swap3A_413 : i32 to index
    %swap3A_416 = arith.index_cast %swap3A_414 : i32 to index
    %swap3A_417 = arith.constant 16 : index
    %swap3A_418 = tpu.vector_load %arg7[%swap3A_415, %swap3A_416, %swap3A_417] {strides = array<i32>} : memref<5x40x128xf32, #tpu.memory_space<vmem>>, vector<1x1x16xf32>,
    %swap3A_419 = vector.shape_cast %swap3A_418 : vector<1x1x16xf32> to vector<16xf32>
    %swap3A_420 = vector.shape_cast %broadcast_in_dim3A_412 : vector<16xf32> to vector<1x1x16xf32>
    tpu.vector_store %arg7[%swap3A_415, %swap3A_416, %swap3A_417], %swap3A_420 {strides = array<i32>} : memref<5x40x128xf32, #tpu.memory_space<vmem>>, vector<1x1x16xf32>,
    %broadcast_in_dim3A_421 = arith.constant 0.000000e+00 : f32
    %broadcast_in_dim3A_422 = vector.broadcast %broadcast_in_dim3A_421 : f32 to vector<16xf32>
    %swap3A_423 = arith.constant 0 : i32
    %swap3A_424 = arith.constant 5 : i32
    %swap3A_425 = arith.index_cast %swap3A_423 : i32 to index
    %swap3A_426 = arith.index_cast %swap3A_424 : i32 to index
    %swap3A_427 = arith.constant 32 : index
    %swap3A_428 = tpu.vector_load %arg7[%swap3A_425, %swap3A_426, %swap3A_427] {strides = array<i32>} : memref<5x40x128xf32, #tpu.memory_space<vmem>>, vector<1x1x16xf32>,
    %swap3A_429 = vector.shape_cast %swap3A_428 : vector<1x1x16xf32> to vector<16xf32>
    %swap3A_430 = vector.shape_cast %broadcast_in_dim3A_422 : vector<16xf32> to vector<1x1x16xf32>
    tpu.vector_store %arg7[%swap3A_425, %swap3A_426, %swap3A_427], %swap3A_430 {strides = array<i32>} : memref<5x40x128xf32, #tpu.memory_space<vmem>>, vector<1x1x16xf32>,
    %broadcast_in_dim3A_431 = arith.constant 0.000000e+00 : f32
    %broadcast_in_dim3A_432 = vector.broadcast %broadcast_in_dim3A_431 : f32 to vector<16xf32>
    %swap3A_433 = arith.constant 0 : i32
    %swap3A_434 = arith.constant 5 : i32
    %swap3A_435 = arith.index_cast %swap3A_433 : i32 to index
    %swap3A_436 = arith.index_cast %swap3A_434 : i32 to index
    %swap3A_437 = arith.constant 48 : index
    %swap3A_438 = tpu.vector_load %arg7[%swap3A_435, %swap3A_436, %swap3A_437] {strides = array<i32>} : memref<5x40x128xf32, #tpu.memory_space<vmem>>, vector<1x1x16xf32>,
    %swap3A_439 = vector.shape_cast %swap3A_438 : vector<1x1x16xf32> to vector<16xf32>
    %swap3A_440 = vector.shape_cast %broadcast_in_dim3A_432 : vector<16xf32> to vector<1x1x16xf32>
    tpu.vector_store %arg7[%swap3A_435, %swap3A_436, %swap3A_437], %swap3A_440 {strides = array<i32>} : memref<5x40x128xf32, #tpu.memory_space<vmem>>, vector<1x1x16xf32>,
    %broadcast_in_dim3A_441 = arith.constant 0.000000e+00 : f32
    %broadcast_in_dim3A_442 = vector.broadcast %broadcast_in_dim3A_441 : f32 to vector<16xf32>
    %swap3A_443 = arith.constant 0 : i32
    %swap3A_444 = arith.constant 5 : i32
    %swap3A_445 = arith.index_cast %swap3A_443 : i32 to index
    %swap3A_446 = arith.index_cast %swap3A_444 : i32 to index
    %swap3A_447 = arith.constant 64 : index
    %swap3A_448 = tpu.vector_load %arg7[%swap3A_445, %swap3A_446, %swap3A_447] {strides = array<i32>} : memref<5x40x128xf32, #tpu.memory_space<vmem>>, vector<1x1x16xf32>,
    %swap3A_449 = vector.shape_cast %swap3A_448 : vector<1x1x16xf32> to vector<16xf32>
    %swap3A_450 = vector.shape_cast %broadcast_in_dim3A_442 : vector<16xf32> to vector<1x1x16xf32>
    tpu.vector_store %arg7[%swap3A_445, %swap3A_446, %swap3A_447], %swap3A_450 {strides = array<i32>} : memref<5x40x128xf32, #tpu.memory_space<vmem>>, vector<1x1x16xf32>,
    %broadcast_in_dim3A_451 = arith.constant 0.000000e+00 : f32
    %broadcast_in_dim3A_452 = vector.broadcast %broadcast_in_dim3A_451 : f32 to vector<16xf32>
    %swap3A_453 = arith.constant 0 : i32
    %swap3A_454 = arith.constant 5 : i32
    %swap3A_455 = arith.index_cast %swap3A_453 : i32 to index
    %swap3A_456 = arith.index_cast %swap3A_454 : i32 to index
    %swap3A_457 = arith.constant 80 : index
    %swap3A_458 = tpu.vector_load %arg7[%swap3A_455, %swap3A_456, %swap3A_457] {strides = array<i32>} : memref<5x40x128xf32, #tpu.memory_space<vmem>>, vector<1x1x16xf32>,
    %swap3A_459 = vector.shape_cast %swap3A_458 : vector<1x1x16xf32> to vector<16xf32>
    %swap3A_460 = vector.shape_cast %broadcast_in_dim3A_452 : vector<16xf32> to vector<1x1x16xf32>
    tpu.vector_store %arg7[%swap3A_455, %swap3A_456, %swap3A_457], %swap3A_460 {strides = array<i32>} : memref<5x40x128xf32, #tpu.memory_space<vmem>>, vector<1x1x16xf32>,
    %broadcast_in_dim3A_461 = arith.constant 0.000000e+00 : f32
    %broadcast_in_dim3A_462 = vector.broadcast %broadcast_in_dim3A_461 : f32 to vector<16xf32>
    %swap3A_463 = arith.constant 0 : i32
    %swap3A_464 = arith.constant 5 : i32
    %swap3A_465 = arith.index_cast %swap3A_463 : i32 to index
    %swap3A_466 = arith.index_cast %swap3A_464 : i32 to index
    %swap3A_467 = arith.constant 96 : index
    %swap3A_468 = tpu.vector_load %arg7[%swap3A_465, %swap3A_466, %swap3A_467] {strides = array<i32>} : memref<5x40x128xf32, #tpu.memory_space<vmem>>, vector<1x1x16xf32>,
    %swap3A_469 = vector.shape_cast %swap3A_468 : vector<1x1x16xf32> to vector<16xf32>
    %swap3A_470 = vector.shape_cast %broadcast_in_dim3A_462 : vector<16xf32> to vector<1x1x16xf32>
    tpu.vector_store %arg7[%swap3A_465, %swap3A_466, %swap3A_467], %swap3A_470 {strides = array<i32>} : memref<5x40x128xf32, #tpu.memory_space<vmem>>, vector<1x1x16xf32>,
    %broadcast_in_dim3A_471 = arith.constant 0.000000e+00 : f32
    %broadcast_in_dim3A_472 = vector.broadcast %broadcast_in_dim3A_471 : f32 to vector<16xf32>
    %swap3A_473 = arith.constant 0 : i32
    %swap3A_474 = arith.constant 5 : i32
    %swap3A_475 = arith.index_cast %swap3A_473 : i32 to index
    %swap3A_476 = arith.index_cast %swap3A_474 : i32 to index
    %swap3A_477 = arith.constant 112 : index
    %swap3A_478 = tpu.vector_load %arg7[%swap3A_475, %swap3A_476, %swap3A_477] {strides = array<i32>} : memref<5x40x128xf32, #tpu.memory_space<vmem>>, vector<1x1x16xf32>,
    %swap3A_479 = vector.shape_cast %swap3A_478 : vector<1x1x16xf32> to vector<16xf32>
    %swap3A_480 = vector.shape_cast %broadcast_in_dim3A_472 : vector<16xf32> to vector<1x1x16xf32>
    tpu.vector_store %arg7[%swap3A_475, %swap3A_476, %swap3A_477], %swap3A_480 {strides = array<i32>} : memref<5x40x128xf32, #tpu.memory_space<vmem>>, vector<1x1x16xf32>,
    %broadcast_in_dim3A_481 = arith.constant 0.000000e+00 : f32
    %broadcast_in_dim3A_482 = vector.broadcast %broadcast_in_dim3A_481 : f32 to vector<16xf32>
    %swap3A_483 = arith.constant 0 : i32
    %swap3A_484 = arith.constant 6 : i32
    %swap3A_485 = arith.index_cast %swap3A_483 : i32 to index
    %swap3A_486 = arith.index_cast %swap3A_484 : i32 to index
    %swap3A_487 = arith.constant 0 : index
    %swap3A_488 = tpu.vector_load %arg7[%swap3A_485, %swap3A_486, %swap3A_487] {strides = array<i32>} : memref<5x40x128xf32, #tpu.memory_space<vmem>>, vector<1x1x16xf32>,
    %swap3A_489 = vector.shape_cast %swap3A_488 : vector<1x1x16xf32> to vector<16xf32>
    %swap3A_490 = vector.shape_cast %broadcast_in_dim3A_482 : vector<16xf32> to vector<1x1x16xf32>
    tpu.vector_store %arg7[%swap3A_485, %swap3A_486, %swap3A_487], %swap3A_490 {strides = array<i32>} : memref<5x40x128xf32, #tpu.memory_space<vmem>>, vector<1x1x16xf32>,
    %broadcast_in_dim3A_491 = arith.constant 0.000000e+00 : f32
    %broadcast_in_dim3A_492 = vector.broadcast %broadcast_in_dim3A_491 : f32 to vector<16xf32>
    %swap3A_493 = arith.constant 0 : i32
    %swap3A_494 = arith.constant 6 : i32
    %swap3A_495 = arith.index_cast %swap3A_493 : i32 to index
    %swap3A_496 = arith.index_cast %swap3A_494 : i32 to index
    %swap3A_497 = arith.constant 16 : index
    %swap3A_498 = tpu.vector_load %arg7[%swap3A_495, %swap3A_496, %swap3A_497] {strides = array<i32>} : memref<5x40x128xf32, #tpu.memory_space<vmem>>, vector<1x1x16xf32>,
    %swap3A_499 = vector.shape_cast %swap3A_498 : vector<1x1x16xf32> to vector<16xf32>
    %swap3A_500 = vector.shape_cast %broadcast_in_dim3A_492 : vector<16xf32> to vector<1x1x16xf32>
    tpu.vector_store %arg7[%swap3A_495, %swap3A_496, %swap3A_497], %swap3A_500 {strides = array<i32>} : memref<5x40x128xf32, #tpu.memory_space<vmem>>, vector<1x1x16xf32>,
    %broadcast_in_dim3A_501 = arith.constant 0.000000e+00 : f32
    %broadcast_in_dim3A_502 = vector.broadcast %broadcast_in_dim3A_501 : f32 to vector<16xf32>
    %swap3A_503 = arith.constant 0 : i32
    %swap3A_504 = arith.constant 6 : i32
    %swap3A_505 = arith.index_cast %swap3A_503 : i32 to index
    %swap3A_506 = arith.index_cast %swap3A_504 : i32 to index
    %swap3A_507 = arith.constant 32 : index
    %swap3A_508 = tpu.vector_load %arg7[%swap3A_505, %swap3A_506, %swap3A_507] {strides = array<i32>} : memref<5x40x128xf32, #tpu.memory_space<vmem>>, vector<1x1x16xf32>,
    %swap3A_509 = vector.shape_cast %swap3A_508 : vector<1x1x16xf32> to vector<16xf32>
    %swap3A_510 = vector.shape_cast %broadcast_in_dim3A_502 : vector<16xf32> to vector<1x1x16xf32>
    tpu.vector_store %arg7[%swap3A_505, %swap3A_506, %swap3A_507], %swap3A_510 {strides = array<i32>} : memref<5x40x128xf32, #tpu.memory_space<vmem>>, vector<1x1x16xf32>,
    %broadcast_in_dim3A_511 = arith.constant 0.000000e+00 : f32
    %broadcast_in_dim3A_512 = vector.broadcast %broadcast_in_dim3A_511 : f32 to vector<16xf32>
    %swap3A_513 = arith.constant 0 : i32
    %swap3A_514 = arith.constant 6 : i32
    %swap3A_515 = arith.index_cast %swap3A_513 : i32 to index
    %swap3A_516 = arith.index_cast %swap3A_514 : i32 to index
    %swap3A_517 = arith.constant 48 : index
    %swap3A_518 = tpu.vector_load %arg7[%swap3A_515, %swap3A_516, %swap3A_517] {strides = array<i32>} : memref<5x40x128xf32, #tpu.memory_space<vmem>>, vector<1x1x16xf32>,
    %swap3A_519 = vector.shape_cast %swap3A_518 : vector<1x1x16xf32> to vector<16xf32>
    %swap3A_520 = vector.shape_cast %broadcast_in_dim3A_512 : vector<16xf32> to vector<1x1x16xf32>
    tpu.vector_store %arg7[%swap3A_515, %swap3A_516, %swap3A_517], %swap3A_520 {strides = array<i32>} : memref<5x40x128xf32, #tpu.memory_space<vmem>>, vector<1x1x16xf32>,
    %broadcast_in_dim3A_521 = arith.constant 0.000000e+00 : f32
    %broadcast_in_dim3A_522 = vector.broadcast %broadcast_in_dim3A_521 : f32 to vector<16xf32>
    %swap3A_523 = arith.constant 0 : i32
    %swap3A_524 = arith.constant 6 : i32
    %swap3A_525 = arith.index_cast %swap3A_523 : i32 to index
    %swap3A_526 = arith.index_cast %swap3A_524 : i32 to index
    %swap3A_527 = arith.constant 64 : index
    %swap3A_528 = tpu.vector_load %arg7[%swap3A_525, %swap3A_526, %swap3A_527] {strides = array<i32>} : memref<5x40x128xf32, #tpu.memory_space<vmem>>, vector<1x1x16xf32>,
    %swap3A_529 = vector.shape_cast %swap3A_528 : vector<1x1x16xf32> to vector<16xf32>
    %swap3A_530 = vector.shape_cast %broadcast_in_dim3A_522 : vector<16xf32> to vector<1x1x16xf32>
    tpu.vector_store %arg7[%swap3A_525, %swap3A_526, %swap3A_527], %swap3A_530 {strides = array<i32>} : memref<5x40x128xf32, #tpu.memory_space<vmem>>, vector<1x1x16xf32>,
    %broadcast_in_dim3A_531 = arith.constant 0.000000e+00 : f32
    %broadcast_in_dim3A_532 = vector.broadcast %broadcast_in_dim3A_531 : f32 to vector<16xf32>
    %swap3A_533 = arith.constant 0 : i32
    %swap3A_534 = arith.constant 6 : i32
    %swap3A_535 = arith.index_cast %swap3A_533 : i32 to index
    %swap3A_536 = arith.index_cast %swap3A_534 : i32 to index
    %swap3A_537 = arith.constant 80 : index
    %swap3A_538 = tpu.vector_load %arg7[%swap3A_535, %swap3A_536, %swap3A_537] {strides = array<i32>} : memref<5x40x128xf32, #tpu.memory_space<vmem>>, vector<1x1x16xf32>,
    %swap3A_539 = vector.shape_cast %swap3A_538 : vector<1x1x16xf32> to vector<16xf32>
    %swap3A_540 = vector.shape_cast %broadcast_in_dim3A_532 : vector<16xf32> to vector<1x1x16xf32>
    tpu.vector_store %arg7[%swap3A_535, %swap3A_536, %swap3A_537], %swap3A_540 {strides = array<i32>} : memref<5x40x128xf32, #tpu.memory_space<vmem>>, vector<1x1x16xf32>,
    %broadcast_in_dim3A_541 = arith.constant 0.000000e+00 : f32
    %broadcast_in_dim3A_542 = vector.broadcast %broadcast_in_dim3A_541 : f32 to vector<16xf32>
    %swap3A_543 = arith.constant 0 : i32
    %swap3A_544 = arith.constant 6 : i32
    %swap3A_545 = arith.index_cast %swap3A_543 : i32 to index
    %swap3A_546 = arith.index_cast %swap3A_544 : i32 to index
    %swap3A_547 = arith.constant 96 : index
    %swap3A_548 = tpu.vector_load %arg7[%swap3A_545, %swap3A_546, %swap3A_547] {strides = array<i32>} : memref<5x40x128xf32, #tpu.memory_space<vmem>>, vector<1x1x16xf32>,
    %swap3A_549 = vector.shape_cast %swap3A_548 : vector<1x1x16xf32> to vector<16xf32>
    %swap3A_550 = vector.shape_cast %broadcast_in_dim3A_542 : vector<16xf32> to vector<1x1x16xf32>
    tpu.vector_store %arg7[%swap3A_545, %swap3A_546, %swap3A_547], %swap3A_550 {strides = array<i32>} : memref<5x40x128xf32, #tpu.memory_space<vmem>>, vector<1x1x16xf32>,
    %broadcast_in_dim3A_551 = arith.constant 0.000000e+00 : f32
    %broadcast_in_dim3A_552 = vector.broadcast %broadcast_in_dim3A_551 : f32 to vector<16xf32>
    %swap3A_553 = arith.constant 0 : i32
    %swap3A_554 = arith.constant 6 : i32
    %swap3A_555 = arith.index_cast %swap3A_553 : i32 to index
    %swap3A_556 = arith.index_cast %swap3A_554 : i32 to index
    %swap3A_557 = arith.constant 112 : index
    %swap3A_558 = tpu.vector_load %arg7[%swap3A_555, %swap3A_556, %swap3A_557] {strides = array<i32>} : memref<5x40x128xf32, #tpu.memory_space<vmem>>, vector<1x1x16xf32>,
    %swap3A_559 = vector.shape_cast %swap3A_558 : vector<1x1x16xf32> to vector<16xf32>
    %swap3A_560 = vector.shape_cast %broadcast_in_dim3A_552 : vector<16xf32> to vector<1x1x16xf32>
    tpu.vector_store %arg7[%swap3A_555, %swap3A_556, %swap3A_557], %swap3A_560 {strides = array<i32>} : memref<5x40x128xf32, #tpu.memory_space<vmem>>, vector<1x1x16xf32>,
    %broadcast_in_dim3A_561 = arith.constant 0.000000e+00 : f32
    %broadcast_in_dim3A_562 = vector.broadcast %broadcast_in_dim3A_561 : f32 to vector<16xf32>
    %swap3A_563 = arith.constant 0 : i32
    %swap3A_564 = arith.constant 7 : i32
    %swap3A_565 = arith.index_cast %swap3A_563 : i32 to index
    %swap3A_566 = arith.index_cast %swap3A_564 : i32 to index
    %swap3A_567 = arith.constant 0 : index
    %swap3A_568 = tpu.vector_load %arg7[%swap3A_565, %swap3A_566, %swap3A_567] {strides = array<i32>} : memref<5x40x128xf32, #tpu.memory_space<vmem>>, vector<1x1x16xf32>,
    %swap3A_569 = vector.shape_cast %swap3A_568 : vector<1x1x16xf32> to vector<16xf32>
    %swap3A_570 = vector.shape_cast %broadcast_in_dim3A_562 : vector<16xf32> to vector<1x1x16xf32>
    tpu.vector_store %arg7[%swap3A_565, %swap3A_566, %swap3A_567], %swap3A_570 {strides = array<i32>} : memref<5x40x128xf32, #tpu.memory_space<vmem>>, vector<1x1x16xf32>,
    %broadcast_in_dim3A_571 = arith.constant 0.000000e+00 : f32
    %broadcast_in_dim3A_572 = vector.broadcast %broadcast_in_dim3A_571 : f32 to vector<16xf32>
    %swap3A_573 = arith.constant 0 : i32
    %swap3A_574 = arith.constant 7 : i32
    %swap3A_575 = arith.index_cast %swap3A_573 : i32 to index
    %swap3A_576 = arith.index_cast %swap3A_574 : i32 to index
    %swap3A_577 = arith.constant 16 : index
    %swap3A_578 = tpu.vector_load %arg7[%swap3A_575, %swap3A_576, %swap3A_577] {strides = array<i32>} : memref<5x40x128xf32, #tpu.memory_space<vmem>>, vector<1x1x16xf32>,
    %swap3A_579 = vector.shape_cast %swap3A_578 : vector<1x1x16xf32> to vector<16xf32>
    %swap3A_580 = vector.shape_cast %broadcast_in_dim3A_572 : vector<16xf32> to vector<1x1x16xf32>
    tpu.vector_store %arg7[%swap3A_575, %swap3A_576, %swap3A_577], %swap3A_580 {strides = array<i32>} : memref<5x40x128xf32, #tpu.memory_space<vmem>>, vector<1x1x16xf32>,
    %broadcast_in_dim3A_581 = arith.constant 0.000000e+00 : f32
    %broadcast_in_dim3A_582 = vector.broadcast %broadcast_in_dim3A_581 : f32 to vector<16xf32>
    %swap3A_583 = arith.constant 0 : i32
    %swap3A_584 = arith.constant 7 : i32
    %swap3A_585 = arith.index_cast %swap3A_583 : i32 to index
    %swap3A_586 = arith.index_cast %swap3A_584 : i32 to index
    %swap3A_587 = arith.constant 32 : index
    %swap3A_588 = tpu.vector_load %arg7[%swap3A_585, %swap3A_586, %swap3A_587] {strides = array<i32>} : memref<5x40x128xf32, #tpu.memory_space<vmem>>, vector<1x1x16xf32>,
    %swap3A_589 = vector.shape_cast %swap3A_588 : vector<1x1x16xf32> to vector<16xf32>
    %swap3A_590 = vector.shape_cast %broadcast_in_dim3A_582 : vector<16xf32> to vector<1x1x16xf32>
    tpu.vector_store %arg7[%swap3A_585, %swap3A_586, %swap3A_587], %swap3A_590 {strides = array<i32>} : memref<5x40x128xf32, #tpu.memory_space<vmem>>, vector<1x1x16xf32>,
    %broadcast_in_dim3A_591 = arith.constant 0.000000e+00 : f32
    %broadcast_in_dim3A_592 = vector.broadcast %broadcast_in_dim3A_591 : f32 to vector<16xf32>
    %swap3A_593 = arith.constant 0 : i32
    %swap3A_594 = arith.constant 7 : i32
    %swap3A_595 = arith.index_cast %swap3A_593 : i32 to index
    %swap3A_596 = arith.index_cast %swap3A_594 : i32 to index
    %swap3A_597 = arith.constant 48 : index
    %swap3A_598 = tpu.vector_load %arg7[%swap3A_595, %swap3A_596, %swap3A_597] {strides = array<i32>} : memref<5x40x128xf32, #tpu.memory_space<vmem>>, vector<1x1x16xf32>,
    %swap3A_599 = vector.shape_cast %swap3A_598 : vector<1x1x16xf32> to vector<16xf32>
    %swap3A_600 = vector.shape_cast %broadcast_in_dim3A_592 : vector<16xf32> to vector<1x1x16xf32>
    tpu.vector_store %arg7[%swap3A_595, %swap3A_596, %swap3A_597], %swap3A_600 {strides = array<i32>} : memref<5x40x128xf32, #tpu.memory_space<vmem>>, vector<1x1x16xf32>,
    %broadcast_in_dim3A_601 = arith.constant 0.000000e+00 : f32
    %broadcast_in_dim3A_602 = vector.broadcast %broadcast_in_dim3A_601 : f32 to vector<16xf32>
    %swap3A_603 = arith.constant 0 : i32
    %swap3A_604 = arith.constant 7 : i32
    %swap3A_605 = arith.index_cast %swap3A_603 : i32 to index
    %swap3A_606 = arith.index_cast %swap3A_604 : i32 to index
    %swap3A_607 = arith.constant 64 : index
    %swap3A_608 = tpu.vector_load %arg7[%swap3A_605, %swap3A_606, %swap3A_607] {strides = array<i32>} : memref<5x40x128xf32, #tpu.memory_space<vmem>>, vector<1x1x16xf32>,
    %swap3A_609 = vector.shape_cast %swap3A_608 : vector<1x1x16xf32> to vector<16xf32>
    %swap3A_610 = vector.shape_cast %broadcast_in_dim3A_602 : vector<16xf32> to vector<1x1x16xf32>
    tpu.vector_store %arg7[%swap3A_605, %swap3A_606, %swap3A_607], %swap3A_610 {strides = array<i32>} : memref<5x40x128xf32, #tpu.memory_space<vmem>>, vector<1x1x16xf32>,
    %broadcast_in_dim3A_611 = arith.constant 0.000000e+00 : f32
    %broadcast_in_dim3A_612 = vector.broadcast %broadcast_in_dim3A_611 : f32 to vector<16xf32>
    %swap3A_613 = arith.constant 0 : i32
    %swap3A_614 = arith.constant 7 : i32
    %swap3A_615 = arith.index_cast %swap3A_613 : i32 to index
    %swap3A_616 = arith.index_cast %swap3A_614 : i32 to index
    %swap3A_617 = arith.constant 80 : index
    %swap3A_618 = tpu.vector_load %arg7[%swap3A_615, %swap3A_616, %swap3A_617] {strides = array<i32>} : memref<5x40x128xf32, #tpu.memory_space<vmem>>, vector<1x1x16xf32>,
    %swap3A_619 = vector.shape_cast %swap3A_618 : vector<1x1x16xf32> to vector<16xf32>
    %swap3A_620 = vector.shape_cast %broadcast_in_dim3A_612 : vector<16xf32> to vector<1x1x16xf32>
    tpu.vector_store %arg7[%swap3A_615, %swap3A_616, %swap3A_617], %swap3A_620 {strides = array<i32>} : memref<5x40x128xf32, #tpu.memory_space<vmem>>, vector<1x1x16xf32>,
    %broadcast_in_dim3A_621 = arith.constant 0.000000e+00 : f32
    %broadcast_in_dim3A_622 = vector.broadcast %broadcast_in_dim3A_621 : f32 to vector<16xf32>
    %swap3A_623 = arith.constant 0 : i32
    %swap3A_624 = arith.constant 7 : i32
    %swap3A_625 = arith.index_cast %swap3A_623 : i32 to index
    %swap3A_626 = arith.index_cast %swap3A_624 : i32 to index
    %swap3A_627 = arith.constant 96 : index
    %swap3A_628 = tpu.vector_load %arg7[%swap3A_625, %swap3A_626, %swap3A_627] {strides = array<i32>} : memref<5x40x128xf32, #tpu.memory_space<vmem>>, vector<1x1x16xf32>,
    %swap3A_629 = vector.shape_cast %swap3A_628 : vector<1x1x16xf32> to vector<16xf32>
    %swap3A_630 = vector.shape_cast %broadcast_in_dim3A_622 : vector<16xf32> to vector<1x1x16xf32>
    tpu.vector_store %arg7[%swap3A_625, %swap3A_626, %swap3A_627], %swap3A_630 {strides = array<i32>} : memref<5x40x128xf32, #tpu.memory_space<vmem>>, vector<1x1x16xf32>,
    %broadcast_in_dim3A_631 = arith.constant 0.000000e+00 : f32
    %broadcast_in_dim3A_632 = vector.broadcast %broadcast_in_dim3A_631 : f32 to vector<16xf32>
    %swap3A_633 = arith.constant 0 : i32
    %swap3A_634 = arith.constant 7 : i32
    %swap3A_635 = arith.index_cast %swap3A_633 : i32 to index
    %swap3A_636 = arith.index_cast %swap3A_634 : i32 to index
    %swap3A_637 = arith.constant 112 : index
    %swap3A_638 = tpu.vector_load %arg7[%swap3A_635, %swap3A_636, %swap3A_637] {strides = array<i32>} : memref<5x40x128xf32, #tpu.memory_space<vmem>>, vector<1x1x16xf32>,
    %swap3A_639 = vector.shape_cast %swap3A_638 : vector<1x1x16xf32> to vector<16xf32>
    %swap3A_640 = vector.shape_cast %broadcast_in_dim3A_632 : vector<16xf32> to vector<1x1x16xf32>
    tpu.vector_store %arg7[%swap3A_635, %swap3A_636, %swap3A_637], %swap3A_640 {strides = array<i32>} : memref<5x40x128xf32, #tpu.memory_space<vmem>>, vector<1x1x16xf32>,
    %scan3A = arith.constant 0 : i32
    %scan3A_641 = arith.constant 80 : i32
    %scan3A_642 = arith.addi %scan3A, %scan3A_641 : i32
    %scan3A_643 = arith.constant 1 : i32
    scf.for %scan3A_828 = %scan3A to %scan3A_642 step %scan3A_643  : i32 {
      %mul3A_829 = arith.constant 8 : i32
      %mul3A_830 = arith.muli %scan3A_828, %mul3A_829 : i32
      %add3A_831 = arith.addi %mul3A_2, %mul3A_830 : i32
      %run_scoped3A = arith.constant 0 : i32
      "tpu.region"() ({
        %run_scoped3A_832 = tpu.sem_alloc : memref<!tpu.dma_semaphore, #tpu.memory_space<semaphore_mem>>
        %dma_start3A_833 = arith.constant 0 : i32
        %dma_start3A_834 = arith.constant 0 : i32
        %dma_start3A_835 = tpu.memref_slice %arg7[%run_scoped3A, %dma_start3A_833, %dma_start3A_834] : memref<5x40x128xf32, #tpu.memory_space<vmem>> -> memref<1x8x128xf32, #tpu.memory_space<vmem>>
        %dma_start3A_836 = tpu.memref_squeeze %dma_start3A_835 : memref<1x8x128xf32, #tpu.memory_space<vmem>> -> memref<8x128xf32, #tpu.memory_space<vmem>>
        %dma_start3A_837 = arith.constant 0 : i32
        %dma_start3A_838 = tpu.memref_slice %arg8[%add3A_831, %dma_start3A_837] : memref<10240x128xf32, #tpu.memory_space<vmem_shared>> -> memref<8x128xf32, #tpu.memory_space<vmem_shared>>
        %dma_start3A_839 = arith.constant 0 : i32
        %dma_start3A_840 = tpu.memref_slice %arg8[%add3A_831, %dma_start3A_839] : memref<10240x128xf32, #tpu.memory_space<vmem_shared>> -> memref<8x128xf32, #tpu.memory_space<vmem_shared>>
        %dma_start3A_841 = arith.constant 0 : i32
        %dma_start3A_842 = arith.constant 0 : i32
        %dma_start3A_843 = tpu.memref_slice %arg7[%run_scoped3A, %dma_start3A_841, %dma_start3A_842] : memref<5x40x128xf32, #tpu.memory_space<vmem>> -> memref<1x8x128xf32, #tpu.memory_space<vmem>>
        %dma_start3A_844 = tpu.memref_squeeze %dma_start3A_843 : memref<1x8x128xf32, #tpu.memory_space<vmem>> -> memref<8x128xf32, #tpu.memory_space<vmem>>
        tpu.enqueue_dma source(%dma_start3A_844 : memref<8x128xf32, #tpu.memory_space<vmem>>) target(%dma_start3A_840 : memref<8x128xf32, #tpu.memory_space<vmem_shared>>) target_semaphore(%run_scoped3A_832 : memref<!tpu.dma_semaphore, #tpu.memory_space<semaphore_mem>>)
        %dma_wait3A_845 = arith.constant 0 : i32
        %dma_wait3A_846 = arith.constant 0 : i32
        %dma_wait3A_847 = tpu.memref_slice %arg7[%run_scoped3A, %dma_wait3A_845, %dma_wait3A_846] : memref<5x40x128xf32, #tpu.memory_space<vmem>> -> memref<1x8x128xf32, #tpu.memory_space<vmem>>
        %dma_wait3A_848 = tpu.memref_squeeze %dma_wait3A_847 : memref<1x8x128xf32, #tpu.memory_space<vmem>> -> memref<8x128xf32, #tpu.memory_space<vmem>>
        %dma_wait3A_849 = arith.constant 0 : i32
        %dma_wait3A_850 = tpu.memref_slice %arg8[%add3A_831, %dma_wait3A_849] : memref<10240x128xf32, #tpu.memory_space<vmem_shared>> -> memref<8x128xf32, #tpu.memory_space<vmem_shared>>
        %dma_wait3A_851 = arith.constant 0 : i32
        %dma_wait3A_852 = tpu.memref_slice %arg8[%add3A_831, %dma_wait3A_851] : memref<10240x128xf32, #tpu.memory_space<vmem_shared>> -> memref<8x128xf32, #tpu.memory_space<vmem_shared>>
        %dma_wait3A_853 = arith.constant 0 : i32
        %dma_wait3A_854 = arith.constant 0 : i32
        %dma_wait3A_855 = tpu.memref_slice %arg7[%run_scoped3A, %dma_wait3A_853, %dma_wait3A_854] : memref<5x40x128xf32, #tpu.memory_space<vmem>> -> memref<1x8x128xf32, #tpu.memory_space<vmem>>
        %dma_wait3A_856 = tpu.memref_squeeze %dma_wait3A_855 : memref<1x8x128xf32, #tpu.memory_space<vmem>> -> memref<8x128xf32, #tpu.memory_space<vmem>>
        tpu.wait_dma2 semaphore(%run_scoped3A_832 : memref<!tpu.dma_semaphore, #tpu.memory_space<semaphore_mem>>) src(%dma_wait3A_856 : memref<8x128xf32, #tpu.memory_space<vmem>>) dst(%dma_wait3A_852 : memref<8x128xf32, #tpu.memory_space<vmem_shared>>)
        tpu.yield
      }) : () -> ()
    }
    %scan3A_644 = arith.constant 80 : i32
    %barrier3A = arith.constant 0 : index
    tpu.barrier barrier_id(%barrier3A)
    %dma_start3A = arith.constant 0 : i32
    %dma_start3A_645 = arith.constant 0 : i32
    %dma_start3A_646 = arith.constant 0 : i32
    %dma_start3A_647 = arith.constant 0 : i32
    %dma_start3A_648 = arith.constant 0 : i32
    %dma_start3A_649 = tpu.memref_slice %arg5[%dma_start3A_646, %dma_start3A_647, %dma_start3A_648] : memref<2x5x40xi32, #tpu.memory_space<vmem>> -> memref<1x5x40xi32, #tpu.memory_space<vmem>>
    %dma_start3A_650 = tpu.memref_squeeze %dma_start3A_649 : memref<1x5x40xi32, #tpu.memory_space<vmem>> -> memref<5x40xi32, #tpu.memory_space<vmem>>
    %dma_start3A_651 = arith.constant 0 : i32
    %dma_start3A_652 = arith.constant 0 : i32
    %dma_start3A_653 = tpu.memref_slice %arg2[%dma_start3A, %add3A, %dma_start3A_645, %dma_start3A_651, %dma_start3A_652] : memref<2x32x50x5x40xi32, #tpu.memory_space<hbm>> -> memref<1x1x1x5x40xi32, #tpu.memory_space<hbm>>
    %dma_start3A_654 = tpu.memref_squeeze %dma_start3A_653 : memref<1x1x1x5x40xi32, #tpu.memory_space<hbm>> -> memref<5x40xi32, #tpu.memory_space<hbm>>
    %dma_start3A_655 = arith.constant 0 : i32
    %dma_start3A_656 = arith.constant 0 : i32
    %dma_start3A_657 = tpu.memref_slice %arg5[%dma_start3A_646, %dma_start3A_655, %dma_start3A_656] : memref<2x5x40xi32, #tpu.memory_space<vmem>> -> memref<1x5x40xi32, #tpu.memory_space<vmem>>
    %dma_start3A_658 = tpu.memref_squeeze %dma_start3A_657 : memref<1x5x40xi32, #tpu.memory_space<vmem>> -> memref<5x40xi32, #tpu.memory_space<vmem>>
    %dma_start3A_659 = arith.constant 0 : i32
    %dma_start3A_660 = arith.constant 0 : i32
    %dma_start3A_661 = tpu.memref_slice %arg2[%dma_start3A, %add3A, %dma_start3A_645, %dma_start3A_659, %dma_start3A_660] : memref<2x32x50x5x40xi32, #tpu.memory_space<hbm>> -> memref<1x1x1x5x40xi32, #tpu.memory_space<hbm>>
    %dma_start3A_662 = tpu.memref_squeeze %dma_start3A_661 : memref<1x1x1x5x40xi32, #tpu.memory_space<hbm>> -> memref<5x40xi32, #tpu.memory_space<hbm>>
    tpu.enqueue_dma source(%dma_start3A_662 : memref<5x40xi32, #tpu.memory_space<hbm>>) target(%dma_start3A_658 : memref<5x40xi32, #tpu.memory_space<vmem>>) target_semaphore(%arg19 : memref<!tpu.dma_semaphore, #tpu.memory_space<semaphore_mem>>)
    %dma_start3A_663 = arith.constant 1 : i32
    %dma_start3A_664 = arith.constant 0 : i32
    %dma_start3A_665 = arith.constant 1 : i32
    %dma_start3A_666 = arith.constant 0 : i32
    %dma_start3A_667 = arith.constant 0 : i32
    %dma_start3A_668 = tpu.memref_slice %arg5[%dma_start3A_665, %dma_start3A_666, %dma_start3A_667] : memref<2x5x40xi32, #tpu.memory_space<vmem>> -> memref<1x5x40xi32, #tpu.memory_space<vmem>>
    %dma_start3A_669 = tpu.memref_squeeze %dma_start3A_668 : memref<1x5x40xi32, #tpu.memory_space<vmem>> -> memref<5x40xi32, #tpu.memory_space<vmem>>
    %dma_start3A_670 = arith.constant 0 : i32
    %dma_start3A_671 = arith.constant 0 : i32
    %dma_start3A_672 = tpu.memref_slice %arg2[%dma_start3A_663, %add3A, %dma_start3A_664, %dma_start3A_670, %dma_start3A_671] : memref<2x32x50x5x40xi32, #tpu.memory_space<hbm>> -> memref<1x1x1x5x40xi32, #tpu.memory_space<hbm>>
    %dma_start3A_673 = tpu.memref_squeeze %dma_start3A_672 : memref<1x1x1x5x40xi32, #tpu.memory_space<hbm>> -> memref<5x40xi32, #tpu.memory_space<hbm>>
    %dma_start3A_674 = arith.constant 0 : i32
    %dma_start3A_675 = arith.constant 0 : i32
    %dma_start3A_676 = tpu.memref_slice %arg5[%dma_start3A_665, %dma_start3A_674, %dma_start3A_675] : memref<2x5x40xi32, #tpu.memory_space<vmem>> -> memref<1x5x40xi32, #tpu.memory_space<vmem>>
    %dma_start3A_677 = tpu.memref_squeeze %dma_start3A_676 : memref<1x5x40xi32, #tpu.memory_space<vmem>> -> memref<5x40xi32, #tpu.memory_space<vmem>>
    %dma_start3A_678 = arith.constant 0 : i32
    %dma_start3A_679 = arith.constant 0 : i32
    %dma_start3A_680 = tpu.memref_slice %arg2[%dma_start3A_663, %add3A, %dma_start3A_664, %dma_start3A_678, %dma_start3A_679] : memref<2x32x50x5x40xi32, #tpu.memory_space<hbm>> -> memref<1x1x1x5x40xi32, #tpu.memory_space<hbm>>
    %dma_start3A_681 = tpu.memref_squeeze %dma_start3A_680 : memref<1x1x1x5x40xi32, #tpu.memory_space<hbm>> -> memref<5x40xi32, #tpu.memory_space<hbm>>
    tpu.enqueue_dma source(%dma_start3A_681 : memref<5x40xi32, #tpu.memory_space<hbm>>) target(%dma_start3A_677 : memref<5x40xi32, #tpu.memory_space<vmem>>) target_semaphore(%arg19 : memref<!tpu.dma_semaphore, #tpu.memory_space<semaphore_mem>>)
    %dma_start3A_682 = arith.constant 0 : i32
    %dma_start3A_683 = arith.constant 1 : i32
    %dma_start3A_684 = arith.constant 0 : i32
    %dma_start3A_685 = arith.constant 0 : i32
    %dma_start3A_686 = arith.constant 0 : i32
    %dma_start3A_687 = tpu.memref_slice %arg6[%dma_start3A_684, %dma_start3A_685, %dma_start3A_686] : memref<2x5x40xi32, #tpu.memory_space<vmem>> -> memref<1x5x40xi32, #tpu.memory_space<vmem>>
    %dma_start3A_688 = tpu.memref_squeeze %dma_start3A_687 : memref<1x5x40xi32, #tpu.memory_space<vmem>> -> memref<5x40xi32, #tpu.memory_space<vmem>>
    %dma_start3A_689 = arith.constant 0 : i32
    %dma_start3A_690 = arith.constant 0 : i32
    %dma_start3A_691 = tpu.memref_slice %arg2[%dma_start3A_682, %add3A, %dma_start3A_683, %dma_start3A_689, %dma_start3A_690] : memref<2x32x50x5x40xi32, #tpu.memory_space<hbm>> -> memref<1x1x1x5x40xi32, #tpu.memory_space<hbm>>
    %dma_start3A_692 = tpu.memref_squeeze %dma_start3A_691 : memref<1x1x1x5x40xi32, #tpu.memory_space<hbm>> -> memref<5x40xi32, #tpu.memory_space<hbm>>
    %dma_start3A_693 = arith.constant 0 : i32
    %dma_start3A_694 = arith.constant 0 : i32
    %dma_start3A_695 = tpu.memref_slice %arg6[%dma_start3A_684, %dma_start3A_693, %dma_start3A_694] : memref<2x5x40xi32, #tpu.memory_space<vmem>> -> memref<1x5x40xi32, #tpu.memory_space<vmem>>
    %dma_start3A_696 = tpu.memref_squeeze %dma_start3A_695 : memref<1x5x40xi32, #tpu.memory_space<vmem>> -> memref<5x40xi32, #tpu.memory_space<vmem>>
    %dma_start3A_697 = arith.constant 0 : i32
    %dma_start3A_698 = arith.constant 0 : i32
    %dma_start3A_699 = tpu.memref_slice %arg2[%dma_start3A_682, %add3A, %dma_start3A_683, %dma_start3A_697, %dma_start3A_698] : memref<2x32x50x5x40xi32, #tpu.memory_space<hbm>> -> memref<1x1x1x5x40xi32, #tpu.memory_space<hbm>>
    %dma_start3A_700 = tpu.memref_squeeze %dma_start3A_699 : memref<1x1x1x5x40xi32, #tpu.memory_space<hbm>> -> memref<5x40xi32, #tpu.memory_space<hbm>>
    tpu.enqueue_dma source(%dma_start3A_700 : memref<5x40xi32, #tpu.memory_space<hbm>>) target(%dma_start3A_696 : memref<5x40xi32, #tpu.memory_space<vmem>>) target_semaphore(%arg20 : memref<!tpu.dma_semaphore, #tpu.memory_space<semaphore_mem>>)
    %dma_start3A_701 = arith.constant 1 : i32
    %dma_start3A_702 = arith.constant 1 : i32
    %dma_start3A_703 = arith.constant 1 : i32
    %dma_start3A_704 = arith.constant 0 : i32
    %dma_start3A_705 = arith.constant 0 : i32
    %dma_start3A_706 = tpu.memref_slice %arg6[%dma_start3A_703, %dma_start3A_704, %dma_start3A_705] : memref<2x5x40xi32, #tpu.memory_space<vmem>> -> memref<1x5x40xi32, #tpu.memory_space<vmem>>
    %dma_start3A_707 = tpu.memref_squeeze %dma_start3A_706 : memref<1x5x40xi32, #tpu.memory_space<vmem>> -> memref<5x40xi32, #tpu.memory_space<vmem>>
    %dma_start3A_708 = arith.constant 0 : i32
    %dma_start3A_709 = arith.constant 0 : i32
    %dma_start3A_710 = tpu.memref_slice %arg2[%dma_start3A_701, %add3A, %dma_start3A_702, %dma_start3A_708, %dma_start3A_709] : memref<2x32x50x5x40xi32, #tpu.memory_space<hbm>> -> memref<1x1x1x5x40xi32, #tpu.memory_space<hbm>>
    %dma_start3A_711 = tpu.memref_squeeze %dma_start3A_710 : memref<1x1x1x5x40xi32, #tpu.memory_space<hbm>> -> memref<5x40xi32, #tpu.memory_space<hbm>>
    %dma_start3A_712 = arith.constant 0 : i32
    %dma_start3A_713 = arith.constant 0 : i32
    %dma_start3A_714 = tpu.memref_slice %arg6[%dma_start3A_703, %dma_start3A_712, %dma_start3A_713] : memref<2x5x40xi32, #tpu.memory_space<vmem>> -> memref<1x5x40xi32, #tpu.memory_space<vmem>>
    %dma_start3A_715 = tpu.memref_squeeze %dma_start3A_714 : memref<1x5x40xi32, #tpu.memory_space<vmem>> -> memref<5x40xi32, #tpu.memory_space<vmem>>
    %dma_start3A_716 = arith.constant 0 : i32
    %dma_start3A_717 = arith.constant 0 : i32
    %dma_start3A_718 = tpu.memref_slice %arg2[%dma_start3A_701, %add3A, %dma_start3A_702, %dma_start3A_716, %dma_start3A_717] : memref<2x32x50x5x40xi32, #tpu.memory_space<hbm>> -> memref<1x1x1x5x40xi32, #tpu.memory_space<hbm>>
    %dma_start3A_719 = tpu.memref_squeeze %dma_start3A_718 : memref<1x1x1x5x40xi32, #tpu.memory_space<hbm>> -> memref<5x40xi32, #tpu.memory_space<hbm>>
    tpu.enqueue_dma source(%dma_start3A_719 : memref<5x40xi32, #tpu.memory_space<hbm>>) target(%dma_start3A_715 : memref<5x40xi32, #tpu.memory_space<vmem>>) target_semaphore(%arg20 : memref<!tpu.dma_semaphore, #tpu.memory_space<semaphore_mem>>)
    %dma_wait3A = arith.constant 0 : i32
    %dma_wait3A_720 = arith.constant 0 : i32
    %dma_wait3A_721 = arith.constant 0 : i32
    %dma_wait3A_722 = arith.constant 0 : i32
    %dma_wait3A_723 = arith.constant 0 : i32
    %dma_wait3A_724 = tpu.memref_slice %arg5[%dma_wait3A_721, %dma_wait3A_722, %dma_wait3A_723] : memref<2x5x40xi32, #tpu.memory_space<vmem>> -> memref<1x5x40xi32, #tpu.memory_space<vmem>>
    %dma_wait3A_725 = tpu.memref_squeeze %dma_wait3A_724 : memref<1x5x40xi32, #tpu.memory_space<vmem>> -> memref<5x40xi32, #tpu.memory_space<vmem>>
    %dma_wait3A_726 = arith.constant 0 : i32
    %dma_wait3A_727 = arith.constant 0 : i32
    %dma_wait3A_728 = tpu.memref_slice %arg2[%dma_wait3A, %add3A, %dma_wait3A_720, %dma_wait3A_726, %dma_wait3A_727] : memref<2x32x50x5x40xi32, #tpu.memory_space<hbm>> -> memref<1x1x1x5x40xi32, #tpu.memory_space<hbm>>
    %dma_wait3A_729 = tpu.memref_squeeze %dma_wait3A_728 : memref<1x1x1x5x40xi32, #tpu.memory_space<hbm>> -> memref<5x40xi32, #tpu.memory_space<hbm>>
    %dma_wait3A_730 = arith.constant 0 : i32
    %dma_wait3A_731 = arith.constant 0 : i32
    %dma_wait3A_732 = tpu.memref_slice %arg5[%dma_wait3A_721, %dma_wait3A_730, %dma_wait3A_731] : memref<2x5x40xi32, #tpu.memory_space<vmem>> -> memref<1x5x40xi32, #tpu.memory_space<vmem>>
    %dma_wait3A_733 = tpu.memref_squeeze %dma_wait3A_732 : memref<1x5x40xi32, #tpu.memory_space<vmem>> -> memref<5x40xi32, #tpu.memory_space<vmem>>
    %dma_wait3A_734 = arith.constant 0 : i32
    %dma_wait3A_735 = arith.constant 0 : i32
    %dma_wait3A_736 = tpu.memref_slice %arg2[%dma_wait3A, %add3A, %dma_wait3A_720, %dma_wait3A_734, %dma_wait3A_735] : memref<2x32x50x5x40xi32, #tpu.memory_space<hbm>> -> memref<1x1x1x5x40xi32, #tpu.memory_space<hbm>>
    %dma_wait3A_737 = tpu.memref_squeeze %dma_wait3A_736 : memref<1x1x1x5x40xi32, #tpu.memory_space<hbm>> -> memref<5x40xi32, #tpu.memory_space<hbm>>
    tpu.wait_dma2 semaphore(%arg19 : memref<!tpu.dma_semaphore, #tpu.memory_space<semaphore_mem>>) src(%dma_wait3A_737 : memref<5x40xi32, #tpu.memory_space<hbm>>) dst(%dma_wait3A_733 : memref<5x40xi32, #tpu.memory_space<vmem>>)
    %dma_wait3A_738 = arith.constant 1 : i32
    %dma_wait3A_739 = arith.constant 0 : i32
    %dma_wait3A_740 = arith.constant 1 : i32
    %dma_wait3A_741 = arith.constant 0 : i32
    %dma_wait3A_742 = arith.constant 0 : i32
    %dma_wait3A_743 = tpu.memref_slice %arg5[%dma_wait3A_740, %dma_wait3A_741, %dma_wait3A_742] : memref<2x5x40xi32, #tpu.memory_space<vmem>> -> memref<1x5x40xi32, #tpu.memory_space<vmem>>
    %dma_wait3A_744 = tpu.memref_squeeze %dma_wait3A_743 : memref<1x5x40xi32, #tpu.memory_space<vmem>> -> memref<5x40xi32, #tpu.memory_space<vmem>>
    %dma_wait3A_745 = arith.constant 0 : i32
    %dma_wait3A_746 = arith.constant 0 : i32
    %dma_wait3A_747 = tpu.memref_slice %arg2[%dma_wait3A_738, %add3A, %dma_wait3A_739, %dma_wait3A_745, %dma_wait3A_746] : memref<2x32x50x5x40xi32, #tpu.memory_space<hbm>> -> memref<1x1x1x5x40xi32, #tpu.memory_space<hbm>>
    %dma_wait3A_748 = tpu.memref_squeeze %dma_wait3A_747 : memref<1x1x1x5x40xi32, #tpu.memory_space<hbm>> -> memref<5x40xi32, #tpu.memory_space<hbm>>
    %dma_wait3A_749 = arith.constant 0 : i32
    %dma_wait3A_750 = arith.constant 0 : i32
    %dma_wait3A_751 = tpu.memref_slice %arg5[%dma_wait3A_740, %dma_wait3A_749, %dma_wait3A_750] : memref<2x5x40xi32, #tpu.memory_space<vmem>> -> memref<1x5x40xi32, #tpu.memory_space<vmem>>
    %dma_wait3A_752 = tpu.memref_squeeze %dma_wait3A_751 : memref<1x5x40xi32, #tpu.memory_space<vmem>> -> memref<5x40xi32, #tpu.memory_space<vmem>>
    %dma_wait3A_753 = arith.constant 0 : i32
    %dma_wait3A_754 = arith.constant 0 : i32
    %dma_wait3A_755 = tpu.memref_slice %arg2[%dma_wait3A_738, %add3A, %dma_wait3A_739, %dma_wait3A_753, %dma_wait3A_754] : memref<2x32x50x5x40xi32, #tpu.memory_space<hbm>> -> memref<1x1x1x5x40xi32, #tpu.memory_space<hbm>>
    %dma_wait3A_756 = tpu.memref_squeeze %dma_wait3A_755 : memref<1x1x1x5x40xi32, #tpu.memory_space<hbm>> -> memref<5x40xi32, #tpu.memory_space<hbm>>
    tpu.wait_dma2 semaphore(%arg19 : memref<!tpu.dma_semaphore, #tpu.memory_space<semaphore_mem>>) src(%dma_wait3A_756 : memref<5x40xi32, #tpu.memory_space<hbm>>) dst(%dma_wait3A_752 : memref<5x40xi32, #tpu.memory_space<vmem>>)
    %dma_start3A_757 = arith.constant 0 : i32
    %dma_start3A_758 = arith.constant 0 : i32
    %dma_start3A_759 = arith.constant 0 : i32
    %dma_start3A_760 = arith.constant 0 : i32
    %dma_start3A_761 = arith.constant 0 : i32
    %dma_start3A_762 = tpu.memref_slice %arg7[%dma_start3A_759, %dma_start3A_760, %dma_start3A_761] : memref<5x40x128xf32, #tpu.memory_space<vmem>> -> memref<1x40x128xf32, #tpu.memory_space<vmem>>
    %dma_start3A_763 = tpu.memref_squeeze %dma_start3A_762 : memref<1x40x128xf32, #tpu.memory_space<vmem>> -> memref<40x128xf32, #tpu.memory_space<vmem>>
    %dma_start3A_764 = arith.constant 0 : i32
    %dma_start3A_765 = tpu.memref_slice %arg5[%dma_start3A_757, %dma_start3A_758, %dma_start3A_764] : memref<2x5x40xi32, #tpu.memory_space<vmem>> -> memref<1x1x40xi32, #tpu.memory_space<vmem>>
    %dma_start3A_766 = tpu.memref_squeeze %dma_start3A_765 : memref<1x1x40xi32, #tpu.memory_space<vmem>> -> memref<40xi32, #tpu.memory_space<vmem>>
    %dma_start3A_767 = arith.constant 0 : i32
    %dma_start3A_768 = arith.constant 0 : i32
    %dma_start3A_769 = tpu.memref_slice %arg3[%dma_start3A_767, %dma_start3A_768] : memref<10000x128xf32, #tpu.memory_space<hbm>> -> memref<10000x128xf32, #tpu.memory_space<hbm>>
    tpu.enqueue_indirect_dma source(%dma_start3A_769 : memref<10000x128xf32, #tpu.memory_space<hbm>>) target(%dma_start3A_763 : memref<40x128xf32, #tpu.memory_space<vmem>>) offsets(%dma_start3A_766 : memref<40xi32, #tpu.memory_space<vmem>>) semaphore(%arg9 : memref<!tpu.dma_semaphore, #tpu.memory_space<semaphore_mem>>)
    %dma_start3A_770 = arith.constant 0 : i32
    %dma_start3A_771 = arith.constant 1 : i32
    %dma_start3A_772 = arith.constant 1 : i32
    %dma_start3A_773 = arith.constant 0 : i32
    %dma_start3A_774 = arith.constant 0 : i32
    %dma_start3A_775 = tpu.memref_slice %arg7[%dma_start3A_772, %dma_start3A_773, %dma_start3A_774] : memref<5x40x128xf32, #tpu.memory_space<vmem>> -> memref<1x40x128xf32, #tpu.memory_space<vmem>>
    %dma_start3A_776 = tpu.memref_squeeze %dma_start3A_775 : memref<1x40x128xf32, #tpu.memory_space<vmem>> -> memref<40x128xf32, #tpu.memory_space<vmem>>
    %dma_start3A_777 = arith.constant 0 : i32
    %dma_start3A_778 = tpu.memref_slice %arg5[%dma_start3A_770, %dma_start3A_771, %dma_start3A_777] : memref<2x5x40xi32, #tpu.memory_space<vmem>> -> memref<1x1x40xi32, #tpu.memory_space<vmem>>
    %dma_start3A_779 = tpu.memref_squeeze %dma_start3A_778 : memref<1x1x40xi32, #tpu.memory_space<vmem>> -> memref<40xi32, #tpu.memory_space<vmem>>
    %dma_start3A_780 = arith.constant 0 : i32
    %dma_start3A_781 = arith.constant 0 : i32
    %dma_start3A_782 = tpu.memref_slice %arg3[%dma_start3A_780, %dma_start3A_781] : memref<10000x128xf32, #tpu.memory_space<hbm>> -> memref<10000x128xf32, #tpu.memory_space<hbm>>
    tpu.enqueue_indirect_dma source(%dma_start3A_782 : memref<10000x128xf32, #tpu.memory_space<hbm>>) target(%dma_start3A_776 : memref<40x128xf32, #tpu.memory_space<vmem>>) offsets(%dma_start3A_779 : memref<40xi32, #tpu.memory_space<vmem>>) semaphore(%arg10 : memref<!tpu.dma_semaphore, #tpu.memory_space<semaphore_mem>>)
    %dma_start3A_783 = arith.constant 0 : i32
    %dma_start3A_784 = arith.constant 2 : i32
    %dma_start3A_785 = arith.constant 2 : i32
    %dma_start3A_786 = arith.constant 0 : i32
    %dma_start3A_787 = arith.constant 0 : i32
    %dma_start3A_788 = tpu.memref_slice %arg7[%dma_start3A_785, %dma_start3A_786, %dma_start3A_787] : memref<5x40x128xf32, #tpu.memory_space<vmem>> -> memref<1x40x128xf32, #tpu.memory_space<vmem>>
    %dma_start3A_789 = tpu.memref_squeeze %dma_start3A_788 : memref<1x40x128xf32, #tpu.memory_space<vmem>> -> memref<40x128xf32, #tpu.memory_space<vmem>>
    %dma_start3A_790 = arith.constant 0 : i32
    %dma_start3A_791 = tpu.memref_slice %arg5[%dma_start3A_783, %dma_start3A_784, %dma_start3A_790] : memref<2x5x40xi32, #tpu.memory_space<vmem>> -> memref<1x1x40xi32, #tpu.memory_space<vmem>>
    %dma_start3A_792 = tpu.memref_squeeze %dma_start3A_791 : memref<1x1x40xi32, #tpu.memory_space<vmem>> -> memref<40xi32, #tpu.memory_space<vmem>>
    %dma_start3A_793 = arith.constant 0 : i32
    %dma_start3A_794 = arith.constant 0 : i32
    %dma_start3A_795 = tpu.memref_slice %arg3[%dma_start3A_793, %dma_start3A_794] : memref<10000x128xf32, #tpu.memory_space<hbm>> -> memref<10000x128xf32, #tpu.memory_space<hbm>>
    tpu.enqueue_indirect_dma source(%dma_start3A_795 : memref<10000x128xf32, #tpu.memory_space<hbm>>) target(%dma_start3A_789 : memref<40x128xf32, #tpu.memory_space<vmem>>) offsets(%dma_start3A_792 : memref<40xi32, #tpu.memory_space<vmem>>) semaphore(%arg11 : memref<!tpu.dma_semaphore, #tpu.memory_space<semaphore_mem>>)
    %dma_start3A_796 = arith.constant 0 : i32
    %dma_start3A_797 = arith.constant 3 : i32
    %dma_start3A_798 = arith.constant 3 : i32
    %dma_start3A_799 = arith.constant 0 : i32
    %dma_start3A_800 = arith.constant 0 : i32
    %dma_start3A_801 = tpu.memref_slice %arg7[%dma_start3A_798, %dma_start3A_799, %dma_start3A_800] : memref<5x40x128xf32, #tpu.memory_space<vmem>> -> memref<1x40x128xf32, #tpu.memory_space<vmem>>
    %dma_start3A_802 = tpu.memref_squeeze %dma_start3A_801 : memref<1x40x128xf32, #tpu.memory_space<vmem>> -> memref<40x128xf32, #tpu.memory_space<vmem>>
    %dma_start3A_803 = arith.constant 0 : i32
    %dma_start3A_804 = tpu.memref_slice %arg5[%dma_start3A_796, %dma_start3A_797, %dma_start3A_803] : memref<2x5x40xi32, #tpu.memory_space<vmem>> -> memref<1x1x40xi32, #tpu.memory_space<vmem>>
    %dma_start3A_805 = tpu.memref_squeeze %dma_start3A_804 : memref<1x1x40xi32, #tpu.memory_space<vmem>> -> memref<40xi32, #tpu.memory_space<vmem>>
    %dma_start3A_806 = arith.constant 0 : i32
    %dma_start3A_807 = arith.constant 0 : i32
    %dma_start3A_808 = tpu.memref_slice %arg3[%dma_start3A_806, %dma_start3A_807] : memref<10000x128xf32, #tpu.memory_space<hbm>> -> memref<10000x128xf32, #tpu.memory_space<hbm>>
    tpu.enqueue_indirect_dma source(%dma_start3A_808 : memref<10000x128xf32, #tpu.memory_space<hbm>>) target(%dma_start3A_802 : memref<40x128xf32, #tpu.memory_space<vmem>>) offsets(%dma_start3A_805 : memref<40xi32, #tpu.memory_space<vmem>>) semaphore(%arg12 : memref<!tpu.dma_semaphore, #tpu.memory_space<semaphore_mem>>)
    %dma_start3A_809 = arith.constant 0 : i32
    %dma_start3A_810 = arith.constant 4 : i32
    %dma_start3A_811 = arith.constant 4 : i32
    %dma_start3A_812 = arith.constant 0 : i32
    %dma_start3A_813 = arith.constant 0 : i32
    %dma_start3A_814 = tpu.memref_slice %arg7[%dma_start3A_811, %dma_start3A_812, %dma_start3A_813] : memref<5x40x128xf32, #tpu.memory_space<vmem>> -> memref<1x40x128xf32, #tpu.memory_space<vmem>>
    %dma_start3A_815 = tpu.memref_squeeze %dma_start3A_814 : memref<1x40x128xf32, #tpu.memory_space<vmem>> -> memref<40x128xf32, #tpu.memory_space<vmem>>
    %dma_start3A_816 = arith.constant 0 : i32
    %dma_start3A_817 = tpu.memref_slice %arg5[%dma_start3A_809, %dma_start3A_810, %dma_start3A_816] : memref<2x5x40xi32, #tpu.memory_space<vmem>> -> memref<1x1x40xi32, #tpu.memory_space<vmem>>
    %dma_start3A_818 = tpu.memref_squeeze %dma_start3A_817 : memref<1x1x40xi32, #tpu.memory_space<vmem>> -> memref<40xi32, #tpu.memory_space<vmem>>
    %dma_start3A_819 = arith.constant 0 : i32
    %dma_start3A_820 = arith.constant 0 : i32
    %dma_start3A_821 = tpu.memref_slice %arg3[%dma_start3A_819, %dma_start3A_820] : memref<10000x128xf32, #tpu.memory_space<hbm>> -> memref<10000x128xf32, #tpu.memory_space<hbm>>
    tpu.enqueue_indirect_dma source(%dma_start3A_821 : memref<10000x128xf32, #tpu.memory_space<hbm>>) target(%dma_start3A_815 : memref<40x128xf32, #tpu.memory_space<vmem>>) offsets(%dma_start3A_818 : memref<40xi32, #tpu.memory_space<vmem>>) semaphore(%arg13 : memref<!tpu.dma_semaphore, #tpu.memory_space<semaphore_mem>>)
    %scan3A_822 = arith.constant 0 : i32
    %scan3A_823 = arith.constant 25 : i32
    %scan3A_824 = arith.addi %scan3A_822, %scan3A_823 : i32
    %scan3A_825 = arith.constant 1 : i32
    scf.for %scan3A_828 = %scan3A_822 to %scan3A_824 step %scan3A_825  : i32 {
      %dma_wait3A_829 = arith.constant 0 : i32
      %dma_wait3A_830 = arith.constant 0 : i32
      %dma_wait3A_831 = arith.constant 0 : i32
      %dma_wait3A_832 = arith.constant 0 : i32
      %dma_wait3A_833 = arith.constant 0 : i32
      %dma_wait3A_834 = tpu.memref_slice %arg7[%dma_wait3A_831, %dma_wait3A_832, %dma_wait3A_833] : memref<5x40x128xf32, #tpu.memory_space<vmem>> -> memref<1x40x128xf32, #tpu.memory_space<vmem>>
      %dma_wait3A_835 = tpu.memref_squeeze %dma_wait3A_834 : memref<1x40x128xf32, #tpu.memory_space<vmem>> -> memref<40x128xf32, #tpu.memory_space<vmem>>
      %dma_wait3A_836 = arith.constant 0 : i32
      %dma_wait3A_837 = tpu.memref_slice %arg5[%dma_wait3A_829, %dma_wait3A_830, %dma_wait3A_836] : memref<2x5x40xi32, #tpu.memory_space<vmem>> -> memref<1x1x40xi32, #tpu.memory_space<vmem>>
      %dma_wait3A_838 = tpu.memref_squeeze %dma_wait3A_837 : memref<1x1x40xi32, #tpu.memory_space<vmem>> -> memref<40xi32, #tpu.memory_space<vmem>>
      %dma_wait3A_839 = arith.constant 0 : i32
      %dma_wait3A_840 = arith.constant 0 : i32
      %dma_wait3A_841 = tpu.memref_slice %arg3[%dma_wait3A_839, %dma_wait3A_840] : memref<10000x128xf32, #tpu.memory_space<hbm>> -> memref<10000x128xf32, #tpu.memory_space<hbm>>
      tpu.wait_indirect_dma semaphore(%arg9 : memref<!tpu.dma_semaphore, #tpu.memory_space<semaphore_mem>>) src(%dma_wait3A_841 : memref<10000x128xf32, #tpu.memory_space<hbm>>) dst(%dma_wait3A_835 : memref<40x128xf32, #tpu.memory_space<vmem>>)
      %dma_start3A_842 = arith.constant 0 : i32
      %dma_start3A_843 = arith.constant 1 : i32
      %dma_start3A_844 = arith.constant 0 : i32
      %dma_start3A_845 = arith.constant 0 : i32
      %dma_start3A_846 = arith.constant 0 : i32
      %dma_start3A_847 = tpu.memref_slice %arg7[%dma_start3A_842, %dma_start3A_845, %dma_start3A_846] : memref<5x40x128xf32, #tpu.memory_space<vmem>> -> memref<1x40x128xf32, #tpu.memory_space<vmem>>
      %dma_start3A_848 = tpu.memref_squeeze %dma_start3A_847 : memref<1x40x128xf32, #tpu.memory_space<vmem>> -> memref<40x128xf32, #tpu.memory_space<vmem>>
      %dma_start3A_849 = arith.constant 0 : i32
      %dma_start3A_850 = tpu.memref_slice %arg5[%dma_start3A_843, %dma_start3A_844, %dma_start3A_849] : memref<2x5x40xi32, #tpu.memory_space<vmem>> -> memref<1x1x40xi32, #tpu.memory_space<vmem>>
      %dma_start3A_851 = tpu.memref_squeeze %dma_start3A_850 : memref<1x1x40xi32, #tpu.memory_space<vmem>> -> memref<40xi32, #tpu.memory_space<vmem>>
      %dma_start3A_852 = arith.constant 0 : i32
      %dma_start3A_853 = arith.constant 0 : i32
      %dma_start3A_854 = tpu.memref_slice %arg8[%dma_start3A_852, %dma_start3A_853] : memref<10240x128xf32, #tpu.memory_space<vmem_shared>> -> memref<10240x128xf32, #tpu.memory_space<vmem_shared>>
      tpu.enqueue_indirect_dma source(%dma_start3A_848 : memref<40x128xf32, #tpu.memory_space<vmem>>) target(%dma_start3A_854 : memref<10240x128xf32, #tpu.memory_space<vmem_shared>>) offsets(%dma_start3A_851 : memref<40xi32, #tpu.memory_space<vmem>>) semaphore(%arg14 : memref<!tpu.dma_semaphore, #tpu.memory_space<semaphore_mem>>) {add = true}
      %dma_wait3A_855 = arith.constant 0 : i32
      %dma_wait3A_856 = arith.constant 1 : i32
      %dma_wait3A_857 = arith.constant 1 : i32
      %dma_wait3A_858 = arith.constant 0 : i32
      %dma_wait3A_859 = arith.constant 0 : i32
      %dma_wait3A_860 = tpu.memref_slice %arg7[%dma_wait3A_857, %dma_wait3A_858, %dma_wait3A_859] : memref<5x40x128xf32, #tpu.memory_space<vmem>> -> memref<1x40x128xf32, #tpu.memory_space<vmem>>
      %dma_wait3A_861 = tpu.memref_squeeze %dma_wait3A_860 : memref<1x40x128xf32, #tpu.memory_space<vmem>> -> memref<40x128xf32, #tpu.memory_space<vmem>>
      %dma_wait3A_862 = arith.constant 0 : i32
      %dma_wait3A_863 = tpu.memref_slice %arg5[%dma_wait3A_855, %dma_wait3A_856, %dma_wait3A_862] : memref<2x5x40xi32, #tpu.memory_space<vmem>> -> memref<1x1x40xi32, #tpu.memory_space<vmem>>
      %dma_wait3A_864 = tpu.memref_squeeze %dma_wait3A_863 : memref<1x1x40xi32, #tpu.memory_space<vmem>> -> memref<40xi32, #tpu.memory_space<vmem>>
      %dma_wait3A_865 = arith.constant 0 : i32
      %dma_wait3A_866 = arith.constant 0 : i32
      %dma_wait3A_867 = tpu.memref_slice %arg3[%dma_wait3A_865, %dma_wait3A_866] : memref<10000x128xf32, #tpu.memory_space<hbm>> -> memref<10000x128xf32, #tpu.memory_space<hbm>>
      tpu.wait_indirect_dma semaphore(%arg10 : memref<!tpu.dma_semaphore, #tpu.memory_space<semaphore_mem>>) src(%dma_wait3A_867 : memref<10000x128xf32, #tpu.memory_space<hbm>>) dst(%dma_wait3A_861 : memref<40x128xf32, #tpu.memory_space<vmem>>)
      %dma_start3A_868 = arith.constant 1 : i32
      %dma_start3A_869 = arith.constant 1 : i32
      %dma_start3A_870 = arith.constant 1 : i32
      %dma_start3A_871 = arith.constant 0 : i32
      %dma_start3A_872 = arith.constant 0 : i32
      %dma_start3A_873 = tpu.memref_slice %arg7[%dma_start3A_868, %dma_start3A_871, %dma_start3A_872] : memref<5x40x128xf32, #tpu.memory_space<vmem>> -> memref<1x40x128xf32, #tpu.memory_space<vmem>>
      %dma_start3A_874 = tpu.memref_squeeze %dma_start3A_873 : memref<1x40x128xf32, #tpu.memory_space<vmem>> -> memref<40x128xf32, #tpu.memory_space<vmem>>
      %dma_start3A_875 = arith.constant 0 : i32
      %dma_start3A_876 = tpu.memref_slice %arg5[%dma_start3A_869, %dma_start3A_870, %dma_start3A_875] : memref<2x5x40xi32, #tpu.memory_space<vmem>> -> memref<1x1x40xi32, #tpu.memory_space<vmem>>
      %dma_start3A_877 = tpu.memref_squeeze %dma_start3A_876 : memref<1x1x40xi32, #tpu.memory_space<vmem>> -> memref<40xi32, #tpu.memory_space<vmem>>
      %dma_start3A_878 = arith.constant 0 : i32
      %dma_start3A_879 = arith.constant 0 : i32
      %dma_start3A_880 = tpu.memref_slice %arg8[%dma_start3A_878, %dma_start3A_879] : memref<10240x128xf32, #tpu.memory_space<vmem_shared>> -> memref<10240x128xf32, #tpu.memory_space<vmem_shared>>
      tpu.enqueue_indirect_dma source(%dma_start3A_874 : memref<40x128xf32, #tpu.memory_space<vmem>>) target(%dma_start3A_880 : memref<10240x128xf32, #tpu.memory_space<vmem_shared>>) offsets(%dma_start3A_877 : memref<40xi32, #tpu.memory_space<vmem>>) semaphore(%arg15 : memref<!tpu.dma_semaphore, #tpu.memory_space<semaphore_mem>>) {add = true}
      %dma_wait3A_881 = arith.constant 0 : i32
      %dma_wait3A_882 = arith.constant 2 : i32
      %dma_wait3A_883 = arith.constant 2 : i32
      %dma_wait3A_884 = arith.constant 0 : i32
      %dma_wait3A_885 = arith.constant 0 : i32
      %dma_wait3A_886 = tpu.memref_slice %arg7[%dma_wait3A_883, %dma_wait3A_884, %dma_wait3A_885] : memref<5x40x128xf32, #tpu.memory_space<vmem>> -> memref<1x40x128xf32, #tpu.memory_space<vmem>>
      %dma_wait3A_887 = tpu.memref_squeeze %dma_wait3A_886 : memref<1x40x128xf32, #tpu.memory_space<vmem>> -> memref<40x128xf32, #tpu.memory_space<vmem>>
      %dma_wait3A_888 = arith.constant 0 : i32
      %dma_wait3A_889 = tpu.memref_slice %arg5[%dma_wait3A_881, %dma_wait3A_882, %dma_wait3A_888] : memref<2x5x40xi32, #tpu.memory_space<vmem>> -> memref<1x1x40xi32, #tpu.memory_space<vmem>>
      %dma_wait3A_890 = tpu.memref_squeeze %dma_wait3A_889 : memref<1x1x40xi32, #tpu.memory_space<vmem>> -> memref<40xi32, #tpu.memory_space<vmem>>
      %dma_wait3A_891 = arith.constant 0 : i32
      %dma_wait3A_892 = arith.constant 0 : i32
      %dma_wait3A_893 = tpu.memref_slice %arg3[%dma_wait3A_891, %dma_wait3A_892] : memref<10000x128xf32, #tpu.memory_space<hbm>> -> memref<10000x128xf32, #tpu.memory_space<hbm>>
      tpu.wait_indirect_dma semaphore(%arg11 : memref<!tpu.dma_semaphore, #tpu.memory_space<semaphore_mem>>) src(%dma_wait3A_893 : memref<10000x128xf32, #tpu.memory_space<hbm>>) dst(%dma_wait3A_887 : memref<40x128xf32, #tpu.memory_space<vmem>>)
      %dma_start3A_894 = arith.constant 2 : i32
      %dma_start3A_895 = arith.constant 1 : i32
      %dma_start3A_896 = arith.constant 2 : i32
      %dma_start3A_897 = arith.constant 0 : i32
      %dma_start3A_898 = arith.constant 0 : i32
      %dma_start3A_899 = tpu.memref_slice %arg7[%dma_start3A_894, %dma_start3A_897, %dma_start3A_898] : memref<5x40x128xf32, #tpu.memory_space<vmem>> -> memref<1x40x128xf32, #tpu.memory_space<vmem>>
      %dma_start3A_900 = tpu.memref_squeeze %dma_start3A_899 : memref<1x40x128xf32, #tpu.memory_space<vmem>> -> memref<40x128xf32, #tpu.memory_space<vmem>>
      %dma_start3A_901 = arith.constant 0 : i32
      %dma_start3A_902 = tpu.memref_slice %arg5[%dma_start3A_895, %dma_start3A_896, %dma_start3A_901] : memref<2x5x40xi32, #tpu.memory_space<vmem>> -> memref<1x1x40xi32, #tpu.memory_space<vmem>>
      %dma_start3A_903 = tpu.memref_squeeze %dma_start3A_902 : memref<1x1x40xi32, #tpu.memory_space<vmem>> -> memref<40xi32, #tpu.memory_space<vmem>>
      %dma_start3A_904 = arith.constant 0 : i32
      %dma_start3A_905 = arith.constant 0 : i32
      %dma_start3A_906 = tpu.memref_slice %arg8[%dma_start3A_904, %dma_start3A_905] : memref<10240x128xf32, #tpu.memory_space<vmem_shared>> -> memref<10240x128xf32, #tpu.memory_space<vmem_shared>>
      tpu.enqueue_indirect_dma source(%dma_start3A_900 : memref<40x128xf32, #tpu.memory_space<vmem>>) target(%dma_start3A_906 : memref<10240x128xf32, #tpu.memory_space<vmem_shared>>) offsets(%dma_start3A_903 : memref<40xi32, #tpu.memory_space<vmem>>) semaphore(%arg16 : memref<!tpu.dma_semaphore, #tpu.memory_space<semaphore_mem>>) {add = true}
      %dma_wait3A_907 = arith.constant 0 : i32
      %dma_wait3A_908 = arith.constant 3 : i32
      %dma_wait3A_909 = arith.constant 3 : i32
      %dma_wait3A_910 = arith.constant 0 : i32
      %dma_wait3A_911 = arith.constant 0 : i32
      %dma_wait3A_912 = tpu.memref_slice %arg7[%dma_wait3A_909, %dma_wait3A_910, %dma_wait3A_911] : memref<5x40x128xf32, #tpu.memory_space<vmem>> -> memref<1x40x128xf32, #tpu.memory_space<vmem>>
      %dma_wait3A_913 = tpu.memref_squeeze %dma_wait3A_912 : memref<1x40x128xf32, #tpu.memory_space<vmem>> -> memref<40x128xf32, #tpu.memory_space<vmem>>
      %dma_wait3A_914 = arith.constant 0 : i32
      %dma_wait3A_915 = tpu.memref_slice %arg5[%dma_wait3A_907, %dma_wait3A_908, %dma_wait3A_914] : memref<2x5x40xi32, #tpu.memory_space<vmem>> -> memref<1x1x40xi32, #tpu.memory_space<vmem>>
      %dma_wait3A_916 = tpu.memref_squeeze %dma_wait3A_915 : memref<1x1x40xi32, #tpu.memory_space<vmem>> -> memref<40xi32, #tpu.memory_space<vmem>>
      %dma_wait3A_917 = arith.constant 0 : i32
      %dma_wait3A_918 = arith.constant 0 : i32
      %dma_wait3A_919 = tpu.memref_slice %arg3[%dma_wait3A_917, %dma_wait3A_918] : memref<10000x128xf32, #tpu.memory_space<hbm>> -> memref<10000x128xf32, #tpu.memory_space<hbm>>
      tpu.wait_indirect_dma semaphore(%arg12 : memref<!tpu.dma_semaphore, #tpu.memory_space<semaphore_mem>>) src(%dma_wait3A_919 : memref<10000x128xf32, #tpu.memory_space<hbm>>) dst(%dma_wait3A_913 : memref<40x128xf32, #tpu.memory_space<vmem>>)
      %dma_start3A_920 = arith.constant 3 : i32
      %dma_start3A_921 = arith.constant 1 : i32
      %dma_start3A_922 = arith.constant 3 : i32
      %dma_start3A_923 = arith.constant 0 : i32
      %dma_start3A_924 = arith.constant 0 : i32
      %dma_start3A_925 = tpu.memref_slice %arg7[%dma_start3A_920, %dma_start3A_923, %dma_start3A_924] : memref<5x40x128xf32, #tpu.memory_space<vmem>> -> memref<1x40x128xf32, #tpu.memory_space<vmem>>
      %dma_start3A_926 = tpu.memref_squeeze %dma_start3A_925 : memref<1x40x128xf32, #tpu.memory_space<vmem>> -> memref<40x128xf32, #tpu.memory_space<vmem>>
      %dma_start3A_927 = arith.constant 0 : i32
      %dma_start3A_928 = tpu.memref_slice %arg5[%dma_start3A_921, %dma_start3A_922, %dma_start3A_927] : memref<2x5x40xi32, #tpu.memory_space<vmem>> -> memref<1x1x40xi32, #tpu.memory_space<vmem>>
      %dma_start3A_929 = tpu.memref_squeeze %dma_start3A_928 : memref<1x1x40xi32, #tpu.memory_space<vmem>> -> memref<40xi32, #tpu.memory_space<vmem>>
      %dma_start3A_930 = arith.constant 0 : i32
      %dma_start3A_931 = arith.constant 0 : i32
      %dma_start3A_932 = tpu.memref_slice %arg8[%dma_start3A_930, %dma_start3A_931] : memref<10240x128xf32, #tpu.memory_space<vmem_shared>> -> memref<10240x128xf32, #tpu.memory_space<vmem_shared>>
      tpu.enqueue_indirect_dma source(%dma_start3A_926 : memref<40x128xf32, #tpu.memory_space<vmem>>) target(%dma_start3A_932 : memref<10240x128xf32, #tpu.memory_space<vmem_shared>>) offsets(%dma_start3A_929 : memref<40xi32, #tpu.memory_space<vmem>>) semaphore(%arg17 : memref<!tpu.dma_semaphore, #tpu.memory_space<semaphore_mem>>) {add = true}
      %dma_wait3A_933 = arith.constant 0 : i32
      %dma_wait3A_934 = arith.constant 4 : i32
      %dma_wait3A_935 = arith.constant 4 : i32
      %dma_wait3A_936 = arith.constant 0 : i32
      %dma_wait3A_937 = arith.constant 0 : i32
      %dma_wait3A_938 = tpu.memref_slice %arg7[%dma_wait3A_935, %dma_wait3A_936, %dma_wait3A_937] : memref<5x40x128xf32, #tpu.memory_space<vmem>> -> memref<1x40x128xf32, #tpu.memory_space<vmem>>
      %dma_wait3A_939 = tpu.memref_squeeze %dma_wait3A_938 : memref<1x40x128xf32, #tpu.memory_space<vmem>> -> memref<40x128xf32, #tpu.memory_space<vmem>>
      %dma_wait3A_940 = arith.constant 0 : i32
      %dma_wait3A_941 = tpu.memref_slice %arg5[%dma_wait3A_933, %dma_wait3A_934, %dma_wait3A_940] : memref<2x5x40xi32, #tpu.memory_space<vmem>> -> memref<1x1x40xi32, #tpu.memory_space<vmem>>
      %dma_wait3A_942 = tpu.memref_squeeze %dma_wait3A_941 : memref<1x1x40xi32, #tpu.memory_space<vmem>> -> memref<40xi32, #tpu.memory_space<vmem>>
      %dma_wait3A_943 = arith.constant 0 : i32
      %dma_wait3A_944 = arith.constant 0 : i32
      %dma_wait3A_945 = tpu.memref_slice %arg3[%dma_wait3A_943, %dma_wait3A_944] : memref<10000x128xf32, #tpu.memory_space<hbm>> -> memref<10000x128xf32, #tpu.memory_space<hbm>>
      tpu.wait_indirect_dma semaphore(%arg13 : memref<!tpu.dma_semaphore, #tpu.memory_space<semaphore_mem>>) src(%dma_wait3A_945 : memref<10000x128xf32, #tpu.memory_space<hbm>>) dst(%dma_wait3A_939 : memref<40x128xf32, #tpu.memory_space<vmem>>)
      %dma_start3A_946 = arith.constant 4 : i32
      %dma_start3A_947 = arith.constant 1 : i32
      %dma_start3A_948 = arith.constant 4 : i32
      %dma_start3A_949 = arith.constant 0 : i32
      %dma_start3A_950 = arith.constant 0 : i32
      %dma_start3A_951 = tpu.memref_slice %arg7[%dma_start3A_946, %dma_start3A_949, %dma_start3A_950] : memref<5x40x128xf32, #tpu.memory_space<vmem>> -> memref<1x40x128xf32, #tpu.memory_space<vmem>>
      %dma_start3A_952 = tpu.memref_squeeze %dma_start3A_951 : memref<1x40x128xf32, #tpu.memory_space<vmem>> -> memref<40x128xf32, #tpu.memory_space<vmem>>
      %dma_start3A_953 = arith.constant 0 : i32
      %dma_start3A_954 = tpu.memref_slice %arg5[%dma_start3A_947, %dma_start3A_948, %dma_start3A_953] : memref<2x5x40xi32, #tpu.memory_space<vmem>> -> memref<1x1x40xi32, #tpu.memory_space<vmem>>
      %dma_start3A_955 = tpu.memref_squeeze %dma_start3A_954 : memref<1x1x40xi32, #tpu.memory_space<vmem>> -> memref<40xi32, #tpu.memory_space<vmem>>
      %dma_start3A_956 = arith.constant 0 : i32
      %dma_start3A_957 = arith.constant 0 : i32
      %dma_start3A_958 = tpu.memref_slice %arg8[%dma_start3A_956, %dma_start3A_957] : memref<10240x128xf32, #tpu.memory_space<vmem_shared>> -> memref<10240x128xf32, #tpu.memory_space<vmem_shared>>
      tpu.enqueue_indirect_dma source(%dma_start3A_952 : memref<40x128xf32, #tpu.memory_space<vmem>>) target(%dma_start3A_958 : memref<10240x128xf32, #tpu.memory_space<vmem_shared>>) offsets(%dma_start3A_955 : memref<40xi32, #tpu.memory_space<vmem>>) semaphore(%arg18 : memref<!tpu.dma_semaphore, #tpu.memory_space<semaphore_mem>>) {add = true}
      %dma_wait3A_959 = arith.constant 0 : i32
      %dma_wait3A_960 = arith.constant 0 : i32
      %dma_wait3A_961 = arith.constant 0 : i32
      %dma_wait3A_962 = arith.constant 0 : i32
      %dma_wait3A_963 = arith.constant 0 : i32
      %dma_wait3A_964 = tpu.memref_slice %arg6[%dma_wait3A_961, %dma_wait3A_962, %dma_wait3A_963] : memref<2x5x40xi32, #tpu.memory_space<vmem>> -> memref<1x5x40xi32, #tpu.memory_space<vmem>>
      %dma_wait3A_965 = tpu.memref_squeeze %dma_wait3A_964 : memref<1x5x40xi32, #tpu.memory_space<vmem>> -> memref<5x40xi32, #tpu.memory_space<vmem>>
      %dma_wait3A_966 = arith.constant 0 : i32
      %dma_wait3A_967 = arith.constant 0 : i32
      %dma_wait3A_968 = tpu.memref_slice %arg2[%dma_wait3A_959, %add3A, %dma_wait3A_960, %dma_wait3A_966, %dma_wait3A_967] : memref<2x32x50x5x40xi32, #tpu.memory_space<hbm>> -> memref<1x1x1x5x40xi32, #tpu.memory_space<hbm>>
      %dma_wait3A_969 = tpu.memref_squeeze %dma_wait3A_968 : memref<1x1x1x5x40xi32, #tpu.memory_space<hbm>> -> memref<5x40xi32, #tpu.memory_space<hbm>>
      %dma_wait3A_970 = arith.constant 0 : i32
      %dma_wait3A_971 = arith.constant 0 : i32
      %dma_wait3A_972 = tpu.memref_slice %arg6[%dma_wait3A_961, %dma_wait3A_970, %dma_wait3A_971] : memref<2x5x40xi32, #tpu.memory_space<vmem>> -> memref<1x5x40xi32, #tpu.memory_space<vmem>>
      %dma_wait3A_973 = tpu.memref_squeeze %dma_wait3A_972 : memref<1x5x40xi32, #tpu.memory_space<vmem>> -> memref<5x40xi32, #tpu.memory_space<vmem>>
      %dma_wait3A_974 = arith.constant 0 : i32
      %dma_wait3A_975 = arith.constant 0 : i32
      %dma_wait3A_976 = tpu.memref_slice %arg2[%dma_wait3A_959, %add3A, %dma_wait3A_960, %dma_wait3A_974, %dma_wait3A_975] : memref<2x32x50x5x40xi32, #tpu.memory_space<hbm>> -> memref<1x1x1x5x40xi32, #tpu.memory_space<hbm>>
      %dma_wait3A_977 = tpu.memref_squeeze %dma_wait3A_976 : memref<1x1x1x5x40xi32, #tpu.memory_space<hbm>> -> memref<5x40xi32, #tpu.memory_space<hbm>>
      tpu.wait_dma2 semaphore(%arg20 : memref<!tpu.dma_semaphore, #tpu.memory_space<semaphore_mem>>) src(%dma_wait3A_977 : memref<5x40xi32, #tpu.memory_space<hbm>>) dst(%dma_wait3A_973 : memref<5x40xi32, #tpu.memory_space<vmem>>)
      %dma_wait3A_978 = arith.constant 1 : i32
      %dma_wait3A_979 = arith.constant 0 : i32
      %dma_wait3A_980 = arith.constant 1 : i32
      %dma_wait3A_981 = arith.constant 0 : i32
      %dma_wait3A_982 = arith.constant 0 : i32
      %dma_wait3A_983 = tpu.memref_slice %arg6[%dma_wait3A_980, %dma_wait3A_981, %dma_wait3A_982] : memref<2x5x40xi32, #tpu.memory_space<vmem>> -> memref<1x5x40xi32, #tpu.memory_space<vmem>>
      %dma_wait3A_984 = tpu.memref_squeeze %dma_wait3A_983 : memref<1x5x40xi32, #tpu.memory_space<vmem>> -> memref<5x40xi32, #tpu.memory_space<vmem>>
      %dma_wait3A_985 = arith.constant 0 : i32
      %dma_wait3A_986 = arith.constant 0 : i32
      %dma_wait3A_987 = tpu.memref_slice %arg2[%dma_wait3A_978, %add3A, %dma_wait3A_979, %dma_wait3A_985, %dma_wait3A_986] : memref<2x32x50x5x40xi32, #tpu.memory_space<hbm>> -> memref<1x1x1x5x40xi32, #tpu.memory_space<hbm>>
      %dma_wait3A_988 = tpu.memref_squeeze %dma_wait3A_987 : memref<1x1x1x5x40xi32, #tpu.memory_space<hbm>> -> memref<5x40xi32, #tpu.memory_space<hbm>>
      %dma_wait3A_989 = arith.constant 0 : i32
      %dma_wait3A_990 = arith.constant 0 : i32
      %dma_wait3A_991 = tpu.memref_slice %arg6[%dma_wait3A_980, %dma_wait3A_989, %dma_wait3A_990] : memref<2x5x40xi32, #tpu.memory_space<vmem>> -> memref<1x5x40xi32, #tpu.memory_space<vmem>>
      %dma_wait3A_992 = tpu.memref_squeeze %dma_wait3A_991 : memref<1x5x40xi32, #tpu.memory_space<vmem>> -> memref<5x40xi32, #tpu.memory_space<vmem>>
      %dma_wait3A_993 = arith.constant 0 : i32
      %dma_wait3A_994 = arith.constant 0 : i32
      %dma_wait3A_995 = tpu.memref_slice %arg2[%dma_wait3A_978, %add3A, %dma_wait3A_979, %dma_wait3A_993, %dma_wait3A_994] : memref<2x32x50x5x40xi32, #tpu.memory_space<hbm>> -> memref<1x1x1x5x40xi32, #tpu.memory_space<hbm>>
      %dma_wait3A_996 = tpu.memref_squeeze %dma_wait3A_995 : memref<1x1x1x5x40xi32, #tpu.memory_space<hbm>> -> memref<5x40xi32, #tpu.memory_space<hbm>>
      tpu.wait_dma2 semaphore(%arg20 : memref<!tpu.dma_semaphore, #tpu.memory_space<semaphore_mem>>) src(%dma_wait3A_996 : memref<5x40xi32, #tpu.memory_space<hbm>>) dst(%dma_wait3A_992 : memref<5x40xi32, #tpu.memory_space<vmem>>)
      %dma_wait3A_997 = arith.constant 0 : i32
      %dma_wait3A_998 = arith.constant 1 : i32
      %dma_wait3A_999 = arith.constant 0 : i32
      %dma_wait3A_1000 = arith.constant 0 : i32
      %dma_wait3A_1001 = arith.constant 0 : i32
      %dma_wait3A_1002 = tpu.memref_slice %arg7[%dma_wait3A_997, %dma_wait3A_1000, %dma_wait3A_1001] : memref<5x40x128xf32, #tpu.memory_space<vmem>> -> memref<1x40x128xf32, #tpu.memory_space<vmem>>
      %dma_wait3A_1003 = tpu.memref_squeeze %dma_wait3A_1002 : memref<1x40x128xf32, #tpu.memory_space<vmem>> -> memref<40x128xf32, #tpu.memory_space<vmem>>
      %dma_wait3A_1004 = arith.constant 0 : i32
      %dma_wait3A_1005 = tpu.memref_slice %arg5[%dma_wait3A_998, %dma_wait3A_999, %dma_wait3A_1004] : memref<2x5x40xi32, #tpu.memory_space<vmem>> -> memref<1x1x40xi32, #tpu.memory_space<vmem>>
      %dma_wait3A_1006 = tpu.memref_squeeze %dma_wait3A_1005 : memref<1x1x40xi32, #tpu.memory_space<vmem>> -> memref<40xi32, #tpu.memory_space<vmem>>
      %dma_wait3A_1007 = arith.constant 0 : i32
      %dma_wait3A_1008 = arith.constant 0 : i32
      %dma_wait3A_1009 = tpu.memref_slice %arg8[%dma_wait3A_1007, %dma_wait3A_1008] : memref<10240x128xf32, #tpu.memory_space<vmem_shared>> -> memref<10240x128xf32, #tpu.memory_space<vmem_shared>>
      tpu.wait_indirect_dma semaphore(%arg14 : memref<!tpu.dma_semaphore, #tpu.memory_space<semaphore_mem>>) src(%dma_wait3A_1003 : memref<40x128xf32, #tpu.memory_space<vmem>>) dst(%dma_wait3A_1009 : memref<10240x128xf32, #tpu.memory_space<vmem_shared>>)
      %dma_start3A_1010 = arith.constant 0 : i32
      %dma_start3A_1011 = arith.constant 0 : i32
      %dma_start3A_1012 = arith.constant 0 : i32
      %dma_start3A_1013 = arith.constant 0 : i32
      %dma_start3A_1014 = arith.constant 0 : i32
      %dma_start3A_1015 = tpu.memref_slice %arg7[%dma_start3A_1012, %dma_start3A_1013, %dma_start3A_1014] : memref<5x40x128xf32, #tpu.memory_space<vmem>> -> memref<1x40x128xf32, #tpu.memory_space<vmem>>
      %dma_start3A_1016 = tpu.memref_squeeze %dma_start3A_1015 : memref<1x40x128xf32, #tpu.memory_space<vmem>> -> memref<40x128xf32, #tpu.memory_space<vmem>>
      %dma_start3A_1017 = arith.constant 0 : i32
      %dma_start3A_1018 = tpu.memref_slice %arg6[%dma_start3A_1010, %dma_start3A_1011, %dma_start3A_1017] : memref<2x5x40xi32, #tpu.memory_space<vmem>> -> memref<1x1x40xi32, #tpu.memory_space<vmem>>
      %dma_start3A_1019 = tpu.memref_squeeze %dma_start3A_1018 : memref<1x1x40xi32, #tpu.memory_space<vmem>> -> memref<40xi32, #tpu.memory_space<vmem>>
      %dma_start3A_1020 = arith.constant 0 : i32
      %dma_start3A_1021 = arith.constant 0 : i32
      %dma_start3A_1022 = tpu.memref_slice %arg3[%dma_start3A_1020, %dma_start3A_1021] : memref<10000x128xf32, #tpu.memory_space<hbm>> -> memref<10000x128xf32, #tpu.memory_space<hbm>>
      tpu.enqueue_indirect_dma source(%dma_start3A_1022 : memref<10000x128xf32, #tpu.memory_space<hbm>>) target(%dma_start3A_1016 : memref<40x128xf32, #tpu.memory_space<vmem>>) offsets(%dma_start3A_1019 : memref<40xi32, #tpu.memory_space<vmem>>) semaphore(%arg9 : memref<!tpu.dma_semaphore, #tpu.memory_space<semaphore_mem>>)
      %dma_wait3A_1023 = arith.constant 1 : i32
      %dma_wait3A_1024 = arith.constant 1 : i32
      %dma_wait3A_1025 = arith.constant 1 : i32
      %dma_wait3A_1026 = arith.constant 0 : i32
      %dma_wait3A_1027 = arith.constant 0 : i32
      %dma_wait3A_1028 = tpu.memref_slice %arg7[%dma_wait3A_1023, %dma_wait3A_1026, %dma_wait3A_1027] : memref<5x40x128xf32, #tpu.memory_space<vmem>> -> memref<1x40x128xf32, #tpu.memory_space<vmem>>
      %dma_wait3A_1029 = tpu.memref_squeeze %dma_wait3A_1028 : memref<1x40x128xf32, #tpu.memory_space<vmem>> -> memref<40x128xf32, #tpu.memory_space<vmem>>
      %dma_wait3A_1030 = arith.constant 0 : i32
      %dma_wait3A_1031 = tpu.memref_slice %arg5[%dma_wait3A_1024, %dma_wait3A_1025, %dma_wait3A_1030] : memref<2x5x40xi32, #tpu.memory_space<vmem>> -> memref<1x1x40xi32, #tpu.memory_space<vmem>>
      %dma_wait3A_1032 = tpu.memref_squeeze %dma_wait3A_1031 : memref<1x1x40xi32, #tpu.memory_space<vmem>> -> memref<40xi32, #tpu.memory_space<vmem>>
      %dma_wait3A_1033 = arith.constant 0 : i32
      %dma_wait3A_1034 = arith.constant 0 : i32
      %dma_wait3A_1035 = tpu.memref_slice %arg8[%dma_wait3A_1033, %dma_wait3A_1034] : memref<10240x128xf32, #tpu.memory_space<vmem_shared>> -> memref<10240x128xf32, #tpu.memory_space<vmem_shared>>
      tpu.wait_indirect_dma semaphore(%arg15 : memref<!tpu.dma_semaphore, #tpu.memory_space<semaphore_mem>>) src(%dma_wait3A_1029 : memref<40x128xf32, #tpu.memory_space<vmem>>) dst(%dma_wait3A_1035 : memref<10240x128xf32, #tpu.memory_space<vmem_shared>>)
      %dma_start3A_1036 = arith.constant 0 : i32
      %dma_start3A_1037 = arith.constant 1 : i32
      %dma_start3A_1038 = arith.constant 1 : i32
      %dma_start3A_1039 = arith.constant 0 : i32
      %dma_start3A_1040 = arith.constant 0 : i32
      %dma_start3A_1041 = tpu.memref_slice %arg7[%dma_start3A_1038, %dma_start3A_1039, %dma_start3A_1040] : memref<5x40x128xf32, #tpu.memory_space<vmem>> -> memref<1x40x128xf32, #tpu.memory_space<vmem>>
      %dma_start3A_1042 = tpu.memref_squeeze %dma_start3A_1041 : memref<1x40x128xf32, #tpu.memory_space<vmem>> -> memref<40x128xf32, #tpu.memory_space<vmem>>
      %dma_start3A_1043 = arith.constant 0 : i32
      %dma_start3A_1044 = tpu.memref_slice %arg6[%dma_start3A_1036, %dma_start3A_1037, %dma_start3A_1043] : memref<2x5x40xi32, #tpu.memory_space<vmem>> -> memref<1x1x40xi32, #tpu.memory_space<vmem>>
      %dma_start3A_1045 = tpu.memref_squeeze %dma_start3A_1044 : memref<1x1x40xi32, #tpu.memory_space<vmem>> -> memref<40xi32, #tpu.memory_space<vmem>>
      %dma_start3A_1046 = arith.constant 0 : i32
      %dma_start3A_1047 = arith.constant 0 : i32
      %dma_start3A_1048 = tpu.memref_slice %arg3[%dma_start3A_1046, %dma_start3A_1047] : memref<10000x128xf32, #tpu.memory_space<hbm>> -> memref<10000x128xf32, #tpu.memory_space<hbm>>
      tpu.enqueue_indirect_dma source(%dma_start3A_1048 : memref<10000x128xf32, #tpu.memory_space<hbm>>) target(%dma_start3A_1042 : memref<40x128xf32, #tpu.memory_space<vmem>>) offsets(%dma_start3A_1045 : memref<40xi32, #tpu.memory_space<vmem>>) semaphore(%arg10 : memref<!tpu.dma_semaphore, #tpu.memory_space<semaphore_mem>>)
      %dma_wait3A_1049 = arith.constant 2 : i32
      %dma_wait3A_1050 = arith.constant 1 : i32
      %dma_wait3A_1051 = arith.constant 2 : i32
      %dma_wait3A_1052 = arith.constant 0 : i32
      %dma_wait3A_1053 = arith.constant 0 : i32
      %dma_wait3A_1054 = tpu.memref_slice %arg7[%dma_wait3A_1049, %dma_wait3A_1052, %dma_wait3A_1053] : memref<5x40x128xf32, #tpu.memory_space<vmem>> -> memref<1x40x128xf32, #tpu.memory_space<vmem>>
      %dma_wait3A_1055 = tpu.memref_squeeze %dma_wait3A_1054 : memref<1x40x128xf32, #tpu.memory_space<vmem>> -> memref<40x128xf32, #tpu.memory_space<vmem>>
      %dma_wait3A_1056 = arith.constant 0 : i32
      %dma_wait3A_1057 = tpu.memref_slice %arg5[%dma_wait3A_1050, %dma_wait3A_1051, %dma_wait3A_1056] : memref<2x5x40xi32, #tpu.memory_space<vmem>> -> memref<1x1x40xi32, #tpu.memory_space<vmem>>
      %dma_wait3A_1058 = tpu.memref_squeeze %dma_wait3A_1057 : memref<1x1x40xi32, #tpu.memory_space<vmem>> -> memref<40xi32, #tpu.memory_space<vmem>>
      %dma_wait3A_1059 = arith.constant 0 : i32
      %dma_wait3A_1060 = arith.constant 0 : i32
      %dma_wait3A_1061 = tpu.memref_slice %arg8[%dma_wait3A_1059, %dma_wait3A_1060] : memref<10240x128xf32, #tpu.memory_space<vmem_shared>> -> memref<10240x128xf32, #tpu.memory_space<vmem_shared>>
      tpu.wait_indirect_dma semaphore(%arg16 : memref<!tpu.dma_semaphore, #tpu.memory_space<semaphore_mem>>) src(%dma_wait3A_1055 : memref<40x128xf32, #tpu.memory_space<vmem>>) dst(%dma_wait3A_1061 : memref<10240x128xf32, #tpu.memory_space<vmem_shared>>)
      %dma_start3A_1062 = arith.constant 0 : i32
      %dma_start3A_1063 = arith.constant 2 : i32
      %dma_start3A_1064 = arith.constant 2 : i32
      %dma_start3A_1065 = arith.constant 0 : i32
      %dma_start3A_1066 = arith.constant 0 : i32
      %dma_start3A_1067 = tpu.memref_slice %arg7[%dma_start3A_1064, %dma_start3A_1065, %dma_start3A_1066] : memref<5x40x128xf32, #tpu.memory_space<vmem>> -> memref<1x40x128xf32, #tpu.memory_space<vmem>>
      %dma_start3A_1068 = tpu.memref_squeeze %dma_start3A_1067 : memref<1x40x128xf32, #tpu.memory_space<vmem>> -> memref<40x128xf32, #tpu.memory_space<vmem>>
      %dma_start3A_1069 = arith.constant 0 : i32
      %dma_start3A_1070 = tpu.memref_slice %arg6[%dma_start3A_1062, %dma_start3A_1063, %dma_start3A_1069] : memref<2x5x40xi32, #tpu.memory_space<vmem>> -> memref<1x1x40xi32, #tpu.memory_space<vmem>>
      %dma_start3A_1071 = tpu.memref_squeeze %dma_start3A_1070 : memref<1x1x40xi32, #tpu.memory_space<vmem>> -> memref<40xi32, #tpu.memory_space<vmem>>
      %dma_start3A_1072 = arith.constant 0 : i32
      %dma_start3A_1073 = arith.constant 0 : i32
      %dma_start3A_1074 = tpu.memref_slice %arg3[%dma_start3A_1072, %dma_start3A_1073] : memref<10000x128xf32, #tpu.memory_space<hbm>> -> memref<10000x128xf32, #tpu.memory_space<hbm>>
      tpu.enqueue_indirect_dma source(%dma_start3A_1074 : memref<10000x128xf32, #tpu.memory_space<hbm>>) target(%dma_start3A_1068 : memref<40x128xf32, #tpu.memory_space<vmem>>) offsets(%dma_start3A_1071 : memref<40xi32, #tpu.memory_space<vmem>>) semaphore(%arg11 : memref<!tpu.dma_semaphore, #tpu.memory_space<semaphore_mem>>)
      %dma_wait3A_1075 = arith.constant 3 : i32
      %dma_wait3A_1076 = arith.constant 1 : i32
      %dma_wait3A_1077 = arith.constant 3 : i32
      %dma_wait3A_1078 = arith.constant 0 : i32
      %dma_wait3A_1079 = arith.constant 0 : i32
      %dma_wait3A_1080 = tpu.memref_slice %arg7[%dma_wait3A_1075, %dma_wait3A_1078, %dma_wait3A_1079] : memref<5x40x128xf32, #tpu.memory_space<vmem>> -> memref<1x40x128xf32, #tpu.memory_space<vmem>>
      %dma_wait3A_1081 = tpu.memref_squeeze %dma_wait3A_1080 : memref<1x40x128xf32, #tpu.memory_space<vmem>> -> memref<40x128xf32, #tpu.memory_space<vmem>>
      %dma_wait3A_1082 = arith.constant 0 : i32
      %dma_wait3A_1083 = tpu.memref_slice %arg5[%dma_wait3A_1076, %dma_wait3A_1077, %dma_wait3A_1082] : memref<2x5x40xi32, #tpu.memory_space<vmem>> -> memref<1x1x40xi32, #tpu.memory_space<vmem>>
      %dma_wait3A_1084 = tpu.memref_squeeze %dma_wait3A_1083 : memref<1x1x40xi32, #tpu.memory_space<vmem>> -> memref<40xi32, #tpu.memory_space<vmem>>
      %dma_wait3A_1085 = arith.constant 0 : i32
      %dma_wait3A_1086 = arith.constant 0 : i32
      %dma_wait3A_1087 = tpu.memref_slice %arg8[%dma_wait3A_1085, %dma_wait3A_1086] : memref<10240x128xf32, #tpu.memory_space<vmem_shared>> -> memref<10240x128xf32, #tpu.memory_space<vmem_shared>>
      tpu.wait_indirect_dma semaphore(%arg17 : memref<!tpu.dma_semaphore, #tpu.memory_space<semaphore_mem>>) src(%dma_wait3A_1081 : memref<40x128xf32, #tpu.memory_space<vmem>>) dst(%dma_wait3A_1087 : memref<10240x128xf32, #tpu.memory_space<vmem_shared>>)
      %dma_start3A_1088 = arith.constant 0 : i32
      %dma_start3A_1089 = arith.constant 3 : i32
      %dma_start3A_1090 = arith.constant 3 : i32
      %dma_start3A_1091 = arith.constant 0 : i32
      %dma_start3A_1092 = arith.constant 0 : i32
      %dma_start3A_1093 = tpu.memref_slice %arg7[%dma_start3A_1090, %dma_start3A_1091, %dma_start3A_1092] : memref<5x40x128xf32, #tpu.memory_space<vmem>> -> memref<1x40x128xf32, #tpu.memory_space<vmem>>
      %dma_start3A_1094 = tpu.memref_squeeze %dma_start3A_1093 : memref<1x40x128xf32, #tpu.memory_space<vmem>> -> memref<40x128xf32, #tpu.memory_space<vmem>>
      %dma_start3A_1095 = arith.constant 0 : i32
      %dma_start3A_1096 = tpu.memref_slice %arg6[%dma_start3A_1088, %dma_start3A_1089, %dma_start3A_1095] : memref<2x5x40xi32, #tpu.memory_space<vmem>> -> memref<1x1x40xi32, #tpu.memory_space<vmem>>
      %dma_start3A_1097 = tpu.memref_squeeze %dma_start3A_1096 : memref<1x1x40xi32, #tpu.memory_space<vmem>> -> memref<40xi32, #tpu.memory_space<vmem>>
      %dma_start3A_1098 = arith.constant 0 : i32
      %dma_start3A_1099 = arith.constant 0 : i32
      %dma_start3A_1100 = tpu.memref_slice %arg3[%dma_start3A_1098, %dma_start3A_1099] : memref<10000x128xf32, #tpu.memory_space<hbm>> -> memref<10000x128xf32, #tpu.memory_space<hbm>>
      tpu.enqueue_indirect_dma source(%dma_start3A_1100 : memref<10000x128xf32, #tpu.memory_space<hbm>>) target(%dma_start3A_1094 : memref<40x128xf32, #tpu.memory_space<vmem>>) offsets(%dma_start3A_1097 : memref<40xi32, #tpu.memory_space<vmem>>) semaphore(%arg12 : memref<!tpu.dma_semaphore, #tpu.memory_space<semaphore_mem>>)
      %dma_wait3A_1101 = arith.constant 4 : i32
      %dma_wait3A_1102 = arith.constant 1 : i32
      %dma_wait3A_1103 = arith.constant 4 : i32
      %dma_wait3A_1104 = arith.constant 0 : i32
      %dma_wait3A_1105 = arith.constant 0 : i32
      %dma_wait3A_1106 = tpu.memref_slice %arg7[%dma_wait3A_1101, %dma_wait3A_1104, %dma_wait3A_1105] : memref<5x40x128xf32, #tpu.memory_space<vmem>> -> memref<1x40x128xf32, #tpu.memory_space<vmem>>
      %dma_wait3A_1107 = tpu.memref_squeeze %dma_wait3A_1106 : memref<1x40x128xf32, #tpu.memory_space<vmem>> -> memref<40x128xf32, #tpu.memory_space<vmem>>
      %dma_wait3A_1108 = arith.constant 0 : i32
      %dma_wait3A_1109 = tpu.memref_slice %arg5[%dma_wait3A_1102, %dma_wait3A_1103, %dma_wait3A_1108] : memref<2x5x40xi32, #tpu.memory_space<vmem>> -> memref<1x1x40xi32, #tpu.memory_space<vmem>>
      %dma_wait3A_1110 = tpu.memref_squeeze %dma_wait3A_1109 : memref<1x1x40xi32, #tpu.memory_space<vmem>> -> memref<40xi32, #tpu.memory_space<vmem>>
      %dma_wait3A_1111 = arith.constant 0 : i32
      %dma_wait3A_1112 = arith.constant 0 : i32
      %dma_wait3A_1113 = tpu.memref_slice %arg8[%dma_wait3A_1111, %dma_wait3A_1112] : memref<10240x128xf32, #tpu.memory_space<vmem_shared>> -> memref<10240x128xf32, #tpu.memory_space<vmem_shared>>
      tpu.wait_indirect_dma semaphore(%arg18 : memref<!tpu.dma_semaphore, #tpu.memory_space<semaphore_mem>>) src(%dma_wait3A_1107 : memref<40x128xf32, #tpu.memory_space<vmem>>) dst(%dma_wait3A_1113 : memref<10240x128xf32, #tpu.memory_space<vmem_shared>>)
      %dma_start3A_1114 = arith.constant 0 : i32
      %dma_start3A_1115 = arith.constant 4 : i32
      %dma_start3A_1116 = arith.constant 4 : i32
      %dma_start3A_1117 = arith.constant 0 : i32
      %dma_start3A_1118 = arith.constant 0 : i32
      %dma_start3A_1119 = tpu.memref_slice %arg7[%dma_start3A_1116, %dma_start3A_1117, %dma_start3A_1118] : memref<5x40x128xf32, #tpu.memory_space<vmem>> -> memref<1x40x128xf32, #tpu.memory_space<vmem>>
      %dma_start3A_1120 = tpu.memref_squeeze %dma_start3A_1119 : memref<1x40x128xf32, #tpu.memory_space<vmem>> -> memref<40x128xf32, #tpu.memory_space<vmem>>
      %dma_start3A_1121 = arith.constant 0 : i32
      %dma_start3A_1122 = tpu.memref_slice %arg6[%dma_start3A_1114, %dma_start3A_1115, %dma_start3A_1121] : memref<2x5x40xi32, #tpu.memory_space<vmem>> -> memref<1x1x40xi32, #tpu.memory_space<vmem>>
      %dma_start3A_1123 = tpu.memref_squeeze %dma_start3A_1122 : memref<1x1x40xi32, #tpu.memory_space<vmem>> -> memref<40xi32, #tpu.memory_space<vmem>>
      %dma_start3A_1124 = arith.constant 0 : i32
      %dma_start3A_1125 = arith.constant 0 : i32
      %dma_start3A_1126 = tpu.memref_slice %arg3[%dma_start3A_1124, %dma_start3A_1125] : memref<10000x128xf32, #tpu.memory_space<hbm>> -> memref<10000x128xf32, #tpu.memory_space<hbm>>
      tpu.enqueue_indirect_dma source(%dma_start3A_1126 : memref<10000x128xf32, #tpu.memory_space<hbm>>) target(%dma_start3A_1120 : memref<40x128xf32, #tpu.memory_space<vmem>>) offsets(%dma_start3A_1123 : memref<40xi32, #tpu.memory_space<vmem>>) semaphore(%arg13 : memref<!tpu.dma_semaphore, #tpu.memory_space<semaphore_mem>>)
      %lt3A = arith.constant 24 : i32
      %lt3A_1127 = arith.cmpi slt, %scan3A_828, %lt3A : i32
      %convert_element_type3A = arith.extui %lt3A_1127 : i1 to i32
      %cond3A = arith.constant 0 : i32
      %cond3A_1128 = arith.cmpi ne, %convert_element_type3A, %cond3A : i32
      scf.if %cond3A_1128 {
        %mul3A_1359 = arith.constant 2 : i32
        %mul3A_1360 = arith.muli %mul3A_1359, %scan3A_828 : i32
        %add3A_1361 = arith.constant 2 : i32
        %add3A_1362 = arith.addi %mul3A_1360, %add3A_1361 : i32
        %dma_start3A_1363 = arith.constant 0 : i32
        %dma_start3A_1364 = arith.constant 0 : i32
        %dma_start3A_1365 = arith.constant 0 : i32
        %dma_start3A_1366 = arith.constant 0 : i32
        %dma_start3A_1367 = tpu.memref_slice %arg5[%dma_start3A_1364, %dma_start3A_1365, %dma_start3A_1366] : memref<2x5x40xi32, #tpu.memory_space<vmem>> -> memref<1x5x40xi32, #tpu.memory_space<vmem>>
        %dma_start3A_1368 = tpu.memref_squeeze %dma_start3A_1367 : memref<1x5x40xi32, #tpu.memory_space<vmem>> -> memref<5x40xi32, #tpu.memory_space<vmem>>
        %dma_start3A_1369 = arith.constant 0 : i32
        %dma_start3A_1370 = arith.constant 0 : i32
        %dma_start3A_1371 = tpu.memref_slice %arg2[%dma_start3A_1363, %add3A, %add3A_1362, %dma_start3A_1369, %dma_start3A_1370] : memref<2x32x50x5x40xi32, #tpu.memory_space<hbm>> -> memref<1x1x1x5x40xi32, #tpu.memory_space<hbm>>
        %dma_start3A_1372 = tpu.memref_squeeze %dma_start3A_1371 : memref<1x1x1x5x40xi32, #tpu.memory_space<hbm>> -> memref<5x40xi32, #tpu.memory_space<hbm>>
        %dma_start3A_1373 = arith.constant 0 : i32
        %dma_start3A_1374 = arith.constant 0 : i32
        %dma_start3A_1375 = tpu.memref_slice %arg5[%dma_start3A_1364, %dma_start3A_1373, %dma_start3A_1374] : memref<2x5x40xi32, #tpu.memory_space<vmem>> -> memref<1x5x40xi32, #tpu.memory_space<vmem>>
        %dma_start3A_1376 = tpu.memref_squeeze %dma_start3A_1375 : memref<1x5x40xi32, #tpu.memory_space<vmem>> -> memref<5x40xi32, #tpu.memory_space<vmem>>
        %dma_start3A_1377 = arith.constant 0 : i32
        %dma_start3A_1378 = arith.constant 0 : i32
        %dma_start3A_1379 = tpu.memref_slice %arg2[%dma_start3A_1363, %add3A, %add3A_1362, %dma_start3A_1377, %dma_start3A_1378] : memref<2x32x50x5x40xi32, #tpu.memory_space<hbm>> -> memref<1x1x1x5x40xi32, #tpu.memory_space<hbm>>
        %dma_start3A_1380 = tpu.memref_squeeze %dma_start3A_1379 : memref<1x1x1x5x40xi32, #tpu.memory_space<hbm>> -> memref<5x40xi32, #tpu.memory_space<hbm>>
        tpu.enqueue_dma source(%dma_start3A_1380 : memref<5x40xi32, #tpu.memory_space<hbm>>) target(%dma_start3A_1376 : memref<5x40xi32, #tpu.memory_space<vmem>>) target_semaphore(%arg19 : memref<!tpu.dma_semaphore, #tpu.memory_space<semaphore_mem>>)
        %dma_start3A_1381 = arith.constant 1 : i32
        %dma_start3A_1382 = arith.constant 1 : i32
        %dma_start3A_1383 = arith.constant 0 : i32
        %dma_start3A_1384 = arith.constant 0 : i32
        %dma_start3A_1385 = tpu.memref_slice %arg5[%dma_start3A_1382, %dma_start3A_1383, %dma_start3A_1384] : memref<2x5x40xi32, #tpu.memory_space<vmem>> -> memref<1x5x40xi32, #tpu.memory_space<vmem>>
        %dma_start3A_1386 = tpu.memref_squeeze %dma_start3A_1385 : memref<1x5x40xi32, #tpu.memory_space<vmem>> -> memref<5x40xi32, #tpu.memory_space<vmem>>
        %dma_start3A_1387 = arith.constant 0 : i32
        %dma_start3A_1388 = arith.constant 0 : i32
        %dma_start3A_1389 = tpu.memref_slice %arg2[%dma_start3A_1381, %add3A, %add3A_1362, %dma_start3A_1387, %dma_start3A_1388] : memref<2x32x50x5x40xi32, #tpu.memory_space<hbm>> -> memref<1x1x1x5x40xi32, #tpu.memory_space<hbm>>
        %dma_start3A_1390 = tpu.memref_squeeze %dma_start3A_1389 : memref<1x1x1x5x40xi32, #tpu.memory_space<hbm>> -> memref<5x40xi32, #tpu.memory_space<hbm>>
        %dma_start3A_1391 = arith.constant 0 : i32
        %dma_start3A_1392 = arith.constant 0 : i32
        %dma_start3A_1393 = tpu.memref_slice %arg5[%dma_start3A_1382, %dma_start3A_1391, %dma_start3A_1392] : memref<2x5x40xi32, #tpu.memory_space<vmem>> -> memref<1x5x40xi32, #tpu.memory_space<vmem>>
        %dma_start3A_1394 = tpu.memref_squeeze %dma_start3A_1393 : memref<1x5x40xi32, #tpu.memory_space<vmem>> -> memref<5x40xi32, #tpu.memory_space<vmem>>
        %dma_start3A_1395 = arith.constant 0 : i32
        %dma_start3A_1396 = arith.constant 0 : i32
        %dma_start3A_1397 = tpu.memref_slice %arg2[%dma_start3A_1381, %add3A, %add3A_1362, %dma_start3A_1395, %dma_start3A_1396] : memref<2x32x50x5x40xi32, #tpu.memory_space<hbm>> -> memref<1x1x1x5x40xi32, #tpu.memory_space<hbm>>
        %dma_start3A_1398 = tpu.memref_squeeze %dma_start3A_1397 : memref<1x1x1x5x40xi32, #tpu.memory_space<hbm>> -> memref<5x40xi32, #tpu.memory_space<hbm>>
        tpu.enqueue_dma source(%dma_start3A_1398 : memref<5x40xi32, #tpu.memory_space<hbm>>) target(%dma_start3A_1394 : memref<5x40xi32, #tpu.memory_space<vmem>>) target_semaphore(%arg19 : memref<!tpu.dma_semaphore, #tpu.memory_space<semaphore_mem>>)
      } else {
      }
      %dma_wait3A_1129 = arith.constant 0 : i32
      %dma_wait3A_1130 = arith.constant 0 : i32
      %dma_wait3A_1131 = arith.constant 0 : i32
      %dma_wait3A_1132 = arith.constant 0 : i32
      %dma_wait3A_1133 = arith.constant 0 : i32
      %dma_wait3A_1134 = tpu.memref_slice %arg7[%dma_wait3A_1131, %dma_wait3A_1132, %dma_wait3A_1133] : memref<5x40x128xf32, #tpu.memory_space<vmem>> -> memref<1x40x128xf32, #tpu.memory_space<vmem>>
      %dma_wait3A_1135 = tpu.memref_squeeze %dma_wait3A_1134 : memref<1x40x128xf32, #tpu.memory_space<vmem>> -> memref<40x128xf32, #tpu.memory_space<vmem>>
      %dma_wait3A_1136 = arith.constant 0 : i32
      %dma_wait3A_1137 = tpu.memref_slice %arg6[%dma_wait3A_1129, %dma_wait3A_1130, %dma_wait3A_1136] : memref<2x5x40xi32, #tpu.memory_space<vmem>> -> memref<1x1x40xi32, #tpu.memory_space<vmem>>
      %dma_wait3A_1138 = tpu.memref_squeeze %dma_wait3A_1137 : memref<1x1x40xi32, #tpu.memory_space<vmem>> -> memref<40xi32, #tpu.memory_space<vmem>>
      %dma_wait3A_1139 = arith.constant 0 : i32
      %dma_wait3A_1140 = arith.constant 0 : i32
      %dma_wait3A_1141 = tpu.memref_slice %arg3[%dma_wait3A_1139, %dma_wait3A_1140] : memref<10000x128xf32, #tpu.memory_space<hbm>> -> memref<10000x128xf32, #tpu.memory_space<hbm>>
      tpu.wait_indirect_dma semaphore(%arg9 : memref<!tpu.dma_semaphore, #tpu.memory_space<semaphore_mem>>) src(%dma_wait3A_1141 : memref<10000x128xf32, #tpu.memory_space<hbm>>) dst(%dma_wait3A_1135 : memref<40x128xf32, #tpu.memory_space<vmem>>)
      %dma_start3A_1142 = arith.constant 0 : i32
      %dma_start3A_1143 = arith.constant 1 : i32
      %dma_start3A_1144 = arith.constant 0 : i32
      %dma_start3A_1145 = arith.constant 0 : i32
      %dma_start3A_1146 = arith.constant 0 : i32
      %dma_start3A_1147 = tpu.memref_slice %arg7[%dma_start3A_1142, %dma_start3A_1145, %dma_start3A_1146] : memref<5x40x128xf32, #tpu.memory_space<vmem>> -> memref<1x40x128xf32, #tpu.memory_space<vmem>>
      %dma_start3A_1148 = tpu.memref_squeeze %dma_start3A_1147 : memref<1x40x128xf32, #tpu.memory_space<vmem>> -> memref<40x128xf32, #tpu.memory_space<vmem>>
      %dma_start3A_1149 = arith.constant 0 : i32
      %dma_start3A_1150 = tpu.memref_slice %arg6[%dma_start3A_1143, %dma_start3A_1144, %dma_start3A_1149] : memref<2x5x40xi32, #tpu.memory_space<vmem>> -> memref<1x1x40xi32, #tpu.memory_space<vmem>>
      %dma_start3A_1151 = tpu.memref_squeeze %dma_start3A_1150 : memref<1x1x40xi32, #tpu.memory_space<vmem>> -> memref<40xi32, #tpu.memory_space<vmem>>
      %dma_start3A_1152 = arith.constant 0 : i32
      %dma_start3A_1153 = arith.constant 0 : i32
      %dma_start3A_1154 = tpu.memref_slice %arg8[%dma_start3A_1152, %dma_start3A_1153] : memref<10240x128xf32, #tpu.memory_space<vmem_shared>> -> memref<10240x128xf32, #tpu.memory_space<vmem_shared>>
      tpu.enqueue_indirect_dma source(%dma_start3A_1148 : memref<40x128xf32, #tpu.memory_space<vmem>>) target(%dma_start3A_1154 : memref<10240x128xf32, #tpu.memory_space<vmem_shared>>) offsets(%dma_start3A_1151 : memref<40xi32, #tpu.memory_space<vmem>>) semaphore(%arg14 : memref<!tpu.dma_semaphore, #tpu.memory_space<semaphore_mem>>) {add = true}
      %dma_wait3A_1155 = arith.constant 0 : i32
      %dma_wait3A_1156 = arith.constant 1 : i32
      %dma_wait3A_1157 = arith.constant 1 : i32
      %dma_wait3A_1158 = arith.constant 0 : i32
      %dma_wait3A_1159 = arith.constant 0 : i32
      %dma_wait3A_1160 = tpu.memref_slice %arg7[%dma_wait3A_1157, %dma_wait3A_1158, %dma_wait3A_1159] : memref<5x40x128xf32, #tpu.memory_space<vmem>> -> memref<1x40x128xf32, #tpu.memory_space<vmem>>
      %dma_wait3A_1161 = tpu.memref_squeeze %dma_wait3A_1160 : memref<1x40x128xf32, #tpu.memory_space<vmem>> -> memref<40x128xf32, #tpu.memory_space<vmem>>
      %dma_wait3A_1162 = arith.constant 0 : i32
      %dma_wait3A_1163 = tpu.memref_slice %arg6[%dma_wait3A_1155, %dma_wait3A_1156, %dma_wait3A_1162] : memref<2x5x40xi32, #tpu.memory_space<vmem>> -> memref<1x1x40xi32, #tpu.memory_space<vmem>>
      %dma_wait3A_1164 = tpu.memref_squeeze %dma_wait3A_1163 : memref<1x1x40xi32, #tpu.memory_space<vmem>> -> memref<40xi32, #tpu.memory_space<vmem>>
      %dma_wait3A_1165 = arith.constant 0 : i32
      %dma_wait3A_1166 = arith.constant 0 : i32
      %dma_wait3A_1167 = tpu.memref_slice %arg3[%dma_wait3A_1165, %dma_wait3A_1166] : memref<10000x128xf32, #tpu.memory_space<hbm>> -> memref<10000x128xf32, #tpu.memory_space<hbm>>
      tpu.wait_indirect_dma semaphore(%arg10 : memref<!tpu.dma_semaphore, #tpu.memory_space<semaphore_mem>>) src(%dma_wait3A_1167 : memref<10000x128xf32, #tpu.memory_space<hbm>>) dst(%dma_wait3A_1161 : memref<40x128xf32, #tpu.memory_space<vmem>>)
      %dma_start3A_1168 = arith.constant 1 : i32
      %dma_start3A_1169 = arith.constant 1 : i32
      %dma_start3A_1170 = arith.constant 1 : i32
      %dma_start3A_1171 = arith.constant 0 : i32
      %dma_start3A_1172 = arith.constant 0 : i32
      %dma_start3A_1173 = tpu.memref_slice %arg7[%dma_start3A_1168, %dma_start3A_1171, %dma_start3A_1172] : memref<5x40x128xf32, #tpu.memory_space<vmem>> -> memref<1x40x128xf32, #tpu.memory_space<vmem>>
      %dma_start3A_1174 = tpu.memref_squeeze %dma_start3A_1173 : memref<1x40x128xf32, #tpu.memory_space<vmem>> -> memref<40x128xf32, #tpu.memory_space<vmem>>
      %dma_start3A_1175 = arith.constant 0 : i32
      %dma_start3A_1176 = tpu.memref_slice %arg6[%dma_start3A_1169, %dma_start3A_1170, %dma_start3A_1175] : memref<2x5x40xi32, #tpu.memory_space<vmem>> -> memref<1x1x40xi32, #tpu.memory_space<vmem>>
      %dma_start3A_1177 = tpu.memref_squeeze %dma_start3A_1176 : memref<1x1x40xi32, #tpu.memory_space<vmem>> -> memref<40xi32, #tpu.memory_space<vmem>>
      %dma_start3A_1178 = arith.constant 0 : i32
      %dma_start3A_1179 = arith.constant 0 : i32
      %dma_start3A_1180 = tpu.memref_slice %arg8[%dma_start3A_1178, %dma_start3A_1179] : memref<10240x128xf32, #tpu.memory_space<vmem_shared>> -> memref<10240x128xf32, #tpu.memory_space<vmem_shared>>
      tpu.enqueue_indirect_dma source(%dma_start3A_1174 : memref<40x128xf32, #tpu.memory_space<vmem>>) target(%dma_start3A_1180 : memref<10240x128xf32, #tpu.memory_space<vmem_shared>>) offsets(%dma_start3A_1177 : memref<40xi32, #tpu.memory_space<vmem>>) semaphore(%arg15 : memref<!tpu.dma_semaphore, #tpu.memory_space<semaphore_mem>>) {add = true}
      %dma_wait3A_1181 = arith.constant 0 : i32
      %dma_wait3A_1182 = arith.constant 2 : i32
      %dma_wait3A_1183 = arith.constant 2 : i32
      %dma_wait3A_1184 = arith.constant 0 : i32
      %dma_wait3A_1185 = arith.constant 0 : i32
      %dma_wait3A_1186 = tpu.memref_slice %arg7[%dma_wait3A_1183, %dma_wait3A_1184, %dma_wait3A_1185] : memref<5x40x128xf32, #tpu.memory_space<vmem>> -> memref<1x40x128xf32, #tpu.memory_space<vmem>>
      %dma_wait3A_1187 = tpu.memref_squeeze %dma_wait3A_1186 : memref<1x40x128xf32, #tpu.memory_space<vmem>> -> memref<40x128xf32, #tpu.memory_space<vmem>>
      %dma_wait3A_1188 = arith.constant 0 : i32
      %dma_wait3A_1189 = tpu.memref_slice %arg6[%dma_wait3A_1181, %dma_wait3A_1182, %dma_wait3A_1188] : memref<2x5x40xi32, #tpu.memory_space<vmem>> -> memref<1x1x40xi32, #tpu.memory_space<vmem>>
      %dma_wait3A_1190 = tpu.memref_squeeze %dma_wait3A_1189 : memref<1x1x40xi32, #tpu.memory_space<vmem>> -> memref<40xi32, #tpu.memory_space<vmem>>
      %dma_wait3A_1191 = arith.constant 0 : i32
      %dma_wait3A_1192 = arith.constant 0 : i32
      %dma_wait3A_1193 = tpu.memref_slice %arg3[%dma_wait3A_1191, %dma_wait3A_1192] : memref<10000x128xf32, #tpu.memory_space<hbm>> -> memref<10000x128xf32, #tpu.memory_space<hbm>>
      tpu.wait_indirect_dma semaphore(%arg11 : memref<!tpu.dma_semaphore, #tpu.memory_space<semaphore_mem>>) src(%dma_wait3A_1193 : memref<10000x128xf32, #tpu.memory_space<hbm>>) dst(%dma_wait3A_1187 : memref<40x128xf32, #tpu.memory_space<vmem>>)
      %dma_start3A_1194 = arith.constant 2 : i32
      %dma_start3A_1195 = arith.constant 1 : i32
      %dma_start3A_1196 = arith.constant 2 : i32
      %dma_start3A_1197 = arith.constant 0 : i32
      %dma_start3A_1198 = arith.constant 0 : i32
      %dma_start3A_1199 = tpu.memref_slice %arg7[%dma_start3A_1194, %dma_start3A_1197, %dma_start3A_1198] : memref<5x40x128xf32, #tpu.memory_space<vmem>> -> memref<1x40x128xf32, #tpu.memory_space<vmem>>
      %dma_start3A_1200 = tpu.memref_squeeze %dma_start3A_1199 : memref<1x40x128xf32, #tpu.memory_space<vmem>> -> memref<40x128xf32, #tpu.memory_space<vmem>>
      %dma_start3A_1201 = arith.constant 0 : i32
      %dma_start3A_1202 = tpu.memref_slice %arg6[%dma_start3A_1195, %dma_start3A_1196, %dma_start3A_1201] : memref<2x5x40xi32, #tpu.memory_space<vmem>> -> memref<1x1x40xi32, #tpu.memory_space<vmem>>
      %dma_start3A_1203 = tpu.memref_squeeze %dma_start3A_1202 : memref<1x1x40xi32, #tpu.memory_space<vmem>> -> memref<40xi32, #tpu.memory_space<vmem>>
      %dma_start3A_1204 = arith.constant 0 : i32
      %dma_start3A_1205 = arith.constant 0 : i32
      %dma_start3A_1206 = tpu.memref_slice %arg8[%dma_start3A_1204, %dma_start3A_1205] : memref<10240x128xf32, #tpu.memory_space<vmem_shared>> -> memref<10240x128xf32, #tpu.memory_space<vmem_shared>>
      tpu.enqueue_indirect_dma source(%dma_start3A_1200 : memref<40x128xf32, #tpu.memory_space<vmem>>) target(%dma_start3A_1206 : memref<10240x128xf32, #tpu.memory_space<vmem_shared>>) offsets(%dma_start3A_1203 : memref<40xi32, #tpu.memory_space<vmem>>) semaphore(%arg16 : memref<!tpu.dma_semaphore, #tpu.memory_space<semaphore_mem>>) {add = true}
      %dma_wait3A_1207 = arith.constant 0 : i32
      %dma_wait3A_1208 = arith.constant 3 : i32
      %dma_wait3A_1209 = arith.constant 3 : i32
      %dma_wait3A_1210 = arith.constant 0 : i32
      %dma_wait3A_1211 = arith.constant 0 : i32
      %dma_wait3A_1212 = tpu.memref_slice %arg7[%dma_wait3A_1209, %dma_wait3A_1210, %dma_wait3A_1211] : memref<5x40x128xf32, #tpu.memory_space<vmem>> -> memref<1x40x128xf32, #tpu.memory_space<vmem>>
      %dma_wait3A_1213 = tpu.memref_squeeze %dma_wait3A_1212 : memref<1x40x128xf32, #tpu.memory_space<vmem>> -> memref<40x128xf32, #tpu.memory_space<vmem>>
      %dma_wait3A_1214 = arith.constant 0 : i32
      %dma_wait3A_1215 = tpu.memref_slice %arg6[%dma_wait3A_1207, %dma_wait3A_1208, %dma_wait3A_1214] : memref<2x5x40xi32, #tpu.memory_space<vmem>> -> memref<1x1x40xi32, #tpu.memory_space<vmem>>
      %dma_wait3A_1216 = tpu.memref_squeeze %dma_wait3A_1215 : memref<1x1x40xi32, #tpu.memory_space<vmem>> -> memref<40xi32, #tpu.memory_space<vmem>>
      %dma_wait3A_1217 = arith.constant 0 : i32
      %dma_wait3A_1218 = arith.constant 0 : i32
      %dma_wait3A_1219 = tpu.memref_slice %arg3[%dma_wait3A_1217, %dma_wait3A_1218] : memref<10000x128xf32, #tpu.memory_space<hbm>> -> memref<10000x128xf32, #tpu.memory_space<hbm>>
      tpu.wait_indirect_dma semaphore(%arg12 : memref<!tpu.dma_semaphore, #tpu.memory_space<semaphore_mem>>) src(%dma_wait3A_1219 : memref<10000x128xf32, #tpu.memory_space<hbm>>) dst(%dma_wait3A_1213 : memref<40x128xf32, #tpu.memory_space<vmem>>)
      %dma_start3A_1220 = arith.constant 3 : i32
      %dma_start3A_1221 = arith.constant 1 : i32
      %dma_start3A_1222 = arith.constant 3 : i32
      %dma_start3A_1223 = arith.constant 0 : i32
      %dma_start3A_1224 = arith.constant 0 : i32
      %dma_start3A_1225 = tpu.memref_slice %arg7[%dma_start3A_1220, %dma_start3A_1223, %dma_start3A_1224] : memref<5x40x128xf32, #tpu.memory_space<vmem>> -> memref<1x40x128xf32, #tpu.memory_space<vmem>>
      %dma_start3A_1226 = tpu.memref_squeeze %dma_start3A_1225 : memref<1x40x128xf32, #tpu.memory_space<vmem>> -> memref<40x128xf32, #tpu.memory_space<vmem>>
      %dma_start3A_1227 = arith.constant 0 : i32
      %dma_start3A_1228 = tpu.memref_slice %arg6[%dma_start3A_1221, %dma_start3A_1222, %dma_start3A_1227] : memref<2x5x40xi32, #tpu.memory_space<vmem>> -> memref<1x1x40xi32, #tpu.memory_space<vmem>>
      %dma_start3A_1229 = tpu.memref_squeeze %dma_start3A_1228 : memref<1x1x40xi32, #tpu.memory_space<vmem>> -> memref<40xi32, #tpu.memory_space<vmem>>
      %dma_start3A_1230 = arith.constant 0 : i32
      %dma_start3A_1231 = arith.constant 0 : i32
      %dma_start3A_1232 = tpu.memref_slice %arg8[%dma_start3A_1230, %dma_start3A_1231] : memref<10240x128xf32, #tpu.memory_space<vmem_shared>> -> memref<10240x128xf32, #tpu.memory_space<vmem_shared>>
      tpu.enqueue_indirect_dma source(%dma_start3A_1226 : memref<40x128xf32, #tpu.memory_space<vmem>>) target(%dma_start3A_1232 : memref<10240x128xf32, #tpu.memory_space<vmem_shared>>) offsets(%dma_start3A_1229 : memref<40xi32, #tpu.memory_space<vmem>>) semaphore(%arg17 : memref<!tpu.dma_semaphore, #tpu.memory_space<semaphore_mem>>) {add = true}
      %dma_wait3A_1233 = arith.constant 0 : i32
      %dma_wait3A_1234 = arith.constant 4 : i32
      %dma_wait3A_1235 = arith.constant 4 : i32
      %dma_wait3A_1236 = arith.constant 0 : i32
      %dma_wait3A_1237 = arith.constant 0 : i32
      %dma_wait3A_1238 = tpu.memref_slice %arg7[%dma_wait3A_1235, %dma_wait3A_1236, %dma_wait3A_1237] : memref<5x40x128xf32, #tpu.memory_space<vmem>> -> memref<1x40x128xf32, #tpu.memory_space<vmem>>
      %dma_wait3A_1239 = tpu.memref_squeeze %dma_wait3A_1238 : memref<1x40x128xf32, #tpu.memory_space<vmem>> -> memref<40x128xf32, #tpu.memory_space<vmem>>
      %dma_wait3A_1240 = arith.constant 0 : i32
      %dma_wait3A_1241 = tpu.memref_slice %arg6[%dma_wait3A_1233, %dma_wait3A_1234, %dma_wait3A_1240] : memref<2x5x40xi32, #tpu.memory_space<vmem>> -> memref<1x1x40xi32, #tpu.memory_space<vmem>>
      %dma_wait3A_1242 = tpu.memref_squeeze %dma_wait3A_1241 : memref<1x1x40xi32, #tpu.memory_space<vmem>> -> memref<40xi32, #tpu.memory_space<vmem>>
      %dma_wait3A_1243 = arith.constant 0 : i32
      %dma_wait3A_1244 = arith.constant 0 : i32
      %dma_wait3A_1245 = tpu.memref_slice %arg3[%dma_wait3A_1243, %dma_wait3A_1244] : memref<10000x128xf32, #tpu.memory_space<hbm>> -> memref<10000x128xf32, #tpu.memory_space<hbm>>
      tpu.wait_indirect_dma semaphore(%arg13 : memref<!tpu.dma_semaphore, #tpu.memory_space<semaphore_mem>>) src(%dma_wait3A_1245 : memref<10000x128xf32, #tpu.memory_space<hbm>>) dst(%dma_wait3A_1239 : memref<40x128xf32, #tpu.memory_space<vmem>>)
      %dma_start3A_1246 = arith.constant 4 : i32
      %dma_start3A_1247 = arith.constant 1 : i32
      %dma_start3A_1248 = arith.constant 4 : i32
      %dma_start3A_1249 = arith.constant 0 : i32
      %dma_start3A_1250 = arith.constant 0 : i32
      %dma_start3A_1251 = tpu.memref_slice %arg7[%dma_start3A_1246, %dma_start3A_1249, %dma_start3A_1250] : memref<5x40x128xf32, #tpu.memory_space<vmem>> -> memref<1x40x128xf32, #tpu.memory_space<vmem>>
      %dma_start3A_1252 = tpu.memref_squeeze %dma_start3A_1251 : memref<1x40x128xf32, #tpu.memory_space<vmem>> -> memref<40x128xf32, #tpu.memory_space<vmem>>
      %dma_start3A_1253 = arith.constant 0 : i32
      %dma_start3A_1254 = tpu.memref_slice %arg6[%dma_start3A_1247, %dma_start3A_1248, %dma_start3A_1253] : memref<2x5x40xi32, #tpu.memory_space<vmem>> -> memref<1x1x40xi32, #tpu.memory_space<vmem>>
      %dma_start3A_1255 = tpu.memref_squeeze %dma_start3A_1254 : memref<1x1x40xi32, #tpu.memory_space<vmem>> -> memref<40xi32, #tpu.memory_space<vmem>>
      %dma_start3A_1256 = arith.constant 0 : i32
      %dma_start3A_1257 = arith.constant 0 : i32
      %dma_start3A_1258 = tpu.memref_slice %arg8[%dma_start3A_1256, %dma_start3A_1257] : memref<10240x128xf32, #tpu.memory_space<vmem_shared>> -> memref<10240x128xf32, #tpu.memory_space<vmem_shared>>
      tpu.enqueue_indirect_dma source(%dma_start3A_1252 : memref<40x128xf32, #tpu.memory_space<vmem>>) target(%dma_start3A_1258 : memref<10240x128xf32, #tpu.memory_space<vmem_shared>>) offsets(%dma_start3A_1255 : memref<40xi32, #tpu.memory_space<vmem>>) semaphore(%arg18 : memref<!tpu.dma_semaphore, #tpu.memory_space<semaphore_mem>>) {add = true}
      %lt3A_1259 = arith.constant 24 : i32
      %lt3A_1260 = arith.cmpi slt, %scan3A_828, %lt3A_1259 : i32
      %convert_element_type3A_1261 = arith.extui %lt3A_1260 : i1 to i32
      %cond3A_1262 = arith.constant 0 : i32
      %cond3A_1263 = arith.cmpi ne, %convert_element_type3A_1261, %cond3A_1262 : i32
      scf.if %cond3A_1263 {
        %dma_wait3A_1359 = arith.constant 0 : i32
        %dma_wait3A_1360 = arith.constant 0 : i32
        %dma_wait3A_1361 = arith.constant 0 : i32
        %dma_wait3A_1362 = arith.constant 0 : i32
        %dma_wait3A_1363 = arith.constant 0 : i32
        %dma_wait3A_1364 = tpu.memref_slice %arg5[%dma_wait3A_1361, %dma_wait3A_1362, %dma_wait3A_1363] : memref<2x5x40xi32, #tpu.memory_space<vmem>> -> memref<1x5x40xi32, #tpu.memory_space<vmem>>
        %dma_wait3A_1365 = tpu.memref_squeeze %dma_wait3A_1364 : memref<1x5x40xi32, #tpu.memory_space<vmem>> -> memref<5x40xi32, #tpu.memory_space<vmem>>
        %dma_wait3A_1366 = arith.constant 0 : i32
        %dma_wait3A_1367 = arith.constant 0 : i32
        %dma_wait3A_1368 = tpu.memref_slice %arg2[%dma_wait3A_1359, %add3A, %dma_wait3A_1360, %dma_wait3A_1366, %dma_wait3A_1367] : memref<2x32x50x5x40xi32, #tpu.memory_space<hbm>> -> memref<1x1x1x5x40xi32, #tpu.memory_space<hbm>>
        %dma_wait3A_1369 = tpu.memref_squeeze %dma_wait3A_1368 : memref<1x1x1x5x40xi32, #tpu.memory_space<hbm>> -> memref<5x40xi32, #tpu.memory_space<hbm>>
        %dma_wait3A_1370 = arith.constant 0 : i32
        %dma_wait3A_1371 = arith.constant 0 : i32
        %dma_wait3A_1372 = tpu.memref_slice %arg5[%dma_wait3A_1361, %dma_wait3A_1370, %dma_wait3A_1371] : memref<2x5x40xi32, #tpu.memory_space<vmem>> -> memref<1x5x40xi32, #tpu.memory_space<vmem>>
        %dma_wait3A_1373 = tpu.memref_squeeze %dma_wait3A_1372 : memref<1x5x40xi32, #tpu.memory_space<vmem>> -> memref<5x40xi32, #tpu.memory_space<vmem>>
        %dma_wait3A_1374 = arith.constant 0 : i32
        %dma_wait3A_1375 = arith.constant 0 : i32
        %dma_wait3A_1376 = tpu.memref_slice %arg2[%dma_wait3A_1359, %add3A, %dma_wait3A_1360, %dma_wait3A_1374, %dma_wait3A_1375] : memref<2x32x50x5x40xi32, #tpu.memory_space<hbm>> -> memref<1x1x1x5x40xi32, #tpu.memory_space<hbm>>
        %dma_wait3A_1377 = tpu.memref_squeeze %dma_wait3A_1376 : memref<1x1x1x5x40xi32, #tpu.memory_space<hbm>> -> memref<5x40xi32, #tpu.memory_space<hbm>>
        tpu.wait_dma2 semaphore(%arg19 : memref<!tpu.dma_semaphore, #tpu.memory_space<semaphore_mem>>) src(%dma_wait3A_1377 : memref<5x40xi32, #tpu.memory_space<hbm>>) dst(%dma_wait3A_1373 : memref<5x40xi32, #tpu.memory_space<vmem>>)
        %dma_wait3A_1378 = arith.constant 1 : i32
        %dma_wait3A_1379 = arith.constant 0 : i32
        %dma_wait3A_1380 = arith.constant 1 : i32
        %dma_wait3A_1381 = arith.constant 0 : i32
        %dma_wait3A_1382 = arith.constant 0 : i32
        %dma_wait3A_1383 = tpu.memref_slice %arg5[%dma_wait3A_1380, %dma_wait3A_1381, %dma_wait3A_1382] : memref<2x5x40xi32, #tpu.memory_space<vmem>> -> memref<1x5x40xi32, #tpu.memory_space<vmem>>
        %dma_wait3A_1384 = tpu.memref_squeeze %dma_wait3A_1383 : memref<1x5x40xi32, #tpu.memory_space<vmem>> -> memref<5x40xi32, #tpu.memory_space<vmem>>
        %dma_wait3A_1385 = arith.constant 0 : i32
        %dma_wait3A_1386 = arith.constant 0 : i32
        %dma_wait3A_1387 = tpu.memref_slice %arg2[%dma_wait3A_1378, %add3A, %dma_wait3A_1379, %dma_wait3A_1385, %dma_wait3A_1386] : memref<2x32x50x5x40xi32, #tpu.memory_space<hbm>> -> memref<1x1x1x5x40xi32, #tpu.memory_space<hbm>>
        %dma_wait3A_1388 = tpu.memref_squeeze %dma_wait3A_1387 : memref<1x1x1x5x40xi32, #tpu.memory_space<hbm>> -> memref<5x40xi32, #tpu.memory_space<hbm>>
        %dma_wait3A_1389 = arith.constant 0 : i32
        %dma_wait3A_1390 = arith.constant 0 : i32
        %dma_wait3A_1391 = tpu.memref_slice %arg5[%dma_wait3A_1380, %dma_wait3A_1389, %dma_wait3A_1390] : memref<2x5x40xi32, #tpu.memory_space<vmem>> -> memref<1x5x40xi32, #tpu.memory_space<vmem>>
        %dma_wait3A_1392 = tpu.memref_squeeze %dma_wait3A_1391 : memref<1x5x40xi32, #tpu.memory_space<vmem>> -> memref<5x40xi32, #tpu.memory_space<vmem>>
        %dma_wait3A_1393 = arith.constant 0 : i32
        %dma_wait3A_1394 = arith.constant 0 : i32
        %dma_wait3A_1395 = tpu.memref_slice %arg2[%dma_wait3A_1378, %add3A, %dma_wait3A_1379, %dma_wait3A_1393, %dma_wait3A_1394] : memref<2x32x50x5x40xi32, #tpu.memory_space<hbm>> -> memref<1x1x1x5x40xi32, #tpu.memory_space<hbm>>
        %dma_wait3A_1396 = tpu.memref_squeeze %dma_wait3A_1395 : memref<1x1x1x5x40xi32, #tpu.memory_space<hbm>> -> memref<5x40xi32, #tpu.memory_space<hbm>>
        tpu.wait_dma2 semaphore(%arg19 : memref<!tpu.dma_semaphore, #tpu.memory_space<semaphore_mem>>) src(%dma_wait3A_1396 : memref<5x40xi32, #tpu.memory_space<hbm>>) dst(%dma_wait3A_1392 : memref<5x40xi32, #tpu.memory_space<vmem>>)
      } else {
      }
      %dma_wait3A_1264 = arith.constant 0 : i32
      %dma_wait3A_1265 = arith.constant 1 : i32
      %dma_wait3A_1266 = arith.constant 0 : i32
      %dma_wait3A_1267 = arith.constant 0 : i32
      %dma_wait3A_1268 = arith.constant 0 : i32
      %dma_wait3A_1269 = tpu.memref_slice %arg7[%dma_wait3A_1264, %dma_wait3A_1267, %dma_wait3A_1268] : memref<5x40x128xf32, #tpu.memory_space<vmem>> -> memref<1x40x128xf32, #tpu.memory_space<vmem>>
      %dma_wait3A_1270 = tpu.memref_squeeze %dma_wait3A_1269 : memref<1x40x128xf32, #tpu.memory_space<vmem>> -> memref<40x128xf32, #tpu.memory_space<vmem>>
      %dma_wait3A_1271 = arith.constant 0 : i32
      %dma_wait3A_1272 = tpu.memref_slice %arg6[%dma_wait3A_1265, %dma_wait3A_1266, %dma_wait3A_1271] : memref<2x5x40xi32, #tpu.memory_space<vmem>> -> memref<1x1x40xi32, #tpu.memory_space<vmem>>
      %dma_wait3A_1273 = tpu.memref_squeeze %dma_wait3A_1272 : memref<1x1x40xi32, #tpu.memory_space<vmem>> -> memref<40xi32, #tpu.memory_space<vmem>>
      %dma_wait3A_1274 = arith.constant 0 : i32
      %dma_wait3A_1275 = arith.constant 0 : i32
      %dma_wait3A_1276 = tpu.memref_slice %arg8[%dma_wait3A_1274, %dma_wait3A_1275] : memref<10240x128xf32, #tpu.memory_space<vmem_shared>> -> memref<10240x128xf32, #tpu.memory_space<vmem_shared>>
      tpu.wait_indirect_dma semaphore(%arg14 : memref<!tpu.dma_semaphore, #tpu.memory_space<semaphore_mem>>) src(%dma_wait3A_1270 : memref<40x128xf32, #tpu.memory_space<vmem>>) dst(%dma_wait3A_1276 : memref<10240x128xf32, #tpu.memory_space<vmem_shared>>)
      %lt3A_1277 = arith.constant 24 : i32
      %lt3A_1278 = arith.cmpi slt, %scan3A_828, %lt3A_1277 : i32
      %convert_element_type3A_1279 = arith.extui %lt3A_1278 : i1 to i32
      %cond3A_1280 = arith.constant 0 : i32
      %cond3A_1281 = arith.cmpi ne, %convert_element_type3A_1279, %cond3A_1280 : i32
      scf.if %cond3A_1281 {
        %dma_start3A_1359 = arith.constant 0 : i32
        %dma_start3A_1360 = arith.constant 0 : i32
        %dma_start3A_1361 = arith.constant 0 : i32
        %dma_start3A_1362 = arith.constant 0 : i32
        %dma_start3A_1363 = arith.constant 0 : i32
        %dma_start3A_1364 = tpu.memref_slice %arg7[%dma_start3A_1361, %dma_start3A_1362, %dma_start3A_1363] : memref<5x40x128xf32, #tpu.memory_space<vmem>> -> memref<1x40x128xf32, #tpu.memory_space<vmem>>
        %dma_start3A_1365 = tpu.memref_squeeze %dma_start3A_1364 : memref<1x40x128xf32, #tpu.memory_space<vmem>> -> memref<40x128xf32, #tpu.memory_space<vmem>>
        %dma_start3A_1366 = arith.constant 0 : i32
        %dma_start3A_1367 = tpu.memref_slice %arg5[%dma_start3A_1359, %dma_start3A_1360, %dma_start3A_1366] : memref<2x5x40xi32, #tpu.memory_space<vmem>> -> memref<1x1x40xi32, #tpu.memory_space<vmem>>
        %dma_start3A_1368 = tpu.memref_squeeze %dma_start3A_1367 : memref<1x1x40xi32, #tpu.memory_space<vmem>> -> memref<40xi32, #tpu.memory_space<vmem>>
        %dma_start3A_1369 = arith.constant 0 : i32
        %dma_start3A_1370 = arith.constant 0 : i32
        %dma_start3A_1371 = tpu.memref_slice %arg3[%dma_start3A_1369, %dma_start3A_1370] : memref<10000x128xf32, #tpu.memory_space<hbm>> -> memref<10000x128xf32, #tpu.memory_space<hbm>>
        tpu.enqueue_indirect_dma source(%dma_start3A_1371 : memref<10000x128xf32, #tpu.memory_space<hbm>>) target(%dma_start3A_1365 : memref<40x128xf32, #tpu.memory_space<vmem>>) offsets(%dma_start3A_1368 : memref<40xi32, #tpu.memory_space<vmem>>) semaphore(%arg9 : memref<!tpu.dma_semaphore, #tpu.memory_space<semaphore_mem>>)
      } else {
      }
      %dma_wait3A_1282 = arith.constant 1 : i32
      %dma_wait3A_1283 = arith.constant 1 : i32
      %dma_wait3A_1284 = arith.constant 1 : i32
      %dma_wait3A_1285 = arith.constant 0 : i32
      %dma_wait3A_1286 = arith.constant 0 : i32
      %dma_wait3A_1287 = tpu.memref_slice %arg7[%dma_wait3A_1282, %dma_wait3A_1285, %dma_wait3A_1286] : memref<5x40x128xf32, #tpu.memory_space<vmem>> -> memref<1x40x128xf32, #tpu.memory_space<vmem>>
      %dma_wait3A_1288 = tpu.memref_squeeze %dma_wait3A_1287 : memref<1x40x128xf32, #tpu.memory_space<vmem>> -> memref<40x128xf32, #tpu.memory_space<vmem>>
      %dma_wait3A_1289 = arith.constant 0 : i32
      %dma_wait3A_1290 = tpu.memref_slice %arg6[%dma_wait3A_1283, %dma_wait3A_1284, %dma_wait3A_1289] : memref<2x5x40xi32, #tpu.memory_space<vmem>> -> memref<1x1x40xi32, #tpu.memory_space<vmem>>
      %dma_wait3A_1291 = tpu.memref_squeeze %dma_wait3A_1290 : memref<1x1x40xi32, #tpu.memory_space<vmem>> -> memref<40xi32, #tpu.memory_space<vmem>>
      %dma_wait3A_1292 = arith.constant 0 : i32
      %dma_wait3A_1293 = arith.constant 0 : i32
      %dma_wait3A_1294 = tpu.memref_slice %arg8[%dma_wait3A_1292, %dma_wait3A_1293] : memref<10240x128xf32, #tpu.memory_space<vmem_shared>> -> memref<10240x128xf32, #tpu.memory_space<vmem_shared>>
      tpu.wait_indirect_dma semaphore(%arg15 : memref<!tpu.dma_semaphore, #tpu.memory_space<semaphore_mem>>) src(%dma_wait3A_1288 : memref<40x128xf32, #tpu.memory_space<vmem>>) dst(%dma_wait3A_1294 : memref<10240x128xf32, #tpu.memory_space<vmem_shared>>)
      %lt3A_1295 = arith.constant 24 : i32
      %lt3A_1296 = arith.cmpi slt, %scan3A_828, %lt3A_1295 : i32
      %convert_element_type3A_1297 = arith.extui %lt3A_1296 : i1 to i32
      %cond3A_1298 = arith.constant 0 : i32
      %cond3A_1299 = arith.cmpi ne, %convert_element_type3A_1297, %cond3A_1298 : i32
      scf.if %cond3A_1299 {
        %dma_start3A_1359 = arith.constant 0 : i32
        %dma_start3A_1360 = arith.constant 1 : i32
        %dma_start3A_1361 = arith.constant 1 : i32
        %dma_start3A_1362 = arith.constant 0 : i32
        %dma_start3A_1363 = arith.constant 0 : i32
        %dma_start3A_1364 = tpu.memref_slice %arg7[%dma_start3A_1361, %dma_start3A_1362, %dma_start3A_1363] : memref<5x40x128xf32, #tpu.memory_space<vmem>> -> memref<1x40x128xf32, #tpu.memory_space<vmem>>
        %dma_start3A_1365 = tpu.memref_squeeze %dma_start3A_1364 : memref<1x40x128xf32, #tpu.memory_space<vmem>> -> memref<40x128xf32, #tpu.memory_space<vmem>>
        %dma_start3A_1366 = arith.constant 0 : i32
        %dma_start3A_1367 = tpu.memref_slice %arg5[%dma_start3A_1359, %dma_start3A_1360, %dma_start3A_1366] : memref<2x5x40xi32, #tpu.memory_space<vmem>> -> memref<1x1x40xi32, #tpu.memory_space<vmem>>
        %dma_start3A_1368 = tpu.memref_squeeze %dma_start3A_1367 : memref<1x1x40xi32, #tpu.memory_space<vmem>> -> memref<40xi32, #tpu.memory_space<vmem>>
        %dma_start3A_1369 = arith.constant 0 : i32
        %dma_start3A_1370 = arith.constant 0 : i32
        %dma_start3A_1371 = tpu.memref_slice %arg3[%dma_start3A_1369, %dma_start3A_1370] : memref<10000x128xf32, #tpu.memory_space<hbm>> -> memref<10000x128xf32, #tpu.memory_space<hbm>>
        tpu.enqueue_indirect_dma source(%dma_start3A_1371 : memref<10000x128xf32, #tpu.memory_space<hbm>>) target(%dma_start3A_1365 : memref<40x128xf32, #tpu.memory_space<vmem>>) offsets(%dma_start3A_1368 : memref<40xi32, #tpu.memory_space<vmem>>) semaphore(%arg10 : memref<!tpu.dma_semaphore, #tpu.memory_space<semaphore_mem>>)
      } else {
      }
      %dma_wait3A_1300 = arith.constant 2 : i32
      %dma_wait3A_1301 = arith.constant 1 : i32
      %dma_wait3A_1302 = arith.constant 2 : i32
      %dma_wait3A_1303 = arith.constant 0 : i32
      %dma_wait3A_1304 = arith.constant 0 : i32
      %dma_wait3A_1305 = tpu.memref_slice %arg7[%dma_wait3A_1300, %dma_wait3A_1303, %dma_wait3A_1304] : memref<5x40x128xf32, #tpu.memory_space<vmem>> -> memref<1x40x128xf32, #tpu.memory_space<vmem>>
      %dma_wait3A_1306 = tpu.memref_squeeze %dma_wait3A_1305 : memref<1x40x128xf32, #tpu.memory_space<vmem>> -> memref<40x128xf32, #tpu.memory_space<vmem>>
      %dma_wait3A_1307 = arith.constant 0 : i32
      %dma_wait3A_1308 = tpu.memref_slice %arg6[%dma_wait3A_1301, %dma_wait3A_1302, %dma_wait3A_1307] : memref<2x5x40xi32, #tpu.memory_space<vmem>> -> memref<1x1x40xi32, #tpu.memory_space<vmem>>
      %dma_wait3A_1309 = tpu.memref_squeeze %dma_wait3A_1308 : memref<1x1x40xi32, #tpu.memory_space<vmem>> -> memref<40xi32, #tpu.memory_space<vmem>>
      %dma_wait3A_1310 = arith.constant 0 : i32
      %dma_wait3A_1311 = arith.constant 0 : i32
      %dma_wait3A_1312 = tpu.memref_slice %arg8[%dma_wait3A_1310, %dma_wait3A_1311] : memref<10240x128xf32, #tpu.memory_space<vmem_shared>> -> memref<10240x128xf32, #tpu.memory_space<vmem_shared>>
      tpu.wait_indirect_dma semaphore(%arg16 : memref<!tpu.dma_semaphore, #tpu.memory_space<semaphore_mem>>) src(%dma_wait3A_1306 : memref<40x128xf32, #tpu.memory_space<vmem>>) dst(%dma_wait3A_1312 : memref<10240x128xf32, #tpu.memory_space<vmem_shared>>)
      %lt3A_1313 = arith.constant 24 : i32
      %lt3A_1314 = arith.cmpi slt, %scan3A_828, %lt3A_1313 : i32
      %convert_element_type3A_1315 = arith.extui %lt3A_1314 : i1 to i32
      %cond3A_1316 = arith.constant 0 : i32
      %cond3A_1317 = arith.cmpi ne, %convert_element_type3A_1315, %cond3A_1316 : i32
      scf.if %cond3A_1317 {
        %dma_start3A_1359 = arith.constant 0 : i32
        %dma_start3A_1360 = arith.constant 2 : i32
        %dma_start3A_1361 = arith.constant 2 : i32
        %dma_start3A_1362 = arith.constant 0 : i32
        %dma_start3A_1363 = arith.constant 0 : i32
        %dma_start3A_1364 = tpu.memref_slice %arg7[%dma_start3A_1361, %dma_start3A_1362, %dma_start3A_1363] : memref<5x40x128xf32, #tpu.memory_space<vmem>> -> memref<1x40x128xf32, #tpu.memory_space<vmem>>
        %dma_start3A_1365 = tpu.memref_squeeze %dma_start3A_1364 : memref<1x40x128xf32, #tpu.memory_space<vmem>> -> memref<40x128xf32, #tpu.memory_space<vmem>>
        %dma_start3A_1366 = arith.constant 0 : i32
        %dma_start3A_1367 = tpu.memref_slice %arg5[%dma_start3A_1359, %dma_start3A_1360, %dma_start3A_1366] : memref<2x5x40xi32, #tpu.memory_space<vmem>> -> memref<1x1x40xi32, #tpu.memory_space<vmem>>
        %dma_start3A_1368 = tpu.memref_squeeze %dma_start3A_1367 : memref<1x1x40xi32, #tpu.memory_space<vmem>> -> memref<40xi32, #tpu.memory_space<vmem>>
        %dma_start3A_1369 = arith.constant 0 : i32
        %dma_start3A_1370 = arith.constant 0 : i32
        %dma_start3A_1371 = tpu.memref_slice %arg3[%dma_start3A_1369, %dma_start3A_1370] : memref<10000x128xf32, #tpu.memory_space<hbm>> -> memref<10000x128xf32, #tpu.memory_space<hbm>>
        tpu.enqueue_indirect_dma source(%dma_start3A_1371 : memref<10000x128xf32, #tpu.memory_space<hbm>>) target(%dma_start3A_1365 : memref<40x128xf32, #tpu.memory_space<vmem>>) offsets(%dma_start3A_1368 : memref<40xi32, #tpu.memory_space<vmem>>) semaphore(%arg11 : memref<!tpu.dma_semaphore, #tpu.memory_space<semaphore_mem>>)
      } else {
      }
      %dma_wait3A_1318 = arith.constant 3 : i32
      %dma_wait3A_1319 = arith.constant 1 : i32
      %dma_wait3A_1320 = arith.constant 3 : i32
      %dma_wait3A_1321 = arith.constant 0 : i32
      %dma_wait3A_1322 = arith.constant 0 : i32
      %dma_wait3A_1323 = tpu.memref_slice %arg7[%dma_wait3A_1318, %dma_wait3A_1321, %dma_wait3A_1322] : memref<5x40x128xf32, #tpu.memory_space<vmem>> -> memref<1x40x128xf32, #tpu.memory_space<vmem>>
      %dma_wait3A_1324 = tpu.memref_squeeze %dma_wait3A_1323 : memref<1x40x128xf32, #tpu.memory_space<vmem>> -> memref<40x128xf32, #tpu.memory_space<vmem>>
      %dma_wait3A_1325 = arith.constant 0 : i32
      %dma_wait3A_1326 = tpu.memref_slice %arg6[%dma_wait3A_1319, %dma_wait3A_1320, %dma_wait3A_1325] : memref<2x5x40xi32, #tpu.memory_space<vmem>> -> memref<1x1x40xi32, #tpu.memory_space<vmem>>
      %dma_wait3A_1327 = tpu.memref_squeeze %dma_wait3A_1326 : memref<1x1x40xi32, #tpu.memory_space<vmem>> -> memref<40xi32, #tpu.memory_space<vmem>>
      %dma_wait3A_1328 = arith.constant 0 : i32
      %dma_wait3A_1329 = arith.constant 0 : i32
      %dma_wait3A_1330 = tpu.memref_slice %arg8[%dma_wait3A_1328, %dma_wait3A_1329] : memref<10240x128xf32, #tpu.memory_space<vmem_shared>> -> memref<10240x128xf32, #tpu.memory_space<vmem_shared>>
      tpu.wait_indirect_dma semaphore(%arg17 : memref<!tpu.dma_semaphore, #tpu.memory_space<semaphore_mem>>) src(%dma_wait3A_1324 : memref<40x128xf32, #tpu.memory_space<vmem>>) dst(%dma_wait3A_1330 : memref<10240x128xf32, #tpu.memory_space<vmem_shared>>)
      %lt3A_1331 = arith.constant 24 : i32
      %lt3A_1332 = arith.cmpi slt, %scan3A_828, %lt3A_1331 : i32
      %convert_element_type3A_1333 = arith.extui %lt3A_1332 : i1 to i32
      %cond3A_1334 = arith.constant 0 : i32
      %cond3A_1335 = arith.cmpi ne, %convert_element_type3A_1333, %cond3A_1334 : i32
      scf.if %cond3A_1335 {
        %dma_start3A_1359 = arith.constant 0 : i32
        %dma_start3A_1360 = arith.constant 3 : i32
        %dma_start3A_1361 = arith.constant 3 : i32
        %dma_start3A_1362 = arith.constant 0 : i32
        %dma_start3A_1363 = arith.constant 0 : i32
        %dma_start3A_1364 = tpu.memref_slice %arg7[%dma_start3A_1361, %dma_start3A_1362, %dma_start3A_1363] : memref<5x40x128xf32, #tpu.memory_space<vmem>> -> memref<1x40x128xf32, #tpu.memory_space<vmem>>
        %dma_start3A_1365 = tpu.memref_squeeze %dma_start3A_1364 : memref<1x40x128xf32, #tpu.memory_space<vmem>> -> memref<40x128xf32, #tpu.memory_space<vmem>>
        %dma_start3A_1366 = arith.constant 0 : i32
        %dma_start3A_1367 = tpu.memref_slice %arg5[%dma_start3A_1359, %dma_start3A_1360, %dma_start3A_1366] : memref<2x5x40xi32, #tpu.memory_space<vmem>> -> memref<1x1x40xi32, #tpu.memory_space<vmem>>
        %dma_start3A_1368 = tpu.memref_squeeze %dma_start3A_1367 : memref<1x1x40xi32, #tpu.memory_space<vmem>> -> memref<40xi32, #tpu.memory_space<vmem>>
        %dma_start3A_1369 = arith.constant 0 : i32
        %dma_start3A_1370 = arith.constant 0 : i32
        %dma_start3A_1371 = tpu.memref_slice %arg3[%dma_start3A_1369, %dma_start3A_1370] : memref<10000x128xf32, #tpu.memory_space<hbm>> -> memref<10000x128xf32, #tpu.memory_space<hbm>>
        tpu.enqueue_indirect_dma source(%dma_start3A_1371 : memref<10000x128xf32, #tpu.memory_space<hbm>>) target(%dma_start3A_1365 : memref<40x128xf32, #tpu.memory_space<vmem>>) offsets(%dma_start3A_1368 : memref<40xi32, #tpu.memory_space<vmem>>) semaphore(%arg12 : memref<!tpu.dma_semaphore, #tpu.memory_space<semaphore_mem>>)
      } else {
      }
      %dma_wait3A_1336 = arith.constant 4 : i32
      %dma_wait3A_1337 = arith.constant 1 : i32
      %dma_wait3A_1338 = arith.constant 4 : i32
      %dma_wait3A_1339 = arith.constant 0 : i32
      %dma_wait3A_1340 = arith.constant 0 : i32
      %dma_wait3A_1341 = tpu.memref_slice %arg7[%dma_wait3A_1336, %dma_wait3A_1339, %dma_wait3A_1340] : memref<5x40x128xf32, #tpu.memory_space<vmem>> -> memref<1x40x128xf32, #tpu.memory_space<vmem>>
      %dma_wait3A_1342 = tpu.memref_squeeze %dma_wait3A_1341 : memref<1x40x128xf32, #tpu.memory_space<vmem>> -> memref<40x128xf32, #tpu.memory_space<vmem>>
      %dma_wait3A_1343 = arith.constant 0 : i32
      %dma_wait3A_1344 = tpu.memref_slice %arg6[%dma_wait3A_1337, %dma_wait3A_1338, %dma_wait3A_1343] : memref<2x5x40xi32, #tpu.memory_space<vmem>> -> memref<1x1x40xi32, #tpu.memory_space<vmem>>
      %dma_wait3A_1345 = tpu.memref_squeeze %dma_wait3A_1344 : memref<1x1x40xi32, #tpu.memory_space<vmem>> -> memref<40xi32, #tpu.memory_space<vmem>>
      %dma_wait3A_1346 = arith.constant 0 : i32
      %dma_wait3A_1347 = arith.constant 0 : i32
      %dma_wait3A_1348 = tpu.memref_slice %arg8[%dma_wait3A_1346, %dma_wait3A_1347] : memref<10240x128xf32, #tpu.memory_space<vmem_shared>> -> memref<10240x128xf32, #tpu.memory_space<vmem_shared>>
      tpu.wait_indirect_dma semaphore(%arg18 : memref<!tpu.dma_semaphore, #tpu.memory_space<semaphore_mem>>) src(%dma_wait3A_1342 : memref<40x128xf32, #tpu.memory_space<vmem>>) dst(%dma_wait3A_1348 : memref<10240x128xf32, #tpu.memory_space<vmem_shared>>)
      %lt3A_1349 = arith.constant 24 : i32
      %lt3A_1350 = arith.cmpi slt, %scan3A_828, %lt3A_1349 : i32
      %convert_element_type3A_1351 = arith.extui %lt3A_1350 : i1 to i32
      %cond3A_1352 = arith.constant 0 : i32
      %cond3A_1353 = arith.cmpi ne, %convert_element_type3A_1351, %cond3A_1352 : i32
      scf.if %cond3A_1353 {
        %dma_start3A_1359 = arith.constant 0 : i32
        %dma_start3A_1360 = arith.constant 4 : i32
        %dma_start3A_1361 = arith.constant 4 : i32
        %dma_start3A_1362 = arith.constant 0 : i32
        %dma_start3A_1363 = arith.constant 0 : i32
        %dma_start3A_1364 = tpu.memref_slice %arg7[%dma_start3A_1361, %dma_start3A_1362, %dma_start3A_1363] : memref<5x40x128xf32, #tpu.memory_space<vmem>> -> memref<1x40x128xf32, #tpu.memory_space<vmem>>
        %dma_start3A_1365 = tpu.memref_squeeze %dma_start3A_1364 : memref<1x40x128xf32, #tpu.memory_space<vmem>> -> memref<40x128xf32, #tpu.memory_space<vmem>>
        %dma_start3A_1366 = arith.constant 0 : i32
        %dma_start3A_1367 = tpu.memref_slice %arg5[%dma_start3A_1359, %dma_start3A_1360, %dma_start3A_1366] : memref<2x5x40xi32, #tpu.memory_space<vmem>> -> memref<1x1x40xi32, #tpu.memory_space<vmem>>
        %dma_start3A_1368 = tpu.memref_squeeze %dma_start3A_1367 : memref<1x1x40xi32, #tpu.memory_space<vmem>> -> memref<40xi32, #tpu.memory_space<vmem>>
        %dma_start3A_1369 = arith.constant 0 : i32
        %dma_start3A_1370 = arith.constant 0 : i32
        %dma_start3A_1371 = tpu.memref_slice %arg3[%dma_start3A_1369, %dma_start3A_1370] : memref<10000x128xf32, #tpu.memory_space<hbm>> -> memref<10000x128xf32, #tpu.memory_space<hbm>>
        tpu.enqueue_indirect_dma source(%dma_start3A_1371 : memref<10000x128xf32, #tpu.memory_space<hbm>>) target(%dma_start3A_1365 : memref<40x128xf32, #tpu.memory_space<vmem>>) offsets(%dma_start3A_1368 : memref<40xi32, #tpu.memory_space<vmem>>) semaphore(%arg13 : memref<!tpu.dma_semaphore, #tpu.memory_space<semaphore_mem>>)
      } else {
      }
      %lt3A_1354 = arith.constant 24 : i32
      %lt3A_1355 = arith.cmpi slt, %scan3A_828, %lt3A_1354 : i32
      %convert_element_type3A_1356 = arith.extui %lt3A_1355 : i1 to i32
      %cond3A_1357 = arith.constant 0 : i32
      %cond3A_1358 = arith.cmpi ne, %convert_element_type3A_1356, %cond3A_1357 : i32
      scf.if %cond3A_1358 {
        %mul3A_1359 = arith.constant 2 : i32
        %mul3A_1360 = arith.muli %mul3A_1359, %scan3A_828 : i32
        %add3A_1361 = arith.constant 3 : i32
        %add3A_1362 = arith.addi %mul3A_1360, %add3A_1361 : i32
        %dma_start3A_1363 = arith.constant 0 : i32
        %dma_start3A_1364 = arith.constant 0 : i32
        %dma_start3A_1365 = arith.constant 0 : i32
        %dma_start3A_1366 = arith.constant 0 : i32
        %dma_start3A_1367 = tpu.memref_slice %arg6[%dma_start3A_1364, %dma_start3A_1365, %dma_start3A_1366] : memref<2x5x40xi32, #tpu.memory_space<vmem>> -> memref<1x5x40xi32, #tpu.memory_space<vmem>>
        %dma_start3A_1368 = tpu.memref_squeeze %dma_start3A_1367 : memref<1x5x40xi32, #tpu.memory_space<vmem>> -> memref<5x40xi32, #tpu.memory_space<vmem>>
        %dma_start3A_1369 = arith.constant 0 : i32
        %dma_start3A_1370 = arith.constant 0 : i32
        %dma_start3A_1371 = tpu.memref_slice %arg2[%dma_start3A_1363, %add3A, %add3A_1362, %dma_start3A_1369, %dma_start3A_1370] : memref<2x32x50x5x40xi32, #tpu.memory_space<hbm>> -> memref<1x1x1x5x40xi32, #tpu.memory_space<hbm>>
        %dma_start3A_1372 = tpu.memref_squeeze %dma_start3A_1371 : memref<1x1x1x5x40xi32, #tpu.memory_space<hbm>> -> memref<5x40xi32, #tpu.memory_space<hbm>>
        %dma_start3A_1373 = arith.constant 0 : i32
        %dma_start3A_1374 = arith.constant 0 : i32
        %dma_start3A_1375 = tpu.memref_slice %arg6[%dma_start3A_1364, %dma_start3A_1373, %dma_start3A_1374] : memref<2x5x40xi32, #tpu.memory_space<vmem>> -> memref<1x5x40xi32, #tpu.memory_space<vmem>>
        %dma_start3A_1376 = tpu.memref_squeeze %dma_start3A_1375 : memref<1x5x40xi32, #tpu.memory_space<vmem>> -> memref<5x40xi32, #tpu.memory_space<vmem>>
        %dma_start3A_1377 = arith.constant 0 : i32
        %dma_start3A_1378 = arith.constant 0 : i32
        %dma_start3A_1379 = tpu.memref_slice %arg2[%dma_start3A_1363, %add3A, %add3A_1362, %dma_start3A_1377, %dma_start3A_1378] : memref<2x32x50x5x40xi32, #tpu.memory_space<hbm>> -> memref<1x1x1x5x40xi32, #tpu.memory_space<hbm>>
        %dma_start3A_1380 = tpu.memref_squeeze %dma_start3A_1379 : memref<1x1x1x5x40xi32, #tpu.memory_space<hbm>> -> memref<5x40xi32, #tpu.memory_space<hbm>>
        tpu.enqueue_dma source(%dma_start3A_1380 : memref<5x40xi32, #tpu.memory_space<hbm>>) target(%dma_start3A_1376 : memref<5x40xi32, #tpu.memory_space<vmem>>) target_semaphore(%arg20 : memref<!tpu.dma_semaphore, #tpu.memory_space<semaphore_mem>>)
        %dma_start3A_1381 = arith.constant 1 : i32
        %dma_start3A_1382 = arith.constant 1 : i32
        %dma_start3A_1383 = arith.constant 0 : i32
        %dma_start3A_1384 = arith.constant 0 : i32
        %dma_start3A_1385 = tpu.memref_slice %arg6[%dma_start3A_1382, %dma_start3A_1383, %dma_start3A_1384] : memref<2x5x40xi32, #tpu.memory_space<vmem>> -> memref<1x5x40xi32, #tpu.memory_space<vmem>>
        %dma_start3A_1386 = tpu.memref_squeeze %dma_start3A_1385 : memref<1x5x40xi32, #tpu.memory_space<vmem>> -> memref<5x40xi32, #tpu.memory_space<vmem>>
        %dma_start3A_1387 = arith.constant 0 : i32
        %dma_start3A_1388 = arith.constant 0 : i32
        %dma_start3A_1389 = tpu.memref_slice %arg2[%dma_start3A_1381, %add3A, %add3A_1362, %dma_start3A_1387, %dma_start3A_1388] : memref<2x32x50x5x40xi32, #tpu.memory_space<hbm>> -> memref<1x1x1x5x40xi32, #tpu.memory_space<hbm>>
        %dma_start3A_1390 = tpu.memref_squeeze %dma_start3A_1389 : memref<1x1x1x5x40xi32, #tpu.memory_space<hbm>> -> memref<5x40xi32, #tpu.memory_space<hbm>>
        %dma_start3A_1391 = arith.constant 0 : i32
        %dma_start3A_1392 = arith.constant 0 : i32
        %dma_start3A_1393 = tpu.memref_slice %arg6[%dma_start3A_1382, %dma_start3A_1391, %dma_start3A_1392] : memref<2x5x40xi32, #tpu.memory_space<vmem>> -> memref<1x5x40xi32, #tpu.memory_space<vmem>>
        %dma_start3A_1394 = tpu.memref_squeeze %dma_start3A_1393 : memref<1x5x40xi32, #tpu.memory_space<vmem>> -> memref<5x40xi32, #tpu.memory_space<vmem>>
        %dma_start3A_1395 = arith.constant 0 : i32
        %dma_start3A_1396 = arith.constant 0 : i32
        %dma_start3A_1397 = tpu.memref_slice %arg2[%dma_start3A_1381, %add3A, %add3A_1362, %dma_start3A_1395, %dma_start3A_1396] : memref<2x32x50x5x40xi32, #tpu.memory_space<hbm>> -> memref<1x1x1x5x40xi32, #tpu.memory_space<hbm>>
        %dma_start3A_1398 = tpu.memref_squeeze %dma_start3A_1397 : memref<1x1x1x5x40xi32, #tpu.memory_space<hbm>> -> memref<5x40xi32, #tpu.memory_space<hbm>>
        tpu.enqueue_dma source(%dma_start3A_1398 : memref<5x40xi32, #tpu.memory_space<hbm>>) target(%dma_start3A_1394 : memref<5x40xi32, #tpu.memory_space<vmem>>) target_semaphore(%arg20 : memref<!tpu.dma_semaphore, #tpu.memory_space<semaphore_mem>>)
      } else {
      }
    }
    %scan3A_826 = arith.constant 25 : i32
    %barrier3A_827 = arith.constant 0 : index
    tpu.barrier barrier_id(%barrier3A_827)
    "tpu.region"() ({
      %run_scoped3A = tpu.sem_alloc : memref<!tpu.dma_semaphore, #tpu.memory_space<semaphore_mem>>
      %dma_start3A_828 = arith.constant 0 : i32
      %dma_start3A_829 = tpu.memref_slice %arg4[%arg0, %mul3A_2, %dma_start3A_828] : memref<2x10240x128xf32, #tpu.memory_space<hbm>> -> memref<1x640x128xf32, #tpu.memory_space<hbm>>
      %dma_start3A_830 = tpu.memref_squeeze %dma_start3A_829 : memref<1x640x128xf32, #tpu.memory_space<hbm>> -> memref<640x128xf32, #tpu.memory_space<hbm>>
      %dma_start3A_831 = arith.constant 0 : i32
      %dma_start3A_832 = tpu.memref_slice %arg8[%mul3A_2, %dma_start3A_831] : memref<10240x128xf32, #tpu.memory_space<vmem_shared>> -> memref<640x128xf32, #tpu.memory_space<vmem_shared>>
      tpu.enqueue_dma source(%dma_start3A_832 : memref<640x128xf32, #tpu.memory_space<vmem_shared>>) target(%dma_start3A_830 : memref<640x128xf32, #tpu.memory_space<hbm>>) target_semaphore(%run_scoped3A : memref<!tpu.dma_semaphore, #tpu.memory_space<semaphore_mem>>)
      %dma_wait3A_833 = arith.constant 0 : i32
      %dma_wait3A_834 = tpu.memref_slice %arg4[%arg0, %mul3A_2, %dma_wait3A_833] : memref<2x10240x128xf32, #tpu.memory_space<hbm>> -> memref<1x640x128xf32, #tpu.memory_space<hbm>>
      %dma_wait3A_835 = tpu.memref_squeeze %dma_wait3A_834 : memref<1x640x128xf32, #tpu.memory_space<hbm>> -> memref<640x128xf32, #tpu.memory_space<hbm>>
      %dma_wait3A_836 = arith.constant 0 : i32
      %dma_wait3A_837 = tpu.memref_slice %arg8[%mul3A_2, %dma_wait3A_836] : memref<10240x128xf32, #tpu.memory_space<vmem_shared>> -> memref<640x128xf32, #tpu.memory_space<vmem_shared>>
      tpu.wait_dma2 semaphore(%run_scoped3A : memref<!tpu.dma_semaphore, #tpu.memory_space<semaphore_mem>>) src(%dma_wait3A_837 : memref<640x128xf32, #tpu.memory_space<vmem_shared>>) dst(%dma_wait3A_835 : memref<640x128xf32, #tpu.memory_space<hbm>>)
      tpu.yield
    }) : () -> ()
    return
  }
}

module attributes {stable_mosaic.version = 14 : i64} {
  func.func @_tc1a_body(%arg0: i32, %arg1: memref<1000x128xf32, #tpu.memory_space<vmem>>, %arg2: memref<128x128xf32, #tpu.memory_space<vmem>>, %arg3: memref<1000x128xf32, #tpu.memory_space<vmem>>) attributes {dimension_semantics = [#tpu.dimension_semantics<arbitrary>], iteration_bounds = array<i64: 10>, scalar_prefetch = 0 : i64, scratch_operands = 0 : i64, tpu.core_type = #tpu.core_type<tc>, window_params = [{transform_indices = @transform_0, window_bounds = array<i64: 1000, 128>}, {pipeline_mode = #tpu.pipeline_mode<synchronous>, transform_indices = @transform_1, window_bounds = array<i64: 128, 128>}, {transform_indices = @transform_2, window_bounds = array<i64: 1000, 128>}]} {
    %get3A = arith.constant 0 : index
    %get3A_0 = arith.constant 0 : index
    %get3A_1 = vector.load %arg1[%get3A, %get3A_0] : memref<1000x128xf32, #tpu.memory_space<vmem>>, vector<1000x128xf32>
    %get3A_2 = arith.constant 0 : index
    %get3A_3 = arith.constant 0 : index
    %get3A_4 = vector.load %arg2[%get3A_2, %get3A_3] : memref<128x128xf32, #tpu.memory_space<vmem>>, vector<128x128xf32>
    %dot_general3A = arith.constant dense<0.000000e+00> : vector<1000x128xf32>
    %dot_general3A_5 = tpu.matmul %get3A_1, %get3A_4, %dot_general3A {dimension_numbers = #tpu.dot_dimension_numbers<[1], [0], [0], [1], [0, 0, 1, 1], [], []>, transpose_lhs_hint = false} : vector<1000x128xf32>, vector<128x128xf32>, vector<1000x128xf32> -> vector<1000x128xf32>
    %swap3A = arith.constant 0 : index
    %swap3A_6 = arith.constant 0 : index
    %swap3A_7 = vector.load %arg3[%swap3A, %swap3A_6] : memref<1000x128xf32, #tpu.memory_space<vmem>>, vector<1000x128xf32>
    tpu.vector_store %arg3[%swap3A, %swap3A_6], %dot_general3A_5 {strides = array<i32>} : memref<1000x128xf32, #tpu.memory_space<vmem>>, vector<1000x128xf32>,
    return
  }
  func.func @transform_0(%arg0: i32) -> (i32, i32) {
    %c0_i32 = arith.constant 0 : i32
    %c0_i32_0 = arith.constant 0 : i32
    return %arg0, %c0_i32 : i32, i32
  }
  func.func @transform_1(%arg0: i32) -> (i32, i32) {
    %c0_i32 = arith.constant 0 : i32
    %c0_i32_0 = arith.constant 0 : i32
    %c0_i32_1 = arith.constant 0 : i32
    return %c0_i32, %c0_i32_0 : i32, i32
  }
  func.func @transform_2(%arg0: i32) -> (i32, i32) {
    %c0_i32 = arith.constant 0 : i32
    %c0_i32_0 = arith.constant 0 : i32
    return %arg0, %c0_i32 : i32, i32
  }
}

module attributes {stable_mosaic.version = 14 : i64} {
  func.func @_tc1b_body(%arg0: i32, %arg1: memref<1000x128xf32, #tpu.memory_space<vmem>>, %arg2: memref<1x1000x128xf32, #tpu.memory_space<vmem>>, %arg3: memref<1x1000x128xf32, #tpu.memory_space<vmem>>, %arg4: memref<1000x128xf32, #tpu.memory_space<vmem>>, %arg5: memref<1000x128xf32, #tpu.memory_space<vmem>>) attributes {dimension_semantics = [#tpu.dimension_semantics<arbitrary>], iteration_bounds = array<i64: 10>, scalar_prefetch = 0 : i64, scratch_operands = 0 : i64, tpu.core_type = #tpu.core_type<tc>, window_params = [{transform_indices = @transform_0, window_bounds = array<i64: 1000, 128>}, {transform_indices = @transform_1, window_bounds = array<i64: 1, 1000, 128>}, {transform_indices = @transform_2, window_bounds = array<i64: 1, 1000, 128>}, {transform_indices = @transform_3, window_bounds = array<i64: 1000, 128>}, {transform_indices = @transform_4, window_bounds = array<i64: 1000, 128>}]} {
    %get3A = arith.constant 0 : index
    %get3A_0 = arith.constant 0 : index
    %get3A_1 = arith.constant 0 : index
    %get3A_2 = vector.load %arg2[%get3A, %get3A_0, %get3A_1] : memref<1x1000x128xf32, #tpu.memory_space<vmem>>, vector<1x1000x128xf32>
    %get3A_3 = vector.shape_cast %get3A_2 : vector<1x1000x128xf32> to vector<1000x128xf32>
    %get3A_4 = arith.constant 0 : index
    %get3A_5 = arith.constant 0 : index
    %get3A_6 = arith.constant 0 : index
    %get3A_7 = vector.load %arg3[%get3A_4, %get3A_5, %get3A_6] : memref<1x1000x128xf32, #tpu.memory_space<vmem>>, vector<1x1000x128xf32>
    %get3A_8 = vector.shape_cast %get3A_7 : vector<1x1000x128xf32> to vector<1000x128xf32>
    %add3A = arith.addf %get3A_3, %get3A_8 : vector<1000x128xf32>
    %add3A_9 = arith.constant 1.000000e+00 : f32
    %add3A_10 = vector.broadcast %add3A_9 : f32 to vector<1000x128xf32>
    %add3A_11 = arith.addf %add3A, %add3A_10 : vector<1000x128xf32>
    %rsqrt3A = math.rsqrt %add3A_11 : vector<1000x128xf32>
    %get3A_12 = arith.constant 0 : index
    %get3A_13 = arith.constant 0 : index
    %get3A_14 = vector.load %arg1[%get3A_12, %get3A_13] : memref<1000x128xf32, #tpu.memory_space<vmem>>, vector<1000x128xf32>
    %mul3A = arith.mulf %get3A_14, %rsqrt3A : vector<1000x128xf32>
    %swap3A = arith.constant 0 : index
    %swap3A_15 = arith.constant 0 : index
    %swap3A_16 = vector.load %arg4[%swap3A, %swap3A_15] : memref<1000x128xf32, #tpu.memory_space<vmem>>, vector<1000x128xf32>
    tpu.vector_store %arg4[%swap3A, %swap3A_15], %mul3A {strides = array<i32>} : memref<1000x128xf32, #tpu.memory_space<vmem>>, vector<1000x128xf32>,
    %swap3A_17 = arith.constant 0 : index
    %swap3A_18 = arith.constant 0 : index
    %swap3A_19 = vector.load %arg5[%swap3A_17, %swap3A_18] : memref<1000x128xf32, #tpu.memory_space<vmem>>, vector<1000x128xf32>
    tpu.vector_store %arg5[%swap3A_17, %swap3A_18], %rsqrt3A {strides = array<i32>} : memref<1000x128xf32, #tpu.memory_space<vmem>>, vector<1000x128xf32>,
    return
  }
  func.func @transform_0(%arg0: i32) -> (i32, i32) {
    %c0_i32 = arith.constant 0 : i32
    %c0_i32_0 = arith.constant 0 : i32
    return %arg0, %c0_i32 : i32, i32
  }
  func.func @transform_1(%arg0: i32) -> (i32, i32, i32) {
    %c0_i32 = arith.constant 0 : i32
    %c0_i32_0 = arith.constant 0 : i32
    %c0_i32_1 = arith.constant 0 : i32
    return %c0_i32, %arg0, %c0_i32_0 : i32, i32, i32
  }
  func.func @transform_2(%arg0: i32) -> (i32, i32, i32) {
    %c1_i32 = arith.constant 1 : i32
    %c0_i32 = arith.constant 0 : i32
    %c0_i32_0 = arith.constant 0 : i32
    return %c1_i32, %arg0, %c0_i32 : i32, i32, i32
  }
  func.func @transform_3(%arg0: i32) -> (i32, i32) {
    %c0_i32 = arith.constant 0 : i32
    %c0_i32_0 = arith.constant 0 : i32
    return %arg0, %c0_i32 : i32, i32
  }
  func.func @transform_4(%arg0: i32) -> (i32, i32) {
    %c0_i32 = arith.constant 0 : i32
    %c0_i32_0 = arith.constant 0 : i32
    return %arg0, %c0_i32 : i32, i32
  }
}

module attributes {stable_mosaic.version = 14 : i64} {
  func.func @_tc2_body(%arg0: i32, %arg1: memref<1x1000x128xf32, #tpu.memory_space<vmem>>, %arg2: memref<1x1000x128xf32, #tpu.memory_space<vmem>>, %arg3: memref<1000x128xf32, #tpu.memory_space<vmem>>, %arg4: memref<1000x128xf32, #tpu.memory_space<vmem>>, %arg5: memref<1x128xf32, #tpu.memory_space<vmem>>, %arg6: memref<128x128xf32, #tpu.memory_space<vmem>>, %arg7: memref<1000x128xf32, #tpu.memory_space<vmem>>) attributes {dimension_semantics = [#tpu.dimension_semantics<arbitrary>], iteration_bounds = array<i64: 10>, scalar_prefetch = 0 : i64, scratch_operands = 0 : i64, tpu.core_type = #tpu.core_type<tc>, window_params = [{transform_indices = @transform_0, window_bounds = array<i64: 1, 1000, 128>}, {transform_indices = @transform_1, window_bounds = array<i64: 1, 1000, 128>}, {transform_indices = @transform_2, window_bounds = array<i64: 1000, 128>}, {transform_indices = @transform_3, window_bounds = array<i64: 1000, 128>}, {pipeline_mode = #tpu.pipeline_mode<synchronous>, transform_indices = @transform_4, window_bounds = array<i64: 1, 128>}, {pipeline_mode = #tpu.pipeline_mode<synchronous>, transform_indices = @transform_5, window_bounds = array<i64: 128, 128>}, {transform_indices = @transform_6, window_bounds = array<i64: 1000, 128>}]} {
    %get3A = arith.constant 0 : index
    %get3A_0 = arith.constant 0 : index
    %get3A_1 = vector.load %arg4[%get3A, %get3A_0] : memref<1000x128xf32, #tpu.memory_space<vmem>>, vector<1000x128xf32>
    %get3A_2 = arith.constant 0 : index
    %get3A_3 = arith.constant 0 : index
    %get3A_4 = arith.constant 0 : index
    %get3A_5 = vector.load %arg1[%get3A_2, %get3A_3, %get3A_4] : memref<1x1000x128xf32, #tpu.memory_space<vmem>>, vector<1x1000x128xf32>
    %get3A_6 = vector.shape_cast %get3A_5 : vector<1x1000x128xf32> to vector<1000x128xf32>
    %get3A_7 = arith.constant 0 : index
    %get3A_8 = arith.constant 0 : index
    %get3A_9 = arith.constant 0 : index
    %get3A_10 = vector.load %arg2[%get3A_7, %get3A_8, %get3A_9] : memref<1x1000x128xf32, #tpu.memory_space<vmem>>, vector<1x1000x128xf32>
    %get3A_11 = vector.shape_cast %get3A_10 : vector<1x1000x128xf32> to vector<1000x128xf32>
    %add3A = arith.addf %get3A_6, %get3A_11 : vector<1000x128xf32>
    %get3A_12 = arith.constant 0 : index
    %get3A_13 = arith.constant 0 : index
    %get3A_14 = vector.load %arg3[%get3A_12, %get3A_13] : memref<1000x128xf32, #tpu.memory_space<vmem>>, vector<1000x128xf32>
    %add3A_15 = arith.addf %add3A, %get3A_14 : vector<1000x128xf32>
    %mul3A = arith.mulf %add3A_15, %get3A_1 : vector<1000x128xf32>
    %get3A_16 = arith.constant 0 : index
    %get3A_17 = arith.constant 0 : index
    %get3A_18 = vector.load %arg5[%get3A_16, %get3A_17] : memref<1x128xf32, #tpu.memory_space<vmem>>, vector<1x128xf32>
    %add3A_19 = vector.broadcast %get3A_18 : vector<1x128xf32> to vector<1000x128xf32>
    %add3A_20 = arith.addf %mul3A, %add3A_19 : vector<1000x128xf32>
    %max3A = arith.constant 0.000000e+00 : f32
    %max3A_21 = vector.broadcast %max3A : f32 to vector<1000x128xf32>
    %max3A_22 = arith.maximumf %add3A_20, %max3A_21 : vector<1000x128xf32>
    %get3A_23 = arith.constant 0 : index
    %get3A_24 = arith.constant 0 : index
    %get3A_25 = vector.load %arg6[%get3A_23, %get3A_24] : memref<128x128xf32, #tpu.memory_space<vmem>>, vector<128x128xf32>
    %dot_general3A = arith.constant dense<0.000000e+00> : vector<1000x128xf32>
    %dot_general3A_26 = tpu.matmul %max3A_22, %get3A_25, %dot_general3A {dimension_numbers = #tpu.dot_dimension_numbers<[1], [0], [0], [1], [0, 0, 1, 1], [], []>, transpose_lhs_hint = false} : vector<1000x128xf32>, vector<128x128xf32>, vector<1000x128xf32> -> vector<1000x128xf32>
    %mul3A_27 = arith.mulf %dot_general3A_26, %get3A_1 : vector<1000x128xf32>
    %swap3A = arith.constant 0 : index
    %swap3A_28 = arith.constant 0 : index
    %swap3A_29 = vector.load %arg7[%swap3A, %swap3A_28] : memref<1000x128xf32, #tpu.memory_space<vmem>>, vector<1000x128xf32>
    tpu.vector_store %arg7[%swap3A, %swap3A_28], %mul3A_27 {strides = array<i32>} : memref<1000x128xf32, #tpu.memory_space<vmem>>, vector<1000x128xf32>,
    return
  }
  func.func @transform_0(%arg0: i32) -> (i32, i32, i32) {
    %c0_i32 = arith.constant 0 : i32
    %c0_i32_0 = arith.constant 0 : i32
    %c0_i32_1 = arith.constant 0 : i32
    return %c0_i32, %arg0, %c0_i32_0 : i32, i32, i32
  }
  func.func @transform_1(%arg0: i32) -> (i32, i32, i32) {
    %c1_i32 = arith.constant 1 : i32
    %c0_i32 = arith.constant 0 : i32
    %c0_i32_0 = arith.constant 0 : i32
    return %c1_i32, %arg0, %c0_i32 : i32, i32, i32
  }
  func.func @transform_2(%arg0: i32) -> (i32, i32) {
    %c0_i32 = arith.constant 0 : i32
    %c0_i32_0 = arith.constant 0 : i32
    return %arg0, %c0_i32 : i32, i32
  }
  func.func @transform_3(%arg0: i32) -> (i32, i32) {
    %c0_i32 = arith.constant 0 : i32
    %c0_i32_0 = arith.constant 0 : i32
    return %arg0, %c0_i32 : i32, i32
  }
  func.func @transform_4(%arg0: i32) -> (i32, i32) {
    %c0_i32 = arith.constant 0 : i32
    %c0_i32_0 = arith.constant 0 : i32
    %c0_i32_1 = arith.constant 0 : i32
    return %c0_i32, %c0_i32_0 : i32, i32
  }
  func.func @transform_5(%arg0: i32) -> (i32, i32) {
    %c0_i32 = arith.constant 0 : i32
    %c0_i32_0 = arith.constant 0 : i32
    %c0_i32_1 = arith.constant 0 : i32
    return %c0_i32, %c0_i32_0 : i32, i32
  }
  func.func @transform_6(%arg0: i32) -> (i32, i32) {
    %c0_i32 = arith.constant 0 : i32
    %c0_i32_0 = arith.constant 0 : i32
    return %arg0, %c0_i32 : i32, i32
  }
}

module attributes {stable_mosaic.version = 14 : i64} {
  func.func @_tc3_body(%arg0: i32, %arg1: memref<1x1000x128xf32, #tpu.memory_space<vmem>>, %arg2: memref<1x1000x128xf32, #tpu.memory_space<vmem>>, %arg3: memref<1000x128xf32, #tpu.memory_space<vmem>>, %arg4: memref<1000x128xf32, #tpu.memory_space<vmem>>, %arg5: memref<1x128xf32, #tpu.memory_space<vmem>>, %arg6: memref<1000x128xf32, #tpu.memory_space<vmem>>) attributes {dimension_semantics = [#tpu.dimension_semantics<arbitrary>], iteration_bounds = array<i64: 10>, scalar_prefetch = 0 : i64, scratch_operands = 0 : i64, tpu.core_type = #tpu.core_type<tc>, window_params = [{transform_indices = @transform_0, window_bounds = array<i64: 1, 1000, 128>}, {transform_indices = @transform_1, window_bounds = array<i64: 1, 1000, 128>}, {transform_indices = @transform_2, window_bounds = array<i64: 1000, 128>}, {transform_indices = @transform_3, window_bounds = array<i64: 1000, 128>}, {pipeline_mode = #tpu.pipeline_mode<synchronous>, transform_indices = @transform_4, window_bounds = array<i64: 1, 128>}, {transform_indices = @transform_5, window_bounds = array<i64: 1000, 128>}]} {
    %get3A = arith.constant 0 : index
    %get3A_0 = arith.constant 0 : index
    %get3A_1 = arith.constant 0 : index
    %get3A_2 = vector.load %arg1[%get3A, %get3A_0, %get3A_1] : memref<1x1000x128xf32, #tpu.memory_space<vmem>>, vector<1x1000x128xf32>
    %get3A_3 = vector.shape_cast %get3A_2 : vector<1x1000x128xf32> to vector<1000x128xf32>
    %get3A_4 = arith.constant 0 : index
    %get3A_5 = arith.constant 0 : index
    %get3A_6 = arith.constant 0 : index
    %get3A_7 = vector.load %arg2[%get3A_4, %get3A_5, %get3A_6] : memref<1x1000x128xf32, #tpu.memory_space<vmem>>, vector<1x1000x128xf32>
    %get3A_8 = vector.shape_cast %get3A_7 : vector<1x1000x128xf32> to vector<1000x128xf32>
    %add3A = arith.addf %get3A_3, %get3A_8 : vector<1000x128xf32>
    %get3A_9 = arith.constant 0 : index
    %get3A_10 = arith.constant 0 : index
    %get3A_11 = vector.load %arg3[%get3A_9, %get3A_10] : memref<1000x128xf32, #tpu.memory_space<vmem>>, vector<1000x128xf32>
    %add3A_12 = arith.addf %add3A, %get3A_11 : vector<1000x128xf32>
    %get3A_13 = arith.constant 0 : index
    %get3A_14 = arith.constant 0 : index
    %get3A_15 = vector.load %arg4[%get3A_13, %get3A_14] : memref<1000x128xf32, #tpu.memory_space<vmem>>, vector<1000x128xf32>
    %mul3A = arith.mulf %add3A_12, %get3A_15 : vector<1000x128xf32>
    %get3A_16 = arith.constant 0 : index
    %get3A_17 = arith.constant 0 : index
    %get3A_18 = vector.load %arg5[%get3A_16, %get3A_17] : memref<1x128xf32, #tpu.memory_space<vmem>>, vector<1x128xf32>
    %add3A_19 = vector.broadcast %get3A_18 : vector<1x128xf32> to vector<1000x128xf32>
    %add3A_20 = arith.addf %mul3A, %add3A_19 : vector<1000x128xf32>
    %swap3A = arith.constant 0 : index
    %swap3A_21 = arith.constant 0 : index
    %swap3A_22 = vector.load %arg6[%swap3A, %swap3A_21] : memref<1000x128xf32, #tpu.memory_space<vmem>>, vector<1000x128xf32>
    tpu.vector_store %arg6[%swap3A, %swap3A_21], %add3A_20 {strides = array<i32>} : memref<1000x128xf32, #tpu.memory_space<vmem>>, vector<1000x128xf32>,
    return
  }
  func.func @transform_0(%arg0: i32) -> (i32, i32, i32) {
    %c0_i32 = arith.constant 0 : i32
    %c0_i32_0 = arith.constant 0 : i32
    %c0_i32_1 = arith.constant 0 : i32
    return %c0_i32, %arg0, %c0_i32_0 : i32, i32, i32
  }
  func.func @transform_1(%arg0: i32) -> (i32, i32, i32) {
    %c1_i32 = arith.constant 1 : i32
    %c0_i32 = arith.constant 0 : i32
    %c0_i32_0 = arith.constant 0 : i32
    return %c1_i32, %arg0, %c0_i32 : i32, i32, i32
  }
  func.func @transform_2(%arg0: i32) -> (i32, i32) {
    %c0_i32 = arith.constant 0 : i32
    %c0_i32_0 = arith.constant 0 : i32
    return %arg0, %c0_i32 : i32, i32
  }
  func.func @transform_3(%arg0: i32) -> (i32, i32) {
    %c0_i32 = arith.constant 0 : i32
    %c0_i32_0 = arith.constant 0 : i32
    return %arg0, %c0_i32 : i32, i32
  }
  func.func @transform_4(%arg0: i32) -> (i32, i32) {
    %c0_i32 = arith.constant 0 : i32
    %c0_i32_0 = arith.constant 0 : i32
    %c0_i32_1 = arith.constant 0 : i32
    return %c0_i32, %c0_i32_0 : i32, i32
  }
  func.func @transform_5(%arg0: i32) -> (i32, i32) {
    %c0_i32 = arith.constant 0 : i32
    %c0_i32_0 = arith.constant 0 : i32
    return %arg0, %c0_i32 : i32, i32
  }
}

</mosaic_0001>

<sc_bundles>
// kernel: kernel.12.cloned.1.call-start
scs
__scs_entry_jumppad:
0x0: {  	(pc) =	sbr.rel $0x88, $3  }
0x1: {  	(tag) =	ssettag $0x0;
	lr =	simm.s32 $0x1  }
0x2: {  	[smem:$0x3F9B] =	sst lr;
	_ =	strace $0xD0000000  }
0x3: {  	_ = 	snop  }
0x4: {  	_ = 	snop  }
0x5: {  	_ = 	snop  }
0x6: {  	_ = 	snop  }
0x7: {  	_ = 	snop  }
__scs_overlays_trampoline_lowered:
0x8: {  	[smem:$0x3FAA] =	sst s0  }
0x9: {  	[smem:$0x3FAB] =	sst s1  }
0xa: {  	[smem:$0x3FAC] =	sst s2  }
0xb: {  	[smem:$0x3FAD] =	sst s3  }
0xc: {  	[smem:$0x3FAE] =	sst s4  }
0xd: {  	[smem:$0x3FAF] =	sst s5  }
0xe: {  	[smem:$0x3FB0] =	sst s6  }
0xf: {  	[smem:$0x3FB1] =	sst s7  }
0x10: {  	[smem:$0x3FB2] =	sst s8  }
0x11: {  	[smem:$0x3FB3] =	sst s9;
	s0 =	simm.s32 @!p0 $0x0  }
0x12: {  	s1 =	sld [smem:$0x3F99];
	s0 =	simm.s32 @p0 $0x1  }
0x13: {  	[smem:$0x3FB4] =	sst s0;
	s0 =	simm.s32 @!p1 $0x0  }
0x14: {  	s2 =	sld [smem:$0x3F98];
	s0 =	simm.s32 @p1 $0x1  }
0x15: {  	[smem:$0x3FB5] =	sst s0;
	s0 =	simm.s32 @!p2 $0x0  }
0x16: {  	s3 =	sld [smem:$0x3FDB];
	s0 =	simm.s32 @p2 $0x1  }
0x17: {  	s4 =	simm.s32 $0x1BF5;
	[smem:$0x3FB7] =	sst s0  }
0x18: {  	s0 =	sld [smem:$0x3F9A];
	_ =	swait.ge [sflag:s4], $0x0  }
0x19: {  	s7 =	sld [smem:$0x3F9B]  }
0x1a: {  	s8 =	sadd.s32 $0xFFFFE003, lr  }
0x1b: {  	s9 =	sadd.s32 $0xFFFFFEF7, lr;
	s5 =	simm.s32 $0xFFFFFFFF;
	p2 =	slt.u32 s8, $0xFFFFF086  }
0x1c: {  	p1 =	slt.u32 s9, $0xF7A;
	s5 =	simm.s32 @!p2 $0x0  }
0x1d: {  	s5 =	simm.s32 @p1 $0x1;
	p0 =	seq.s32 s7, s2  }
0x1e: {  	s7 =	smul.u32 @!p0 $0xF7A, s2;
	p2 =	seq.s32 @!p0 s5, $0x0  }
0x1f: {  	s9 =	smul.u32 $0xF7A, s1;
	s8 =	simm.s32 @!p0 $0x1BF5;
	p2 =	por !p2, p0  }
0x20: {  	[sflag:s8] =	ssyncset.s32 @!p0 $0xFFFFF086;
	s6 =	sadd.s32 @!p0 s3, s7;
	s7 =	simm.s32 @!p0 $0x108  }
0x21: {  	s3 =	sadd.s32 s3, s9;
	s6 =	sadd.s32 @!p0 $0x88, s6;
	s7 =	simm.s32 @p2 $0x1082  }
0x22: {  	[simem:s7], [sflag:s8] =	dma.local @!p0 [hbm:s6], $0xF7A  }
0x23: {  	s9 =	sor.u32 $0xD0000000, s2;
	s6 =	simm.s32 $0x108;
	_ =	swait.ge @!p0 [sflag:s8], $0x0  }
0x24: {  	s3 =	sadd.s32 $0x88, s3;
	s6 =	simm.s32 @!p1 $0x1082;
	[sflag:s4] =	ssyncset.s32 $0xFFFFF086  }
0x25: {  	[simem:s6], [sflag:s4] =	dma.local [hbm:s3], $0xF7A  }
0x26: {  	[smem:$0x3F9B] =	sst s1;
	(tag) =	ssettag s2;
	_ =	strace s9  }
0x27: {  	s1 =	sld [smem:$0x3FAB]  }
0x28: {  	s2 =	sld [smem:$0x3FAC]  }
0x29: {  	s4 =	sld [smem:$0x3FAE]  }
0x2a: {  	p0 =	seq.s32 s5, $0x0;
	s5 =	sld [smem:$0x3FAF]  }
0x2b: {  	s6 =	sld [smem:$0x3FB0]  }
0x2c: {  	s7 =	sld [smem:$0x3FB1]  }
0x2d: {  	s3 =	simm.s32 $0x108;
	s8 =	sld [smem:$0x3FB2]  }
0x2e: {  	s3 =	simm.s32 @!p0 $0x1082;
	s9 =	sld [smem:$0x3FB3]  }
0x2f: {  	lr =	sadd.s32 s0, s3;
	s0 =	sld [smem:$0x3FAA]  }
0x30: {  	s3 =	sld [smem:$0x3FAD]  }
0x31: {  	[smem:$0x3FB6] =	sst s10  }
0x32: {  	s10 =	sld [smem:$0x3FB4];
	_ =	sdelay $0x3  }
0x33: {  	p0 =	seq.s32 s10, $0x1;
	s10 =	sld [smem:$0x3FB6];
	_ =	sdelay $0x3  }
0x34: {  	[smem:$0x3FB6] =	sst s10  }
0x35: {  	s10 =	sld [smem:$0x3FB5];
	_ =	sdelay $0x3  }
0x36: {  	p1 =	seq.s32 s10, $0x1;
	s10 =	sld [smem:$0x3FB6];
	_ =	sdelay $0x3  }
0x37: {  	[smem:$0x3FB6] =	sst s10  }
0x38: {  	s10 =	sld [smem:$0x3FB7]  }
0x39: {  	_ = 	snop;
	(pc) =	sbr.ind lr, $3  }
0x3a: {  	_ = 	snop  }
0x3b: {  	_ = 	snop  }
0x3c: {  	p2 =	seq.s32 s10, $0x1;
	s10 =	sld [smem:$0x3FB6]  }
0x3d: {  	_ =	shalt  }
0x3e: {  	_ =	shalt  }
0x3f: {  	_ =	shalt  }
0x40: {  	_ =	shalt  }
0x41: {  	_ =	shalt  }
0x42: {  	_ =	shalt  }
0x43: {  	_ =	shalt  }
0x44: {  	_ =	shalt  }
0x45: {  	_ =	shalt  }
0x46: {  	_ =	shalt  }
0x47: {  	_ =	shalt  }
0x48: {  	_ =	shalt  }
0x49: {  	_ =	shalt  }
0x4a: {  	_ =	shalt  }
0x4b: {  	_ =	shalt  }
0x4c: {  	_ =	shalt  }
0x4d: {  	_ =	shalt  }
0x4e: {  	_ =	shalt  }
0x4f: {  	_ =	shalt  }
0x50: {  	_ =	shalt  }
0x51: {  	_ =	shalt  }
0x52: {  	_ =	shalt  }
0x53: {  	_ =	shalt  }
0x54: {  	_ =	shalt  }
0x55: {  	_ =	shalt  }
0x56: {  	_ =	shalt  }
0x57: {  	_ =	shalt  }
0x58: {  	_ =	shalt  }
0x59: {  	_ =	shalt  }
0x5a: {  	_ =	shalt  }
0x5b: {  	_ =	shalt  }
0x5c: {  	_ =	shalt  }
0x5d: {  	_ =	shalt  }
0x5e: {  	_ =	shalt  }
0x5f: {  	_ =	shalt  }
0x60: {  	_ =	shalt  }
0x61: {  	_ =	shalt  }
0x62: {  	_ =	shalt  }
0x63: {  	_ =	shalt  }
0x64: {  	_ =	shalt  }
0x65: {  	_ =	shalt  }
0x66: {  	_ =	shalt  }
0x67: {  	_ =	shalt  }
0x68: {  	_ =	shalt  }
0x69: {  	_ =	shalt  }
0x6a: {  	_ =	shalt  }
0x6b: {  	_ =	shalt  }
0x6c: {  	_ =	shalt  }
0x6d: {  	_ =	shalt  }
0x6e: {  	_ =	shalt  }
0x6f: {  	_ =	shalt  }
0x70: {  	_ =	shalt  }
0x71: {  	_ =	shalt  }
0x72: {  	_ =	shalt  }
0x73: {  	_ =	shalt  }
0x74: {  	_ =	shalt  }
0x75: {  	_ =	shalt  }
0x76: {  	_ =	shalt  }
0x77: {  	_ =	shalt  }
0x78: {  	_ =	shalt  }
0x79: {  	_ =	shalt  }
0x7a: {  	_ =	shalt  }
0x7b: {  	_ =	shalt  }
0x7c: {  	_ =	shalt  }
0x7d: {  	_ =	shalt  }
0x7e: {  	_ =	shalt  }
0x7f: {  	_ =	shalt  }
0x80: {  	_ =	shalt  }
0x81: {  	_ =	shalt  }
0x82: {  	_ =	shalt  }
0x83: {  	_ =	shalt  }
0x84: {  	_ =	shalt  }
0x85: {  	_ =	shalt  }
0x86: {  	_ =	shalt  }
0x87: {  	_ =	shalt  }
.Lfunc_end0:
.L_simem_size_0:
called_computation.1_lowered:
.L_overlay_start_0:
0x88: {  	s2 =	sld [smem:$0x3FD9]  }
0x89: {  	s3 =	sld [smem:$0x3FFE];
	_ =	sdelay $0x1  }
0x8a: {  	s1 =	srdreg.scid  }
0x8b: {  	s0 =	sand.u32 $0x1, s1  }
0x8c: {  	s17 =	sshll.u32 s0, $0xA;
	s2 =	sadd.s32 s3, s2  }
0x8d: {  	s2 =	sadd.s32 s2, s17  }
0x8e: {  	[smem:$0x3FC2] =	sst s2  }
0x8f: {  	_ = 	snop  }
0x90: {  	s2 =	sld [smem:$0x3FD0];
	(tm) =	ssettm $0x1  }
0x91: {  	s18 =	sld [smem:$0x3FFB];
	_ =	sdelay $0x3  }
0x92: {  	_ =	strace s18  }
0x93: {  	s3 =	sld [smem:$0x3FFC];
	_ =	sdelay $0x3  }
0x94: {  	_ =	strace s3  }
0x95: {  	s3 =	sld [smem:$0x3FFD];
	_ =	sdelay $0x3  }
0x96: {  	_ =	strace s3  }
0x97: {  	_ =	strace $0x8FFFFFFF  }
0x98: {  	s19 =	sld [smem:$0x3FDB];
	_ =	sdelay $0x1  }
0x99: {  	s4 =	simm.s32 $_scs_section_size  }
0x9a: {  	s5 =	simm.s32 $_size__tile_overlayer_lowered;
	s6 =	simm.s32 $_tile_overlayer_lowered  }
0x9b: {  	s22 =	simm.s32 $0x1BFF;
	s21 =	sshll.u32 s6, $0x1;
	s3 =	sadd.s32 s4, s19  }
0x9c: {  	s7 =	simm.s32 $0x0;
	s20 =	sshll.u32 s5, $0x1;
	s5 =	sadd.s32 s21, s3  }
0x9d: {  	[timem:s7], [sflag:s22] =	dma.local [hbm:s5], s20  }
0x9e: {  	_ =	swait.ge [sflag:s22], s20  }
0x9f: {  	s4 =	ssub.s32 $0x0, s20;
	[sflag:s22] =	ssyncset.done $0x0  }
0xa0: {  	[sflag:s22] =	ssyncadd.s32 s4;
	_ =	sdelay $0x1  }
0xa1: {  	s23 =	simm.s32 $0x1B8B  }
0xa2: {  	_ =	swait.ge [sflag:s23], $0x1  }
0xa3: {  	[sflag:s23] =	ssyncset.done $0x0  }
0xa4: {  	s25 =	simm.s32 $0x1B8E;
	s24 =	sld [smem:$0x3FFE];
	[sflag:s23] =	ssyncadd.s32 $0xFFFFFFFF  }
0xa5: {  	s26 =	simm.s32 $execute0_lowered;
	[smem:$0x3FD2] =	sst s25  }
0xa6: {  	s5 =	sshll.u32 s26, $0x1;
	_ =	strace $0x80000049;
	[dreg:$0x1] =	wrdreg $0xFFFFFFFF  }
0xa7: {  	s28 =	simm.s32 $_size_execute0_lowered;
	s3 =	sadd.s32 s3, s5;
	[dreg:$0x0] =	wrdreg $0x0  }
0xa8: {  	s5 =	sshll.u32 s28, $0x1;
	[dreg:$0x2] =	wrdreg s3  }
0xa9: {  	[dreg:$0x3] =	wrdreg s5  }
0xaa: {  	[dreg:$0x4] =	wrdreg $0xC0  }
0xab: {  	_ =	task [dreg:s7], $0x5FFFF  }
0xac: {  	[dreg:$0x1] =	wrdreg $0xFFFFFFFF  }
0xad: {  	[dreg:$0x0] =	wrdreg $0x60  }
0xae: {  	[dreg:$0x2] =	wrdreg s24  }
0xaf: {  	[dreg:$0x3] =	wrdreg s2  }
0xb0: {  	[dreg:$0x4] =	wrdreg $0x74000  }
0xb1: {  	[dreg:$0x5] =	wrdreg $0x9  }
0xb2: {  	_ =	task.clear_ibuf [dreg:s7], $0x6FFFF;
	_ =	strace $0x90000049  }
0xb3: {  	s29 =	simm.s32 $0x9;
	_ =	strace $0x8000004B  }
0xb4: {  	_ =	swait.ge [sflag:s29], $0x1  }
0xb5: {  	[sflag:s29] =	ssyncadd.s32 $0xFFFFFFFF  }
0xb6: {  	_ =	strace $0x9000004B  }
0xb7: {  	_ =	sfence  }
0xb8: {  	s30 =	sld [smem:$0x0];
	_ =	sdelay $0x2  }
0xb9: {  	s31 =	sshll.u32 s1, $0xD;
	s1 =	sshrl.u32 s1, $0x2  }
0xba: {  	s3 =	sand.u32 $0x4000, s31;
	s1 =	sadd.s32 s1, s30  }
0xbb: {  	s0 =	sor.u32 s3, s0;
	s1 =	sshll.u32 s1, $0x11  }
0xbc: {  	s0 =	sor.u32 s1, s0  }
0xbd: {  	s0 =	sadd.s32 $0x8F2B, s0  }
0xbe: {  	[sflag:s0] =	ssyncadd.remote.s32 $0x1  }
0xbf: {  	_ =	sfence.sel $0xFFFF  }
0xc0: {  	[dreg:$0x0] =	wrdreg $0xFFFFFFFF;
	(pc) =	sbr.abs _section_cstart, $3  }
0xc1: {  	[dreg:$0x1] =	wrdreg $0xFFFFFFFF  }
0xc2: {  	_ =	task.clear_ibuf [dreg:s7], $0x2FFFF;
	_ =	strace $0x9FFFFFFF  }
0xc3: {  	(tm) =	ssettm $0x7FFFFFFF  }
tec
execute0_lowered:
.L_overlay_start_1:
0x0: {  	(tag) =	ssettag $0x1  }
0x1: {  	s0 =	rddreg [dreg:$0x0]  }
0x2: {  	s2 =	rddreg [dreg:$0x1];
	s1 =	srdreg.scid  }
0x3: {  	s3 =	rddreg [dreg:$0x2];
	s10 =	stileid.u32;
	s4 =	simm.s32 $0x0  }
0x4: {  	s28 =	simm.s32 $0x3800;
	s30 =	simm.s32 $0x4C00;
	s6 =	smul.u32 $0x14000, s10  }
0x5: {  	s12 =	simm.s32 $0x4;
	s29 =	simm.s32 $0x6;
	s8 =	smul.u32 $0x50000, s10  }
0x6: {  	s1 =	sand.u32 $0x1, s1;
	s7 =	sshll.u32 s10, $0x1;
	s10 =	smul.u32 $0x19000, s10  }
0x7: {  	s31 =	simm.s32 $0xA;
	[smem:$0x7FF] =	sst s4;
	s5 =	smul.u32 $0x140000, s1  }
0x8: {  	s7 =	sor.u32 s1, s7;
	s15 =	ssub.s32 $0x2, s1;
	s1 =	smul.u32 $0xC800, s1  }
0x9: {  	s14 =	sadd.s32 $0x2800, s0;
	_ =	strace $0x8000004A;
	s7 =	smul.u32 $0xC800, s7  }
0xa: {  	s9 =	sshrl.u32 s15, $0x1;
	s8 =	sshrl.u32 s8, $0x2;
	s6 =	sadd.s32 s6, s5  }
0xb: {  	s1 =	sadd.s32 s1, s10;
	s10 =	simm.s32 $0x3;
	s6 =	sshrl.u32 s6, $0x3  }
0xc: {  	s7 =	sshrl.u32 s7, $0x3;
	s20 =	sadd.s32 $0x190C00, s1;
	s21 =	sadd.s32 $0xC00, s1  }
0xd: {  	s22 =	sadd.s32 $0x190800, s1;
	s26 =	sadd.s32 $0x800, s1;
	s1 =	simm.s32 $0x1  }
0xe: {  	s0 =	sadd.s32 s6, s0;
	s11 =	sadd.s32 s14, s7;
	s6 =	ssub.s32 s15, s9  }
0xf: {  	s7 =	sadd.s32 s8, s3;
	s23 =	sshrl.u32 s21, $0x3;
	s24 =	sshrl.u32 s22, $0x3  }
0x10: {  	s15 =	smov.u32 s14;
	[dreg:$0xd] =	wrdreg s26;
	s21 =	simm.s32 $0xC00  }
0x11: {  	s22 =	simm.s32 $0xB;
	s16 =	sadd.s32 $0x32000, s11;
	[dreg:$0x4] =	wrdreg s11  }
0x12: {  	s8 =	simm.s32 $0x2;
	s17 =	sadd.s32 $0x80, s11;
	[dreg:$0x5] =	wrdreg s16  }
0x13: {  	s26 =	simm.s32 $0xC;
	s18 =	sadd.s32 $0x32080, s11;
	[dreg:$0x6] =	wrdreg s17  }
0x14: {  	s9 =	simm.s32 $0x8;
	s0 =	sadd.s32 $0x66800, s0;
	[dreg:$0x7] =	wrdreg s18  }
0x15: {  	s19 =	smax.u32 s6, $0x1;
	s25 =	sadd.s32 s24, s14;
	[dreg:$0x8] =	wrdreg s0  }
0x16: {  	s6 =	simm.s32 $0x5;
	s11 =	simm.s32 $0x0;
	[dreg:$0x9] =	wrdreg s19  }
.Ltmp0:
0x17: {  	s0 =	sshrl.u32 s20, $0x3;
	[dreg:$0xc] =	wrdreg s25;
	(pc) =	sbr.rel .LBB2_1-.Ltmp0, $4  }
0x18: {  	s17 =	simm.s32 $0x1000;
	s18 =	simm.s32 $0xD;
	s20 =	simm.s32 $0x800  }
0x19: {  	s25 =	simm.s32 $0x2400;
	s19 =	simm.s32 $0x7;
	s0 =	sadd.s32 s0, s14  }
0x1a: {  	s16 =	simm.s32 $0x9;
	[dreg:$0xa] =	wrdreg s0;
	s0 =	sadd.s32 s23, s14  }
0x1b: {  	v0 =	vimm.f32 $0.0e+00;
	s23 =	simm.s32 $0x28;
	[dreg:$0xb] =	wrdreg s0;
	s0 =	simm.s32 $0x6000  }
.LBB2_6:
0x1c: {  	_ =	swait.ge [sflag:s29], $0x1400  }
0x1d: {  	[sflag:s29] =	ssyncset.done $0x0  }
0x1e: {  	[sflag:s29] =	ssyncadd.s32 $0xFFFFEC00  }
0x1f: {  	_ =	swait.ge [sflag:s19], $0x1400  }
0x20: {  	[sflag:s19] =	ssyncset.done $0x0  }
0x21: {  	[sflag:s19] =	ssyncadd.s32 $0xFFFFEC00  }
0x22: {  	_ =	swait.ge [sflag:s9], $0x1400  }
0x23: {  	[sflag:s9] =	ssyncset.done $0x0  }
0x24: {  	[sflag:s9] =	ssyncadd.s32 $0xFFFFEC00  }
0x25: {  	_ =	swait.ge [sflag:s16], $0x1400  }
0x26: {  	[sflag:s16] =	ssyncset.done $0x0  }
0x27: {  	[sflag:s16] =	ssyncadd.s32 $0xFFFFEC00  }
0x28: {  	_ =	swait.ge [sflag:s31], $0x1400  }
0x29: {  	[sflag:s31] =	ssyncset.done $0x0  }
0x2a: {  	s5 =	stileid.u32;
	[sflag:s31] =	ssyncadd.s32 $0xFFFFEC00  }
0x2b: {  	s5 =	sshll.u32 s5, $0x6;
	[bflag:$0x0] =	sbarrier.arrive $0xFFFF  }
0x2c: {  	s11 =	sshrl.u32 s7, $0x3;
	s5 =	sor.u32 $0x1C0D, s5;
	s13 =	rddreg [dreg:$0x8]  }
0x2d: {  	[hbm:s13], [sflag:s5] =	dma.local [spmem:s11], $0x2800  }
0x2e: {  	_ =	swait.ge [sflag:s18], $0x2800  }
0x2f: {  	s14 =	rddreg [dreg:$0xe]  }
0x30: {  	s24 =	rddreg [dreg:$0x9];
	s11 =	sadd.s32 $0x1, s14  }
0x31: {  	p0 =	sne.s32 s11, s24  }
.Ltmp1:
0x32: {  	_ = 	snop;
	(pc) =	sbr.rel @!p0 .LBB2_7-.Ltmp1, $3  }
0x33: {  	_ =	sdelay $0x1  }
0x34: {  	[sflag:s18] =	ssyncset.done $0x0  }
0x35: {  	[sflag:s18] =	ssyncadd.s32 $0xFFFFD800  }
.LBB2_1:
0x36: {  	[tilespmem:$0x1000] =	vst v0  }
0x37: {  	[tilespmem:$0x1010] =	vst v0  }
0x38: {  	[tilespmem:$0x1020] =	vst v0  }
0x39: {  	[tilespmem:$0x1030] =	vst v0  }
0x3a: {  	[tilespmem:$0x1040] =	vst v0  }
0x3b: {  	[tilespmem:$0x1050] =	vst v0  }
0x3c: {  	[tilespmem:$0x1060] =	vst v0  }
0x3d: {  	[tilespmem:$0x1070] =	vst v0  }
0x3e: {  	[tilespmem:$0x1080] =	vst v0  }
0x3f: {  	[tilespmem:$0x1090] =	vst v0  }
0x40: {  	[tilespmem:$0x10A0] =	vst v0  }
0x41: {  	[tilespmem:$0x10B0] =	vst v0  }
0x42: {  	[tilespmem:$0x10C0] =	vst v0  }
0x43: {  	[tilespmem:$0x10D0] =	vst v0  }
0x44: {  	[tilespmem:$0x10E0] =	vst v0  }
0x45: {  	[tilespmem:$0x10F0] =	vst v0  }
0x46: {  	[tilespmem:$0x1100] =	vst v0  }
0x47: {  	[tilespmem:$0x1110] =	vst v0  }
0x48: {  	[tilespmem:$0x1120] =	vst v0  }
0x49: {  	[tilespmem:$0x1130] =	vst v0  }
0x4a: {  	[tilespmem:$0x1140] =	vst v0  }
0x4b: {  	[tilespmem:$0x1150] =	vst v0  }
0x4c: {  	[tilespmem:$0x1160] =	vst v0  }
0x4d: {  	[tilespmem:$0x1170] =	vst v0  }
0x4e: {  	[tilespmem:$0x1180] =	vst v0  }
0x4f: {  	[tilespmem:$0x1190] =	vst v0  }
0x50: {  	[tilespmem:$0x11A0] =	vst v0  }
0x51: {  	[tilespmem:$0x11B0] =	vst v0  }
0x52: {  	[tilespmem:$0x11C0] =	vst v0  }
0x53: {  	[tilespmem:$0x11D0] =	vst v0  }
0x54: {  	[tilespmem:$0x11E0] =	vst v0  }
0x55: {  	[tilespmem:$0x11F0] =	vst v0  }
0x56: {  	[tilespmem:$0x1200] =	vst v0  }
0x57: {  	[tilespmem:$0x1210] =	vst v0  }
0x58: {  	[tilespmem:$0x1220] =	vst v0  }
0x59: {  	[tilespmem:$0x1230] =	vst v0  }
0x5a: {  	[tilespmem:$0x1240] =	vst v0  }
0x5b: {  	[tilespmem:$0x1250] =	vst v0  }
0x5c: {  	[tilespmem:$0x1260] =	vst v0  }
0x5d: {  	[tilespmem:$0x1270] =	vst v0  }
0x5e: {  	[tilespmem:$0x1280] =	vst v0  }
0x5f: {  	[tilespmem:$0x1290] =	vst v0  }
0x60: {  	[tilespmem:$0x12A0] =	vst v0  }
0x61: {  	[tilespmem:$0x12B0] =	vst v0  }
0x62: {  	[tilespmem:$0x12C0] =	vst v0  }
0x63: {  	[tilespmem:$0x12D0] =	vst v0  }
0x64: {  	[tilespmem:$0x12E0] =	vst v0  }
0x65: {  	[tilespmem:$0x12F0] =	vst v0  }
0x66: {  	[tilespmem:$0x1300] =	vst v0  }
0x67: {  	[tilespmem:$0x1310] =	vst v0  }
0x68: {  	[tilespmem:$0x1320] =	vst v0  }
0x69: {  	[tilespmem:$0x1330] =	vst v0  }
0x6a: {  	[tilespmem:$0x1340] =	vst v0  }
0x6b: {  	[tilespmem:$0x1350] =	vst v0  }
0x6c: {  	[tilespmem:$0x1360] =	vst v0  }
0x6d: {  	[tilespmem:$0x1370] =	vst v0  }
0x6e: {  	[tilespmem:$0x1380] =	vst v0  }
0x6f: {  	[tilespmem:$0x1390] =	vst v0  }
0x70: {  	[tilespmem:$0x13A0] =	vst v0  }
0x71: {  	[tilespmem:$0x13B0] =	vst v0  }
0x72: {  	[tilespmem:$0x13C0] =	vst v0  }
0x73: {  	[tilespmem:$0x13D0] =	vst v0  }
0x74: {  	[tilespmem:$0x13E0] =	vst v0  }
0x75: {  	[dreg:$0xe] =	wrdreg s11;
	[tilespmem:$0x13F0] =	vst v0;
	s24 =	sadd.s32 $0x0, s7  }
0x76: {  	[spmem:s24] =	stream.linear.scatter [tilespmem:s17], [sflag:$0xD], $0x400, $0x38;
	[tilespmem:$0x1B400] =	vst v63  }
0x77: {  	s11 =	simm.s32 $0x1000;
	_ =	swait.ge [sflag:s18], $0x400  }
.LBB2_2:
0x78: {  	s24 =	sshra.s32 s11, $0x2;
	[sflag:s18] =	ssyncset.done $0x0;
	p0 =	sne.s32 s11, $0x4F000  }
.Ltmp2:
0x79: {  	s24 =	sadd.s32 s24, s7;
	[sflag:s18] =	ssyncadd.s32 $0xFFFFFC00;
	(pc) =	sbr.rel @p0 .LBB2_2-.Ltmp2, $3  }
0x7a: {  	[spmem:s24] =	stream.linear.scatter [tilespmem:s17], [sflag:$0xD], $0x400, $0x38;
	[tilespmem:$0x1B400] =	vst v63  }
0x7b: {  	s11 =	sadd.s32 $0x1000, s11;
	_ =	sdelay $0x1  }
0x7c: {  	_ =	swait.ge [sflag:s18], $0x400  }
0x7d: {  	[sflag:s18] =	ssyncset.done $0x0  }
0x7e: {  	[sflag:s18] =	ssyncadd.s32 $0xFFFFFC00  }
0x7f: {  	[bflag:$0x0] =	sbarrier.arrive $0xFFFF  }
0x80: {  	s24 =	simm.s32 $0x0;
	s5 =	rddreg [dreg:$0x4]  }
0x81: {  	[tilespmem:s24], [sflag:$0xB] =	stream.linear.gather [hbm4b:s5+s24], $0x280, $0x38;
	[tilespmem:$0x1B400] =	vst v63  }
0x82: {  	s11 =	simm.s32 $0x400;
	s14 =	rddreg [dreg:$0x5]  }
0x83: {  	[tilespmem:s11], [sflag:$0xB] =	stream.linear.gather [hbm4b:s14+s24], $0x280, $0x38;
	[tilespmem:$0x1B400] =	vst v63  }
0x84: {  	s11 =	rddreg [dreg:$0x6]  }
0x85: {  	[tilespmem:s20], [sflag:$0xC] =	stream.linear.gather [hbm4b:s11+s24], $0x280, $0x38;
	[tilespmem:$0x1B400] =	vst v63  }
0x86: {  	s13 =	rddreg [dreg:$0x7]  }
0x87: {  	[tilespmem:s21], [sflag:$0xC] =	stream.linear.gather [hbm4b:s13+s24], $0x280, $0x38;
	[tilespmem:$0x1B400] =	vst v63  }
0x88: {  	_ =	swait.ge [sflag:s22], $0x280  }
0x89: {  	[sflag:s22] =	ssyncset.done $0x0  }
0x8a: {  	[sflag:s22] =	ssyncadd.s32 $0xFFFFFD80  }
0x8b: {  	_ =	swait.ge [sflag:s22], $0x280  }
0x8c: {  	[sflag:s22] =	ssyncset.done $0x0  }
0x8d: {  	[sflag:s22] =	ssyncadd.s32 $0xFFFFFD80  }
0x8e: {  	[tilespmem:s17], [sflag:$0x1] =	stream.indirect.gather [hbm4b:s2+s23], $0x80, s24, s23, $0xb8;
	[tilespmem:$0x1B400] =	vst v63  }
0x8f: {  	s14 =	simm.s32 $0x80  }
0x90: {  	[tilespmem:s25], [sflag:$0x2] =	stream.indirect.gather [hbm4b:s2+s23], $0x80, s14, s23, $0xb8;
	[tilespmem:$0x1B400] =	vst v63  }
0x91: {  	s11 =	simm.s32 $0x100  }
0x92: {  	[tilespmem:s28], [sflag:$0x3] =	stream.indirect.gather [hbm4b:s2+s23], $0x80, s11, s23, $0xb8;
	[tilespmem:$0x1B400] =	vst v63  }
0x93: {  	s13 =	simm.s32 $0x180  }
0x94: {  	[tilespmem:s30], [sflag:$0x4] =	stream.indirect.gather [hbm4b:s2+s23], $0x80, s13, s23, $0xb8;
	[tilespmem:$0x1B400] =	vst v63  }
0x95: {  	s14 =	simm.s32 $0x200;
	s11 =	rddreg [dreg:$0xd]  }
0x96: {  	[tilespmem:s0], [sflag:$0x5] =	stream.indirect.gather [hbm4b:s2+s23], $0x80, s14, s23, $0xb8;
	[tilespmem:$0x1B400] =	vst v63  }
.LBB2_4:
0x97: {  	_ =	swait.ge [sflag:s1], $0x1400  }
0x98: {  	[sflag:s1] =	ssyncset.done $0x0  }
0x99: {  	s5 =	simm.s32 $0x400;
	[sflag:s1] =	ssyncadd.s32 $0xFFFFEC00  }
0x9a: {  	[spmem:s3] =	stream.indirect.scatter.add.f32 [tilespmem:s17], [sflag:$0x6], $0x80, s5, s23, $0xb8;
	[tilespmem:$0x1B400] =	vst v63  }
0x9b: {  	_ =	swait.ge [sflag:s8], $0x1400  }
0x9c: {  	[sflag:s8] =	ssyncset.done $0x0  }
0x9d: {  	s13 =	simm.s32 $0x480;
	[sflag:s8] =	ssyncadd.s32 $0xFFFFEC00  }
0x9e: {  	[spmem:s3] =	stream.indirect.scatter.add.f32 [tilespmem:s25], [sflag:$0x7], $0x80, s13, s23, $0xb8;
	[tilespmem:$0x1B400] =	vst v63  }
0x9f: {  	_ =	swait.ge [sflag:s10], $0x1400  }
0xa0: {  	[sflag:s10] =	ssyncset.done $0x0  }
0xa1: {  	s14 =	simm.s32 $0x500;
	[sflag:s10] =	ssyncadd.s32 $0xFFFFEC00  }
0xa2: {  	[spmem:s3] =	stream.indirect.scatter.add.f32 [tilespmem:s28], [sflag:$0x8], $0x80, s14, s23, $0xb8;
	[tilespmem:$0x1B400] =	vst v63  }
0xa3: {  	_ =	swait.ge [sflag:s12], $0x1400  }
0xa4: {  	[sflag:s12] =	ssyncset.done $0x0  }
0xa5: {  	s13 =	simm.s32 $0x580;
	[sflag:s12] =	ssyncadd.s32 $0xFFFFEC00  }
0xa6: {  	[spmem:s3] =	stream.indirect.scatter.add.f32 [tilespmem:s30], [sflag:$0x9], $0x80, s13, s23, $0xb8;
	[tilespmem:$0x1B400] =	vst v63  }
0xa7: {  	_ =	swait.ge [sflag:s6], $0x1400  }
0xa8: {  	[sflag:s6] =	ssyncset.done $0x0  }
0xa9: {  	s14 =	simm.s32 $0x600;
	[sflag:s6] =	ssyncadd.s32 $0xFFFFEC00  }
0xaa: {  	[spmem:s3] =	stream.indirect.scatter.add.f32 [tilespmem:s0], [sflag:$0xA], $0x80, s14, s23, $0xb8;
	[tilespmem:$0x1B400] =	vst v63  }
0xab: {  	_ =	swait.ge [sflag:s26], $0x280  }
0xac: {  	[sflag:s26] =	ssyncset.done $0x0  }
0xad: {  	[sflag:s26] =	ssyncadd.s32 $0xFFFFFD80  }
0xae: {  	_ =	swait.ge [sflag:s26], $0x280  }
0xaf: {  	[sflag:s26] =	ssyncset.done $0x0  }
0xb0: {  	[sflag:s26] =	ssyncadd.s32 $0xFFFFFD80  }
0xb1: {  	_ =	swait.ge [sflag:s29], $0x1400  }
0xb2: {  	[sflag:s29] =	ssyncset.done $0x0  }
0xb3: {  	[sflag:s29] =	ssyncadd.s32 $0xFFFFEC00  }
0xb4: {  	[tilespmem:s17], [sflag:$0x1] =	stream.indirect.gather [hbm4b:s2+s23], $0x80, s20, s23, $0xb8;
	[tilespmem:$0x1B400] =	vst v63  }
0xb5: {  	_ =	swait.ge [sflag:s19], $0x1400  }
0xb6: {  	[sflag:s19] =	ssyncset.done $0x0  }
0xb7: {  	s13 =	simm.s32 $0x880;
	[sflag:s19] =	ssyncadd.s32 $0xFFFFEC00  }
0xb8: {  	[tilespmem:s25], [sflag:$0x2] =	stream.indirect.gather [hbm4b:s2+s23], $0x80, s13, s23, $0xb8;
	[tilespmem:$0x1B400] =	vst v63  }
0xb9: {  	_ =	swait.ge [sflag:s9], $0x1400  }
0xba: {  	[sflag:s9] =	ssyncset.done $0x0  }
0xbb: {  	s14 =	simm.s32 $0x900;
	[sflag:s9] =	ssyncadd.s32 $0xFFFFEC00  }
0xbc: {  	[tilespmem:s28], [sflag:$0x3] =	stream.indirect.gather [hbm4b:s2+s23], $0x80, s14, s23, $0xb8;
	[tilespmem:$0x1B400] =	vst v63  }
0xbd: {  	_ =	swait.ge [sflag:s16], $0x1400  }
0xbe: {  	[sflag:s16] =	ssyncset.done $0x0  }
0xbf: {  	s13 =	simm.s32 $0x980;
	[sflag:s16] =	ssyncadd.s32 $0xFFFFEC00  }
0xc0: {  	[tilespmem:s30], [sflag:$0x4] =	stream.indirect.gather [hbm4b:s2+s23], $0x80, s13, s23, $0xb8;
	[tilespmem:$0x1B400] =	vst v63  }
0xc1: {  	_ =	swait.ge [sflag:s31], $0x1400  }
0xc2: {  	p0 =	seq.s32 s24, $0x1800;
	[sflag:s31] =	ssyncset.done $0x0  }
0xc3: {  	s5 =	sshrl.u32 @!p0 s11, $0x3;
	s14 =	simm.s32 $0xA00;
	[sflag:s31] =	ssyncadd.s32 $0xFFFFEC00  }
0xc4: {  	[tilespmem:s0], [sflag:$0x5] =	stream.indirect.gather [hbm4b:s2+s23], $0x80, s14, s23, $0xb8;
	[tilespmem:$0x1B400] =	vst v63  }
0xc5: {  	s5 =	sadd.s32 @!p0 s15, s5;
	s13 =	simm.s32 @!p0 $0x0  }
0xc6: {  	[tilespmem:s13], [sflag:$0xB] =	stream.linear.gather @!p0 [hbm4b:s5+s13], $0x280, $0x38;
	[tilespmem:$0x1B400] =	vst v63  }
0xc7: {  	s5 =	rddreg [dreg:$0xc]  }
0xc8: {  	s14 =	simm.s32 @!p0 $0x400;
	s5 =	sadd.s32 @!p0 s24, s5  }
0xc9: {  	[tilespmem:s14], [sflag:$0xB] =	stream.linear.gather @!p0 [hbm4b:s5+s13], $0x280, $0x38;
	[tilespmem:$0x1B400] =	vst v63  }
0xca: {  	_ =	swait.ge [sflag:s1], $0x1400  }
0xcb: {  	[sflag:s1] =	ssyncset.done $0x0  }
0xcc: {  	[sflag:s1] =	ssyncadd.s32 $0xFFFFEC00  }
0xcd: {  	[spmem:s3] =	stream.indirect.scatter.add.f32 [tilespmem:s17], [sflag:$0x6], $0x80, s21, s23, $0xb8;
	[tilespmem:$0x1B400] =	vst v63  }
0xce: {  	_ =	swait.ge [sflag:s8], $0x1400  }
0xcf: {  	[sflag:s8] =	ssyncset.done $0x0  }
0xd0: {  	s13 =	simm.s32 $0xC80;
	[sflag:s8] =	ssyncadd.s32 $0xFFFFEC00  }
0xd1: {  	[spmem:s3] =	stream.indirect.scatter.add.f32 [tilespmem:s25], [sflag:$0x7], $0x80, s13, s23, $0xb8;
	[tilespmem:$0x1B400] =	vst v63  }
0xd2: {  	_ =	swait.ge [sflag:s10], $0x1400  }
0xd3: {  	[sflag:s10] =	ssyncset.done $0x0  }
0xd4: {  	s14 =	simm.s32 $0xD00;
	[sflag:s10] =	ssyncadd.s32 $0xFFFFEC00  }
0xd5: {  	[spmem:s3] =	stream.indirect.scatter.add.f32 [tilespmem:s28], [sflag:$0x8], $0x80, s14, s23, $0xb8;
	[tilespmem:$0x1B400] =	vst v63  }
0xd6: {  	_ =	swait.ge [sflag:s12], $0x1400  }
0xd7: {  	[sflag:s12] =	ssyncset.done $0x0  }
0xd8: {  	s13 =	simm.s32 $0xD80;
	[sflag:s12] =	ssyncadd.s32 $0xFFFFEC00  }
0xd9: {  	[spmem:s3] =	stream.indirect.scatter.add.f32 [tilespmem:s30], [sflag:$0x9], $0x80, s13, s23, $0xb8;
	[tilespmem:$0x1B400] =	vst v63  }
.Ltmp3:
0xda: {  	_ = 	snop;
	(pc) =	sbr.rel @p0 .LBB2_6-.Ltmp3, $4  }
0xdb: {  	_ =	swait.ge [sflag:s6], $0x1400  }
0xdc: {  	[sflag:s6] =	ssyncset.done $0x0  }
0xdd: {  	s14 =	simm.s32 $0xE00;
	[sflag:s6] =	ssyncadd.s32 $0xFFFFEC00  }
0xde: {  	[spmem:s3] =	stream.indirect.scatter.add.f32 [tilespmem:s0], [sflag:$0xA], $0x80, s14, s23, $0xb8;
	[tilespmem:$0x1B400] =	vst v63  }
0xdf: {  	_ =	swait.ge [sflag:s22], $0x280  }
0xe0: {  	[sflag:s22] =	ssyncset.done $0x0  }
0xe1: {  	[sflag:s22] =	ssyncadd.s32 $0xFFFFFD80  }
0xe2: {  	_ =	swait.ge [sflag:s22], $0x280  }
0xe3: {  	[sflag:s22] =	ssyncset.done $0x0  }
0xe4: {  	[sflag:s22] =	ssyncadd.s32 $0xFFFFFD80  }
0xe5: {  	_ =	swait.ge [sflag:s29], $0x1400  }
0xe6: {  	[sflag:s29] =	ssyncset.done $0x0  }
0xe7: {  	[sflag:s29] =	ssyncadd.s32 $0xFFFFEC00  }
0xe8: {  	[tilespmem:s17], [sflag:$0x1] =	stream.indirect.gather [hbm4b:s2+s23], $0x80, s4, s23, $0xb8;
	[tilespmem:$0x1B400] =	vst v63  }
0xe9: {  	_ =	swait.ge [sflag:s19], $0x1400  }
0xea: {  	[sflag:s19] =	ssyncset.done $0x0  }
0xeb: {  	s5 =	simm.s32 $0x80;
	[sflag:s19] =	ssyncadd.s32 $0xFFFFEC00  }
0xec: {  	[tilespmem:s25], [sflag:$0x2] =	stream.indirect.gather [hbm4b:s2+s23], $0x80, s5, s23, $0xb8;
	[tilespmem:$0x1B400] =	vst v63  }
0xed: {  	_ =	swait.ge [sflag:s9], $0x1400  }
0xee: {  	[sflag:s9] =	ssyncset.done $0x0  }
0xef: {  	s14 =	simm.s32 $0x100;
	[sflag:s9] =	ssyncadd.s32 $0xFFFFEC00  }
0xf0: {  	[tilespmem:s28], [sflag:$0x3] =	stream.indirect.gather [hbm4b:s2+s23], $0x80, s14, s23, $0xb8;
	[tilespmem:$0x1B400] =	vst v63  }
0xf1: {  	_ =	swait.ge [sflag:s16], $0x1400  }
0xf2: {  	[sflag:s16] =	ssyncset.done $0x0  }
0xf3: {  	s13 =	simm.s32 $0x180;
	[sflag:s16] =	ssyncadd.s32 $0xFFFFEC00  }
0xf4: {  	[tilespmem:s30], [sflag:$0x4] =	stream.indirect.gather [hbm4b:s2+s23], $0x80, s13, s23, $0xb8;
	[tilespmem:$0x1B400] =	vst v63  }
0xf5: {  	_ =	swait.ge [sflag:s31], $0x1400  }
0xf6: {  	[sflag:s31] =	ssyncset.done $0x0  }
0xf7: {  	s14 =	simm.s32 $0x200;
	[sflag:s31] =	ssyncadd.s32 $0xFFFFEC00  }
0xf8: {  	[tilespmem:s0], [sflag:$0x5] =	stream.indirect.gather [hbm4b:s2+s23], $0x80, s14, s23, $0xb8;
	[tilespmem:$0x1B400] =	vst v63  }
.Ltmp4:
0xf9: {  	s13 =	rddreg [dreg:$0xb];
	(pc) =	sbr.rel .LBB2_4-.Ltmp4, $4  }
0xfa: {  	s5 =	sadd.s32 s24, s13;
	s14 =	rddreg [dreg:$0xa]  }
0xfb: {  	[tilespmem:s20], [sflag:$0xC] =	stream.linear.gather [hbm4b:s5+s4], $0x280, $0x38;
	[tilespmem:$0x1B400] =	vst v63  }
0xfc: {  	s11 =	sadd.s32 $0x800, s11;
	s5 =	sadd.s32 s24, s14;
	s24 =	sadd.s32 $0x100, s24  }
0xfd: {  	[tilespmem:s21], [sflag:$0xC] =	stream.linear.gather [hbm4b:s5+s4], $0x280, $0x38;
	[tilespmem:$0x1B400] =	vst v63  }
.LBB2_7:
0xfe: {  	_ =	sfence.sel $0x180000  }
0xff: {  	[bflag:$0x0] =	sbarrier.arrive $0xFFFF  }
0x100: {  	_ =	strace $0x9000004A  }
0x101: {  	s0 =	stileid.u32;
	[bflag:$0x2] =	sbarrier.arrive $0xFFFF  }
0x102: {  	p0 =	sne.s32 s0, $0x0;
	s0 =	rddreg [dreg:$0x3]  }
0x103: {  	s0 =	sadd.s32 @!p0 $0x100000, s0  }
0x104: {  	[sflag:s0] =	ssyncadd.tile.s32 @!p0 $0x1;
	_ =	shalt  }
.Lfunc_end2:
_tile_overlayer_lowered:
.L_overlay_start_2:
0x105: {  	(tag) =	ssettag $0x2  }
0x106: {  	s0 =	rddreg [dreg:$0x0];
	s2 =	stileid.u32  }
0x107: {  	s1 =	rddreg [dreg:$0x1];
	p0 =	sne.s32 s2, $0x0  }
0x108: {  	s3 =	rddreg [dreg:$0x2];
	[bflag:$0x3] =	sbarrier.arrive $0xFFFF;
	s2 =	simm.s32 @!p0 $0x1C0D  }
0x109: {  	[timem:s3], [sflag:s2] =	dma.local @!p0 [hbm:s0], s1  }
0x10a: {  	s0 =	simm.s32 @!p0 $0xD  }
0x10b: {  	_ =	swait.ge @!p0 [sflag:s0], s1  }
0x10c: {  	s1 =	ssub.s32 @!p0 $0x0, s1;
	[sflag:s0] =	ssyncset.done @!p0 $0x0  }
0x10d: {  	[sflag:s0] =	ssyncadd.s32 @!p0 s1  }
0x10e: {  	[bflag:$0x3] =	sbarrier.arrive $0xFFFF  }
0x10f: {  	_ =	shalt  }

// kernel: kernel.15.cloned.1.call-start
scs
__scs_entry_jumppad:
0x0: {  	(pc) =	sbr.rel $0x88, $3  }
0x1: {  	(tag) =	ssettag $0x0;
	lr =	simm.s32 $0x1  }
0x2: {  	[smem:$0x3F9B] =	sst lr;
	_ =	strace $0xD0000000  }
0x3: {  	_ = 	snop  }
0x4: {  	_ = 	snop  }
0x5: {  	_ = 	snop  }
0x6: {  	_ = 	snop  }
0x7: {  	_ = 	snop  }
__scs_overlays_trampoline_lowered:
0x8: {  	[smem:$0x3FAA] =	sst s0  }
0x9: {  	[smem:$0x3FAB] =	sst s1  }
0xa: {  	[smem:$0x3FAC] =	sst s2  }
0xb: {  	[smem:$0x3FAD] =	sst s3  }
0xc: {  	[smem:$0x3FAE] =	sst s4  }
0xd: {  	[smem:$0x3FAF] =	sst s5  }
0xe: {  	[smem:$0x3FB0] =	sst s6  }
0xf: {  	[smem:$0x3FB1] =	sst s7  }
0x10: {  	[smem:$0x3FB2] =	sst s8  }
0x11: {  	[smem:$0x3FB3] =	sst s9;
	s0 =	simm.s32 @!p0 $0x0  }
0x12: {  	s1 =	sld [smem:$0x3F99];
	s0 =	simm.s32 @p0 $0x1  }
0x13: {  	[smem:$0x3FB4] =	sst s0;
	s0 =	simm.s32 @!p1 $0x0  }
0x14: {  	s2 =	sld [smem:$0x3F98];
	s0 =	simm.s32 @p1 $0x1  }
0x15: {  	[smem:$0x3FB5] =	sst s0;
	s0 =	simm.s32 @!p2 $0x0  }
0x16: {  	s3 =	sld [smem:$0x3FDB];
	s0 =	simm.s32 @p2 $0x1  }
0x17: {  	s4 =	simm.s32 $0x1BF5;
	[smem:$0x3FB7] =	sst s0  }
0x18: {  	s0 =	sld [smem:$0x3F9A];
	_ =	swait.ge [sflag:s4], $0x0  }
0x19: {  	s7 =	sld [smem:$0x3F9B]  }
0x1a: {  	s8 =	sadd.s32 $0xFFFFE003, lr  }
0x1b: {  	s9 =	sadd.s32 $0xFFFFFEF7, lr;
	s5 =	simm.s32 $0xFFFFFFFF;
	p2 =	slt.u32 s8, $0xFFFFF086  }
0x1c: {  	p1 =	slt.u32 s9, $0xF7A;
	s5 =	simm.s32 @!p2 $0x0  }
0x1d: {  	s5 =	simm.s32 @p1 $0x1;
	p0 =	seq.s32 s7, s2  }
0x1e: {  	s7 =	smul.u32 @!p0 $0xF7A, s2;
	p2 =	seq.s32 @!p0 s5, $0x0  }
0x1f: {  	s9 =	smul.u32 $0xF7A, s1;
	s8 =	simm.s32 @!p0 $0x1BF5;
	p2 =	por !p2, p0  }
0x20: {  	[sflag:s8] =	ssyncset.s32 @!p0 $0xFFFFF086;
	s6 =	sadd.s32 @!p0 s3, s7;
	s7 =	simm.s32 @!p0 $0x108  }
0x21: {  	s3 =	sadd.s32 s3, s9;
	s6 =	sadd.s32 @!p0 $0x88, s6;
	s7 =	simm.s32 @p2 $0x1082  }
0x22: {  	[simem:s7], [sflag:s8] =	dma.local @!p0 [hbm:s6], $0xF7A  }
0x23: {  	s9 =	sor.u32 $0xD0000000, s2;
	s6 =	simm.s32 $0x108;
	_ =	swait.ge @!p0 [sflag:s8], $0x0  }
0x24: {  	s3 =	sadd.s32 $0x88, s3;
	s6 =	simm.s32 @!p1 $0x1082;
	[sflag:s4] =	ssyncset.s32 $0xFFFFF086  }
0x25: {  	[simem:s6], [sflag:s4] =	dma.local [hbm:s3], $0xF7A  }
0x26: {  	[smem:$0x3F9B] =	sst s1;
	(tag) =	ssettag s2;
	_ =	strace s9  }
0x27: {  	s1 =	sld [smem:$0x3FAB]  }
0x28: {  	s2 =	sld [smem:$0x3FAC]  }
0x29: {  	s4 =	sld [smem:$0x3FAE]  }
0x2a: {  	p0 =	seq.s32 s5, $0x0;
	s5 =	sld [smem:$0x3FAF]  }
0x2b: {  	s6 =	sld [smem:$0x3FB0]  }
0x2c: {  	s7 =	sld [smem:$0x3FB1]  }
0x2d: {  	s3 =	simm.s32 $0x108;
	s8 =	sld [smem:$0x3FB2]  }
0x2e: {  	s3 =	simm.s32 @!p0 $0x1082;
	s9 =	sld [smem:$0x3FB3]  }
0x2f: {  	lr =	sadd.s32 s0, s3;
	s0 =	sld [smem:$0x3FAA]  }
0x30: {  	s3 =	sld [smem:$0x3FAD]  }
0x31: {  	[smem:$0x3FB6] =	sst s10  }
0x32: {  	s10 =	sld [smem:$0x3FB4];
	_ =	sdelay $0x3  }
0x33: {  	p0 =	seq.s32 s10, $0x1;
	s10 =	sld [smem:$0x3FB6];
	_ =	sdelay $0x3  }
0x34: {  	[smem:$0x3FB6] =	sst s10  }
0x35: {  	s10 =	sld [smem:$0x3FB5];
	_ =	sdelay $0x3  }
0x36: {  	p1 =	seq.s32 s10, $0x1;
	s10 =	sld [smem:$0x3FB6];
	_ =	sdelay $0x3  }
0x37: {  	[smem:$0x3FB6] =	sst s10  }
0x38: {  	s10 =	sld [smem:$0x3FB7]  }
0x39: {  	_ = 	snop;
	(pc) =	sbr.ind lr, $3  }
0x3a: {  	_ = 	snop  }
0x3b: {  	_ = 	snop  }
0x3c: {  	p2 =	seq.s32 s10, $0x1;
	s10 =	sld [smem:$0x3FB6]  }
0x3d: {  	_ =	shalt  }
0x3e: {  	_ =	shalt  }
0x3f: {  	_ =	shalt  }
0x40: {  	_ =	shalt  }
0x41: {  	_ =	shalt  }
0x42: {  	_ =	shalt  }
0x43: {  	_ =	shalt  }
0x44: {  	_ =	shalt  }
0x45: {  	_ =	shalt  }
0x46: {  	_ =	shalt  }
0x47: {  	_ =	shalt  }
0x48: {  	_ =	shalt  }
0x49: {  	_ =	shalt  }
0x4a: {  	_ =	shalt  }
0x4b: {  	_ =	shalt  }
0x4c: {  	_ =	shalt  }
0x4d: {  	_ =	shalt  }
0x4e: {  	_ =	shalt  }
0x4f: {  	_ =	shalt  }
0x50: {  	_ =	shalt  }
0x51: {  	_ =	shalt  }
0x52: {  	_ =	shalt  }
0x53: {  	_ =	shalt  }
0x54: {  	_ =	shalt  }
0x55: {  	_ =	shalt  }
0x56: {  	_ =	shalt  }
0x57: {  	_ =	shalt  }
0x58: {  	_ =	shalt  }
0x59: {  	_ =	shalt  }
0x5a: {  	_ =	shalt  }
0x5b: {  	_ =	shalt  }
0x5c: {  	_ =	shalt  }
0x5d: {  	_ =	shalt  }
0x5e: {  	_ =	shalt  }
0x5f: {  	_ =	shalt  }
0x60: {  	_ =	shalt  }
0x61: {  	_ =	shalt  }
0x62: {  	_ =	shalt  }
0x63: {  	_ =	shalt  }
0x64: {  	_ =	shalt  }
0x65: {  	_ =	shalt  }
0x66: {  	_ =	shalt  }
0x67: {  	_ =	shalt  }
0x68: {  	_ =	shalt  }
0x69: {  	_ =	shalt  }
0x6a: {  	_ =	shalt  }
0x6b: {  	_ =	shalt  }
0x6c: {  	_ =	shalt  }
0x6d: {  	_ =	shalt  }
0x6e: {  	_ =	shalt  }
0x6f: {  	_ =	shalt  }
0x70: {  	_ =	shalt  }
0x71: {  	_ =	shalt  }
0x72: {  	_ =	shalt  }
0x73: {  	_ =	shalt  }
0x74: {  	_ =	shalt  }
0x75: {  	_ =	shalt  }
0x76: {  	_ =	shalt  }
0x77: {  	_ =	shalt  }
0x78: {  	_ =	shalt  }
0x79: {  	_ =	shalt  }
0x7a: {  	_ =	shalt  }
0x7b: {  	_ =	shalt  }
0x7c: {  	_ =	shalt  }
0x7d: {  	_ =	shalt  }
0x7e: {  	_ =	shalt  }
0x7f: {  	_ =	shalt  }
0x80: {  	_ =	shalt  }
0x81: {  	_ =	shalt  }
0x82: {  	_ =	shalt  }
0x83: {  	_ =	shalt  }
0x84: {  	_ =	shalt  }
0x85: {  	_ =	shalt  }
0x86: {  	_ =	shalt  }
0x87: {  	_ =	shalt  }
.Lfunc_end0:
.L_simem_size_0:
called_computation.2_lowered:
.L_overlay_start_0:
0x88: {  	s2 =	sld [smem:$0x3FD9]  }
0x89: {  	s3 =	sld [smem:$0x3FFE];
	_ =	sdelay $0x1  }
0x8a: {  	s1 =	srdreg.scid  }
0x8b: {  	s0 =	sand.u32 $0x1, s1  }
0x8c: {  	s17 =	sshll.u32 s0, $0xA;
	s2 =	sadd.s32 s3, s2  }
0x8d: {  	s2 =	sadd.s32 s2, s17  }
0x8e: {  	[smem:$0x3FC2] =	sst s2  }
0x8f: {  	_ = 	snop  }
0x90: {  	s2 =	sld [smem:$0x3FD0];
	(tm) =	ssettm $0x1  }
0x91: {  	s18 =	sld [smem:$0x3FFB];
	_ =	sdelay $0x3  }
0x92: {  	_ =	strace s18  }
0x93: {  	s3 =	sld [smem:$0x3FFC];
	_ =	sdelay $0x3  }
0x94: {  	_ =	strace s3  }
0x95: {  	s3 =	sld [smem:$0x3FFD];
	_ =	sdelay $0x3  }
0x96: {  	_ =	strace s3  }
0x97: {  	_ =	strace $0x8FFFFFFF  }
0x98: {  	s19 =	sld [smem:$0x3FDB];
	_ =	sdelay $0x1  }
0x99: {  	s4 =	simm.s32 $_scs_section_size  }
0x9a: {  	s5 =	simm.s32 $_size__tile_overlayer_lowered;
	s6 =	simm.s32 $_tile_overlayer_lowered  }
0x9b: {  	s22 =	simm.s32 $0x1BFF;
	s21 =	sshll.u32 s6, $0x1;
	s3 =	sadd.s32 s4, s19  }
0x9c: {  	s7 =	simm.s32 $0x0;
	s20 =	sshll.u32 s5, $0x1;
	s5 =	sadd.s32 s21, s3  }
0x9d: {  	[timem:s7], [sflag:s22] =	dma.local [hbm:s5], s20  }
0x9e: {  	_ =	swait.ge [sflag:s22], s20  }
0x9f: {  	s4 =	ssub.s32 $0x0, s20;
	[sflag:s22] =	ssyncset.done $0x0  }
0xa0: {  	[sflag:s22] =	ssyncadd.s32 s4;
	_ =	sdelay $0x1  }
0xa1: {  	s23 =	simm.s32 $0x1B8B  }
0xa2: {  	_ =	swait.ge [sflag:s23], $0x1  }
0xa3: {  	[sflag:s23] =	ssyncset.done $0x0  }
0xa4: {  	s25 =	simm.s32 $0x1B8E;
	s24 =	sld [smem:$0x3FFE];
	[sflag:s23] =	ssyncadd.s32 $0xFFFFFFFF  }
0xa5: {  	s26 =	simm.s32 $execute0_lowered;
	[smem:$0x3FD2] =	sst s25  }
0xa6: {  	s5 =	sshll.u32 s26, $0x1;
	_ =	strace $0x8000004C;
	[dreg:$0x1] =	wrdreg $0xFFFFFFFF  }
0xa7: {  	s28 =	simm.s32 $_size_execute0_lowered;
	s3 =	sadd.s32 s3, s5;
	[dreg:$0x0] =	wrdreg $0x0  }
0xa8: {  	s5 =	sshll.u32 s28, $0x1;
	[dreg:$0x2] =	wrdreg s3  }
0xa9: {  	[dreg:$0x3] =	wrdreg s5  }
0xaa: {  	[dreg:$0x4] =	wrdreg $0xC0  }
0xab: {  	_ =	task [dreg:s7], $0x5FFFF  }
0xac: {  	[dreg:$0x1] =	wrdreg $0xFFFFFFFF  }
0xad: {  	[dreg:$0x0] =	wrdreg $0x60  }
0xae: {  	[dreg:$0x2] =	wrdreg s24  }
0xaf: {  	[dreg:$0x3] =	wrdreg s2  }
0xb0: {  	[dreg:$0x4] =	wrdreg $0x74000  }
0xb1: {  	[dreg:$0x5] =	wrdreg $0x9  }
0xb2: {  	_ =	task.clear_ibuf [dreg:s7], $0x6FFFF;
	_ =	strace $0x9000004C  }
0xb3: {  	s29 =	simm.s32 $0x9;
	_ =	strace $0x8000004E  }
0xb4: {  	_ =	swait.ge [sflag:s29], $0x1  }
0xb5: {  	[sflag:s29] =	ssyncadd.s32 $0xFFFFFFFF  }
0xb6: {  	_ =	strace $0x9000004E  }
0xb7: {  	_ =	sfence  }
0xb8: {  	s30 =	sld [smem:$0x0];
	_ =	sdelay $0x2  }
0xb9: {  	s31 =	sshll.u32 s1, $0xD;
	s1 =	sshrl.u32 s1, $0x2  }
0xba: {  	s3 =	sand.u32 $0x4000, s31;
	s1 =	sadd.s32 s1, s30  }
0xbb: {  	s0 =	sor.u32 s3, s0;
	s1 =	sshll.u32 s1, $0x11  }
0xbc: {  	s0 =	sor.u32 s1, s0  }
0xbd: {  	s0 =	sadd.s32 $0x8F2B, s0  }
0xbe: {  	[sflag:s0] =	ssyncadd.remote.s32 $0x1  }
0xbf: {  	_ =	sfence.sel $0xFFFF  }
0xc0: {  	[dreg:$0x0] =	wrdreg $0xFFFFFFFF;
	(pc) =	sbr.abs _section_cstart, $3  }
0xc1: {  	[dreg:$0x1] =	wrdreg $0xFFFFFFFF  }
0xc2: {  	_ =	task.clear_ibuf [dreg:s7], $0x2FFFF;
	_ =	strace $0x9FFFFFFF  }
0xc3: {  	(tm) =	ssettm $0x7FFFFFFF  }
tec
execute0_lowered:
.L_overlay_start_1:
0x0: {  	(tag) =	ssettag $0x1  }
0x1: {  	s0 =	rddreg [dreg:$0x0]  }
0x2: {  	s2 =	rddreg [dreg:$0x1];
	s1 =	srdreg.scid  }
0x3: {  	s3 =	rddreg [dreg:$0x2];
	s10 =	stileid.u32;
	s4 =	simm.s32 $0x0  }
0x4: {  	s28 =	simm.s32 $0x3800;
	s30 =	simm.s32 $0x4C00;
	s6 =	smul.u32 $0x14000, s10  }
0x5: {  	s12 =	simm.s32 $0x4;
	s29 =	simm.s32 $0x6;
	s8 =	smul.u32 $0x50000, s10  }
0x6: {  	s1 =	sand.u32 $0x1, s1;
	s7 =	sshll.u32 s10, $0x1;
	s10 =	smul.u32 $0x19000, s10  }
0x7: {  	s31 =	simm.s32 $0xA;
	[smem:$0x7FF] =	sst s4;
	s5 =	smul.u32 $0x140000, s1  }
0x8: {  	s7 =	sor.u32 s1, s7;
	s15 =	ssub.s32 $0x2, s1;
	s1 =	smul.u32 $0xC800, s1  }
0x9: {  	s14 =	sadd.s32 $0x2800, s0;
	_ =	strace $0x8000004D;
	s7 =	smul.u32 $0xC800, s7  }
0xa: {  	s9 =	sshrl.u32 s15, $0x1;
	s8 =	sshrl.u32 s8, $0x2;
	s6 =	sadd.s32 s6, s5  }
0xb: {  	s1 =	sadd.s32 s1, s10;
	s10 =	simm.s32 $0x3;
	s6 =	sshrl.u32 s6, $0x3  }
0xc: {  	s7 =	sshrl.u32 s7, $0x3;
	s20 =	sadd.s32 $0x190C00, s1;
	s21 =	sadd.s32 $0xC00, s1  }
0xd: {  	s22 =	sadd.s32 $0x190800, s1;
	s26 =	sadd.s32 $0x800, s1;
	s1 =	simm.s32 $0x1  }
0xe: {  	s0 =	sadd.s32 s6, s0;
	s11 =	sadd.s32 s14, s7;
	s6 =	ssub.s32 s15, s9  }
0xf: {  	s7 =	sadd.s32 s8, s3;
	s23 =	sshrl.u32 s21, $0x3;
	s24 =	sshrl.u32 s22, $0x3  }
0x10: {  	s15 =	smov.u32 s14;
	[dreg:$0xd] =	wrdreg s26;
	s21 =	simm.s32 $0xC00  }
0x11: {  	s22 =	simm.s32 $0xB;
	s16 =	sadd.s32 $0x32000, s11;
	[dreg:$0x4] =	wrdreg s11  }
0x12: {  	s8 =	simm.s32 $0x2;
	s17 =	sadd.s32 $0x80, s11;
	[dreg:$0x5] =	wrdreg s16  }
0x13: {  	s26 =	simm.s32 $0xC;
	s18 =	sadd.s32 $0x32080, s11;
	[dreg:$0x6] =	wrdreg s17  }
0x14: {  	s9 =	simm.s32 $0x8;
	s0 =	sadd.s32 $0x66800, s0;
	[dreg:$0x7] =	wrdreg s18  }
0x15: {  	s19 =	smax.u32 s6, $0x1;
	s25 =	sadd.s32 s24, s14;
	[dreg:$0x8] =	wrdreg s0  }
0x16: {  	s6 =	simm.s32 $0x5;
	s11 =	simm.s32 $0x0;
	[dreg:$0x9] =	wrdreg s19  }
.Ltmp0:
0x17: {  	s0 =	sshrl.u32 s20, $0x3;
	[dreg:$0xc] =	wrdreg s25;
	(pc) =	sbr.rel .LBB2_1-.Ltmp0, $4  }
0x18: {  	s17 =	simm.s32 $0x1000;
	s18 =	simm.s32 $0xD;
	s20 =	simm.s32 $0x800  }
0x19: {  	s25 =	simm.s32 $0x2400;
	s19 =	simm.s32 $0x7;
	s0 =	sadd.s32 s0, s14  }
0x1a: {  	s16 =	simm.s32 $0x9;
	[dreg:$0xa] =	wrdreg s0;
	s0 =	sadd.s32 s23, s14  }
0x1b: {  	v0 =	vimm.f32 $0.0e+00;
	s23 =	simm.s32 $0x28;
	[dreg:$0xb] =	wrdreg s0;
	s0 =	simm.s32 $0x6000  }
.LBB2_6:
0x1c: {  	_ =	swait.ge [sflag:s29], $0x1400  }
0x1d: {  	[sflag:s29] =	ssyncset.done $0x0  }
0x1e: {  	[sflag:s29] =	ssyncadd.s32 $0xFFFFEC00  }
0x1f: {  	_ =	swait.ge [sflag:s19], $0x1400  }
0x20: {  	[sflag:s19] =	ssyncset.done $0x0  }
0x21: {  	[sflag:s19] =	ssyncadd.s32 $0xFFFFEC00  }
0x22: {  	_ =	swait.ge [sflag:s9], $0x1400  }
0x23: {  	[sflag:s9] =	ssyncset.done $0x0  }
0x24: {  	[sflag:s9] =	ssyncadd.s32 $0xFFFFEC00  }
0x25: {  	_ =	swait.ge [sflag:s16], $0x1400  }
0x26: {  	[sflag:s16] =	ssyncset.done $0x0  }
0x27: {  	[sflag:s16] =	ssyncadd.s32 $0xFFFFEC00  }
0x28: {  	_ =	swait.ge [sflag:s31], $0x1400  }
0x29: {  	[sflag:s31] =	ssyncset.done $0x0  }
0x2a: {  	s5 =	stileid.u32;
	[sflag:s31] =	ssyncadd.s32 $0xFFFFEC00  }
0x2b: {  	s5 =	sshll.u32 s5, $0x6;
	[bflag:$0x0] =	sbarrier.arrive $0xFFFF  }
0x2c: {  	s11 =	sshrl.u32 s7, $0x3;
	s5 =	sor.u32 $0x1C0D, s5;
	s13 =	rddreg [dreg:$0x8]  }
0x2d: {  	[hbm:s13], [sflag:s5] =	dma.local [spmem:s11], $0x2800  }
0x2e: {  	_ =	swait.ge [sflag:s18], $0x2800  }
0x2f: {  	s14 =	rddreg [dreg:$0xe]  }
0x30: {  	s24 =	rddreg [dreg:$0x9];
	s11 =	sadd.s32 $0x1, s14  }
0x31: {  	p0 =	sne.s32 s11, s24  }
.Ltmp1:
0x32: {  	_ = 	snop;
	(pc) =	sbr.rel @!p0 .LBB2_7-.Ltmp1, $3  }
0x33: {  	_ =	sdelay $0x1  }
0x34: {  	[sflag:s18] =	ssyncset.done $0x0  }
0x35: {  	[sflag:s18] =	ssyncadd.s32 $0xFFFFD800  }
.LBB2_1:
0x36: {  	[tilespmem:$0x1000] =	vst v0  }
0x37: {  	[tilespmem:$0x1010] =	vst v0  }
0x38: {  	[tilespmem:$0x1020] =	vst v0  }
0x39: {  	[tilespmem:$0x1030] =	vst v0  }
0x3a: {  	[tilespmem:$0x1040] =	vst v0  }
0x3b: {  	[tilespmem:$0x1050] =	vst v0  }
0x3c: {  	[tilespmem:$0x1060] =	vst v0  }
0x3d: {  	[tilespmem:$0x1070] =	vst v0  }
0x3e: {  	[tilespmem:$0x1080] =	vst v0  }
0x3f: {  	[tilespmem:$0x1090] =	vst v0  }
0x40: {  	[tilespmem:$0x10A0] =	vst v0  }
0x41: {  	[tilespmem:$0x10B0] =	vst v0  }
0x42: {  	[tilespmem:$0x10C0] =	vst v0  }
0x43: {  	[tilespmem:$0x10D0] =	vst v0  }
0x44: {  	[tilespmem:$0x10E0] =	vst v0  }
0x45: {  	[tilespmem:$0x10F0] =	vst v0  }
0x46: {  	[tilespmem:$0x1100] =	vst v0  }
0x47: {  	[tilespmem:$0x1110] =	vst v0  }
0x48: {  	[tilespmem:$0x1120] =	vst v0  }
0x49: {  	[tilespmem:$0x1130] =	vst v0  }
0x4a: {  	[tilespmem:$0x1140] =	vst v0  }
0x4b: {  	[tilespmem:$0x1150] =	vst v0  }
0x4c: {  	[tilespmem:$0x1160] =	vst v0  }
0x4d: {  	[tilespmem:$0x1170] =	vst v0  }
0x4e: {  	[tilespmem:$0x1180] =	vst v0  }
0x4f: {  	[tilespmem:$0x1190] =	vst v0  }
0x50: {  	[tilespmem:$0x11A0] =	vst v0  }
0x51: {  	[tilespmem:$0x11B0] =	vst v0  }
0x52: {  	[tilespmem:$0x11C0] =	vst v0  }
0x53: {  	[tilespmem:$0x11D0] =	vst v0  }
0x54: {  	[tilespmem:$0x11E0] =	vst v0  }
0x55: {  	[tilespmem:$0x11F0] =	vst v0  }
0x56: {  	[tilespmem:$0x1200] =	vst v0  }
0x57: {  	[tilespmem:$0x1210] =	vst v0  }
0x58: {  	[tilespmem:$0x1220] =	vst v0  }
0x59: {  	[tilespmem:$0x1230] =	vst v0  }
0x5a: {  	[tilespmem:$0x1240] =	vst v0  }
0x5b: {  	[tilespmem:$0x1250] =	vst v0  }
0x5c: {  	[tilespmem:$0x1260] =	vst v0  }
0x5d: {  	[tilespmem:$0x1270] =	vst v0  }
0x5e: {  	[tilespmem:$0x1280] =	vst v0  }
0x5f: {  	[tilespmem:$0x1290] =	vst v0  }
0x60: {  	[tilespmem:$0x12A0] =	vst v0  }
0x61: {  	[tilespmem:$0x12B0] =	vst v0  }
0x62: {  	[tilespmem:$0x12C0] =	vst v0  }
0x63: {  	[tilespmem:$0x12D0] =	vst v0  }
0x64: {  	[tilespmem:$0x12E0] =	vst v0  }
0x65: {  	[tilespmem:$0x12F0] =	vst v0  }
0x66: {  	[tilespmem:$0x1300] =	vst v0  }
0x67: {  	[tilespmem:$0x1310] =	vst v0  }
0x68: {  	[tilespmem:$0x1320] =	vst v0  }
0x69: {  	[tilespmem:$0x1330] =	vst v0  }
0x6a: {  	[tilespmem:$0x1340] =	vst v0  }
0x6b: {  	[tilespmem:$0x1350] =	vst v0  }
0x6c: {  	[tilespmem:$0x1360] =	vst v0  }
0x6d: {  	[tilespmem:$0x1370] =	vst v0  }
0x6e: {  	[tilespmem:$0x1380] =	vst v0  }
0x6f: {  	[tilespmem:$0x1390] =	vst v0  }
0x70: {  	[tilespmem:$0x13A0] =	vst v0  }
0x71: {  	[tilespmem:$0x13B0] =	vst v0  }
0x72: {  	[tilespmem:$0x13C0] =	vst v0  }
0x73: {  	[tilespmem:$0x13D0] =	vst v0  }
0x74: {  	[tilespmem:$0x13E0] =	vst v0  }
0x75: {  	[dreg:$0xe] =	wrdreg s11;
	[tilespmem:$0x13F0] =	vst v0;
	s24 =	sadd.s32 $0x0, s7  }
0x76: {  	[spmem:s24] =	stream.linear.scatter [tilespmem:s17], [sflag:$0xD], $0x400, $0x38;
	[tilespmem:$0x1B400] =	vst v63  }
0x77: {  	s11 =	simm.s32 $0x1000;
	_ =	swait.ge [sflag:s18], $0x400  }
.LBB2_2:
0x78: {  	s24 =	sshra.s32 s11, $0x2;
	[sflag:s18] =	ssyncset.done $0x0;
	p0 =	sne.s32 s11, $0x4F000  }
.Ltmp2:
0x79: {  	s24 =	sadd.s32 s24, s7;
	[sflag:s18] =	ssyncadd.s32 $0xFFFFFC00;
	(pc) =	sbr.rel @p0 .LBB2_2-.Ltmp2, $3  }
0x7a: {  	[spmem:s24] =	stream.linear.scatter [tilespmem:s17], [sflag:$0xD], $0x400, $0x38;
	[tilespmem:$0x1B400] =	vst v63  }
0x7b: {  	s11 =	sadd.s32 $0x1000, s11;
	_ =	sdelay $0x1  }
0x7c: {  	_ =	swait.ge [sflag:s18], $0x400  }
0x7d: {  	[sflag:s18] =	ssyncset.done $0x0  }
0x7e: {  	[sflag:s18] =	ssyncadd.s32 $0xFFFFFC00  }
0x7f: {  	[bflag:$0x0] =	sbarrier.arrive $0xFFFF  }
0x80: {  	s24 =	simm.s32 $0x0;
	s5 =	rddreg [dreg:$0x4]  }
0x81: {  	[tilespmem:s24], [sflag:$0xB] =	stream.linear.gather [hbm4b:s5+s24], $0x280, $0x38;
	[tilespmem:$0x1B400] =	vst v63  }
0x82: {  	s11 =	simm.s32 $0x400;
	s14 =	rddreg [dreg:$0x5]  }
0x83: {  	[tilespmem:s11], [sflag:$0xB] =	stream.linear.gather [hbm4b:s14+s24], $0x280, $0x38;
	[tilespmem:$0x1B400] =	vst v63  }
0x84: {  	s11 =	rddreg [dreg:$0x6]  }
0x85: {  	[tilespmem:s20], [sflag:$0xC] =	stream.linear.gather [hbm4b:s11+s24], $0x280, $0x38;
	[tilespmem:$0x1B400] =	vst v63  }
0x86: {  	s13 =	rddreg [dreg:$0x7]  }
0x87: {  	[tilespmem:s21], [sflag:$0xC] =	stream.linear.gather [hbm4b:s13+s24], $0x280, $0x38;
	[tilespmem:$0x1B400] =	vst v63  }
0x88: {  	_ =	swait.ge [sflag:s22], $0x280  }
0x89: {  	[sflag:s22] =	ssyncset.done $0x0  }
0x8a: {  	[sflag:s22] =	ssyncadd.s32 $0xFFFFFD80  }
0x8b: {  	_ =	swait.ge [sflag:s22], $0x280  }
0x8c: {  	[sflag:s22] =	ssyncset.done $0x0  }
0x8d: {  	[sflag:s22] =	ssyncadd.s32 $0xFFFFFD80  }
0x8e: {  	[tilespmem:s17], [sflag:$0x1] =	stream.indirect.gather [hbm4b:s2+s23], $0x80, s24, s23, $0xb8;
	[tilespmem:$0x1B400] =	vst v63  }
0x8f: {  	s14 =	simm.s32 $0x80  }
0x90: {  	[tilespmem:s25], [sflag:$0x2] =	stream.indirect.gather [hbm4b:s2+s23], $0x80, s14, s23, $0xb8;
	[tilespmem:$0x1B400] =	vst v63  }
0x91: {  	s11 =	simm.s32 $0x100  }
0x92: {  	[tilespmem:s28], [sflag:$0x3] =	stream.indirect.gather [hbm4b:s2+s23], $0x80, s11, s23, $0xb8;
	[tilespmem:$0x1B400] =	vst v63  }
0x93: {  	s13 =	simm.s32 $0x180  }
0x94: {  	[tilespmem:s30], [sflag:$0x4] =	stream.indirect.gather [hbm4b:s2+s23], $0x80, s13, s23, $0xb8;
	[tilespmem:$0x1B400] =	vst v63  }
0x95: {  	s14 =	simm.s32 $0x200;
	s11 =	rddreg [dreg:$0xd]  }
0x96: {  	[tilespmem:s0], [sflag:$0x5] =	stream.indirect.gather [hbm4b:s2+s23], $0x80, s14, s23, $0xb8;
	[tilespmem:$0x1B400] =	vst v63  }
.LBB2_4:
0x97: {  	_ =	swait.ge [sflag:s1], $0x1400  }
0x98: {  	[sflag:s1] =	ssyncset.done $0x0  }
0x99: {  	s5 =	simm.s32 $0x400;
	[sflag:s1] =	ssyncadd.s32 $0xFFFFEC00  }
0x9a: {  	[spmem:s3] =	stream.indirect.scatter.add.f32 [tilespmem:s17], [sflag:$0x6], $0x80, s5, s23, $0xb8;
	[tilespmem:$0x1B400] =	vst v63  }
0x9b: {  	_ =	swait.ge [sflag:s8], $0x1400  }
0x9c: {  	[sflag:s8] =	ssyncset.done $0x0  }
0x9d: {  	s13 =	simm.s32 $0x480;
	[sflag:s8] =	ssyncadd.s32 $0xFFFFEC00  }
0x9e: {  	[spmem:s3] =	stream.indirect.scatter.add.f32 [tilespmem:s25], [sflag:$0x7], $0x80, s13, s23, $0xb8;
	[tilespmem:$0x1B400] =	vst v63  }
0x9f: {  	_ =	swait.ge [sflag:s10], $0x1400  }
0xa0: {  	[sflag:s10] =	ssyncset.done $0x0  }
0xa1: {  	s14 =	simm.s32 $0x500;
	[sflag:s10] =	ssyncadd.s32 $0xFFFFEC00  }
0xa2: {  	[spmem:s3] =	stream.indirect.scatter.add.f32 [tilespmem:s28], [sflag:$0x8], $0x80, s14, s23, $0xb8;
	[tilespmem:$0x1B400] =	vst v63  }
0xa3: {  	_ =	swait.ge [sflag:s12], $0x1400  }
0xa4: {  	[sflag:s12] =	ssyncset.done $0x0  }
0xa5: {  	s13 =	simm.s32 $0x580;
	[sflag:s12] =	ssyncadd.s32 $0xFFFFEC00  }
0xa6: {  	[spmem:s3] =	stream.indirect.scatter.add.f32 [tilespmem:s30], [sflag:$0x9], $0x80, s13, s23, $0xb8;
	[tilespmem:$0x1B400] =	vst v63  }
0xa7: {  	_ =	swait.ge [sflag:s6], $0x1400  }
0xa8: {  	[sflag:s6] =	ssyncset.done $0x0  }
0xa9: {  	s14 =	simm.s32 $0x600;
	[sflag:s6] =	ssyncadd.s32 $0xFFFFEC00  }
0xaa: {  	[spmem:s3] =	stream.indirect.scatter.add.f32 [tilespmem:s0], [sflag:$0xA], $0x80, s14, s23, $0xb8;
	[tilespmem:$0x1B400] =	vst v63  }
0xab: {  	_ =	swait.ge [sflag:s26], $0x280  }
0xac: {  	[sflag:s26] =	ssyncset.done $0x0  }
0xad: {  	[sflag:s26] =	ssyncadd.s32 $0xFFFFFD80  }
0xae: {  	_ =	swait.ge [sflag:s26], $0x280  }
0xaf: {  	[sflag:s26] =	ssyncset.done $0x0  }
0xb0: {  	[sflag:s26] =	ssyncadd.s32 $0xFFFFFD80  }
0xb1: {  	_ =	swait.ge [sflag:s29], $0x1400  }
0xb2: {  	[sflag:s29] =	ssyncset.done $0x0  }
0xb3: {  	[sflag:s29] =	ssyncadd.s32 $0xFFFFEC00  }
0xb4: {  	[tilespmem:s17], [sflag:$0x1] =	stream.indirect.gather [hbm4b:s2+s23], $0x80, s20, s23, $0xb8;
	[tilespmem:$0x1B400] =	vst v63  }
0xb5: {  	_ =	swait.ge [sflag:s19], $0x1400  }
0xb6: {  	[sflag:s19] =	ssyncset.done $0x0  }
0xb7: {  	s13 =	simm.s32 $0x880;
	[sflag:s19] =	ssyncadd.s32 $0xFFFFEC00  }
0xb8: {  	[tilespmem:s25], [sflag:$0x2] =	stream.indirect.gather [hbm4b:s2+s23], $0x80, s13, s23, $0xb8;
	[tilespmem:$0x1B400] =	vst v63  }
0xb9: {  	_ =	swait.ge [sflag:s9], $0x1400  }
0xba: {  	[sflag:s9] =	ssyncset.done $0x0  }
0xbb: {  	s14 =	simm.s32 $0x900;
	[sflag:s9] =	ssyncadd.s32 $0xFFFFEC00  }
0xbc: {  	[tilespmem:s28], [sflag:$0x3] =	stream.indirect.gather [hbm4b:s2+s23], $0x80, s14, s23, $0xb8;
	[tilespmem:$0x1B400] =	vst v63  }
0xbd: {  	_ =	swait.ge [sflag:s16], $0x1400  }
0xbe: {  	[sflag:s16] =	ssyncset.done $0x0  }
0xbf: {  	s13 =	simm.s32 $0x980;
	[sflag:s16] =	ssyncadd.s32 $0xFFFFEC00  }
0xc0: {  	[tilespmem:s30], [sflag:$0x4] =	stream.indirect.gather [hbm4b:s2+s23], $0x80, s13, s23, $0xb8;
	[tilespmem:$0x1B400] =	vst v63  }
0xc1: {  	_ =	swait.ge [sflag:s31], $0x1400  }
0xc2: {  	p0 =	seq.s32 s24, $0x1800;
	[sflag:s31] =	ssyncset.done $0x0  }
0xc3: {  	s5 =	sshrl.u32 @!p0 s11, $0x3;
	s14 =	simm.s32 $0xA00;
	[sflag:s31] =	ssyncadd.s32 $0xFFFFEC00  }
0xc4: {  	[tilespmem:s0], [sflag:$0x5] =	stream.indirect.gather [hbm4b:s2+s23], $0x80, s14, s23, $0xb8;
	[tilespmem:$0x1B400] =	vst v63  }
0xc5: {  	s5 =	sadd.s32 @!p0 s15, s5;
	s13 =	simm.s32 @!p0 $0x0  }
0xc6: {  	[tilespmem:s13], [sflag:$0xB] =	stream.linear.gather @!p0 [hbm4b:s5+s13], $0x280, $0x38;
	[tilespmem:$0x1B400] =	vst v63  }
0xc7: {  	s5 =	rddreg [dreg:$0xc]  }
0xc8: {  	s14 =	simm.s32 @!p0 $0x400;
	s5 =	sadd.s32 @!p0 s24, s5  }
0xc9: {  	[tilespmem:s14], [sflag:$0xB] =	stream.linear.gather @!p0 [hbm4b:s5+s13], $0x280, $0x38;
	[tilespmem:$0x1B400] =	vst v63  }
0xca: {  	_ =	swait.ge [sflag:s1], $0x1400  }
0xcb: {  	[sflag:s1] =	ssyncset.done $0x0  }
0xcc: {  	[sflag:s1] =	ssyncadd.s32 $0xFFFFEC00  }
0xcd: {  	[spmem:s3] =	stream.indirect.scatter.add.f32 [tilespmem:s17], [sflag:$0x6], $0x80, s21, s23, $0xb8;
	[tilespmem:$0x1B400] =	vst v63  }
0xce: {  	_ =	swait.ge [sflag:s8], $0x1400  }
0xcf: {  	[sflag:s8] =	ssyncset.done $0x0  }
0xd0: {  	s13 =	simm.s32 $0xC80;
	[sflag:s8] =	ssyncadd.s32 $0xFFFFEC00  }
0xd1: {  	[spmem:s3] =	stream.indirect.scatter.add.f32 [tilespmem:s25], [sflag:$0x7], $0x80, s13, s23, $0xb8;
	[tilespmem:$0x1B400] =	vst v63  }
0xd2: {  	_ =	swait.ge [sflag:s10], $0x1400  }
0xd3: {  	[sflag:s10] =	ssyncset.done $0x0  }
0xd4: {  	s14 =	simm.s32 $0xD00;
	[sflag:s10] =	ssyncadd.s32 $0xFFFFEC00  }
0xd5: {  	[spmem:s3] =	stream.indirect.scatter.add.f32 [tilespmem:s28], [sflag:$0x8], $0x80, s14, s23, $0xb8;
	[tilespmem:$0x1B400] =	vst v63  }
0xd6: {  	_ =	swait.ge [sflag:s12], $0x1400  }
0xd7: {  	[sflag:s12] =	ssyncset.done $0x0  }
0xd8: {  	s13 =	simm.s32 $0xD80;
	[sflag:s12] =	ssyncadd.s32 $0xFFFFEC00  }
0xd9: {  	[spmem:s3] =	stream.indirect.scatter.add.f32 [tilespmem:s30], [sflag:$0x9], $0x80, s13, s23, $0xb8;
	[tilespmem:$0x1B400] =	vst v63  }
.Ltmp3:
0xda: {  	_ = 	snop;
	(pc) =	sbr.rel @p0 .LBB2_6-.Ltmp3, $4  }
0xdb: {  	_ =	swait.ge [sflag:s6], $0x1400  }
0xdc: {  	[sflag:s6] =	ssyncset.done $0x0  }
0xdd: {  	s14 =	simm.s32 $0xE00;
	[sflag:s6] =	ssyncadd.s32 $0xFFFFEC00  }
0xde: {  	[spmem:s3] =	stream.indirect.scatter.add.f32 [tilespmem:s0], [sflag:$0xA], $0x80, s14, s23, $0xb8;
	[tilespmem:$0x1B400] =	vst v63  }
0xdf: {  	_ =	swait.ge [sflag:s22], $0x280  }
0xe0: {  	[sflag:s22] =	ssyncset.done $0x0  }
0xe1: {  	[sflag:s22] =	ssyncadd.s32 $0xFFFFFD80  }
0xe2: {  	_ =	swait.ge [sflag:s22], $0x280  }
0xe3: {  	[sflag:s22] =	ssyncset.done $0x0  }
0xe4: {  	[sflag:s22] =	ssyncadd.s32 $0xFFFFFD80  }
0xe5: {  	_ =	swait.ge [sflag:s29], $0x1400  }
0xe6: {  	[sflag:s29] =	ssyncset.done $0x0  }
0xe7: {  	[sflag:s29] =	ssyncadd.s32 $0xFFFFEC00  }
0xe8: {  	[tilespmem:s17], [sflag:$0x1] =	stream.indirect.gather [hbm4b:s2+s23], $0x80, s4, s23, $0xb8;
	[tilespmem:$0x1B400] =	vst v63  }
0xe9: {  	_ =	swait.ge [sflag:s19], $0x1400  }
0xea: {  	[sflag:s19] =	ssyncset.done $0x0  }
0xeb: {  	s5 =	simm.s32 $0x80;
	[sflag:s19] =	ssyncadd.s32 $0xFFFFEC00  }
0xec: {  	[tilespmem:s25], [sflag:$0x2] =	stream.indirect.gather [hbm4b:s2+s23], $0x80, s5, s23, $0xb8;
	[tilespmem:$0x1B400] =	vst v63  }
0xed: {  	_ =	swait.ge [sflag:s9], $0x1400  }
0xee: {  	[sflag:s9] =	ssyncset.done $0x0  }
0xef: {  	s14 =	simm.s32 $0x100;
	[sflag:s9] =	ssyncadd.s32 $0xFFFFEC00  }
0xf0: {  	[tilespmem:s28], [sflag:$0x3] =	stream.indirect.gather [hbm4b:s2+s23], $0x80, s14, s23, $0xb8;
	[tilespmem:$0x1B400] =	vst v63  }
0xf1: {  	_ =	swait.ge [sflag:s16], $0x1400  }
0xf2: {  	[sflag:s16] =	ssyncset.done $0x0  }
0xf3: {  	s13 =	simm.s32 $0x180;
	[sflag:s16] =	ssyncadd.s32 $0xFFFFEC00  }
0xf4: {  	[tilespmem:s30], [sflag:$0x4] =	stream.indirect.gather [hbm4b:s2+s23], $0x80, s13, s23, $0xb8;
	[tilespmem:$0x1B400] =	vst v63  }
0xf5: {  	_ =	swait.ge [sflag:s31], $0x1400  }
0xf6: {  	[sflag:s31] =	ssyncset.done $0x0  }
0xf7: {  	s14 =	simm.s32 $0x200;
	[sflag:s31] =	ssyncadd.s32 $0xFFFFEC00  }
0xf8: {  	[tilespmem:s0], [sflag:$0x5] =	stream.indirect.gather [hbm4b:s2+s23], $0x80, s14, s23, $0xb8;
	[tilespmem:$0x1B400] =	vst v63  }
.Ltmp4:
0xf9: {  	s13 =	rddreg [dreg:$0xb];
	(pc) =	sbr.rel .LBB2_4-.Ltmp4, $4  }
0xfa: {  	s5 =	sadd.s32 s24, s13;
	s14 =	rddreg [dreg:$0xa]  }
0xfb: {  	[tilespmem:s20], [sflag:$0xC] =	stream.linear.gather [hbm4b:s5+s4], $0x280, $0x38;
	[tilespmem:$0x1B400] =	vst v63  }
0xfc: {  	s11 =	sadd.s32 $0x800, s11;
	s5 =	sadd.s32 s24, s14;
	s24 =	sadd.s32 $0x100, s24  }
0xfd: {  	[tilespmem:s21], [sflag:$0xC] =	stream.linear.gather [hbm4b:s5+s4], $0x280, $0x38;
	[tilespmem:$0x1B400] =	vst v63  }
.LBB2_7:
0xfe: {  	_ =	sfence.sel $0x180000  }
0xff: {  	[bflag:$0x0] =	sbarrier.arrive $0xFFFF  }
0x100: {  	_ =	strace $0x9000004D  }
0x101: {  	s0 =	stileid.u32;
	[bflag:$0x2] =	sbarrier.arrive $0xFFFF  }
0x102: {  	p0 =	sne.s32 s0, $0x0;
	s0 =	rddreg [dreg:$0x3]  }
0x103: {  	s0 =	sadd.s32 @!p0 $0x100000, s0  }
0x104: {  	[sflag:s0] =	ssyncadd.tile.s32 @!p0 $0x1;
	_ =	shalt  }
.Lfunc_end2:
_tile_overlayer_lowered:
.L_overlay_start_2:
0x105: {  	(tag) =	ssettag $0x2  }
0x106: {  	s0 =	rddreg [dreg:$0x0];
	s2 =	stileid.u32  }
0x107: {  	s1 =	rddreg [dreg:$0x1];
	p0 =	sne.s32 s2, $0x0  }
0x108: {  	s3 =	rddreg [dreg:$0x2];
	[bflag:$0x3] =	sbarrier.arrive $0xFFFF;
	s2 =	simm.s32 @!p0 $0x1C0D  }
0x109: {  	[timem:s3], [sflag:s2] =	dma.local @!p0 [hbm:s0], s1  }
0x10a: {  	s0 =	simm.s32 @!p0 $0xD  }
0x10b: {  	_ =	swait.ge @!p0 [sflag:s0], s1  }
0x10c: {  	s1 =	ssub.s32 @!p0 $0x0, s1;
	[sflag:s0] =	ssyncset.done @!p0 $0x0  }
0x10d: {  	[sflag:s0] =	ssyncadd.s32 @!p0 s1  }
0x10e: {  	[bflag:$0x3] =	sbarrier.arrive $0xFFFF  }
0x10f: {  	_ =	shalt  }

// kernel: kernel.9.cloned.1.call-start
scs
__scs_entry_jumppad:
0x0: {  	(pc) =	sbr.rel $0x88, $3  }
0x1: {  	(tag) =	ssettag $0x0;
	lr =	simm.s32 $0x1  }
0x2: {  	[smem:$0x3F9B] =	sst lr;
	_ =	strace $0xD0000000  }
0x3: {  	_ = 	snop  }
0x4: {  	_ = 	snop  }
0x5: {  	_ = 	snop  }
0x6: {  	_ = 	snop  }
0x7: {  	_ = 	snop  }
__scs_overlays_trampoline_lowered:
0x8: {  	[smem:$0x3FAA] =	sst s0  }
0x9: {  	[smem:$0x3FAB] =	sst s1  }
0xa: {  	[smem:$0x3FAC] =	sst s2  }
0xb: {  	[smem:$0x3FAD] =	sst s3  }
0xc: {  	[smem:$0x3FAE] =	sst s4  }
0xd: {  	[smem:$0x3FAF] =	sst s5  }
0xe: {  	[smem:$0x3FB0] =	sst s6  }
0xf: {  	[smem:$0x3FB1] =	sst s7  }
0x10: {  	[smem:$0x3FB2] =	sst s8  }
0x11: {  	[smem:$0x3FB3] =	sst s9;
	s0 =	simm.s32 @!p0 $0x0  }
0x12: {  	s1 =	sld [smem:$0x3F99];
	s0 =	simm.s32 @p0 $0x1  }
0x13: {  	[smem:$0x3FB4] =	sst s0;
	s0 =	simm.s32 @!p1 $0x0  }
0x14: {  	s2 =	sld [smem:$0x3F98];
	s0 =	simm.s32 @p1 $0x1  }
0x15: {  	[smem:$0x3FB5] =	sst s0;
	s0 =	simm.s32 @!p2 $0x0  }
0x16: {  	s3 =	sld [smem:$0x3FDB];
	s0 =	simm.s32 @p2 $0x1  }
0x17: {  	s4 =	simm.s32 $0x1BF5;
	[smem:$0x3FB7] =	sst s0  }
0x18: {  	s0 =	sld [smem:$0x3F9A];
	_ =	swait.ge [sflag:s4], $0x0  }
0x19: {  	s7 =	sld [smem:$0x3F9B]  }
0x1a: {  	s8 =	sadd.s32 $0xFFFFE003, lr  }
0x1b: {  	s9 =	sadd.s32 $0xFFFFFEF7, lr;
	s5 =	simm.s32 $0xFFFFFFFF;
	p2 =	slt.u32 s8, $0xFFFFF086  }
0x1c: {  	p1 =	slt.u32 s9, $0xF7A;
	s5 =	simm.s32 @!p2 $0x0  }
0x1d: {  	s5 =	simm.s32 @p1 $0x1;
	p0 =	seq.s32 s7, s2  }
0x1e: {  	s7 =	smul.u32 @!p0 $0xF7A, s2;
	p2 =	seq.s32 @!p0 s5, $0x0  }
0x1f: {  	s9 =	smul.u32 $0xF7A, s1;
	s8 =	simm.s32 @!p0 $0x1BF5;
	p2 =	por !p2, p0  }
0x20: {  	[sflag:s8] =	ssyncset.s32 @!p0 $0xFFFFF086;
	s6 =	sadd.s32 @!p0 s3, s7;
	s7 =	simm.s32 @!p0 $0x108  }
0x21: {  	s3 =	sadd.s32 s3, s9;
	s6 =	sadd.s32 @!p0 $0x88, s6;
	s7 =	simm.s32 @p2 $0x1082  }
0x22: {  	[simem:s7], [sflag:s8] =	dma.local @!p0 [hbm:s6], $0xF7A  }
0x23: {  	s9 =	sor.u32 $0xD0000000, s2;
	s6 =	simm.s32 $0x108;
	_ =	swait.ge @!p0 [sflag:s8], $0x0  }
0x24: {  	s3 =	sadd.s32 $0x88, s3;
	s6 =	simm.s32 @!p1 $0x1082;
	[sflag:s4] =	ssyncset.s32 $0xFFFFF086  }
0x25: {  	[simem:s6], [sflag:s4] =	dma.local [hbm:s3], $0xF7A  }
0x26: {  	[smem:$0x3F9B] =	sst s1;
	(tag) =	ssettag s2;
	_ =	strace s9  }
0x27: {  	s1 =	sld [smem:$0x3FAB]  }
0x28: {  	s2 =	sld [smem:$0x3FAC]  }
0x29: {  	s4 =	sld [smem:$0x3FAE]  }
0x2a: {  	p0 =	seq.s32 s5, $0x0;
	s5 =	sld [smem:$0x3FAF]  }
0x2b: {  	s6 =	sld [smem:$0x3FB0]  }
0x2c: {  	s7 =	sld [smem:$0x3FB1]  }
0x2d: {  	s3 =	simm.s32 $0x108;
	s8 =	sld [smem:$0x3FB2]  }
0x2e: {  	s3 =	simm.s32 @!p0 $0x1082;
	s9 =	sld [smem:$0x3FB3]  }
0x2f: {  	lr =	sadd.s32 s0, s3;
	s0 =	sld [smem:$0x3FAA]  }
0x30: {  	s3 =	sld [smem:$0x3FAD]  }
0x31: {  	[smem:$0x3FB6] =	sst s10  }
0x32: {  	s10 =	sld [smem:$0x3FB4];
	_ =	sdelay $0x3  }
0x33: {  	p0 =	seq.s32 s10, $0x1;
	s10 =	sld [smem:$0x3FB6];
	_ =	sdelay $0x3  }
0x34: {  	[smem:$0x3FB6] =	sst s10  }
0x35: {  	s10 =	sld [smem:$0x3FB5];
	_ =	sdelay $0x3  }
0x36: {  	p1 =	seq.s32 s10, $0x1;
	s10 =	sld [smem:$0x3FB6];
	_ =	sdelay $0x3  }
0x37: {  	[smem:$0x3FB6] =	sst s10  }
0x38: {  	s10 =	sld [smem:$0x3FB7]  }
0x39: {  	_ = 	snop;
	(pc) =	sbr.ind lr, $3  }
0x3a: {  	_ = 	snop  }
0x3b: {  	_ = 	snop  }
0x3c: {  	p2 =	seq.s32 s10, $0x1;
	s10 =	sld [smem:$0x3FB6]  }
0x3d: {  	_ =	shalt  }
0x3e: {  	_ =	shalt  }
0x3f: {  	_ =	shalt  }
0x40: {  	_ =	shalt  }
0x41: {  	_ =	shalt  }
0x42: {  	_ =	shalt  }
0x43: {  	_ =	shalt  }
0x44: {  	_ =	shalt  }
0x45: {  	_ =	shalt  }
0x46: {  	_ =	shalt  }
0x47: {  	_ =	shalt  }
0x48: {  	_ =	shalt  }
0x49: {  	_ =	shalt  }
0x4a: {  	_ =	shalt  }
0x4b: {  	_ =	shalt  }
0x4c: {  	_ =	shalt  }
0x4d: {  	_ =	shalt  }
0x4e: {  	_ =	shalt  }
0x4f: {  	_ =	shalt  }
0x50: {  	_ =	shalt  }
0x51: {  	_ =	shalt  }
0x52: {  	_ =	shalt  }
0x53: {  	_ =	shalt  }
0x54: {  	_ =	shalt  }
0x55: {  	_ =	shalt  }
0x56: {  	_ =	shalt  }
0x57: {  	_ =	shalt  }
0x58: {  	_ =	shalt  }
0x59: {  	_ =	shalt  }
0x5a: {  	_ =	shalt  }
0x5b: {  	_ =	shalt  }
0x5c: {  	_ =	shalt  }
0x5d: {  	_ =	shalt  }
0x5e: {  	_ =	shalt  }
0x5f: {  	_ =	shalt  }
0x60: {  	_ =	shalt  }
0x61: {  	_ =	shalt  }
0x62: {  	_ =	shalt  }
0x63: {  	_ =	shalt  }
0x64: {  	_ =	shalt  }
0x65: {  	_ =	shalt  }
0x66: {  	_ =	shalt  }
0x67: {  	_ =	shalt  }
0x68: {  	_ =	shalt  }
0x69: {  	_ =	shalt  }
0x6a: {  	_ =	shalt  }
0x6b: {  	_ =	shalt  }
0x6c: {  	_ =	shalt  }
0x6d: {  	_ =	shalt  }
0x6e: {  	_ =	shalt  }
0x6f: {  	_ =	shalt  }
0x70: {  	_ =	shalt  }
0x71: {  	_ =	shalt  }
0x72: {  	_ =	shalt  }
0x73: {  	_ =	shalt  }
0x74: {  	_ =	shalt  }
0x75: {  	_ =	shalt  }
0x76: {  	_ =	shalt  }
0x77: {  	_ =	shalt  }
0x78: {  	_ =	shalt  }
0x79: {  	_ =	shalt  }
0x7a: {  	_ =	shalt  }
0x7b: {  	_ =	shalt  }
0x7c: {  	_ =	shalt  }
0x7d: {  	_ =	shalt  }
0x7e: {  	_ =	shalt  }
0x7f: {  	_ =	shalt  }
0x80: {  	_ =	shalt  }
0x81: {  	_ =	shalt  }
0x82: {  	_ =	shalt  }
0x83: {  	_ =	shalt  }
0x84: {  	_ =	shalt  }
0x85: {  	_ =	shalt  }
0x86: {  	_ =	shalt  }
0x87: {  	_ =	shalt  }
.Lfunc_end0:
.L_simem_size_0:
called_computation_lowered:
.L_overlay_start_0:
0x88: {  	s2 =	sld [smem:$0x3FD9]  }
0x89: {  	s3 =	sld [smem:$0x3FFE];
	_ =	sdelay $0x1  }
0x8a: {  	s1 =	srdreg.scid  }
0x8b: {  	s0 =	sand.u32 $0x1, s1  }
0x8c: {  	s17 =	sshll.u32 s0, $0xA;
	s2 =	sadd.s32 s3, s2  }
0x8d: {  	s2 =	sadd.s32 s2, s17  }
0x8e: {  	[smem:$0x3FC2] =	sst s2  }
0x8f: {  	_ = 	snop  }
0x90: {  	s2 =	sld [smem:$0x3FD0];
	(tm) =	ssettm $0x1  }
0x91: {  	s18 =	sld [smem:$0x3FFB];
	_ =	sdelay $0x3  }
0x92: {  	_ =	strace s18  }
0x93: {  	s3 =	sld [smem:$0x3FFC];
	_ =	sdelay $0x3  }
0x94: {  	_ =	strace s3  }
0x95: {  	s3 =	sld [smem:$0x3FFD];
	_ =	sdelay $0x3  }
0x96: {  	_ =	strace s3  }
0x97: {  	_ =	strace $0x8FFFFFFF  }
0x98: {  	s19 =	sld [smem:$0x3FDB];
	_ =	sdelay $0x1  }
0x99: {  	s4 =	simm.s32 $_scs_section_size  }
0x9a: {  	s5 =	simm.s32 $_size__tile_overlayer_lowered;
	s6 =	simm.s32 $_tile_overlayer_lowered  }
0x9b: {  	s22 =	simm.s32 $0x1BFF;
	s21 =	sshll.u32 s6, $0x1;
	s3 =	sadd.s32 s4, s19  }
0x9c: {  	s7 =	simm.s32 $0x0;
	s20 =	sshll.u32 s5, $0x1;
	s5 =	sadd.s32 s21, s3  }
0x9d: {  	[timem:s7], [sflag:s22] =	dma.local [hbm:s5], s20  }
0x9e: {  	_ =	swait.ge [sflag:s22], s20  }
0x9f: {  	s4 =	ssub.s32 $0x0, s20;
	[sflag:s22] =	ssyncset.done $0x0  }
0xa0: {  	[sflag:s22] =	ssyncadd.s32 s4;
	_ =	sdelay $0x1  }
0xa1: {  	s23 =	simm.s32 $0x1B8B  }
0xa2: {  	_ =	swait.ge [sflag:s23], $0x1  }
0xa3: {  	[sflag:s23] =	ssyncset.done $0x0  }
0xa4: {  	s25 =	simm.s32 $0x1B8E;
	s24 =	sld [smem:$0x3FFE];
	[sflag:s23] =	ssyncadd.s32 $0xFFFFFFFF  }
0xa5: {  	s26 =	simm.s32 $execute0_lowered;
	[smem:$0x3FD2] =	sst s25  }
0xa6: {  	s5 =	sshll.u32 s26, $0x1;
	_ =	strace $0x80000046;
	[dreg:$0x1] =	wrdreg $0xFFFFFFFF  }
0xa7: {  	s28 =	simm.s32 $_size_execute0_lowered;
	s3 =	sadd.s32 s3, s5;
	[dreg:$0x0] =	wrdreg $0x0  }
0xa8: {  	s5 =	sshll.u32 s28, $0x1;
	[dreg:$0x2] =	wrdreg s3  }
0xa9: {  	[dreg:$0x3] =	wrdreg s5  }
0xaa: {  	[dreg:$0x4] =	wrdreg $0xC0  }
0xab: {  	_ =	task [dreg:s7], $0x5FFFF  }
0xac: {  	[dreg:$0x1] =	wrdreg $0xFFFFFFFF  }
0xad: {  	[dreg:$0x0] =	wrdreg $0x60  }
0xae: {  	[dreg:$0x2] =	wrdreg s24  }
0xaf: {  	[dreg:$0x3] =	wrdreg s2  }
0xb0: {  	[dreg:$0x4] =	wrdreg $0xCB000  }
0xb1: {  	[dreg:$0x5] =	wrdreg $0x9  }
0xb2: {  	_ =	task.clear_ibuf [dreg:s7], $0x6FFFF;
	_ =	strace $0x90000046  }
0xb3: {  	s29 =	simm.s32 $0x9;
	_ =	strace $0x80000048  }
0xb4: {  	_ =	swait.ge [sflag:s29], $0x1  }
0xb5: {  	[sflag:s29] =	ssyncadd.s32 $0xFFFFFFFF  }
0xb6: {  	_ =	strace $0x90000048  }
0xb7: {  	_ =	sfence  }
0xb8: {  	s30 =	sld [smem:$0x0];
	_ =	sdelay $0x2  }
0xb9: {  	s31 =	sshll.u32 s1, $0xD;
	s1 =	sshrl.u32 s1, $0x2  }
0xba: {  	s3 =	sand.u32 $0x4000, s31;
	s1 =	sadd.s32 s1, s30  }
0xbb: {  	s0 =	sor.u32 s3, s0;
	s1 =	sshll.u32 s1, $0x11  }
0xbc: {  	s0 =	sor.u32 s1, s0  }
0xbd: {  	s0 =	sadd.s32 $0x8F2B, s0  }
0xbe: {  	[sflag:s0] =	ssyncadd.remote.s32 $0x1  }
0xbf: {  	_ =	sfence.sel $0xFFFF  }
0xc0: {  	[dreg:$0x0] =	wrdreg $0xFFFFFFFF;
	(pc) =	sbr.abs _section_cstart, $3  }
0xc1: {  	[dreg:$0x1] =	wrdreg $0xFFFFFFFF  }
0xc2: {  	_ =	task.clear_ibuf [dreg:s7], $0x2FFFF;
	_ =	strace $0x9FFFFFFF  }
0xc3: {  	(tm) =	ssettm $0x7FFFFFFF  }
tec
execute0_lowered:
.L_overlay_start_1:
0x0: {  	(tag) =	ssettag $0x1  }
0x1: {  	s4 =	rddreg [dreg:$0x0]  }
0x2: {  	s6 =	rddreg [dreg:$0x1];
	s1 =	srdreg.scid  }
0x3: {  	s0 =	stileid.u32;
	s2 =	rddreg [dreg:$0x2];
	s3 =	simm.s32 $0x0  }
0x4: {  	s12 =	simm.s32 $0x1;
	s15 =	simm.s32 $0x20;
	s16 =	simm.s32 $0x10  }
0x5: {  	s17 =	simm.s32 $0x0;
	s5 =	sand.u32 $0x1, s1;
	s1 =	rddreg [dreg:$0x3]  }
0x6: {  	s7 =	sshll.u32 s0, $0x1;
	[smem:$0x7FF] =	sst s3;
	s9 =	smul.u32 $0x500, s0  }
0x7: {  	s11 =	smul.u32 $0xA00, s0;
	s13 =	sshll.u32 s0, $0x6;
	s7 =	sor.u32 s5, s7  }
0x8: {  	_ =	strace $0x80000047;
	s8 =	ssub.s32 $0x2, s5;
	s5 =	sshll.u32 s5, $0x7  }
0x9: {  	s13 =	sor.u32 $0x1C02, s13;
	s7 =	smul.u32 $0xC800, s7;
	s10 =	sshrl.u32 s8, $0x1  }
0xa: {  	s5 =	sor.u32 s5, s9;
	s30 =	sshrl.u32 s11, $0x2;
	s9 =	simm.s32 $0x2  }
0xb: {  	s11 =	simm.s32 $0xC800;
	s8 =	ssub.s32 s8, s10;
	s7 =	sshrl.u32 s7, $0x3  }
0xc: {  	s31 =	sshrl.u32 s5, $0x3;
	s10 =	simm.s32 $0x28;
	s7 =	sadd.s32 s4, s7  }
0xd: {  	s6 =	sadd.s32 s6, s31;
	s4 =	sadd.s32 s30, s2;
	s5 =	sadd.s32 $0x34800, s7  }
0xe: {  	v0 =	vimm.f32 $1.000000000e+00;
	v1 =	vimm.f32 $0.0e+00;
	s7 =	smax.u32 s8, $0x1;
	s8 =	simm.s32 $0xC880;
	s14 =	sshrl.u32 s4, $0x3  }
.LBB2_1:
0xf: {  	[tilespmem:$0xC800] =	vst v0  }
0x10: {  	[tilespmem:$0xC810] =	vst v0  }
0x11: {  	[tilespmem:$0xC820] =	vst v0  }
0x12: {  	[tilespmem:$0xC880] =	vst v1  }
0x13: {  	[tilespmem:$0xC890] =	vst v1  }
0x14: {  	[tilespmem:$0xC8A0] =	vst v1  }
0x15: {  	[tilespmem:$0xC8B0] =	vst v1  }
0x16: {  	[tilespmem:$0xC8C0] =	vst v1  }
0x17: {  	[tilespmem:$0xC8D0] =	vst v1  }
0x18: {  	[tilespmem:$0xC8E0] =	vst v1  }
0x19: {  	[tilespmem:$0xC8F0] =	vst v1  }
0x1a: {  	[tilespmem:$0xC900] =	vst v1  }
0x1b: {  	[tilespmem:$0xC910] =	vst v1  }
0x1c: {  	[tilespmem:$0xC920] =	vst v1  }
0x1d: {  	[tilespmem:$0xC930] =	vst v1  }
0x1e: {  	[tilespmem:$0xC940] =	vst v1  }
0x1f: {  	[tilespmem:$0xC950] =	vst v1  }
0x20: {  	[tilespmem:$0xC960] =	vst v1  }
0x21: {  	[tilespmem:$0xC970] =	vst v1  }
0x22: {  	[tilespmem:$0xC980] =	vst v1  }
0x23: {  	[tilespmem:$0xC990] =	vst v1  }
0x24: {  	[tilespmem:$0xC9A0] =	vst v1  }
0x25: {  	[tilespmem:$0xC9B0] =	vst v1  }
0x26: {  	[tilespmem:$0xC9C0] =	vst v1  }
0x27: {  	[tilespmem:$0xC9D0] =	vst v1  }
0x28: {  	[tilespmem:$0xC9E0] =	vst v1  }
0x29: {  	[tilespmem:$0xC9F0] =	vst v1  }
0x2a: {  	[tilespmem:$0xCA00] =	vst v1  }
0x2b: {  	[tilespmem:$0xCA10] =	vst v1  }
0x2c: {  	[tilespmem:$0xCA20] =	vst v1  }
0x2d: {  	[tilespmem:$0xCA30] =	vst v1  }
0x2e: {  	[tilespmem:$0xCA40] =	vst v1  }
0x2f: {  	[tilespmem:$0xCA50] =	vst v1  }
0x30: {  	[tilespmem:$0xCA60] =	vst v1  }
0x31: {  	[tilespmem:$0xCA70] =	vst v1  }
0x32: {  	[tilespmem:$0xCA80] =	vst v1  }
0x33: {  	[tilespmem:$0xCA90] =	vst v1  }
0x34: {  	[tilespmem:$0xCAA0] =	vst v1  }
0x35: {  	[tilespmem:$0xCAB0] =	vst v1  }
0x36: {  	[tilespmem:$0xCAC0] =	vst v1  }
0x37: {  	[tilespmem:$0xCAD0] =	vst v1  }
0x38: {  	[tilespmem:$0xCAE0] =	vst v1  }
0x39: {  	[tilespmem:$0xCAF0] =	vst v1  }
0x3a: {  	[spmem:s4] =	stream.linear.scatter [tilespmem:s8], [sflag:$0x2], $0x280, $0x38;
	[tilespmem:$0xCD80] =	vst v63  }
0x3b: {  	_ =	swait.ge [sflag:s9], $0x280  }
0x3c: {  	[sflag:s9] =	ssyncset.done $0x0  }
0x3d: {  	s18 =	simm.s32 $0x80;
	s21 =	sadd.s32 $0x0, s5;
	[sflag:s9] =	ssyncadd.s32 $0xFFFFFD80  }
0x3e: {  	s19 =	simm.s32 $0x400;
	s20 =	simm.s32 $0x0;
	[bflag:$0x0] =	sbarrier.arrive $0xFFFF  }
.LBB2_2:
0x3f: {  	[tilespmem:s20], [sflag:$0x2] =	stream.linear.gather [hbm4b:s21+s3], $0x280, $0x38;
	[tilespmem:$0xCD80] =	vst v63  }
0x40: {  	s21 =	smov.u32 s18;
	s20 =	smov.u32 s19;
	p0 =	sne.s32 s18, $0x1880  }
.Ltmp0:
0x41: {  	s18 =	sadd.s32 $0x80, s18;
	(pc) =	sbr.rel @p0 .LBB2_2-.Ltmp0, $2  }
0x42: {  	_ =	sdelay $0x2  }
0x43: {  	s19 =	sadd.s32 $0x400, s19;
	s21 =	sadd.s32 s21, s5  }
0x44: {  	[tilespmem:s20], [sflag:$0x2] =	stream.linear.gather [hbm4b:s21+s3], $0x280, $0x38;
	[tilespmem:$0xCD80] =	vst v63  }
0x45: {  	_ =	swait.ge [sflag:s9], $0x7D00  }
0x46: {  	[sflag:s9] =	ssyncset.done $0x0  }
0x47: {  	s18 =	simm.s32 $0x0;
	[sflag:s9] =	ssyncadd.s32 $0xFFFF8300  }
0x48: {  	[spmem:s2] =	stream.indirect.scatter.add.f32 [tilespmem:s11], [sflag:$0x1], $0x1, s18, s10, $0xb8;
	[tilespmem:$0xCD80] =	vst v63  }
0x49: {  	s28 =	simm.s32 $0x80  }
0x4a: {  	[spmem:s2] =	stream.indirect.scatter.add.f32 [tilespmem:s11], [sflag:$0x1], $0x1, s28, s10, $0xb8;
	[tilespmem:$0xCD80] =	vst v63  }
0x4b: {  	s29 =	simm.s32 $0x100  }
0x4c: {  	[spmem:s2] =	stream.indirect.scatter.add.f32 [tilespmem:s11], [sflag:$0x1], $0x1, s29, s10, $0xb8;
	[tilespmem:$0xCD80] =	vst v63  }
0x4d: {  	s30 =	simm.s32 $0x180  }
0x4e: {  	[spmem:s2] =	stream.indirect.scatter.add.f32 [tilespmem:s11], [sflag:$0x1], $0x1, s30, s10, $0xb8;
	[tilespmem:$0xCD80] =	vst v63  }
0x4f: {  	s31 =	simm.s32 $0x200  }
0x50: {  	[spmem:s2] =	stream.indirect.scatter.add.f32 [tilespmem:s11], [sflag:$0x1], $0x1, s31, s10, $0xb8;
	[tilespmem:$0xCD80] =	vst v63  }
0x51: {  	_ =	swait.ge [sflag:s12], $0x28  }
0x52: {  	[sflag:s12] =	ssyncset.done $0x0  }
0x53: {  	[sflag:s12] =	ssyncadd.s32 $0xFFFFFFD8  }
0x54: {  	_ =	swait.ge [sflag:s12], $0x28  }
0x55: {  	[sflag:s12] =	ssyncset.done $0x0  }
0x56: {  	[sflag:s12] =	ssyncadd.s32 $0xFFFFFFD8  }
0x57: {  	_ =	swait.ge [sflag:s12], $0x28  }
0x58: {  	[sflag:s12] =	ssyncset.done $0x0  }
0x59: {  	[sflag:s12] =	ssyncadd.s32 $0xFFFFFFD8  }
0x5a: {  	_ =	swait.ge [sflag:s12], $0x28  }
0x5b: {  	[sflag:s12] =	ssyncset.done $0x0  }
0x5c: {  	[sflag:s12] =	ssyncadd.s32 $0xFFFFFFD8  }
0x5d: {  	_ =	swait.ge [sflag:s12], $0x28  }
0x5e: {  	s19 =	simm.s32 $0x2000;
	s18 =	simm.s32 $0x1000;
	[sflag:s12] =	ssyncset.done $0x0  }
.LBB2_4:
0x5f: {  	s20 =	sshra.s32 s18, $0x2  }
0x60: {  	[sflag:s12] =	ssyncadd.s32 $0xFFFFFFD8;
	s18 =	smov.u32 s19;
	s21 =	sadd.s32 $0x1000, s19  }
0x61: {  	[spmem:s2] =	stream.indirect.scatter.add.f32 [tilespmem:s11], [sflag:$0x1], $0x1, s20, s10, $0xb8;
	[tilespmem:$0xCD80] =	vst v63  }
0x62: {  	p0 =	sne.s32 s19, $0x31000;
	s19 =	sadd.s32 $0x80, s20  }
0x63: {  	[spmem:s2] =	stream.indirect.scatter.add.f32 [tilespmem:s11], [sflag:$0x1], $0x1, s19, s10, $0xb8;
	[tilespmem:$0xCD80] =	vst v63  }
0x64: {  	s19 =	sadd.s32 $0x100, s20  }
0x65: {  	[spmem:s2] =	stream.indirect.scatter.add.f32 [tilespmem:s11], [sflag:$0x1], $0x1, s19, s10, $0xb8;
	[tilespmem:$0xCD80] =	vst v63  }
0x66: {  	s19 =	sadd.s32 $0x180, s20  }
0x67: {  	[spmem:s2] =	stream.indirect.scatter.add.f32 [tilespmem:s11], [sflag:$0x1], $0x1, s19, s10, $0xb8;
	[tilespmem:$0xCD80] =	vst v63  }
0x68: {  	s19 =	sadd.s32 $0x200, s20  }
0x69: {  	[spmem:s2] =	stream.indirect.scatter.add.f32 [tilespmem:s11], [sflag:$0x1], $0x1, s19, s10, $0xb8;
	[tilespmem:$0xCD80] =	vst v63  }
0x6a: {  	_ =	swait.ge [sflag:s12], $0x28  }
0x6b: {  	[sflag:s12] =	ssyncset.done $0x0  }
0x6c: {  	[sflag:s12] =	ssyncadd.s32 $0xFFFFFFD8  }
0x6d: {  	_ =	swait.ge [sflag:s12], $0x28  }
0x6e: {  	[sflag:s12] =	ssyncset.done $0x0  }
0x6f: {  	[sflag:s12] =	ssyncadd.s32 $0xFFFFFFD8  }
0x70: {  	_ =	swait.ge [sflag:s12], $0x28  }
0x71: {  	[sflag:s12] =	ssyncset.done $0x0  }
0x72: {  	[sflag:s12] =	ssyncadd.s32 $0xFFFFFFD8  }
.Ltmp1:
0x73: {  	_ =	swait.ge [sflag:s12], $0x28;
	(pc) =	sbr.rel @p0 .LBB2_4-.Ltmp1, $4  }
0x74: {  	[sflag:s12] =	ssyncset.done $0x0  }
0x75: {  	[sflag:s12] =	ssyncadd.s32 $0xFFFFFFD8  }
0x76: {  	_ =	swait.ge [sflag:s12], $0x28  }
0x77: {  	s19 =	smov.u32 s21;
	[sflag:s12] =	ssyncset.done $0x0  }
0x78: {  	s18 =	sshra.s32 s18, $0x2;
	[sflag:s12] =	ssyncadd.s32 $0xFFFFFFD8  }
0x79: {  	[spmem:s2] =	stream.indirect.scatter.add.f32 [tilespmem:s11], [sflag:$0x1], $0x1, s18, s10, $0xb8;
	[tilespmem:$0xCD80] =	vst v63  }
0x7a: {  	s19 =	sadd.s32 $0x80, s18  }
0x7b: {  	[spmem:s2] =	stream.indirect.scatter.add.f32 [tilespmem:s11], [sflag:$0x1], $0x1, s19, s10, $0xb8;
	[tilespmem:$0xCD80] =	vst v63  }
0x7c: {  	s30 =	sadd.s32 $0x100, s18  }
0x7d: {  	[spmem:s2] =	stream.indirect.scatter.add.f32 [tilespmem:s11], [sflag:$0x1], $0x1, s30, s10, $0xb8;
	[tilespmem:$0xCD80] =	vst v63  }
0x7e: {  	s31 =	sadd.s32 $0x180, s18  }
0x7f: {  	[spmem:s2] =	stream.indirect.scatter.add.f32 [tilespmem:s11], [sflag:$0x1], $0x1, s31, s10, $0xb8;
	[tilespmem:$0xCD80] =	vst v63  }
0x80: {  	s18 =	sadd.s32 $0x200, s18  }
0x81: {  	[spmem:s2] =	stream.indirect.scatter.add.f32 [tilespmem:s11], [sflag:$0x1], $0x1, s18, s10, $0xb8;
	[tilespmem:$0xCD80] =	vst v63  }
0x82: {  	_ =	swait.ge [sflag:s12], $0x28  }
0x83: {  	[sflag:s12] =	ssyncset.done $0x0  }
0x84: {  	[sflag:s12] =	ssyncadd.s32 $0xFFFFFFD8  }
0x85: {  	_ =	swait.ge [sflag:s12], $0x28  }
0x86: {  	[sflag:s12] =	ssyncset.done $0x0  }
0x87: {  	[sflag:s12] =	ssyncadd.s32 $0xFFFFFFD8  }
0x88: {  	_ =	swait.ge [sflag:s12], $0x28  }
0x89: {  	[sflag:s12] =	ssyncset.done $0x0  }
0x8a: {  	[sflag:s12] =	ssyncadd.s32 $0xFFFFFFD8  }
0x8b: {  	_ =	swait.ge [sflag:s12], $0x28  }
0x8c: {  	[sflag:s12] =	ssyncset.done $0x0  }
0x8d: {  	[sflag:s12] =	ssyncadd.s32 $0xFFFFFFD8  }
0x8e: {  	_ =	swait.ge [sflag:s12], $0x28  }
0x8f: {  	s17 =	sadd.s32 $0x1, s17;
	[sflag:s12] =	ssyncset.done $0x0  }
0x90: {  	p0 =	sne.s32 s17, s7;
	[sflag:s12] =	ssyncadd.s32 $0xFFFFFFD8  }
.Ltmp2:
0x91: {  	[bflag:$0x0] =	sbarrier.arrive $0xFFFF;
	(pc) =	sbr.rel @p0 .LBB2_1-.Ltmp2, $4  }
0x92: {  	[hbm:s6@s15], [sflag:s13] =	dma.strided [spmem:s14@s16], $0x50, s12, $0x10   }
0x93: {  	_ =	swait.ge [sflag:s9], $0x50  }
0x94: {  	[sflag:s9] =	ssyncset.done $0x0  }
0x95: {  	[sflag:s9] =	ssyncadd.s32 $0xFFFFFFB0  }
0x96: {  	_ =	sfence.sel $0x180000  }
0x97: {  	[bflag:$0x0] =	sbarrier.arrive $0xFFFF  }
0x98: {  	p0 =	sne.s32 s0, $0x0;
	_ =	strace $0x90000047  }
0x99: {  	s0 =	sadd.s32 @!p0 $0x100000, s1;
	[bflag:$0x2] =	sbarrier.arrive $0xFFFF  }
0x9a: {  	[sflag:s0] =	ssyncadd.tile.s32 @!p0 $0x1;
	_ =	shalt  }
.Lfunc_end2:
_tile_overlayer_lowered:
.L_overlay_start_2:
0x9b: {  	(tag) =	ssettag $0x2  }
0x9c: {  	s0 =	rddreg [dreg:$0x0];
	s2 =	stileid.u32  }
0x9d: {  	s1 =	rddreg [dreg:$0x1];
	p0 =	sne.s32 s2, $0x0  }
0x9e: {  	s3 =	rddreg [dreg:$0x2];
	[bflag:$0x3] =	sbarrier.arrive $0xFFFF;
	s2 =	simm.s32 @!p0 $0x1C02  }
0x9f: {  	[timem:s3], [sflag:s2] =	dma.local @!p0 [hbm:s0], s1  }
0xa0: {  	s0 =	simm.s32 @!p0 $0x2  }
0xa1: {  	_ =	swait.ge @!p0 [sflag:s0], s1  }
0xa2: {  	s1 =	ssub.s32 @!p0 $0x0, s1;
	[sflag:s0] =	ssyncset.done @!p0 $0x0  }
0xa3: {  	[sflag:s0] =	ssyncadd.s32 @!p0 s1  }
0xa4: {  	[bflag:$0x3] =	sbarrier.arrive $0xFFFF  }
0xa5: {  	_ =	shalt  }

</sc_bundles>
